<compile_context>
chip_gen: v7x
topology: tpu7x:2x2x1
jax: 0.10.2.dev20260603
libtpu: 0.0.44.dev20260713+nightly
codegen_flags: <defaults>
</compile_context>

<pallas_src>
import functools

import jax
import jax.numpy as jnp
from jax import lax
from jax.experimental import pallas as pl
from jax.experimental.pallas import tpu as pltpu
from jax.experimental.pallas import tpu_sc as plsc

N_NODES = 10000
N_EDGES = 320000
NP = 10240
EP = 327680
D = 128
HID = 256
NC = 2
NS = 16
NW = NC * NS
C = 128
CH_W = EP // NW // C
CH_T = EP // NS // C
ROWS_T = NP // NS

_mesh = plsc.VectorSubcoreMesh(core_axis_name="c", subcore_axis_name="s")


def _zero_vmem(buf, rows, cols):
    zero = jnp.zeros((16,), buf.dtype)

    @pl.loop(0, rows)
    def _(i):
        for k in range(cols // 16):
            buf[i, pl.ds(k * 16, 16)] = zero


_IDENT_CH = ROWS_T // C



@functools.partial(
    pl.kernel,
    out_type=jax.ShapeDtypeStruct((NC, NP, D), jnp.float32),
    mesh=_mesh,
    scratch_types=[
        pltpu.VMEM((CH_W, C), jnp.int32),
        pltpu.VMEM((C, D), jnp.float32),
        pltpu.VMEM((C, D), jnp.float32),
        pltpu.VMEM((_IDENT_CH, C), jnp.int32),
        pltpu.VMEM_SHARED((NP, D), jnp.float32),
        pltpu.SemaphoreType.DMA,
    ],
)
def _count(idx_hbm, ident_hbm, out_hbm, idx_v, ones_v, zbuf, ident_v, hist, sem):
    c = lax.axis_index("c")
    s = lax.axis_index("s")
    pltpu.sync_copy(idx_hbm.at[s * NC + c], idx_v)
    pltpu.sync_copy(ident_hbm.at[s], ident_v)

    one = jnp.ones((16,), jnp.float32)

    @pl.loop(0, C)
    def _(i):
        for k in range(D // 16):
            ones_v[i, pl.ds(k * 16, 16)] = one

    _zero_vmem(zbuf, C, D)
    for j in range(_IDENT_CH):
        pltpu.sync_copy(zbuf, hist.at[ident_v.at[j]])
    plsc.subcore_barrier()

    @pl.loop(0, CH_W // 8)
    def _(g):
        for k in range(8):
            pltpu.async_copy(ones_v, hist.at[idx_v.at[g * 8 + k]], sem, add=True)
        for k in range(8):
            pltpu.make_async_copy(ones_v, hist.at[idx_v.at[g * 8 + k]], sem).wait()

    plsc.subcore_barrier()
    for j in range(_IDENT_CH):
        pltpu.async_copy(hist.at[ident_v.at[j]], zbuf, sem).wait()
        pltpu.sync_copy(zbuf, out_hbm.at[c, pl.ds(s * ROWS_T + j * C, C)])


@functools.partial(
    pl.kernel,
    out_type=jax.ShapeDtypeStruct((NC, NP, D), jnp.float32),
    mesh=_mesh,
    scratch_types=[
        pltpu.VMEM((CH_W // 2, C), jnp.int32),
        pltpu.VMEM((CH_W // 2, C), jnp.int32),
        pltpu.VMEM((C, D), jnp.float32),
        pltpu.VMEM((C, D), jnp.float32),
        pltpu.VMEM((_IDENT_CH, C), jnp.int32),
        pltpu.VMEM_SHARED((NP, D), jnp.float32),
        pltpu.SemaphoreType.DMA,
        pltpu.SemaphoreType.DMA,
    ],
)
def _agg(x_hbm, src_hbm, dst_hbm, ident_hbm, out_hbm,
         src_v, dst_v, gb0, gb1, ident_v, acc, gsem, ssem):
    c = lax.axis_index("c")
    s = lax.axis_index("s")
    wid = s * NC + c
    pltpu.sync_copy(ident_hbm.at[s], ident_v)

    _zero_vmem(gb0, C, D)
    for j in range(_IDENT_CH):
        pltpu.sync_copy(gb0, acc.at[ident_v.at[j]])
    plsc.subcore_barrier()

    def g_start(j, buf):
        pltpu.async_copy(x_hbm.at[src_v.at[j]], buf, gsem)

    def g_wait(j, buf):
        pltpu.make_async_copy(x_hbm.at[src_v.at[j]], buf, gsem).wait()

    def s_start(j, buf):
        pltpu.async_copy(buf, acc.at[dst_v.at[j]], ssem, add=True)

    def s_wait(j, buf):
        pltpu.make_async_copy(buf, acc.at[dst_v.at[j]], ssem).wait()

    CH_H = CH_W // 2
    for h in range(2):
        pltpu.sync_copy(src_hbm.at[wid * 2 + h], src_v)
        pltpu.sync_copy(dst_hbm.at[wid * 2 + h], dst_v)

        g_start(0, gb0)
        g_wait(0, gb0)
        g_start(1, gb1)
        s_start(0, gb0)
        g_wait(1, gb1)
        s_wait(0, gb0)
        g_start(2, gb0)
        s_start(1, gb1)

        @pl.loop(1, CH_H // 2 - 1)
        def _(g):
            j0 = g * 2
            g_wait(j0, gb0)
            s_wait(j0 - 1, gb1)
            g_start(j0 + 1, gb1)
            s_start(j0, gb0)
            g_wait(j0 + 1, gb1)
            s_wait(j0, gb0)
            g_start(j0 + 2, gb0)
            s_start(j0 + 1, gb1)

        jl = CH_H - 2
        g_wait(jl, gb0)
        s_wait(jl - 1, gb1)
        g_start(jl + 1, gb1)
        s_start(jl, gb0)
        g_wait(jl + 1, gb1)
        s_wait(jl, gb0)
        s_start(jl + 1, gb1)
        s_wait(jl + 1, gb1)

    plsc.subcore_barrier()
    for j in range(_IDENT_CH):
        pltpu.async_copy(acc.at[ident_v.at[j]], gb0, gsem).wait()
        pltpu.sync_copy(gb0, out_hbm.at[c, pl.ds(s * ROWS_T + j * C, C)])



_BLK = 1280
_GRID = NP // _BLK


def _norm(deg):
    return jnp.where(deg > 0, lax.rsqrt(deg), 1.0)


def _scale_body(deg_out_ref, feat_ref, x1_ref):
    ns = _norm(deg_out_ref[:, 0])
    x1_ref[:, :] = feat_ref[:, :] * ns[:, None]


def _scale(deg_out, featp):
    return pl.pallas_call(
        _scale_body,
        grid=(_GRID,),
        in_specs=[
            pl.BlockSpec((_BLK, 1), lambda i: (i, 0)),
            pl.BlockSpec((_BLK, D), lambda i: (i, 0)),
        ],
        out_specs=pl.BlockSpec((_BLK, D), lambda i: (i, 0)),
        out_shape=jax.ShapeDtypeStruct((NP, D), jnp.float32),
    )(deg_out, featp)


def _mid_body(p_ref, do_ref, di_ref, w1_ref, b1_ref, w2_ref, x2_ref):
    i = pl.program_id(0)
    a1 = p_ref[0, :, :] + p_ref[1, :, :]
    nd = _norm(di_ref[:, 0])
    ns = _norm(do_ref[:, 0])
    h = jnp.dot(a1, w1_ref[:, :], preferred_element_type=jnp.float32)
    h = jnp.maximum(h * nd[:, None] + b1_ref[:][None, :], 0.0)
    x2 = jnp.dot(h * ns[:, None], w2_ref[:, :], preferred_element_type=jnp.float32)
    row = i * _BLK + lax.broadcasted_iota(jnp.int32, (_BLK, 1), 0)
    x2_ref[:, :] = jnp.where(row < N_NODES, x2, 0.0)


def _mid(p1, deg_out, deg_in, W1, b1, W2):
    return pl.pallas_call(
        _mid_body,
        grid=(_GRID,),
        in_specs=[
            pl.BlockSpec((NC, _BLK, D), lambda i: (0, i, 0)),
            pl.BlockSpec((_BLK, 1), lambda i: (i, 0)),
            pl.BlockSpec((_BLK, 1), lambda i: (i, 0)),
            pl.BlockSpec((D, HID), lambda i: (0, 0)),
            pl.BlockSpec((HID,), lambda i: (0,)),
            pl.BlockSpec((HID, D), lambda i: (0, 0)),
        ],
        out_specs=pl.BlockSpec((_BLK, D), lambda i: (i, 0)),
        out_shape=jax.ShapeDtypeStruct((NP, D), jnp.float32),
    )(p1, deg_out, deg_in, W1, b1, W2)


def _final_body(p_ref, di_ref, b2_ref, out_ref):
    nd = _norm(di_ref[:, 0])
    a2 = p_ref[0, :, :] + p_ref[1, :, :]
    out_ref[:, :] = a2 * nd[:, None] + b2_ref[:][None, :]


def _final(p2, deg_in, b2):
    return pl.pallas_call(
        _final_body,
        grid=(_GRID,),
        in_specs=[
            pl.BlockSpec((NC, _BLK, D), lambda i: (0, i, 0)),
            pl.BlockSpec((_BLK, 1), lambda i: (i, 0)),
            pl.BlockSpec((D,), lambda i: (0,)),
        ],
        out_specs=pl.BlockSpec((_BLK, D), lambda i: (i, 0)),
        out_shape=jax.ShapeDtypeStruct((NP, D), jnp.float32),
    )(p2, deg_in, b2)


def kernel(feat, edge_index, W1, b1, W2, b2):
    ei = edge_index.astype(jnp.int32)
    pad = jnp.full((EP - N_EDGES,), N_NODES, jnp.int32)
    srcp = jnp.concatenate([ei[0], pad])
    dstp = jnp.concatenate([ei[1], pad])
    src_w = srcp.reshape(NW, CH_W, C)
    dst_w = dstp.reshape(NW, CH_W, C)
    src_h = srcp.reshape(NW * 2, CH_W // 2, C)
    dst_h = dstp.reshape(NW * 2, CH_W // 2, C)
    featp = jnp.pad(feat, ((0, NP - N_NODES), (0, 0)))

    ident = jnp.arange(NP, dtype=jnp.int32).reshape(NS, _IDENT_CH, C)

    cnt_s = _count(src_w, ident)
    cnt_d = _count(dst_w, ident)
    deg_out = (cnt_s[0, :, 0] + cnt_s[1, :, 0]).reshape(NP, 1)
    deg_in = (cnt_d[0, :, 0] + cnt_d[1, :, 0]).reshape(NP, 1)

    x1 = _scale(deg_out, featp)
    p1 = _agg(x1, src_h, dst_h, ident)
    x2 = _mid(p1, deg_out, deg_in, W1, b1, W2)
    p2 = _agg(x2, src_h, dst_h, ident)
    outp = _final(p2, deg_in, b2)
    return outp[:N_NODES]

# --- scband reference (transcript-rebuilt; emitter-appended) ---
"""Pipeline reference for scband-temporal-hetero-graph-model-49752901157155 (READ-ONLY COPY).

The authoritative reference and input builder live on the scoring server;
editing this copy changes nothing except your own understanding.
"""

import jax, jax.numpy as jnp
import numpy as np

N_NODES = 10000
N_EDGES = 320000
IN_FEATS = 128
HIDDEN_FEATS = 256
OUT_FEATS = 128


def setup_inputs(seed: int = 0) -> dict:
    key = jax.random.key(seed)
    k1, k2, k3, k4, k5, k6 = jax.random.split(key, 6)
    feat = jax.random.normal(k1, (N_NODES, IN_FEATS), dtype=jnp.float32)
    edge_index = jax.random.randint(k2, (2, N_EDGES), 0, N_NODES, dtype=jnp.int64)
    # Glorot init like dgl.nn.GraphConv
    lim1 = np.sqrt(6.0 / (IN_FEATS + HIDDEN_FEATS))
    W1 = jax.random.uniform(k3, (IN_FEATS, HIDDEN_FEATS), dtype=jnp.float32, minval=-lim1, maxval=lim1)
    b1 = jnp.zeros((HIDDEN_FEATS,), dtype=jnp.float32)
    lim2 = np.sqrt(6.0 / (HIDDEN_FEATS + OUT_FEATS))
    W2 = jax.random.uniform(k4, (HIDDEN_FEATS, OUT_FEATS), dtype=jnp.float32, minval=-lim2, maxval=lim2)
    b2 = jnp.zeros((OUT_FEATS,), dtype=jnp.float32)
    return {"feat": feat, "edge_index": edge_index, "W1": W1, "b1": b1, "W2": W2, "b2": b2}


def _graph_conv(x, src, dst, W, b, n_nodes):
    # dgl.nn.GraphConv with norm='both': D_out^{-1/2} on src, sum-aggregate, D_in^{-1/2} on dst, then affine.
    ones = jnp.ones((src.shape[0],), dtype=x.dtype)
    deg_out = jax.ops.segment_sum(ones, src, num_segments=n_nodes)
    deg_in = jax.ops.segment_sum(ones, dst, num_segments=n_nodes)
    norm_src = jnp.where(deg_out > 0, deg_out, 1.0) ** -0.5
    norm_dst = jnp.where(deg_in > 0, deg_in, 1.0) ** -0.5
    h = x * norm_src[:, None]
    # weight applied before aggregation (in_feats >= out path in dgl; math is equivalent)
    h = h @ W
    msgs = jnp.take(h, src, axis=0)
    agg = jax.ops.segment_sum(msgs, dst, num_segments=n_nodes)
    out = agg * norm_dst[:, None] + b
    return out


def reference(feat, edge_index, W1, b1, W2, b2):
    src = edge_index[0]
    dst = edge_index[1]
    h = _graph_conv(feat, src, dst, W1, b1, N_NODES)
    h = jax.nn.relu(h)
    h = _graph_conv(h, src, dst, W2, b2, N_NODES)
    return h

if __name__ == "__main__":
    import jax
    _d = setup_inputs()
    print(jax.jit(kernel)(*tuple(_d.values())))

</pallas_src>

<mosaic_0001>
#map = affine_map<(d0, d1) -> (0, 0, 0)>
module attributes {stable_mosaic.version = 14 : i64} {
  func.func @_count(%arg0: i32, %arg1: i32, %arg2: memref<32x80x128xi32, #tpu.memory_space<hbm>>, %arg3: memref<16x5x128xi32, #tpu.memory_space<hbm>>, %arg4: memref<2x10240x128xf32, #tpu.memory_space<hbm>>, %arg5: memref<80x128xi32, #tpu.memory_space<vmem>>, %arg6: memref<128x128xf32, #tpu.memory_space<vmem>>, %arg7: memref<128x128xf32, #tpu.memory_space<vmem>>, %arg8: memref<5x128xi32, #tpu.memory_space<vmem>>, %arg9: memref<10240x128xf32, #tpu.memory_space<vmem_shared>>, %arg10: memref<!tpu.dma_semaphore, #tpu.memory_space<semaphore_mem>>) attributes {dimension_semantics = [#tpu.dimension_semantics<core_parallel>, #tpu.dimension_semantics<subcore_parallel>], iteration_bounds = array<i64: 2, 16>, scalar_prefetch = 0 : i64, scratch_operands = 6 : i64, tpu.core_type = #tpu.core_type<sc_vector_subcore>, window_params = [{transform_indices = #map}, {transform_indices = #map}, {transform_indices = #map}]} {
    %mul3A = arith.constant 2 : i32
    %mul3A_0 = arith.muli %arg1, %mul3A : i32
    %add3A = arith.addi %mul3A_0, %arg0 : i32
    "tpu.region"() ({
      %run_scoped3A_111 = tpu.sem_alloc : memref<!tpu.dma_semaphore, #tpu.memory_space<semaphore_mem>>
      %dma_start3A_112 = arith.constant 0 : i32
      %dma_start3A_113 = arith.constant 0 : i32
      %dma_start3A_114 = tpu.memref_slice %arg2[%add3A, %dma_start3A_112, %dma_start3A_113] : memref<32x80x128xi32, #tpu.memory_space<hbm>> -> memref<1x80x128xi32, #tpu.memory_space<hbm>>
      %dma_start3A_115 = tpu.memref_squeeze %dma_start3A_114 : memref<1x80x128xi32, #tpu.memory_space<hbm>> -> memref<80x128xi32, #tpu.memory_space<hbm>>
      %dma_start3A_116 = arith.constant 0 : i32
      %dma_start3A_117 = arith.constant 0 : i32
      %dma_start3A_118 = tpu.memref_slice %arg2[%add3A, %dma_start3A_116, %dma_start3A_117] : memref<32x80x128xi32, #tpu.memory_space<hbm>> -> memref<1x80x128xi32, #tpu.memory_space<hbm>>
      %dma_start3A_119 = tpu.memref_squeeze %dma_start3A_118 : memref<1x80x128xi32, #tpu.memory_space<hbm>> -> memref<80x128xi32, #tpu.memory_space<hbm>>
      tpu.enqueue_dma source(%dma_start3A_119 : memref<80x128xi32, #tpu.memory_space<hbm>>) target(%arg5 : memref<80x128xi32, #tpu.memory_space<vmem>>) target_semaphore(%run_scoped3A_111 : memref<!tpu.dma_semaphore, #tpu.memory_space<semaphore_mem>>)
      %dma_wait3A_120 = arith.constant 0 : i32
      %dma_wait3A_121 = arith.constant 0 : i32
      %dma_wait3A_122 = tpu.memref_slice %arg2[%add3A, %dma_wait3A_120, %dma_wait3A_121] : memref<32x80x128xi32, #tpu.memory_space<hbm>> -> memref<1x80x128xi32, #tpu.memory_space<hbm>>
      %dma_wait3A_123 = tpu.memref_squeeze %dma_wait3A_122 : memref<1x80x128xi32, #tpu.memory_space<hbm>> -> memref<80x128xi32, #tpu.memory_space<hbm>>
      %dma_wait3A_124 = arith.constant 0 : i32
      %dma_wait3A_125 = arith.constant 0 : i32
      %dma_wait3A_126 = tpu.memref_slice %arg2[%add3A, %dma_wait3A_124, %dma_wait3A_125] : memref<32x80x128xi32, #tpu.memory_space<hbm>> -> memref<1x80x128xi32, #tpu.memory_space<hbm>>
      %dma_wait3A_127 = tpu.memref_squeeze %dma_wait3A_126 : memref<1x80x128xi32, #tpu.memory_space<hbm>> -> memref<80x128xi32, #tpu.memory_space<hbm>>
      tpu.wait_dma2 semaphore(%run_scoped3A_111 : memref<!tpu.dma_semaphore, #tpu.memory_space<semaphore_mem>>) src(%dma_wait3A_127 : memref<80x128xi32, #tpu.memory_space<hbm>>) dst(%arg5 : memref<80x128xi32, #tpu.memory_space<vmem>>)
      tpu.yield
    }) : () -> ()
    "tpu.region"() ({
      %run_scoped3A_111 = tpu.sem_alloc : memref<!tpu.dma_semaphore, #tpu.memory_space<semaphore_mem>>
      %dma_start3A_112 = arith.constant 0 : i32
      %dma_start3A_113 = arith.constant 0 : i32
      %dma_start3A_114 = tpu.memref_slice %arg3[%arg1, %dma_start3A_112, %dma_start3A_113] : memref<16x5x128xi32, #tpu.memory_space<hbm>> -> memref<1x5x128xi32, #tpu.memory_space<hbm>>
      %dma_start3A_115 = tpu.memref_squeeze %dma_start3A_114 : memref<1x5x128xi32, #tpu.memory_space<hbm>> -> memref<5x128xi32, #tpu.memory_space<hbm>>
      %dma_start3A_116 = arith.constant 0 : i32
      %dma_start3A_117 = arith.constant 0 : i32
      %dma_start3A_118 = tpu.memref_slice %arg3[%arg1, %dma_start3A_116, %dma_start3A_117] : memref<16x5x128xi32, #tpu.memory_space<hbm>> -> memref<1x5x128xi32, #tpu.memory_space<hbm>>
      %dma_start3A_119 = tpu.memref_squeeze %dma_start3A_118 : memref<1x5x128xi32, #tpu.memory_space<hbm>> -> memref<5x128xi32, #tpu.memory_space<hbm>>
      tpu.enqueue_dma source(%dma_start3A_119 : memref<5x128xi32, #tpu.memory_space<hbm>>) target(%arg8 : memref<5x128xi32, #tpu.memory_space<vmem>>) target_semaphore(%run_scoped3A_111 : memref<!tpu.dma_semaphore, #tpu.memory_space<semaphore_mem>>)
      %dma_wait3A_120 = arith.constant 0 : i32
      %dma_wait3A_121 = arith.constant 0 : i32
      %dma_wait3A_122 = tpu.memref_slice %arg3[%arg1, %dma_wait3A_120, %dma_wait3A_121] : memref<16x5x128xi32, #tpu.memory_space<hbm>> -> memref<1x5x128xi32, #tpu.memory_space<hbm>>
      %dma_wait3A_123 = tpu.memref_squeeze %dma_wait3A_122 : memref<1x5x128xi32, #tpu.memory_space<hbm>> -> memref<5x128xi32, #tpu.memory_space<hbm>>
      %dma_wait3A_124 = arith.constant 0 : i32
      %dma_wait3A_125 = arith.constant 0 : i32
      %dma_wait3A_126 = tpu.memref_slice %arg3[%arg1, %dma_wait3A_124, %dma_wait3A_125] : memref<16x5x128xi32, #tpu.memory_space<hbm>> -> memref<1x5x128xi32, #tpu.memory_space<hbm>>
      %dma_wait3A_127 = tpu.memref_squeeze %dma_wait3A_126 : memref<1x5x128xi32, #tpu.memory_space<hbm>> -> memref<5x128xi32, #tpu.memory_space<hbm>>
      tpu.wait_dma2 semaphore(%run_scoped3A_111 : memref<!tpu.dma_semaphore, #tpu.memory_space<semaphore_mem>>) src(%dma_wait3A_127 : memref<5x128xi32, #tpu.memory_space<hbm>>) dst(%arg8 : memref<5x128xi32, #tpu.memory_space<vmem>>)
      tpu.yield
    }) : () -> ()
    %broadcast_in_dim3A = arith.constant 1.000000e+00 : f32
    %broadcast_in_dim3A_1 = vector.broadcast %broadcast_in_dim3A : f32 to vector<16xf32>
    %scan3A = arith.constant 0 : i32
    %scan3A_2 = arith.constant 128 : i32
    %scan3A_3 = arith.addi %scan3A, %scan3A_2 : i32
    %scan3A_4 = arith.constant 1 : i32
    scf.for %scan3A_111 = %scan3A to %scan3A_3 step %scan3A_4  : i32 {
      %mul3A_112 = arith.constant 1 : i32
      %mul3A_113 = arith.muli %scan3A_111, %mul3A_112 : i32
      %add3A_114 = arith.constant 0 : i32
      %add3A_115 = arith.addi %add3A_114, %mul3A_113 : i32
      %swap3A = arith.index_cast %add3A_115 : i32 to index
      %swap3A_116 = arith.constant 0 : index
      %swap3A_117 = tpu.vector_load %arg6[%swap3A, %swap3A_116] {strides = array<i32>} : memref<128x128xf32, #tpu.memory_space<vmem>>, vector<1x16xf32>,
      %swap3A_118 = vector.shape_cast %swap3A_117 : vector<1x16xf32> to vector<16xf32>
      %swap3A_119 = vector.shape_cast %broadcast_in_dim3A_1 : vector<16xf32> to vector<1x16xf32>
      tpu.vector_store %arg6[%swap3A, %swap3A_116], %swap3A_119 {strides = array<i32>} : memref<128x128xf32, #tpu.memory_space<vmem>>, vector<1x16xf32>,
      %swap3A_120 = arith.index_cast %add3A_115 : i32 to index
      %swap3A_121 = arith.constant 16 : index
      %swap3A_122 = tpu.vector_load %arg6[%swap3A_120, %swap3A_121] {strides = array<i32>} : memref<128x128xf32, #tpu.memory_space<vmem>>, vector<1x16xf32>,
      %swap3A_123 = vector.shape_cast %swap3A_122 : vector<1x16xf32> to vector<16xf32>
      %swap3A_124 = vector.shape_cast %broadcast_in_dim3A_1 : vector<16xf32> to vector<1x16xf32>
      tpu.vector_store %arg6[%swap3A_120, %swap3A_121], %swap3A_124 {strides = array<i32>} : memref<128x128xf32, #tpu.memory_space<vmem>>, vector<1x16xf32>,
      %swap3A_125 = arith.index_cast %add3A_115 : i32 to index
      %swap3A_126 = arith.constant 32 : index
      %swap3A_127 = tpu.vector_load %arg6[%swap3A_125, %swap3A_126] {strides = array<i32>} : memref<128x128xf32, #tpu.memory_space<vmem>>, vector<1x16xf32>,
      %swap3A_128 = vector.shape_cast %swap3A_127 : vector<1x16xf32> to vector<16xf32>
      %swap3A_129 = vector.shape_cast %broadcast_in_dim3A_1 : vector<16xf32> to vector<1x16xf32>
      tpu.vector_store %arg6[%swap3A_125, %swap3A_126], %swap3A_129 {strides = array<i32>} : memref<128x128xf32, #tpu.memory_space<vmem>>, vector<1x16xf32>,
      %swap3A_130 = arith.index_cast %add3A_115 : i32 to index
      %swap3A_131 = arith.constant 48 : index
      %swap3A_132 = tpu.vector_load %arg6[%swap3A_130, %swap3A_131] {strides = array<i32>} : memref<128x128xf32, #tpu.memory_space<vmem>>, vector<1x16xf32>,
      %swap3A_133 = vector.shape_cast %swap3A_132 : vector<1x16xf32> to vector<16xf32>
      %swap3A_134 = vector.shape_cast %broadcast_in_dim3A_1 : vector<16xf32> to vector<1x16xf32>
      tpu.vector_store %arg6[%swap3A_130, %swap3A_131], %swap3A_134 {strides = array<i32>} : memref<128x128xf32, #tpu.memory_space<vmem>>, vector<1x16xf32>,
      %swap3A_135 = arith.index_cast %add3A_115 : i32 to index
      %swap3A_136 = arith.constant 64 : index
      %swap3A_137 = tpu.vector_load %arg6[%swap3A_135, %swap3A_136] {strides = array<i32>} : memref<128x128xf32, #tpu.memory_space<vmem>>, vector<1x16xf32>,
      %swap3A_138 = vector.shape_cast %swap3A_137 : vector<1x16xf32> to vector<16xf32>
      %swap3A_139 = vector.shape_cast %broadcast_in_dim3A_1 : vector<16xf32> to vector<1x16xf32>
      tpu.vector_store %arg6[%swap3A_135, %swap3A_136], %swap3A_139 {strides = array<i32>} : memref<128x128xf32, #tpu.memory_space<vmem>>, vector<1x16xf32>,
      %swap3A_140 = arith.index_cast %add3A_115 : i32 to index
      %swap3A_141 = arith.constant 80 : index
      %swap3A_142 = tpu.vector_load %arg6[%swap3A_140, %swap3A_141] {strides = array<i32>} : memref<128x128xf32, #tpu.memory_space<vmem>>, vector<1x16xf32>,
      %swap3A_143 = vector.shape_cast %swap3A_142 : vector<1x16xf32> to vector<16xf32>
      %swap3A_144 = vector.shape_cast %broadcast_in_dim3A_1 : vector<16xf32> to vector<1x16xf32>
      tpu.vector_store %arg6[%swap3A_140, %swap3A_141], %swap3A_144 {strides = array<i32>} : memref<128x128xf32, #tpu.memory_space<vmem>>, vector<1x16xf32>,
      %swap3A_145 = arith.index_cast %add3A_115 : i32 to index
      %swap3A_146 = arith.constant 96 : index
      %swap3A_147 = tpu.vector_load %arg6[%swap3A_145, %swap3A_146] {strides = array<i32>} : memref<128x128xf32, #tpu.memory_space<vmem>>, vector<1x16xf32>,
      %swap3A_148 = vector.shape_cast %swap3A_147 : vector<1x16xf32> to vector<16xf32>
      %swap3A_149 = vector.shape_cast %broadcast_in_dim3A_1 : vector<16xf32> to vector<1x16xf32>
      tpu.vector_store %arg6[%swap3A_145, %swap3A_146], %swap3A_149 {strides = array<i32>} : memref<128x128xf32, #tpu.memory_space<vmem>>, vector<1x16xf32>,
      %swap3A_150 = arith.index_cast %add3A_115 : i32 to index
      %swap3A_151 = arith.constant 112 : index
      %swap3A_152 = tpu.vector_load %arg6[%swap3A_150, %swap3A_151] {strides = array<i32>} : memref<128x128xf32, #tpu.memory_space<vmem>>, vector<1x16xf32>,
      %swap3A_153 = vector.shape_cast %swap3A_152 : vector<1x16xf32> to vector<16xf32>
      %swap3A_154 = vector.shape_cast %broadcast_in_dim3A_1 : vector<16xf32> to vector<1x16xf32>
      tpu.vector_store %arg6[%swap3A_150, %swap3A_151], %swap3A_154 {strides = array<i32>} : memref<128x128xf32, #tpu.memory_space<vmem>>, vector<1x16xf32>,
    }
    %scan3A_5 = arith.constant 128 : i32
    %broadcast_in_dim3A_6 = arith.constant 0.000000e+00 : f32
    %broadcast_in_dim3A_7 = vector.broadcast %broadcast_in_dim3A_6 : f32 to vector<16xf32>
    %scan3A_8 = arith.constant 0 : i32
    %scan3A_9 = arith.constant 128 : i32
    %scan3A_10 = arith.addi %scan3A_8, %scan3A_9 : i32
    %scan3A_11 = arith.constant 1 : i32
    scf.for %scan3A_111 = %scan3A_8 to %scan3A_10 step %scan3A_11  : i32 {
      %mul3A_112 = arith.constant 1 : i32
      %mul3A_113 = arith.muli %scan3A_111, %mul3A_112 : i32
      %add3A_114 = arith.constant 0 : i32
      %add3A_115 = arith.addi %add3A_114, %mul3A_113 : i32
      %swap3A = arith.index_cast %add3A_115 : i32 to index
      %swap3A_116 = arith.constant 0 : index
      %swap3A_117 = tpu.vector_load %arg7[%swap3A, %swap3A_116] {strides = array<i32>} : memref<128x128xf32, #tpu.memory_space<vmem>>, vector<1x16xf32>,
      %swap3A_118 = vector.shape_cast %swap3A_117 : vector<1x16xf32> to vector<16xf32>
      %swap3A_119 = vector.shape_cast %broadcast_in_dim3A_7 : vector<16xf32> to vector<1x16xf32>
      tpu.vector_store %arg7[%swap3A, %swap3A_116], %swap3A_119 {strides = array<i32>} : memref<128x128xf32, #tpu.memory_space<vmem>>, vector<1x16xf32>,
      %swap3A_120 = arith.index_cast %add3A_115 : i32 to index
      %swap3A_121 = arith.constant 16 : index
      %swap3A_122 = tpu.vector_load %arg7[%swap3A_120, %swap3A_121] {strides = array<i32>} : memref<128x128xf32, #tpu.memory_space<vmem>>, vector<1x16xf32>,
      %swap3A_123 = vector.shape_cast %swap3A_122 : vector<1x16xf32> to vector<16xf32>
      %swap3A_124 = vector.shape_cast %broadcast_in_dim3A_7 : vector<16xf32> to vector<1x16xf32>
      tpu.vector_store %arg7[%swap3A_120, %swap3A_121], %swap3A_124 {strides = array<i32>} : memref<128x128xf32, #tpu.memory_space<vmem>>, vector<1x16xf32>,
      %swap3A_125 = arith.index_cast %add3A_115 : i32 to index
      %swap3A_126 = arith.constant 32 : index
      %swap3A_127 = tpu.vector_load %arg7[%swap3A_125, %swap3A_126] {strides = array<i32>} : memref<128x128xf32, #tpu.memory_space<vmem>>, vector<1x16xf32>,
      %swap3A_128 = vector.shape_cast %swap3A_127 : vector<1x16xf32> to vector<16xf32>
      %swap3A_129 = vector.shape_cast %broadcast_in_dim3A_7 : vector<16xf32> to vector<1x16xf32>
      tpu.vector_store %arg7[%swap3A_125, %swap3A_126], %swap3A_129 {strides = array<i32>} : memref<128x128xf32, #tpu.memory_space<vmem>>, vector<1x16xf32>,
      %swap3A_130 = arith.index_cast %add3A_115 : i32 to index
      %swap3A_131 = arith.constant 48 : index
      %swap3A_132 = tpu.vector_load %arg7[%swap3A_130, %swap3A_131] {strides = array<i32>} : memref<128x128xf32, #tpu.memory_space<vmem>>, vector<1x16xf32>,
      %swap3A_133 = vector.shape_cast %swap3A_132 : vector<1x16xf32> to vector<16xf32>
      %swap3A_134 = vector.shape_cast %broadcast_in_dim3A_7 : vector<16xf32> to vector<1x16xf32>
      tpu.vector_store %arg7[%swap3A_130, %swap3A_131], %swap3A_134 {strides = array<i32>} : memref<128x128xf32, #tpu.memory_space<vmem>>, vector<1x16xf32>,
      %swap3A_135 = arith.index_cast %add3A_115 : i32 to index
      %swap3A_136 = arith.constant 64 : index
      %swap3A_137 = tpu.vector_load %arg7[%swap3A_135, %swap3A_136] {strides = array<i32>} : memref<128x128xf32, #tpu.memory_space<vmem>>, vector<1x16xf32>,
      %swap3A_138 = vector.shape_cast %swap3A_137 : vector<1x16xf32> to vector<16xf32>
      %swap3A_139 = vector.shape_cast %broadcast_in_dim3A_7 : vector<16xf32> to vector<1x16xf32>
      tpu.vector_store %arg7[%swap3A_135, %swap3A_136], %swap3A_139 {strides = array<i32>} : memref<128x128xf32, #tpu.memory_space<vmem>>, vector<1x16xf32>,
      %swap3A_140 = arith.index_cast %add3A_115 : i32 to index
      %swap3A_141 = arith.constant 80 : index
      %swap3A_142 = tpu.vector_load %arg7[%swap3A_140, %swap3A_141] {strides = array<i32>} : memref<128x128xf32, #tpu.memory_space<vmem>>, vector<1x16xf32>,
      %swap3A_143 = vector.shape_cast %swap3A_142 : vector<1x16xf32> to vector<16xf32>
      %swap3A_144 = vector.shape_cast %broadcast_in_dim3A_7 : vector<16xf32> to vector<1x16xf32>
      tpu.vector_store %arg7[%swap3A_140, %swap3A_141], %swap3A_144 {strides = array<i32>} : memref<128x128xf32, #tpu.memory_space<vmem>>, vector<1x16xf32>,
      %swap3A_145 = arith.index_cast %add3A_115 : i32 to index
      %swap3A_146 = arith.constant 96 : index
      %swap3A_147 = tpu.vector_load %arg7[%swap3A_145, %swap3A_146] {strides = array<i32>} : memref<128x128xf32, #tpu.memory_space<vmem>>, vector<1x16xf32>,
      %swap3A_148 = vector.shape_cast %swap3A_147 : vector<1x16xf32> to vector<16xf32>
      %swap3A_149 = vector.shape_cast %broadcast_in_dim3A_7 : vector<16xf32> to vector<1x16xf32>
      tpu.vector_store %arg7[%swap3A_145, %swap3A_146], %swap3A_149 {strides = array<i32>} : memref<128x128xf32, #tpu.memory_space<vmem>>, vector<1x16xf32>,
      %swap3A_150 = arith.index_cast %add3A_115 : i32 to index
      %swap3A_151 = arith.constant 112 : index
      %swap3A_152 = tpu.vector_load %arg7[%swap3A_150, %swap3A_151] {strides = array<i32>} : memref<128x128xf32, #tpu.memory_space<vmem>>, vector<1x16xf32>,
      %swap3A_153 = vector.shape_cast %swap3A_152 : vector<1x16xf32> to vector<16xf32>
      %swap3A_154 = vector.shape_cast %broadcast_in_dim3A_7 : vector<16xf32> to vector<1x16xf32>
      tpu.vector_store %arg7[%swap3A_150, %swap3A_151], %swap3A_154 {strides = array<i32>} : memref<128x128xf32, #tpu.memory_space<vmem>>, vector<1x16xf32>,
    }
    %scan3A_12 = arith.constant 128 : i32
    %run_scoped3A = arith.constant 0 : i32
    "tpu.region"() ({
      %run_scoped3A_111 = tpu.sem_alloc : memref<!tpu.dma_semaphore, #tpu.memory_space<semaphore_mem>>
      %dma_start3A_112 = arith.constant 0 : i32
      %dma_start3A_113 = tpu.memref_slice %arg8[%run_scoped3A, %dma_start3A_112] : memref<5x128xi32, #tpu.memory_space<vmem>> -> memref<1x128xi32, #tpu.memory_space<vmem>>
      %dma_start3A_114 = tpu.memref_squeeze %dma_start3A_113 : memref<1x128xi32, #tpu.memory_space<vmem>> -> memref<128xi32, #tpu.memory_space<vmem>>
      %dma_start3A_115 = arith.constant 0 : i32
      %dma_start3A_116 = arith.constant 0 : i32
      %dma_start3A_117 = tpu.memref_slice %arg9[%dma_start3A_115, %dma_start3A_116] : memref<10240x128xf32, #tpu.memory_space<vmem_shared>> -> memref<10240x128xf32, #tpu.memory_space<vmem_shared>>
      tpu.enqueue_indirect_dma source(%arg7 : memref<128x128xf32, #tpu.memory_space<vmem>>) target(%dma_start3A_117 : memref<10240x128xf32, #tpu.memory_space<vmem_shared>>) offsets(%dma_start3A_114 : memref<128xi32, #tpu.memory_space<vmem>>) semaphore(%run_scoped3A_111 : memref<!tpu.dma_semaphore, #tpu.memory_space<semaphore_mem>>)
      %dma_wait3A_118 = arith.constant 0 : i32
      %dma_wait3A_119 = tpu.memref_slice %arg8[%run_scoped3A, %dma_wait3A_118] : memref<5x128xi32, #tpu.memory_space<vmem>> -> memref<1x128xi32, #tpu.memory_space<vmem>>
      %dma_wait3A_120 = tpu.memref_squeeze %dma_wait3A_119 : memref<1x128xi32, #tpu.memory_space<vmem>> -> memref<128xi32, #tpu.memory_space<vmem>>
      %dma_wait3A_121 = arith.constant 0 : i32
      %dma_wait3A_122 = arith.constant 0 : i32
      %dma_wait3A_123 = tpu.memref_slice %arg9[%dma_wait3A_121, %dma_wait3A_122] : memref<10240x128xf32, #tpu.memory_space<vmem_shared>> -> memref<10240x128xf32, #tpu.memory_space<vmem_shared>>
      tpu.wait_indirect_dma semaphore(%run_scoped3A_111 : memref<!tpu.dma_semaphore, #tpu.memory_space<semaphore_mem>>) src(%arg7 : memref<128x128xf32, #tpu.memory_space<vmem>>) dst(%dma_wait3A_123 : memref<10240x128xf32, #tpu.memory_space<vmem_shared>>)
      tpu.yield
    }) : () -> ()
    %run_scoped3A_13 = arith.constant 1 : i32
    "tpu.region"() ({
      %run_scoped3A_111 = tpu.sem_alloc : memref<!tpu.dma_semaphore, #tpu.memory_space<semaphore_mem>>
      %dma_start3A_112 = arith.constant 0 : i32
      %dma_start3A_113 = tpu.memref_slice %arg8[%run_scoped3A_13, %dma_start3A_112] : memref<5x128xi32, #tpu.memory_space<vmem>> -> memref<1x128xi32, #tpu.memory_space<vmem>>
      %dma_start3A_114 = tpu.memref_squeeze %dma_start3A_113 : memref<1x128xi32, #tpu.memory_space<vmem>> -> memref<128xi32, #tpu.memory_space<vmem>>
      %dma_start3A_115 = arith.constant 0 : i32
      %dma_start3A_116 = arith.constant 0 : i32
      %dma_start3A_117 = tpu.memref_slice %arg9[%dma_start3A_115, %dma_start3A_116] : memref<10240x128xf32, #tpu.memory_space<vmem_shared>> -> memref<10240x128xf32, #tpu.memory_space<vmem_shared>>
      tpu.enqueue_indirect_dma source(%arg7 : memref<128x128xf32, #tpu.memory_space<vmem>>) target(%dma_start3A_117 : memref<10240x128xf32, #tpu.memory_space<vmem_shared>>) offsets(%dma_start3A_114 : memref<128xi32, #tpu.memory_space<vmem>>) semaphore(%run_scoped3A_111 : memref<!tpu.dma_semaphore, #tpu.memory_space<semaphore_mem>>)
      %dma_wait3A_118 = arith.constant 0 : i32
      %dma_wait3A_119 = tpu.memref_slice %arg8[%run_scoped3A_13, %dma_wait3A_118] : memref<5x128xi32, #tpu.memory_space<vmem>> -> memref<1x128xi32, #tpu.memory_space<vmem>>
      %dma_wait3A_120 = tpu.memref_squeeze %dma_wait3A_119 : memref<1x128xi32, #tpu.memory_space<vmem>> -> memref<128xi32, #tpu.memory_space<vmem>>
      %dma_wait3A_121 = arith.constant 0 : i32
      %dma_wait3A_122 = arith.constant 0 : i32
      %dma_wait3A_123 = tpu.memref_slice %arg9[%dma_wait3A_121, %dma_wait3A_122] : memref<10240x128xf32, #tpu.memory_space<vmem_shared>> -> memref<10240x128xf32, #tpu.memory_space<vmem_shared>>
      tpu.wait_indirect_dma semaphore(%run_scoped3A_111 : memref<!tpu.dma_semaphore, #tpu.memory_space<semaphore_mem>>) src(%arg7 : memref<128x128xf32, #tpu.memory_space<vmem>>) dst(%dma_wait3A_123 : memref<10240x128xf32, #tpu.memory_space<vmem_shared>>)
      tpu.yield
    }) : () -> ()
    %run_scoped3A_14 = arith.constant 2 : i32
    "tpu.region"() ({
      %run_scoped3A_111 = tpu.sem_alloc : memref<!tpu.dma_semaphore, #tpu.memory_space<semaphore_mem>>
      %dma_start3A_112 = arith.constant 0 : i32
      %dma_start3A_113 = tpu.memref_slice %arg8[%run_scoped3A_14, %dma_start3A_112] : memref<5x128xi32, #tpu.memory_space<vmem>> -> memref<1x128xi32, #tpu.memory_space<vmem>>
      %dma_start3A_114 = tpu.memref_squeeze %dma_start3A_113 : memref<1x128xi32, #tpu.memory_space<vmem>> -> memref<128xi32, #tpu.memory_space<vmem>>
      %dma_start3A_115 = arith.constant 0 : i32
      %dma_start3A_116 = arith.constant 0 : i32
      %dma_start3A_117 = tpu.memref_slice %arg9[%dma_start3A_115, %dma_start3A_116] : memref<10240x128xf32, #tpu.memory_space<vmem_shared>> -> memref<10240x128xf32, #tpu.memory_space<vmem_shared>>
      tpu.enqueue_indirect_dma source(%arg7 : memref<128x128xf32, #tpu.memory_space<vmem>>) target(%dma_start3A_117 : memref<10240x128xf32, #tpu.memory_space<vmem_shared>>) offsets(%dma_start3A_114 : memref<128xi32, #tpu.memory_space<vmem>>) semaphore(%run_scoped3A_111 : memref<!tpu.dma_semaphore, #tpu.memory_space<semaphore_mem>>)
      %dma_wait3A_118 = arith.constant 0 : i32
      %dma_wait3A_119 = tpu.memref_slice %arg8[%run_scoped3A_14, %dma_wait3A_118] : memref<5x128xi32, #tpu.memory_space<vmem>> -> memref<1x128xi32, #tpu.memory_space<vmem>>
      %dma_wait3A_120 = tpu.memref_squeeze %dma_wait3A_119 : memref<1x128xi32, #tpu.memory_space<vmem>> -> memref<128xi32, #tpu.memory_space<vmem>>
      %dma_wait3A_121 = arith.constant 0 : i32
      %dma_wait3A_122 = arith.constant 0 : i32
      %dma_wait3A_123 = tpu.memref_slice %arg9[%dma_wait3A_121, %dma_wait3A_122] : memref<10240x128xf32, #tpu.memory_space<vmem_shared>> -> memref<10240x128xf32, #tpu.memory_space<vmem_shared>>
      tpu.wait_indirect_dma semaphore(%run_scoped3A_111 : memref<!tpu.dma_semaphore, #tpu.memory_space<semaphore_mem>>) src(%arg7 : memref<128x128xf32, #tpu.memory_space<vmem>>) dst(%dma_wait3A_123 : memref<10240x128xf32, #tpu.memory_space<vmem_shared>>)
      tpu.yield
    }) : () -> ()
    %run_scoped3A_15 = arith.constant 3 : i32
    "tpu.region"() ({
      %run_scoped3A_111 = tpu.sem_alloc : memref<!tpu.dma_semaphore, #tpu.memory_space<semaphore_mem>>
      %dma_start3A_112 = arith.constant 0 : i32
      %dma_start3A_113 = tpu.memref_slice %arg8[%run_scoped3A_15, %dma_start3A_112] : memref<5x128xi32, #tpu.memory_space<vmem>> -> memref<1x128xi32, #tpu.memory_space<vmem>>
      %dma_start3A_114 = tpu.memref_squeeze %dma_start3A_113 : memref<1x128xi32, #tpu.memory_space<vmem>> -> memref<128xi32, #tpu.memory_space<vmem>>
      %dma_start3A_115 = arith.constant 0 : i32
      %dma_start3A_116 = arith.constant 0 : i32
      %dma_start3A_117 = tpu.memref_slice %arg9[%dma_start3A_115, %dma_start3A_116] : memref<10240x128xf32, #tpu.memory_space<vmem_shared>> -> memref<10240x128xf32, #tpu.memory_space<vmem_shared>>
      tpu.enqueue_indirect_dma source(%arg7 : memref<128x128xf32, #tpu.memory_space<vmem>>) target(%dma_start3A_117 : memref<10240x128xf32, #tpu.memory_space<vmem_shared>>) offsets(%dma_start3A_114 : memref<128xi32, #tpu.memory_space<vmem>>) semaphore(%run_scoped3A_111 : memref<!tpu.dma_semaphore, #tpu.memory_space<semaphore_mem>>)
      %dma_wait3A_118 = arith.constant 0 : i32
      %dma_wait3A_119 = tpu.memref_slice %arg8[%run_scoped3A_15, %dma_wait3A_118] : memref<5x128xi32, #tpu.memory_space<vmem>> -> memref<1x128xi32, #tpu.memory_space<vmem>>
      %dma_wait3A_120 = tpu.memref_squeeze %dma_wait3A_119 : memref<1x128xi32, #tpu.memory_space<vmem>> -> memref<128xi32, #tpu.memory_space<vmem>>
      %dma_wait3A_121 = arith.constant 0 : i32
      %dma_wait3A_122 = arith.constant 0 : i32
      %dma_wait3A_123 = tpu.memref_slice %arg9[%dma_wait3A_121, %dma_wait3A_122] : memref<10240x128xf32, #tpu.memory_space<vmem_shared>> -> memref<10240x128xf32, #tpu.memory_space<vmem_shared>>
      tpu.wait_indirect_dma semaphore(%run_scoped3A_111 : memref<!tpu.dma_semaphore, #tpu.memory_space<semaphore_mem>>) src(%arg7 : memref<128x128xf32, #tpu.memory_space<vmem>>) dst(%dma_wait3A_123 : memref<10240x128xf32, #tpu.memory_space<vmem_shared>>)
      tpu.yield
    }) : () -> ()
    %run_scoped3A_16 = arith.constant 4 : i32
    "tpu.region"() ({
      %run_scoped3A_111 = tpu.sem_alloc : memref<!tpu.dma_semaphore, #tpu.memory_space<semaphore_mem>>
      %dma_start3A_112 = arith.constant 0 : i32
      %dma_start3A_113 = tpu.memref_slice %arg8[%run_scoped3A_16, %dma_start3A_112] : memref<5x128xi32, #tpu.memory_space<vmem>> -> memref<1x128xi32, #tpu.memory_space<vmem>>
      %dma_start3A_114 = tpu.memref_squeeze %dma_start3A_113 : memref<1x128xi32, #tpu.memory_space<vmem>> -> memref<128xi32, #tpu.memory_space<vmem>>
      %dma_start3A_115 = arith.constant 0 : i32
      %dma_start3A_116 = arith.constant 0 : i32
      %dma_start3A_117 = tpu.memref_slice %arg9[%dma_start3A_115, %dma_start3A_116] : memref<10240x128xf32, #tpu.memory_space<vmem_shared>> -> memref<10240x128xf32, #tpu.memory_space<vmem_shared>>
      tpu.enqueue_indirect_dma source(%arg7 : memref<128x128xf32, #tpu.memory_space<vmem>>) target(%dma_start3A_117 : memref<10240x128xf32, #tpu.memory_space<vmem_shared>>) offsets(%dma_start3A_114 : memref<128xi32, #tpu.memory_space<vmem>>) semaphore(%run_scoped3A_111 : memref<!tpu.dma_semaphore, #tpu.memory_space<semaphore_mem>>)
      %dma_wait3A_118 = arith.constant 0 : i32
      %dma_wait3A_119 = tpu.memref_slice %arg8[%run_scoped3A_16, %dma_wait3A_118] : memref<5x128xi32, #tpu.memory_space<vmem>> -> memref<1x128xi32, #tpu.memory_space<vmem>>
      %dma_wait3A_120 = tpu.memref_squeeze %dma_wait3A_119 : memref<1x128xi32, #tpu.memory_space<vmem>> -> memref<128xi32, #tpu.memory_space<vmem>>
      %dma_wait3A_121 = arith.constant 0 : i32
      %dma_wait3A_122 = arith.constant 0 : i32
      %dma_wait3A_123 = tpu.memref_slice %arg9[%dma_wait3A_121, %dma_wait3A_122] : memref<10240x128xf32, #tpu.memory_space<vmem_shared>> -> memref<10240x128xf32, #tpu.memory_space<vmem_shared>>
      tpu.wait_indirect_dma semaphore(%run_scoped3A_111 : memref<!tpu.dma_semaphore, #tpu.memory_space<semaphore_mem>>) src(%arg7 : memref<128x128xf32, #tpu.memory_space<vmem>>) dst(%dma_wait3A_123 : memref<10240x128xf32, #tpu.memory_space<vmem_shared>>)
      tpu.yield
    }) : () -> ()
    %barrier3A = arith.constant 0 : index
    tpu.barrier barrier_id(%barrier3A)
    %scan3A_17 = arith.constant 0 : i32
    %scan3A_18 = arith.constant 10 : i32
    %scan3A_19 = arith.addi %scan3A_17, %scan3A_18 : i32
    %scan3A_20 = arith.constant 1 : i32
    scf.for %scan3A_111 = %scan3A_17 to %scan3A_19 step %scan3A_20  : i32 {
      %mul3A_112 = arith.constant 1 : i32
      %mul3A_113 = arith.muli %scan3A_111, %mul3A_112 : i32
      %add3A_114 = arith.constant 0 : i32
      %add3A_115 = arith.addi %add3A_114, %mul3A_113 : i32
      %mul3A_116 = arith.constant 8 : i32
      %mul3A_117 = arith.muli %add3A_115, %mul3A_116 : i32
      %add3A_118 = arith.constant 0 : i32
      %add3A_119 = arith.addi %mul3A_117, %add3A_118 : i32
      %dma_start3A_120 = arith.constant 0 : i32
      %dma_start3A_121 = tpu.memref_slice %arg5[%add3A_119, %dma_start3A_120] : memref<80x128xi32, #tpu.memory_space<vmem>> -> memref<1x128xi32, #tpu.memory_space<vmem>>
      %dma_start3A_122 = tpu.memref_squeeze %dma_start3A_121 : memref<1x128xi32, #tpu.memory_space<vmem>> -> memref<128xi32, #tpu.memory_space<vmem>>
      %dma_start3A_123 = arith.constant 0 : i32
      %dma_start3A_124 = arith.constant 0 : i32
      %dma_start3A_125 = tpu.memref_slice %arg9[%dma_start3A_123, %dma_start3A_124] : memref<10240x128xf32, #tpu.memory_space<vmem_shared>> -> memref<10240x128xf32, #tpu.memory_space<vmem_shared>>
      tpu.enqueue_indirect_dma source(%arg6 : memref<128x128xf32, #tpu.memory_space<vmem>>) target(%dma_start3A_125 : memref<10240x128xf32, #tpu.memory_space<vmem_shared>>) offsets(%dma_start3A_122 : memref<128xi32, #tpu.memory_space<vmem>>) semaphore(%arg10 : memref<!tpu.dma_semaphore, #tpu.memory_space<semaphore_mem>>) {add = true}
      %mul3A_126 = arith.constant 8 : i32
      %mul3A_127 = arith.muli %add3A_115, %mul3A_126 : i32
      %add3A_128 = arith.constant 1 : i32
      %add3A_129 = arith.addi %mul3A_127, %add3A_128 : i32
      %dma_start3A_130 = arith.constant 0 : i32
      %dma_start3A_131 = tpu.memref_slice %arg5[%add3A_129, %dma_start3A_130] : memref<80x128xi32, #tpu.memory_space<vmem>> -> memref<1x128xi32, #tpu.memory_space<vmem>>
      %dma_start3A_132 = tpu.memref_squeeze %dma_start3A_131 : memref<1x128xi32, #tpu.memory_space<vmem>> -> memref<128xi32, #tpu.memory_space<vmem>>
      %dma_start3A_133 = arith.constant 0 : i32
      %dma_start3A_134 = arith.constant 0 : i32
      %dma_start3A_135 = tpu.memref_slice %arg9[%dma_start3A_133, %dma_start3A_134] : memref<10240x128xf32, #tpu.memory_space<vmem_shared>> -> memref<10240x128xf32, #tpu.memory_space<vmem_shared>>
      tpu.enqueue_indirect_dma source(%arg6 : memref<128x128xf32, #tpu.memory_space<vmem>>) target(%dma_start3A_135 : memref<10240x128xf32, #tpu.memory_space<vmem_shared>>) offsets(%dma_start3A_132 : memref<128xi32, #tpu.memory_space<vmem>>) semaphore(%arg10 : memref<!tpu.dma_semaphore, #tpu.memory_space<semaphore_mem>>) {add = true}
      %mul3A_136 = arith.constant 8 : i32
      %mul3A_137 = arith.muli %add3A_115, %mul3A_136 : i32
      %add3A_138 = arith.constant 2 : i32
      %add3A_139 = arith.addi %mul3A_137, %add3A_138 : i32
      %dma_start3A_140 = arith.constant 0 : i32
      %dma_start3A_141 = tpu.memref_slice %arg5[%add3A_139, %dma_start3A_140] : memref<80x128xi32, #tpu.memory_space<vmem>> -> memref<1x128xi32, #tpu.memory_space<vmem>>
      %dma_start3A_142 = tpu.memref_squeeze %dma_start3A_141 : memref<1x128xi32, #tpu.memory_space<vmem>> -> memref<128xi32, #tpu.memory_space<vmem>>
      %dma_start3A_143 = arith.constant 0 : i32
      %dma_start3A_144 = arith.constant 0 : i32
      %dma_start3A_145 = tpu.memref_slice %arg9[%dma_start3A_143, %dma_start3A_144] : memref<10240x128xf32, #tpu.memory_space<vmem_shared>> -> memref<10240x128xf32, #tpu.memory_space<vmem_shared>>
      tpu.enqueue_indirect_dma source(%arg6 : memref<128x128xf32, #tpu.memory_space<vmem>>) target(%dma_start3A_145 : memref<10240x128xf32, #tpu.memory_space<vmem_shared>>) offsets(%dma_start3A_142 : memref<128xi32, #tpu.memory_space<vmem>>) semaphore(%arg10 : memref<!tpu.dma_semaphore, #tpu.memory_space<semaphore_mem>>) {add = true}
      %mul3A_146 = arith.constant 8 : i32
      %mul3A_147 = arith.muli %add3A_115, %mul3A_146 : i32
      %add3A_148 = arith.constant 3 : i32
      %add3A_149 = arith.addi %mul3A_147, %add3A_148 : i32
      %dma_start3A_150 = arith.constant 0 : i32
      %dma_start3A_151 = tpu.memref_slice %arg5[%add3A_149, %dma_start3A_150] : memref<80x128xi32, #tpu.memory_space<vmem>> -> memref<1x128xi32, #tpu.memory_space<vmem>>
      %dma_start3A_152 = tpu.memref_squeeze %dma_start3A_151 : memref<1x128xi32, #tpu.memory_space<vmem>> -> memref<128xi32, #tpu.memory_space<vmem>>
      %dma_start3A_153 = arith.constant 0 : i32
      %dma_start3A_154 = arith.constant 0 : i32
      %dma_start3A_155 = tpu.memref_slice %arg9[%dma_start3A_153, %dma_start3A_154] : memref<10240x128xf32, #tpu.memory_space<vmem_shared>> -> memref<10240x128xf32, #tpu.memory_space<vmem_shared>>
      tpu.enqueue_indirect_dma source(%arg6 : memref<128x128xf32, #tpu.memory_space<vmem>>) target(%dma_start3A_155 : memref<10240x128xf32, #tpu.memory_space<vmem_shared>>) offsets(%dma_start3A_152 : memref<128xi32, #tpu.memory_space<vmem>>) semaphore(%arg10 : memref<!tpu.dma_semaphore, #tpu.memory_space<semaphore_mem>>) {add = true}
      %mul3A_156 = arith.constant 8 : i32
      %mul3A_157 = arith.muli %add3A_115, %mul3A_156 : i32
      %add3A_158 = arith.constant 4 : i32
      %add3A_159 = arith.addi %mul3A_157, %add3A_158 : i32
      %dma_start3A_160 = arith.constant 0 : i32
      %dma_start3A_161 = tpu.memref_slice %arg5[%add3A_159, %dma_start3A_160] : memref<80x128xi32, #tpu.memory_space<vmem>> -> memref<1x128xi32, #tpu.memory_space<vmem>>
      %dma_start3A_162 = tpu.memref_squeeze %dma_start3A_161 : memref<1x128xi32, #tpu.memory_space<vmem>> -> memref<128xi32, #tpu.memory_space<vmem>>
      %dma_start3A_163 = arith.constant 0 : i32
      %dma_start3A_164 = arith.constant 0 : i32
      %dma_start3A_165 = tpu.memref_slice %arg9[%dma_start3A_163, %dma_start3A_164] : memref<10240x128xf32, #tpu.memory_space<vmem_shared>> -> memref<10240x128xf32, #tpu.memory_space<vmem_shared>>
      tpu.enqueue_indirect_dma source(%arg6 : memref<128x128xf32, #tpu.memory_space<vmem>>) target(%dma_start3A_165 : memref<10240x128xf32, #tpu.memory_space<vmem_shared>>) offsets(%dma_start3A_162 : memref<128xi32, #tpu.memory_space<vmem>>) semaphore(%arg10 : memref<!tpu.dma_semaphore, #tpu.memory_space<semaphore_mem>>) {add = true}
      %mul3A_166 = arith.constant 8 : i32
      %mul3A_167 = arith.muli %add3A_115, %mul3A_166 : i32
      %add3A_168 = arith.constant 5 : i32
      %add3A_169 = arith.addi %mul3A_167, %add3A_168 : i32
      %dma_start3A_170 = arith.constant 0 : i32
      %dma_start3A_171 = tpu.memref_slice %arg5[%add3A_169, %dma_start3A_170] : memref<80x128xi32, #tpu.memory_space<vmem>> -> memref<1x128xi32, #tpu.memory_space<vmem>>
      %dma_start3A_172 = tpu.memref_squeeze %dma_start3A_171 : memref<1x128xi32, #tpu.memory_space<vmem>> -> memref<128xi32, #tpu.memory_space<vmem>>
      %dma_start3A_173 = arith.constant 0 : i32
      %dma_start3A_174 = arith.constant 0 : i32
      %dma_start3A_175 = tpu.memref_slice %arg9[%dma_start3A_173, %dma_start3A_174] : memref<10240x128xf32, #tpu.memory_space<vmem_shared>> -> memref<10240x128xf32, #tpu.memory_space<vmem_shared>>
      tpu.enqueue_indirect_dma source(%arg6 : memref<128x128xf32, #tpu.memory_space<vmem>>) target(%dma_start3A_175 : memref<10240x128xf32, #tpu.memory_space<vmem_shared>>) offsets(%dma_start3A_172 : memref<128xi32, #tpu.memory_space<vmem>>) semaphore(%arg10 : memref<!tpu.dma_semaphore, #tpu.memory_space<semaphore_mem>>) {add = true}
      %mul3A_176 = arith.constant 8 : i32
      %mul3A_177 = arith.muli %add3A_115, %mul3A_176 : i32
      %add3A_178 = arith.constant 6 : i32
      %add3A_179 = arith.addi %mul3A_177, %add3A_178 : i32
      %dma_start3A_180 = arith.constant 0 : i32
      %dma_start3A_181 = tpu.memref_slice %arg5[%add3A_179, %dma_start3A_180] : memref<80x128xi32, #tpu.memory_space<vmem>> -> memref<1x128xi32, #tpu.memory_space<vmem>>
      %dma_start3A_182 = tpu.memref_squeeze %dma_start3A_181 : memref<1x128xi32, #tpu.memory_space<vmem>> -> memref<128xi32, #tpu.memory_space<vmem>>
      %dma_start3A_183 = arith.constant 0 : i32
      %dma_start3A_184 = arith.constant 0 : i32
      %dma_start3A_185 = tpu.memref_slice %arg9[%dma_start3A_183, %dma_start3A_184] : memref<10240x128xf32, #tpu.memory_space<vmem_shared>> -> memref<10240x128xf32, #tpu.memory_space<vmem_shared>>
      tpu.enqueue_indirect_dma source(%arg6 : memref<128x128xf32, #tpu.memory_space<vmem>>) target(%dma_start3A_185 : memref<10240x128xf32, #tpu.memory_space<vmem_shared>>) offsets(%dma_start3A_182 : memref<128xi32, #tpu.memory_space<vmem>>) semaphore(%arg10 : memref<!tpu.dma_semaphore, #tpu.memory_space<semaphore_mem>>) {add = true}
      %mul3A_186 = arith.constant 8 : i32
      %mul3A_187 = arith.muli %add3A_115, %mul3A_186 : i32
      %add3A_188 = arith.constant 7 : i32
      %add3A_189 = arith.addi %mul3A_187, %add3A_188 : i32
      %dma_start3A_190 = arith.constant 0 : i32
      %dma_start3A_191 = tpu.memref_slice %arg5[%add3A_189, %dma_start3A_190] : memref<80x128xi32, #tpu.memory_space<vmem>> -> memref<1x128xi32, #tpu.memory_space<vmem>>
      %dma_start3A_192 = tpu.memref_squeeze %dma_start3A_191 : memref<1x128xi32, #tpu.memory_space<vmem>> -> memref<128xi32, #tpu.memory_space<vmem>>
      %dma_start3A_193 = arith.constant 0 : i32
      %dma_start3A_194 = arith.constant 0 : i32
      %dma_start3A_195 = tpu.memref_slice %arg9[%dma_start3A_193, %dma_start3A_194] : memref<10240x128xf32, #tpu.memory_space<vmem_shared>> -> memref<10240x128xf32, #tpu.memory_space<vmem_shared>>
      tpu.enqueue_indirect_dma source(%arg6 : memref<128x128xf32, #tpu.memory_space<vmem>>) target(%dma_start3A_195 : memref<10240x128xf32, #tpu.memory_space<vmem_shared>>) offsets(%dma_start3A_192 : memref<128xi32, #tpu.memory_space<vmem>>) semaphore(%arg10 : memref<!tpu.dma_semaphore, #tpu.memory_space<semaphore_mem>>) {add = true}
      %mul3A_196 = arith.constant 8 : i32
      %mul3A_197 = arith.muli %add3A_115, %mul3A_196 : i32
      %add3A_198 = arith.constant 0 : i32
      %add3A_199 = arith.addi %mul3A_197, %add3A_198 : i32
      %dma_wait3A_200 = arith.constant 0 : i32
      %dma_wait3A_201 = tpu.memref_slice %arg5[%add3A_199, %dma_wait3A_200] : memref<80x128xi32, #tpu.memory_space<vmem>> -> memref<1x128xi32, #tpu.memory_space<vmem>>
      %dma_wait3A_202 = tpu.memref_squeeze %dma_wait3A_201 : memref<1x128xi32, #tpu.memory_space<vmem>> -> memref<128xi32, #tpu.memory_space<vmem>>
      %dma_wait3A_203 = arith.constant 0 : i32
      %dma_wait3A_204 = arith.constant 0 : i32
      %dma_wait3A_205 = tpu.memref_slice %arg9[%dma_wait3A_203, %dma_wait3A_204] : memref<10240x128xf32, #tpu.memory_space<vmem_shared>> -> memref<10240x128xf32, #tpu.memory_space<vmem_shared>>
      tpu.wait_indirect_dma semaphore(%arg10 : memref<!tpu.dma_semaphore, #tpu.memory_space<semaphore_mem>>) src(%arg6 : memref<128x128xf32, #tpu.memory_space<vmem>>) dst(%dma_wait3A_205 : memref<10240x128xf32, #tpu.memory_space<vmem_shared>>)
      %mul3A_206 = arith.constant 8 : i32
      %mul3A_207 = arith.muli %add3A_115, %mul3A_206 : i32
      %add3A_208 = arith.constant 1 : i32
      %add3A_209 = arith.addi %mul3A_207, %add3A_208 : i32
      %dma_wait3A_210 = arith.constant 0 : i32
      %dma_wait3A_211 = tpu.memref_slice %arg5[%add3A_209, %dma_wait3A_210] : memref<80x128xi32, #tpu.memory_space<vmem>> -> memref<1x128xi32, #tpu.memory_space<vmem>>
      %dma_wait3A_212 = tpu.memref_squeeze %dma_wait3A_211 : memref<1x128xi32, #tpu.memory_space<vmem>> -> memref<128xi32, #tpu.memory_space<vmem>>
      %dma_wait3A_213 = arith.constant 0 : i32
      %dma_wait3A_214 = arith.constant 0 : i32
      %dma_wait3A_215 = tpu.memref_slice %arg9[%dma_wait3A_213, %dma_wait3A_214] : memref<10240x128xf32, #tpu.memory_space<vmem_shared>> -> memref<10240x128xf32, #tpu.memory_space<vmem_shared>>
      tpu.wait_indirect_dma semaphore(%arg10 : memref<!tpu.dma_semaphore, #tpu.memory_space<semaphore_mem>>) src(%arg6 : memref<128x128xf32, #tpu.memory_space<vmem>>) dst(%dma_wait3A_215 : memref<10240x128xf32, #tpu.memory_space<vmem_shared>>)
      %mul3A_216 = arith.constant 8 : i32
      %mul3A_217 = arith.muli %add3A_115, %mul3A_216 : i32
      %add3A_218 = arith.constant 2 : i32
      %add3A_219 = arith.addi %mul3A_217, %add3A_218 : i32
      %dma_wait3A_220 = arith.constant 0 : i32
      %dma_wait3A_221 = tpu.memref_slice %arg5[%add3A_219, %dma_wait3A_220] : memref<80x128xi32, #tpu.memory_space<vmem>> -> memref<1x128xi32, #tpu.memory_space<vmem>>
      %dma_wait3A_222 = tpu.memref_squeeze %dma_wait3A_221 : memref<1x128xi32, #tpu.memory_space<vmem>> -> memref<128xi32, #tpu.memory_space<vmem>>
      %dma_wait3A_223 = arith.constant 0 : i32
      %dma_wait3A_224 = arith.constant 0 : i32
      %dma_wait3A_225 = tpu.memref_slice %arg9[%dma_wait3A_223, %dma_wait3A_224] : memref<10240x128xf32, #tpu.memory_space<vmem_shared>> -> memref<10240x128xf32, #tpu.memory_space<vmem_shared>>
      tpu.wait_indirect_dma semaphore(%arg10 : memref<!tpu.dma_semaphore, #tpu.memory_space<semaphore_mem>>) src(%arg6 : memref<128x128xf32, #tpu.memory_space<vmem>>) dst(%dma_wait3A_225 : memref<10240x128xf32, #tpu.memory_space<vmem_shared>>)
      %mul3A_226 = arith.constant 8 : i32
      %mul3A_227 = arith.muli %add3A_115, %mul3A_226 : i32
      %add3A_228 = arith.constant 3 : i32
      %add3A_229 = arith.addi %mul3A_227, %add3A_228 : i32
      %dma_wait3A_230 = arith.constant 0 : i32
      %dma_wait3A_231 = tpu.memref_slice %arg5[%add3A_229, %dma_wait3A_230] : memref<80x128xi32, #tpu.memory_space<vmem>> -> memref<1x128xi32, #tpu.memory_space<vmem>>
      %dma_wait3A_232 = tpu.memref_squeeze %dma_wait3A_231 : memref<1x128xi32, #tpu.memory_space<vmem>> -> memref<128xi32, #tpu.memory_space<vmem>>
      %dma_wait3A_233 = arith.constant 0 : i32
      %dma_wait3A_234 = arith.constant 0 : i32
      %dma_wait3A_235 = tpu.memref_slice %arg9[%dma_wait3A_233, %dma_wait3A_234] : memref<10240x128xf32, #tpu.memory_space<vmem_shared>> -> memref<10240x128xf32, #tpu.memory_space<vmem_shared>>
      tpu.wait_indirect_dma semaphore(%arg10 : memref<!tpu.dma_semaphore, #tpu.memory_space<semaphore_mem>>) src(%arg6 : memref<128x128xf32, #tpu.memory_space<vmem>>) dst(%dma_wait3A_235 : memref<10240x128xf32, #tpu.memory_space<vmem_shared>>)
      %mul3A_236 = arith.constant 8 : i32
      %mul3A_237 = arith.muli %add3A_115, %mul3A_236 : i32
      %add3A_238 = arith.constant 4 : i32
      %add3A_239 = arith.addi %mul3A_237, %add3A_238 : i32
      %dma_wait3A_240 = arith.constant 0 : i32
      %dma_wait3A_241 = tpu.memref_slice %arg5[%add3A_239, %dma_wait3A_240] : memref<80x128xi32, #tpu.memory_space<vmem>> -> memref<1x128xi32, #tpu.memory_space<vmem>>
      %dma_wait3A_242 = tpu.memref_squeeze %dma_wait3A_241 : memref<1x128xi32, #tpu.memory_space<vmem>> -> memref<128xi32, #tpu.memory_space<vmem>>
      %dma_wait3A_243 = arith.constant 0 : i32
      %dma_wait3A_244 = arith.constant 0 : i32
      %dma_wait3A_245 = tpu.memref_slice %arg9[%dma_wait3A_243, %dma_wait3A_244] : memref<10240x128xf32, #tpu.memory_space<vmem_shared>> -> memref<10240x128xf32, #tpu.memory_space<vmem_shared>>
      tpu.wait_indirect_dma semaphore(%arg10 : memref<!tpu.dma_semaphore, #tpu.memory_space<semaphore_mem>>) src(%arg6 : memref<128x128xf32, #tpu.memory_space<vmem>>) dst(%dma_wait3A_245 : memref<10240x128xf32, #tpu.memory_space<vmem_shared>>)
      %mul3A_246 = arith.constant 8 : i32
      %mul3A_247 = arith.muli %add3A_115, %mul3A_246 : i32
      %add3A_248 = arith.constant 5 : i32
      %add3A_249 = arith.addi %mul3A_247, %add3A_248 : i32
      %dma_wait3A_250 = arith.constant 0 : i32
      %dma_wait3A_251 = tpu.memref_slice %arg5[%add3A_249, %dma_wait3A_250] : memref<80x128xi32, #tpu.memory_space<vmem>> -> memref<1x128xi32, #tpu.memory_space<vmem>>
      %dma_wait3A_252 = tpu.memref_squeeze %dma_wait3A_251 : memref<1x128xi32, #tpu.memory_space<vmem>> -> memref<128xi32, #tpu.memory_space<vmem>>
      %dma_wait3A_253 = arith.constant 0 : i32
      %dma_wait3A_254 = arith.constant 0 : i32
      %dma_wait3A_255 = tpu.memref_slice %arg9[%dma_wait3A_253, %dma_wait3A_254] : memref<10240x128xf32, #tpu.memory_space<vmem_shared>> -> memref<10240x128xf32, #tpu.memory_space<vmem_shared>>
      tpu.wait_indirect_dma semaphore(%arg10 : memref<!tpu.dma_semaphore, #tpu.memory_space<semaphore_mem>>) src(%arg6 : memref<128x128xf32, #tpu.memory_space<vmem>>) dst(%dma_wait3A_255 : memref<10240x128xf32, #tpu.memory_space<vmem_shared>>)
      %mul3A_256 = arith.constant 8 : i32
      %mul3A_257 = arith.muli %add3A_115, %mul3A_256 : i32
      %add3A_258 = arith.constant 6 : i32
      %add3A_259 = arith.addi %mul3A_257, %add3A_258 : i32
      %dma_wait3A_260 = arith.constant 0 : i32
      %dma_wait3A_261 = tpu.memref_slice %arg5[%add3A_259, %dma_wait3A_260] : memref<80x128xi32, #tpu.memory_space<vmem>> -> memref<1x128xi32, #tpu.memory_space<vmem>>
      %dma_wait3A_262 = tpu.memref_squeeze %dma_wait3A_261 : memref<1x128xi32, #tpu.memory_space<vmem>> -> memref<128xi32, #tpu.memory_space<vmem>>
      %dma_wait3A_263 = arith.constant 0 : i32
      %dma_wait3A_264 = arith.constant 0 : i32
      %dma_wait3A_265 = tpu.memref_slice %arg9[%dma_wait3A_263, %dma_wait3A_264] : memref<10240x128xf32, #tpu.memory_space<vmem_shared>> -> memref<10240x128xf32, #tpu.memory_space<vmem_shared>>
      tpu.wait_indirect_dma semaphore(%arg10 : memref<!tpu.dma_semaphore, #tpu.memory_space<semaphore_mem>>) src(%arg6 : memref<128x128xf32, #tpu.memory_space<vmem>>) dst(%dma_wait3A_265 : memref<10240x128xf32, #tpu.memory_space<vmem_shared>>)
      %mul3A_266 = arith.constant 8 : i32
      %mul3A_267 = arith.muli %add3A_115, %mul3A_266 : i32
      %add3A_268 = arith.constant 7 : i32
      %add3A_269 = arith.addi %mul3A_267, %add3A_268 : i32
      %dma_wait3A_270 = arith.constant 0 : i32
      %dma_wait3A_271 = tpu.memref_slice %arg5[%add3A_269, %dma_wait3A_270] : memref<80x128xi32, #tpu.memory_space<vmem>> -> memref<1x128xi32, #tpu.memory_space<vmem>>
      %dma_wait3A_272 = tpu.memref_squeeze %dma_wait3A_271 : memref<1x128xi32, #tpu.memory_space<vmem>> -> memref<128xi32, #tpu.memory_space<vmem>>
      %dma_wait3A_273 = arith.constant 0 : i32
      %dma_wait3A_274 = arith.constant 0 : i32
      %dma_wait3A_275 = tpu.memref_slice %arg9[%dma_wait3A_273, %dma_wait3A_274] : memref<10240x128xf32, #tpu.memory_space<vmem_shared>> -> memref<10240x128xf32, #tpu.memory_space<vmem_shared>>
      tpu.wait_indirect_dma semaphore(%arg10 : memref<!tpu.dma_semaphore, #tpu.memory_space<semaphore_mem>>) src(%arg6 : memref<128x128xf32, #tpu.memory_space<vmem>>) dst(%dma_wait3A_275 : memref<10240x128xf32, #tpu.memory_space<vmem_shared>>)
    }
    %scan3A_21 = arith.constant 10 : i32
    %barrier3A_22 = arith.constant 0 : index
    tpu.barrier barrier_id(%barrier3A_22)
    %dma_start3A = arith.constant 0 : i32
    %dma_start3A_23 = arith.constant 0 : i32
    %dma_start3A_24 = tpu.memref_slice %arg8[%dma_start3A, %dma_start3A_23] : memref<5x128xi32, #tpu.memory_space<vmem>> -> memref<1x128xi32, #tpu.memory_space<vmem>>
    %dma_start3A_25 = tpu.memref_squeeze %dma_start3A_24 : memref<1x128xi32, #tpu.memory_space<vmem>> -> memref<128xi32, #tpu.memory_space<vmem>>
    %dma_start3A_26 = arith.constant 0 : i32
    %dma_start3A_27 = arith.constant 0 : i32
    %dma_start3A_28 = tpu.memref_slice %arg9[%dma_start3A_26, %dma_start3A_27] : memref<10240x128xf32, #tpu.memory_space<vmem_shared>> -> memref<10240x128xf32, #tpu.memory_space<vmem_shared>>
    tpu.enqueue_indirect_dma source(%dma_start3A_28 : memref<10240x128xf32, #tpu.memory_space<vmem_shared>>) target(%arg7 : memref<128x128xf32, #tpu.memory_space<vmem>>) offsets(%dma_start3A_25 : memref<128xi32, #tpu.memory_space<vmem>>) semaphore(%arg10 : memref<!tpu.dma_semaphore, #tpu.memory_space<semaphore_mem>>)
    %dma_wait3A = arith.constant 0 : i32
    %dma_wait3A_29 = arith.constant 0 : i32
    %dma_wait3A_30 = tpu.memref_slice %arg8[%dma_wait3A, %dma_wait3A_29] : memref<5x128xi32, #tpu.memory_space<vmem>> -> memref<1x128xi32, #tpu.memory_space<vmem>>
    %dma_wait3A_31 = tpu.memref_squeeze %dma_wait3A_30 : memref<1x128xi32, #tpu.memory_space<vmem>> -> memref<128xi32, #tpu.memory_space<vmem>>
    %dma_wait3A_32 = arith.constant 0 : i32
    %dma_wait3A_33 = arith.constant 0 : i32
    %dma_wait3A_34 = tpu.memref_slice %arg9[%dma_wait3A_32, %dma_wait3A_33] : memref<10240x128xf32, #tpu.memory_space<vmem_shared>> -> memref<10240x128xf32, #tpu.memory_space<vmem_shared>>
    tpu.wait_indirect_dma semaphore(%arg10 : memref<!tpu.dma_semaphore, #tpu.memory_space<semaphore_mem>>) src(%dma_wait3A_34 : memref<10240x128xf32, #tpu.memory_space<vmem_shared>>) dst(%arg7 : memref<128x128xf32, #tpu.memory_space<vmem>>)
    %mul3A_35 = arith.constant 640 : i32
    %mul3A_36 = arith.muli %arg1, %mul3A_35 : i32
    %add3A_37 = arith.constant 0 : i32
    %add3A_38 = arith.addi %mul3A_36, %add3A_37 : i32
    "tpu.region"() ({
      %run_scoped3A_111 = tpu.sem_alloc : memref<!tpu.dma_semaphore, #tpu.memory_space<semaphore_mem>>
      %dma_start3A_112 = arith.constant 0 : i32
      %dma_start3A_113 = tpu.memref_slice %arg4[%arg0, %add3A_38, %dma_start3A_112] : memref<2x10240x128xf32, #tpu.memory_space<hbm>> -> memref<1x128x128xf32, #tpu.memory_space<hbm>>
      %dma_start3A_114 = tpu.memref_squeeze %dma_start3A_113 : memref<1x128x128xf32, #tpu.memory_space<hbm>> -> memref<128x128xf32, #tpu.memory_space<hbm>>
      %dma_start3A_115 = arith.constant 0 : i32
      %dma_start3A_116 = tpu.memref_slice %arg4[%arg0, %add3A_38, %dma_start3A_115] : memref<2x10240x128xf32, #tpu.memory_space<hbm>> -> memref<1x128x128xf32, #tpu.memory_space<hbm>>
      %dma_start3A_117 = tpu.memref_squeeze %dma_start3A_116 : memref<1x128x128xf32, #tpu.memory_space<hbm>> -> memref<128x128xf32, #tpu.memory_space<hbm>>
      tpu.enqueue_dma source(%arg7 : memref<128x128xf32, #tpu.memory_space<vmem>>) target(%dma_start3A_117 : memref<128x128xf32, #tpu.memory_space<hbm>>) target_semaphore(%run_scoped3A_111 : memref<!tpu.dma_semaphore, #tpu.memory_space<semaphore_mem>>)
      %dma_wait3A_118 = arith.constant 0 : i32
      %dma_wait3A_119 = tpu.memref_slice %arg4[%arg0, %add3A_38, %dma_wait3A_118] : memref<2x10240x128xf32, #tpu.memory_space<hbm>> -> memref<1x128x128xf32, #tpu.memory_space<hbm>>
      %dma_wait3A_120 = tpu.memref_squeeze %dma_wait3A_119 : memref<1x128x128xf32, #tpu.memory_space<hbm>> -> memref<128x128xf32, #tpu.memory_space<hbm>>
      %dma_wait3A_121 = arith.constant 0 : i32
      %dma_wait3A_122 = tpu.memref_slice %arg4[%arg0, %add3A_38, %dma_wait3A_121] : memref<2x10240x128xf32, #tpu.memory_space<hbm>> -> memref<1x128x128xf32, #tpu.memory_space<hbm>>
      %dma_wait3A_123 = tpu.memref_squeeze %dma_wait3A_122 : memref<1x128x128xf32, #tpu.memory_space<hbm>> -> memref<128x128xf32, #tpu.memory_space<hbm>>
      tpu.wait_dma2 semaphore(%run_scoped3A_111 : memref<!tpu.dma_semaphore, #tpu.memory_space<semaphore_mem>>) src(%arg7 : memref<128x128xf32, #tpu.memory_space<vmem>>) dst(%dma_wait3A_123 : memref<128x128xf32, #tpu.memory_space<hbm>>)
      tpu.yield
    }) : () -> ()
    %dma_start3A_39 = arith.constant 1 : i32
    %dma_start3A_40 = arith.constant 0 : i32
    %dma_start3A_41 = tpu.memref_slice %arg8[%dma_start3A_39, %dma_start3A_40] : memref<5x128xi32, #tpu.memory_space<vmem>> -> memref<1x128xi32, #tpu.memory_space<vmem>>
    %dma_start3A_42 = tpu.memref_squeeze %dma_start3A_41 : memref<1x128xi32, #tpu.memory_space<vmem>> -> memref<128xi32, #tpu.memory_space<vmem>>
    %dma_start3A_43 = arith.constant 0 : i32
    %dma_start3A_44 = arith.constant 0 : i32
    %dma_start3A_45 = tpu.memref_slice %arg9[%dma_start3A_43, %dma_start3A_44] : memref<10240x128xf32, #tpu.memory_space<vmem_shared>> -> memref<10240x128xf32, #tpu.memory_space<vmem_shared>>
    tpu.enqueue_indirect_dma source(%dma_start3A_45 : memref<10240x128xf32, #tpu.memory_space<vmem_shared>>) target(%arg7 : memref<128x128xf32, #tpu.memory_space<vmem>>) offsets(%dma_start3A_42 : memref<128xi32, #tpu.memory_space<vmem>>) semaphore(%arg10 : memref<!tpu.dma_semaphore, #tpu.memory_space<semaphore_mem>>)
    %dma_wait3A_46 = arith.constant 1 : i32
    %dma_wait3A_47 = arith.constant 0 : i32
    %dma_wait3A_48 = tpu.memref_slice %arg8[%dma_wait3A_46, %dma_wait3A_47] : memref<5x128xi32, #tpu.memory_space<vmem>> -> memref<1x128xi32, #tpu.memory_space<vmem>>
    %dma_wait3A_49 = tpu.memref_squeeze %dma_wait3A_48 : memref<1x128xi32, #tpu.memory_space<vmem>> -> memref<128xi32, #tpu.memory_space<vmem>>
    %dma_wait3A_50 = arith.constant 0 : i32
    %dma_wait3A_51 = arith.constant 0 : i32
    %dma_wait3A_52 = tpu.memref_slice %arg9[%dma_wait3A_50, %dma_wait3A_51] : memref<10240x128xf32, #tpu.memory_space<vmem_shared>> -> memref<10240x128xf32, #tpu.memory_space<vmem_shared>>
    tpu.wait_indirect_dma semaphore(%arg10 : memref<!tpu.dma_semaphore, #tpu.memory_space<semaphore_mem>>) src(%dma_wait3A_52 : memref<10240x128xf32, #tpu.memory_space<vmem_shared>>) dst(%arg7 : memref<128x128xf32, #tpu.memory_space<vmem>>)
    %mul3A_53 = arith.constant 640 : i32
    %mul3A_54 = arith.muli %arg1, %mul3A_53 : i32
    %add3A_55 = arith.constant 128 : i32
    %add3A_56 = arith.addi %mul3A_54, %add3A_55 : i32
    "tpu.region"() ({
      %run_scoped3A_111 = tpu.sem_alloc : memref<!tpu.dma_semaphore, #tpu.memory_space<semaphore_mem>>
      %dma_start3A_112 = arith.constant 0 : i32
      %dma_start3A_113 = tpu.memref_slice %arg4[%arg0, %add3A_56, %dma_start3A_112] : memref<2x10240x128xf32, #tpu.memory_space<hbm>> -> memref<1x128x128xf32, #tpu.memory_space<hbm>>
      %dma_start3A_114 = tpu.memref_squeeze %dma_start3A_113 : memref<1x128x128xf32, #tpu.memory_space<hbm>> -> memref<128x128xf32, #tpu.memory_space<hbm>>
      %dma_start3A_115 = arith.constant 0 : i32
      %dma_start3A_116 = tpu.memref_slice %arg4[%arg0, %add3A_56, %dma_start3A_115] : memref<2x10240x128xf32, #tpu.memory_space<hbm>> -> memref<1x128x128xf32, #tpu.memory_space<hbm>>
      %dma_start3A_117 = tpu.memref_squeeze %dma_start3A_116 : memref<1x128x128xf32, #tpu.memory_space<hbm>> -> memref<128x128xf32, #tpu.memory_space<hbm>>
      tpu.enqueue_dma source(%arg7 : memref<128x128xf32, #tpu.memory_space<vmem>>) target(%dma_start3A_117 : memref<128x128xf32, #tpu.memory_space<hbm>>) target_semaphore(%run_scoped3A_111 : memref<!tpu.dma_semaphore, #tpu.memory_space<semaphore_mem>>)
      %dma_wait3A_118 = arith.constant 0 : i32
      %dma_wait3A_119 = tpu.memref_slice %arg4[%arg0, %add3A_56, %dma_wait3A_118] : memref<2x10240x128xf32, #tpu.memory_space<hbm>> -> memref<1x128x128xf32, #tpu.memory_space<hbm>>
      %dma_wait3A_120 = tpu.memref_squeeze %dma_wait3A_119 : memref<1x128x128xf32, #tpu.memory_space<hbm>> -> memref<128x128xf32, #tpu.memory_space<hbm>>
      %dma_wait3A_121 = arith.constant 0 : i32
      %dma_wait3A_122 = tpu.memref_slice %arg4[%arg0, %add3A_56, %dma_wait3A_121] : memref<2x10240x128xf32, #tpu.memory_space<hbm>> -> memref<1x128x128xf32, #tpu.memory_space<hbm>>
      %dma_wait3A_123 = tpu.memref_squeeze %dma_wait3A_122 : memref<1x128x128xf32, #tpu.memory_space<hbm>> -> memref<128x128xf32, #tpu.memory_space<hbm>>
      tpu.wait_dma2 semaphore(%run_scoped3A_111 : memref<!tpu.dma_semaphore, #tpu.memory_space<semaphore_mem>>) src(%arg7 : memref<128x128xf32, #tpu.memory_space<vmem>>) dst(%dma_wait3A_123 : memref<128x128xf32, #tpu.memory_space<hbm>>)
      tpu.yield
    }) : () -> ()
    %dma_start3A_57 = arith.constant 2 : i32
    %dma_start3A_58 = arith.constant 0 : i32
    %dma_start3A_59 = tpu.memref_slice %arg8[%dma_start3A_57, %dma_start3A_58] : memref<5x128xi32, #tpu.memory_space<vmem>> -> memref<1x128xi32, #tpu.memory_space<vmem>>
    %dma_start3A_60 = tpu.memref_squeeze %dma_start3A_59 : memref<1x128xi32, #tpu.memory_space<vmem>> -> memref<128xi32, #tpu.memory_space<vmem>>
    %dma_start3A_61 = arith.constant 0 : i32
    %dma_start3A_62 = arith.constant 0 : i32
    %dma_start3A_63 = tpu.memref_slice %arg9[%dma_start3A_61, %dma_start3A_62] : memref<10240x128xf32, #tpu.memory_space<vmem_shared>> -> memref<10240x128xf32, #tpu.memory_space<vmem_shared>>
    tpu.enqueue_indirect_dma source(%dma_start3A_63 : memref<10240x128xf32, #tpu.memory_space<vmem_shared>>) target(%arg7 : memref<128x128xf32, #tpu.memory_space<vmem>>) offsets(%dma_start3A_60 : memref<128xi32, #tpu.memory_space<vmem>>) semaphore(%arg10 : memref<!tpu.dma_semaphore, #tpu.memory_space<semaphore_mem>>)
    %dma_wait3A_64 = arith.constant 2 : i32
    %dma_wait3A_65 = arith.constant 0 : i32
    %dma_wait3A_66 = tpu.memref_slice %arg8[%dma_wait3A_64, %dma_wait3A_65] : memref<5x128xi32, #tpu.memory_space<vmem>> -> memref<1x128xi32, #tpu.memory_space<vmem>>
    %dma_wait3A_67 = tpu.memref_squeeze %dma_wait3A_66 : memref<1x128xi32, #tpu.memory_space<vmem>> -> memref<128xi32, #tpu.memory_space<vmem>>
    %dma_wait3A_68 = arith.constant 0 : i32
    %dma_wait3A_69 = arith.constant 0 : i32
    %dma_wait3A_70 = tpu.memref_slice %arg9[%dma_wait3A_68, %dma_wait3A_69] : memref<10240x128xf32, #tpu.memory_space<vmem_shared>> -> memref<10240x128xf32, #tpu.memory_space<vmem_shared>>
    tpu.wait_indirect_dma semaphore(%arg10 : memref<!tpu.dma_semaphore, #tpu.memory_space<semaphore_mem>>) src(%dma_wait3A_70 : memref<10240x128xf32, #tpu.memory_space<vmem_shared>>) dst(%arg7 : memref<128x128xf32, #tpu.memory_space<vmem>>)
    %mul3A_71 = arith.constant 640 : i32
    %mul3A_72 = arith.muli %arg1, %mul3A_71 : i32
    %add3A_73 = arith.constant 256 : i32
    %add3A_74 = arith.addi %mul3A_72, %add3A_73 : i32
    "tpu.region"() ({
      %run_scoped3A_111 = tpu.sem_alloc : memref<!tpu.dma_semaphore, #tpu.memory_space<semaphore_mem>>
      %dma_start3A_112 = arith.constant 0 : i32
      %dma_start3A_113 = tpu.memref_slice %arg4[%arg0, %add3A_74, %dma_start3A_112] : memref<2x10240x128xf32, #tpu.memory_space<hbm>> -> memref<1x128x128xf32, #tpu.memory_space<hbm>>
      %dma_start3A_114 = tpu.memref_squeeze %dma_start3A_113 : memref<1x128x128xf32, #tpu.memory_space<hbm>> -> memref<128x128xf32, #tpu.memory_space<hbm>>
      %dma_start3A_115 = arith.constant 0 : i32
      %dma_start3A_116 = tpu.memref_slice %arg4[%arg0, %add3A_74, %dma_start3A_115] : memref<2x10240x128xf32, #tpu.memory_space<hbm>> -> memref<1x128x128xf32, #tpu.memory_space<hbm>>
      %dma_start3A_117 = tpu.memref_squeeze %dma_start3A_116 : memref<1x128x128xf32, #tpu.memory_space<hbm>> -> memref<128x128xf32, #tpu.memory_space<hbm>>
      tpu.enqueue_dma source(%arg7 : memref<128x128xf32, #tpu.memory_space<vmem>>) target(%dma_start3A_117 : memref<128x128xf32, #tpu.memory_space<hbm>>) target_semaphore(%run_scoped3A_111 : memref<!tpu.dma_semaphore, #tpu.memory_space<semaphore_mem>>)
      %dma_wait3A_118 = arith.constant 0 : i32
      %dma_wait3A_119 = tpu.memref_slice %arg4[%arg0, %add3A_74, %dma_wait3A_118] : memref<2x10240x128xf32, #tpu.memory_space<hbm>> -> memref<1x128x128xf32, #tpu.memory_space<hbm>>
      %dma_wait3A_120 = tpu.memref_squeeze %dma_wait3A_119 : memref<1x128x128xf32, #tpu.memory_space<hbm>> -> memref<128x128xf32, #tpu.memory_space<hbm>>
      %dma_wait3A_121 = arith.constant 0 : i32
      %dma_wait3A_122 = tpu.memref_slice %arg4[%arg0, %add3A_74, %dma_wait3A_121] : memref<2x10240x128xf32, #tpu.memory_space<hbm>> -> memref<1x128x128xf32, #tpu.memory_space<hbm>>
      %dma_wait3A_123 = tpu.memref_squeeze %dma_wait3A_122 : memref<1x128x128xf32, #tpu.memory_space<hbm>> -> memref<128x128xf32, #tpu.memory_space<hbm>>
      tpu.wait_dma2 semaphore(%run_scoped3A_111 : memref<!tpu.dma_semaphore, #tpu.memory_space<semaphore_mem>>) src(%arg7 : memref<128x128xf32, #tpu.memory_space<vmem>>) dst(%dma_wait3A_123 : memref<128x128xf32, #tpu.memory_space<hbm>>)
      tpu.yield
    }) : () -> ()
    %dma_start3A_75 = arith.constant 3 : i32
    %dma_start3A_76 = arith.constant 0 : i32
    %dma_start3A_77 = tpu.memref_slice %arg8[%dma_start3A_75, %dma_start3A_76] : memref<5x128xi32, #tpu.memory_space<vmem>> -> memref<1x128xi32, #tpu.memory_space<vmem>>
    %dma_start3A_78 = tpu.memref_squeeze %dma_start3A_77 : memref<1x128xi32, #tpu.memory_space<vmem>> -> memref<128xi32, #tpu.memory_space<vmem>>
    %dma_start3A_79 = arith.constant 0 : i32
    %dma_start3A_80 = arith.constant 0 : i32
    %dma_start3A_81 = tpu.memref_slice %arg9[%dma_start3A_79, %dma_start3A_80] : memref<10240x128xf32, #tpu.memory_space<vmem_shared>> -> memref<10240x128xf32, #tpu.memory_space<vmem_shared>>
    tpu.enqueue_indirect_dma source(%dma_start3A_81 : memref<10240x128xf32, #tpu.memory_space<vmem_shared>>) target(%arg7 : memref<128x128xf32, #tpu.memory_space<vmem>>) offsets(%dma_start3A_78 : memref<128xi32, #tpu.memory_space<vmem>>) semaphore(%arg10 : memref<!tpu.dma_semaphore, #tpu.memory_space<semaphore_mem>>)
    %dma_wait3A_82 = arith.constant 3 : i32
    %dma_wait3A_83 = arith.constant 0 : i32
    %dma_wait3A_84 = tpu.memref_slice %arg8[%dma_wait3A_82, %dma_wait3A_83] : memref<5x128xi32, #tpu.memory_space<vmem>> -> memref<1x128xi32, #tpu.memory_space<vmem>>
    %dma_wait3A_85 = tpu.memref_squeeze %dma_wait3A_84 : memref<1x128xi32, #tpu.memory_space<vmem>> -> memref<128xi32, #tpu.memory_space<vmem>>
    %dma_wait3A_86 = arith.constant 0 : i32
    %dma_wait3A_87 = arith.constant 0 : i32
    %dma_wait3A_88 = tpu.memref_slice %arg9[%dma_wait3A_86, %dma_wait3A_87] : memref<10240x128xf32, #tpu.memory_space<vmem_shared>> -> memref<10240x128xf32, #tpu.memory_space<vmem_shared>>
    tpu.wait_indirect_dma semaphore(%arg10 : memref<!tpu.dma_semaphore, #tpu.memory_space<semaphore_mem>>) src(%dma_wait3A_88 : memref<10240x128xf32, #tpu.memory_space<vmem_shared>>) dst(%arg7 : memref<128x128xf32, #tpu.memory_space<vmem>>)
    %mul3A_89 = arith.constant 640 : i32
    %mul3A_90 = arith.muli %arg1, %mul3A_89 : i32
    %add3A_91 = arith.constant 384 : i32
    %add3A_92 = arith.addi %mul3A_90, %add3A_91 : i32
    "tpu.region"() ({
      %run_scoped3A_111 = tpu.sem_alloc : memref<!tpu.dma_semaphore, #tpu.memory_space<semaphore_mem>>
      %dma_start3A_112 = arith.constant 0 : i32
      %dma_start3A_113 = tpu.memref_slice %arg4[%arg0, %add3A_92, %dma_start3A_112] : memref<2x10240x128xf32, #tpu.memory_space<hbm>> -> memref<1x128x128xf32, #tpu.memory_space<hbm>>
      %dma_start3A_114 = tpu.memref_squeeze %dma_start3A_113 : memref<1x128x128xf32, #tpu.memory_space<hbm>> -> memref<128x128xf32, #tpu.memory_space<hbm>>
      %dma_start3A_115 = arith.constant 0 : i32
      %dma_start3A_116 = tpu.memref_slice %arg4[%arg0, %add3A_92, %dma_start3A_115] : memref<2x10240x128xf32, #tpu.memory_space<hbm>> -> memref<1x128x128xf32, #tpu.memory_space<hbm>>
      %dma_start3A_117 = tpu.memref_squeeze %dma_start3A_116 : memref<1x128x128xf32, #tpu.memory_space<hbm>> -> memref<128x128xf32, #tpu.memory_space<hbm>>
      tpu.enqueue_dma source(%arg7 : memref<128x128xf32, #tpu.memory_space<vmem>>) target(%dma_start3A_117 : memref<128x128xf32, #tpu.memory_space<hbm>>) target_semaphore(%run_scoped3A_111 : memref<!tpu.dma_semaphore, #tpu.memory_space<semaphore_mem>>)
      %dma_wait3A_118 = arith.constant 0 : i32
      %dma_wait3A_119 = tpu.memref_slice %arg4[%arg0, %add3A_92, %dma_wait3A_118] : memref<2x10240x128xf32, #tpu.memory_space<hbm>> -> memref<1x128x128xf32, #tpu.memory_space<hbm>>
      %dma_wait3A_120 = tpu.memref_squeeze %dma_wait3A_119 : memref<1x128x128xf32, #tpu.memory_space<hbm>> -> memref<128x128xf32, #tpu.memory_space<hbm>>
      %dma_wait3A_121 = arith.constant 0 : i32
      %dma_wait3A_122 = tpu.memref_slice %arg4[%arg0, %add3A_92, %dma_wait3A_121] : memref<2x10240x128xf32, #tpu.memory_space<hbm>> -> memref<1x128x128xf32, #tpu.memory_space<hbm>>
      %dma_wait3A_123 = tpu.memref_squeeze %dma_wait3A_122 : memref<1x128x128xf32, #tpu.memory_space<hbm>> -> memref<128x128xf32, #tpu.memory_space<hbm>>
      tpu.wait_dma2 semaphore(%run_scoped3A_111 : memref<!tpu.dma_semaphore, #tpu.memory_space<semaphore_mem>>) src(%arg7 : memref<128x128xf32, #tpu.memory_space<vmem>>) dst(%dma_wait3A_123 : memref<128x128xf32, #tpu.memory_space<hbm>>)
      tpu.yield
    }) : () -> ()
    %dma_start3A_93 = arith.constant 4 : i32
    %dma_start3A_94 = arith.constant 0 : i32
    %dma_start3A_95 = tpu.memref_slice %arg8[%dma_start3A_93, %dma_start3A_94] : memref<5x128xi32, #tpu.memory_space<vmem>> -> memref<1x128xi32, #tpu.memory_space<vmem>>
    %dma_start3A_96 = tpu.memref_squeeze %dma_start3A_95 : memref<1x128xi32, #tpu.memory_space<vmem>> -> memref<128xi32, #tpu.memory_space<vmem>>
    %dma_start3A_97 = arith.constant 0 : i32
    %dma_start3A_98 = arith.constant 0 : i32
    %dma_start3A_99 = tpu.memref_slice %arg9[%dma_start3A_97, %dma_start3A_98] : memref<10240x128xf32, #tpu.memory_space<vmem_shared>> -> memref<10240x128xf32, #tpu.memory_space<vmem_shared>>
    tpu.enqueue_indirect_dma source(%dma_start3A_99 : memref<10240x128xf32, #tpu.memory_space<vmem_shared>>) target(%arg7 : memref<128x128xf32, #tpu.memory_space<vmem>>) offsets(%dma_start3A_96 : memref<128xi32, #tpu.memory_space<vmem>>) semaphore(%arg10 : memref<!tpu.dma_semaphore, #tpu.memory_space<semaphore_mem>>)
    %dma_wait3A_100 = arith.constant 4 : i32
    %dma_wait3A_101 = arith.constant 0 : i32
    %dma_wait3A_102 = tpu.memref_slice %arg8[%dma_wait3A_100, %dma_wait3A_101] : memref<5x128xi32, #tpu.memory_space<vmem>> -> memref<1x128xi32, #tpu.memory_space<vmem>>
    %dma_wait3A_103 = tpu.memref_squeeze %dma_wait3A_102 : memref<1x128xi32, #tpu.memory_space<vmem>> -> memref<128xi32, #tpu.memory_space<vmem>>
    %dma_wait3A_104 = arith.constant 0 : i32
    %dma_wait3A_105 = arith.constant 0 : i32
    %dma_wait3A_106 = tpu.memref_slice %arg9[%dma_wait3A_104, %dma_wait3A_105] : memref<10240x128xf32, #tpu.memory_space<vmem_shared>> -> memref<10240x128xf32, #tpu.memory_space<vmem_shared>>
    tpu.wait_indirect_dma semaphore(%arg10 : memref<!tpu.dma_semaphore, #tpu.memory_space<semaphore_mem>>) src(%dma_wait3A_106 : memref<10240x128xf32, #tpu.memory_space<vmem_shared>>) dst(%arg7 : memref<128x128xf32, #tpu.memory_space<vmem>>)
    %mul3A_107 = arith.constant 640 : i32
    %mul3A_108 = arith.muli %arg1, %mul3A_107 : i32
    %add3A_109 = arith.constant 512 : i32
    %add3A_110 = arith.addi %mul3A_108, %add3A_109 : i32
    "tpu.region"() ({
      %run_scoped3A_111 = tpu.sem_alloc : memref<!tpu.dma_semaphore, #tpu.memory_space<semaphore_mem>>
      %dma_start3A_112 = arith.constant 0 : i32
      %dma_start3A_113 = tpu.memref_slice %arg4[%arg0, %add3A_110, %dma_start3A_112] : memref<2x10240x128xf32, #tpu.memory_space<hbm>> -> memref<1x128x128xf32, #tpu.memory_space<hbm>>
      %dma_start3A_114 = tpu.memref_squeeze %dma_start3A_113 : memref<1x128x128xf32, #tpu.memory_space<hbm>> -> memref<128x128xf32, #tpu.memory_space<hbm>>
      %dma_start3A_115 = arith.constant 0 : i32
      %dma_start3A_116 = tpu.memref_slice %arg4[%arg0, %add3A_110, %dma_start3A_115] : memref<2x10240x128xf32, #tpu.memory_space<hbm>> -> memref<1x128x128xf32, #tpu.memory_space<hbm>>
      %dma_start3A_117 = tpu.memref_squeeze %dma_start3A_116 : memref<1x128x128xf32, #tpu.memory_space<hbm>> -> memref<128x128xf32, #tpu.memory_space<hbm>>
      tpu.enqueue_dma source(%arg7 : memref<128x128xf32, #tpu.memory_space<vmem>>) target(%dma_start3A_117 : memref<128x128xf32, #tpu.memory_space<hbm>>) target_semaphore(%run_scoped3A_111 : memref<!tpu.dma_semaphore, #tpu.memory_space<semaphore_mem>>)
      %dma_wait3A_118 = arith.constant 0 : i32
      %dma_wait3A_119 = tpu.memref_slice %arg4[%arg0, %add3A_110, %dma_wait3A_118] : memref<2x10240x128xf32, #tpu.memory_space<hbm>> -> memref<1x128x128xf32, #tpu.memory_space<hbm>>
      %dma_wait3A_120 = tpu.memref_squeeze %dma_wait3A_119 : memref<1x128x128xf32, #tpu.memory_space<hbm>> -> memref<128x128xf32, #tpu.memory_space<hbm>>
      %dma_wait3A_121 = arith.constant 0 : i32
      %dma_wait3A_122 = tpu.memref_slice %arg4[%arg0, %add3A_110, %dma_wait3A_121] : memref<2x10240x128xf32, #tpu.memory_space<hbm>> -> memref<1x128x128xf32, #tpu.memory_space<hbm>>
      %dma_wait3A_123 = tpu.memref_squeeze %dma_wait3A_122 : memref<1x128x128xf32, #tpu.memory_space<hbm>> -> memref<128x128xf32, #tpu.memory_space<hbm>>
      tpu.wait_dma2 semaphore(%run_scoped3A_111 : memref<!tpu.dma_semaphore, #tpu.memory_space<semaphore_mem>>) src(%arg7 : memref<128x128xf32, #tpu.memory_space<vmem>>) dst(%dma_wait3A_123 : memref<128x128xf32, #tpu.memory_space<hbm>>)
      tpu.yield
    }) : () -> ()
    return
  }
}

#map = affine_map<(d0, d1) -> (0, 0)>
#map1 = affine_map<(d0, d1) -> (0, 0, 0)>
module attributes {stable_mosaic.version = 14 : i64} {
  func.func @_agg(%arg0: i32, %arg1: i32, %arg2: memref<10240x128xf32, #tpu.memory_space<hbm>>, %arg3: memref<64x40x128xi32, #tpu.memory_space<hbm>>, %arg4: memref<64x40x128xi32, #tpu.memory_space<hbm>>, %arg5: memref<16x5x128xi32, #tpu.memory_space<hbm>>, %arg6: memref<2x10240x128xf32, #tpu.memory_space<hbm>>, %arg7: memref<40x128xi32, #tpu.memory_space<vmem>>, %arg8: memref<40x128xi32, #tpu.memory_space<vmem>>, %arg9: memref<128x128xf32, #tpu.memory_space<vmem>>, %arg10: memref<128x128xf32, #tpu.memory_space<vmem>>, %arg11: memref<5x128xi32, #tpu.memory_space<vmem>>, %arg12: memref<10240x128xf32, #tpu.memory_space<vmem_shared>>, %arg13: memref<!tpu.dma_semaphore, #tpu.memory_space<semaphore_mem>>, %arg14: memref<!tpu.dma_semaphore, #tpu.memory_space<semaphore_mem>>) attributes {dimension_semantics = [#tpu.dimension_semantics<core_parallel>, #tpu.dimension_semantics<subcore_parallel>], iteration_bounds = array<i64: 2, 16>, scalar_prefetch = 0 : i64, scratch_operands = 8 : i64, tpu.core_type = #tpu.core_type<sc_vector_subcore>, window_params = [{transform_indices = #map}, {transform_indices = #map1}, {transform_indices = #map1}, {transform_indices = #map1}, {transform_indices = #map1}]} {
    %mul3A = arith.constant 2 : i32
    %mul3A_0 = arith.muli %arg1, %mul3A : i32
    %add3A = arith.addi %mul3A_0, %arg0 : i32
    "tpu.region"() ({
      %run_scoped3A_349 = tpu.sem_alloc : memref<!tpu.dma_semaphore, #tpu.memory_space<semaphore_mem>>
      %dma_start3A_350 = arith.constant 0 : i32
      %dma_start3A_351 = arith.constant 0 : i32
      %dma_start3A_352 = tpu.memref_slice %arg5[%arg1, %dma_start3A_350, %dma_start3A_351] : memref<16x5x128xi32, #tpu.memory_space<hbm>> -> memref<1x5x128xi32, #tpu.memory_space<hbm>>
      %dma_start3A_353 = tpu.memref_squeeze %dma_start3A_352 : memref<1x5x128xi32, #tpu.memory_space<hbm>> -> memref<5x128xi32, #tpu.memory_space<hbm>>
      %dma_start3A_354 = arith.constant 0 : i32
      %dma_start3A_355 = arith.constant 0 : i32
      %dma_start3A_356 = tpu.memref_slice %arg5[%arg1, %dma_start3A_354, %dma_start3A_355] : memref<16x5x128xi32, #tpu.memory_space<hbm>> -> memref<1x5x128xi32, #tpu.memory_space<hbm>>
      %dma_start3A_357 = tpu.memref_squeeze %dma_start3A_356 : memref<1x5x128xi32, #tpu.memory_space<hbm>> -> memref<5x128xi32, #tpu.memory_space<hbm>>
      tpu.enqueue_dma source(%dma_start3A_357 : memref<5x128xi32, #tpu.memory_space<hbm>>) target(%arg11 : memref<5x128xi32, #tpu.memory_space<vmem>>) target_semaphore(%run_scoped3A_349 : memref<!tpu.dma_semaphore, #tpu.memory_space<semaphore_mem>>)
      %dma_wait3A_358 = arith.constant 0 : i32
      %dma_wait3A_359 = arith.constant 0 : i32
      %dma_wait3A_360 = tpu.memref_slice %arg5[%arg1, %dma_wait3A_358, %dma_wait3A_359] : memref<16x5x128xi32, #tpu.memory_space<hbm>> -> memref<1x5x128xi32, #tpu.memory_space<hbm>>
      %dma_wait3A_361 = tpu.memref_squeeze %dma_wait3A_360 : memref<1x5x128xi32, #tpu.memory_space<hbm>> -> memref<5x128xi32, #tpu.memory_space<hbm>>
      %dma_wait3A_362 = arith.constant 0 : i32
      %dma_wait3A_363 = arith.constant 0 : i32
      %dma_wait3A_364 = tpu.memref_slice %arg5[%arg1, %dma_wait3A_362, %dma_wait3A_363] : memref<16x5x128xi32, #tpu.memory_space<hbm>> -> memref<1x5x128xi32, #tpu.memory_space<hbm>>
      %dma_wait3A_365 = tpu.memref_squeeze %dma_wait3A_364 : memref<1x5x128xi32, #tpu.memory_space<hbm>> -> memref<5x128xi32, #tpu.memory_space<hbm>>
      tpu.wait_dma2 semaphore(%run_scoped3A_349 : memref<!tpu.dma_semaphore, #tpu.memory_space<semaphore_mem>>) src(%dma_wait3A_365 : memref<5x128xi32, #tpu.memory_space<hbm>>) dst(%arg11 : memref<5x128xi32, #tpu.memory_space<vmem>>)
      tpu.yield
    }) : () -> ()
    %broadcast_in_dim3A = arith.constant 0.000000e+00 : f32
    %broadcast_in_dim3A_1 = vector.broadcast %broadcast_in_dim3A : f32 to vector<16xf32>
    %scan3A = arith.constant 0 : i32
    %scan3A_2 = arith.constant 128 : i32
    %scan3A_3 = arith.addi %scan3A, %scan3A_2 : i32
    %scan3A_4 = arith.constant 1 : i32
    scf.for %scan3A_349 = %scan3A to %scan3A_3 step %scan3A_4  : i32 {
      %mul3A_350 = arith.constant 1 : i32
      %mul3A_351 = arith.muli %scan3A_349, %mul3A_350 : i32
      %add3A_352 = arith.constant 0 : i32
      %add3A_353 = arith.addi %add3A_352, %mul3A_351 : i32
      %swap3A = arith.index_cast %add3A_353 : i32 to index
      %swap3A_354 = arith.constant 0 : index
      %swap3A_355 = tpu.vector_load %arg9[%swap3A, %swap3A_354] {strides = array<i32>} : memref<128x128xf32, #tpu.memory_space<vmem>>, vector<1x16xf32>,
      %swap3A_356 = vector.shape_cast %swap3A_355 : vector<1x16xf32> to vector<16xf32>
      %swap3A_357 = vector.shape_cast %broadcast_in_dim3A_1 : vector<16xf32> to vector<1x16xf32>
      tpu.vector_store %arg9[%swap3A, %swap3A_354], %swap3A_357 {strides = array<i32>} : memref<128x128xf32, #tpu.memory_space<vmem>>, vector<1x16xf32>,
      %swap3A_358 = arith.index_cast %add3A_353 : i32 to index
      %swap3A_359 = arith.constant 16 : index
      %swap3A_360 = tpu.vector_load %arg9[%swap3A_358, %swap3A_359] {strides = array<i32>} : memref<128x128xf32, #tpu.memory_space<vmem>>, vector<1x16xf32>,
      %swap3A_361 = vector.shape_cast %swap3A_360 : vector<1x16xf32> to vector<16xf32>
      %swap3A_362 = vector.shape_cast %broadcast_in_dim3A_1 : vector<16xf32> to vector<1x16xf32>
      tpu.vector_store %arg9[%swap3A_358, %swap3A_359], %swap3A_362 {strides = array<i32>} : memref<128x128xf32, #tpu.memory_space<vmem>>, vector<1x16xf32>,
      %swap3A_363 = arith.index_cast %add3A_353 : i32 to index
      %swap3A_364 = arith.constant 32 : index
      %swap3A_365 = tpu.vector_load %arg9[%swap3A_363, %swap3A_364] {strides = array<i32>} : memref<128x128xf32, #tpu.memory_space<vmem>>, vector<1x16xf32>,
      %swap3A_366 = vector.shape_cast %swap3A_365 : vector<1x16xf32> to vector<16xf32>
      %swap3A_367 = vector.shape_cast %broadcast_in_dim3A_1 : vector<16xf32> to vector<1x16xf32>
      tpu.vector_store %arg9[%swap3A_363, %swap3A_364], %swap3A_367 {strides = array<i32>} : memref<128x128xf32, #tpu.memory_space<vmem>>, vector<1x16xf32>,
      %swap3A_368 = arith.index_cast %add3A_353 : i32 to index
      %swap3A_369 = arith.constant 48 : index
      %swap3A_370 = tpu.vector_load %arg9[%swap3A_368, %swap3A_369] {strides = array<i32>} : memref<128x128xf32, #tpu.memory_space<vmem>>, vector<1x16xf32>,
      %swap3A_371 = vector.shape_cast %swap3A_370 : vector<1x16xf32> to vector<16xf32>
      %swap3A_372 = vector.shape_cast %broadcast_in_dim3A_1 : vector<16xf32> to vector<1x16xf32>
      tpu.vector_store %arg9[%swap3A_368, %swap3A_369], %swap3A_372 {strides = array<i32>} : memref<128x128xf32, #tpu.memory_space<vmem>>, vector<1x16xf32>,
      %swap3A_373 = arith.index_cast %add3A_353 : i32 to index
      %swap3A_374 = arith.constant 64 : index
      %swap3A_375 = tpu.vector_load %arg9[%swap3A_373, %swap3A_374] {strides = array<i32>} : memref<128x128xf32, #tpu.memory_space<vmem>>, vector<1x16xf32>,
      %swap3A_376 = vector.shape_cast %swap3A_375 : vector<1x16xf32> to vector<16xf32>
      %swap3A_377 = vector.shape_cast %broadcast_in_dim3A_1 : vector<16xf32> to vector<1x16xf32>
      tpu.vector_store %arg9[%swap3A_373, %swap3A_374], %swap3A_377 {strides = array<i32>} : memref<128x128xf32, #tpu.memory_space<vmem>>, vector<1x16xf32>,
      %swap3A_378 = arith.index_cast %add3A_353 : i32 to index
      %swap3A_379 = arith.constant 80 : index
      %swap3A_380 = tpu.vector_load %arg9[%swap3A_378, %swap3A_379] {strides = array<i32>} : memref<128x128xf32, #tpu.memory_space<vmem>>, vector<1x16xf32>,
      %swap3A_381 = vector.shape_cast %swap3A_380 : vector<1x16xf32> to vector<16xf32>
      %swap3A_382 = vector.shape_cast %broadcast_in_dim3A_1 : vector<16xf32> to vector<1x16xf32>
      tpu.vector_store %arg9[%swap3A_378, %swap3A_379], %swap3A_382 {strides = array<i32>} : memref<128x128xf32, #tpu.memory_space<vmem>>, vector<1x16xf32>,
      %swap3A_383 = arith.index_cast %add3A_353 : i32 to index
      %swap3A_384 = arith.constant 96 : index
      %swap3A_385 = tpu.vector_load %arg9[%swap3A_383, %swap3A_384] {strides = array<i32>} : memref<128x128xf32, #tpu.memory_space<vmem>>, vector<1x16xf32>,
      %swap3A_386 = vector.shape_cast %swap3A_385 : vector<1x16xf32> to vector<16xf32>
      %swap3A_387 = vector.shape_cast %broadcast_in_dim3A_1 : vector<16xf32> to vector<1x16xf32>
      tpu.vector_store %arg9[%swap3A_383, %swap3A_384], %swap3A_387 {strides = array<i32>} : memref<128x128xf32, #tpu.memory_space<vmem>>, vector<1x16xf32>,
      %swap3A_388 = arith.index_cast %add3A_353 : i32 to index
      %swap3A_389 = arith.constant 112 : index
      %swap3A_390 = tpu.vector_load %arg9[%swap3A_388, %swap3A_389] {strides = array<i32>} : memref<128x128xf32, #tpu.memory_space<vmem>>, vector<1x16xf32>,
      %swap3A_391 = vector.shape_cast %swap3A_390 : vector<1x16xf32> to vector<16xf32>
      %swap3A_392 = vector.shape_cast %broadcast_in_dim3A_1 : vector<16xf32> to vector<1x16xf32>
      tpu.vector_store %arg9[%swap3A_388, %swap3A_389], %swap3A_392 {strides = array<i32>} : memref<128x128xf32, #tpu.memory_space<vmem>>, vector<1x16xf32>,
    }
    %scan3A_5 = arith.constant 128 : i32
    %run_scoped3A = arith.constant 0 : i32
    "tpu.region"() ({
      %run_scoped3A_349 = tpu.sem_alloc : memref<!tpu.dma_semaphore, #tpu.memory_space<semaphore_mem>>
      %dma_start3A_350 = arith.constant 0 : i32
      %dma_start3A_351 = tpu.memref_slice %arg11[%run_scoped3A, %dma_start3A_350] : memref<5x128xi32, #tpu.memory_space<vmem>> -> memref<1x128xi32, #tpu.memory_space<vmem>>
      %dma_start3A_352 = tpu.memref_squeeze %dma_start3A_351 : memref<1x128xi32, #tpu.memory_space<vmem>> -> memref<128xi32, #tpu.memory_space<vmem>>
      %dma_start3A_353 = arith.constant 0 : i32
      %dma_start3A_354 = arith.constant 0 : i32
      %dma_start3A_355 = tpu.memref_slice %arg12[%dma_start3A_353, %dma_start3A_354] : memref<10240x128xf32, #tpu.memory_space<vmem_shared>> -> memref<10240x128xf32, #tpu.memory_space<vmem_shared>>
      tpu.enqueue_indirect_dma source(%arg9 : memref<128x128xf32, #tpu.memory_space<vmem>>) target(%dma_start3A_355 : memref<10240x128xf32, #tpu.memory_space<vmem_shared>>) offsets(%dma_start3A_352 : memref<128xi32, #tpu.memory_space<vmem>>) semaphore(%run_scoped3A_349 : memref<!tpu.dma_semaphore, #tpu.memory_space<semaphore_mem>>)
      %dma_wait3A_356 = arith.constant 0 : i32
      %dma_wait3A_357 = tpu.memref_slice %arg11[%run_scoped3A, %dma_wait3A_356] : memref<5x128xi32, #tpu.memory_space<vmem>> -> memref<1x128xi32, #tpu.memory_space<vmem>>
      %dma_wait3A_358 = tpu.memref_squeeze %dma_wait3A_357 : memref<1x128xi32, #tpu.memory_space<vmem>> -> memref<128xi32, #tpu.memory_space<vmem>>
      %dma_wait3A_359 = arith.constant 0 : i32
      %dma_wait3A_360 = arith.constant 0 : i32
      %dma_wait3A_361 = tpu.memref_slice %arg12[%dma_wait3A_359, %dma_wait3A_360] : memref<10240x128xf32, #tpu.memory_space<vmem_shared>> -> memref<10240x128xf32, #tpu.memory_space<vmem_shared>>
      tpu.wait_indirect_dma semaphore(%run_scoped3A_349 : memref<!tpu.dma_semaphore, #tpu.memory_space<semaphore_mem>>) src(%arg9 : memref<128x128xf32, #tpu.memory_space<vmem>>) dst(%dma_wait3A_361 : memref<10240x128xf32, #tpu.memory_space<vmem_shared>>)
      tpu.yield
    }) : () -> ()
    %run_scoped3A_6 = arith.constant 1 : i32
    "tpu.region"() ({
      %run_scoped3A_349 = tpu.sem_alloc : memref<!tpu.dma_semaphore, #tpu.memory_space<semaphore_mem>>
      %dma_start3A_350 = arith.constant 0 : i32
      %dma_start3A_351 = tpu.memref_slice %arg11[%run_scoped3A_6, %dma_start3A_350] : memref<5x128xi32, #tpu.memory_space<vmem>> -> memref<1x128xi32, #tpu.memory_space<vmem>>
      %dma_start3A_352 = tpu.memref_squeeze %dma_start3A_351 : memref<1x128xi32, #tpu.memory_space<vmem>> -> memref<128xi32, #tpu.memory_space<vmem>>
      %dma_start3A_353 = arith.constant 0 : i32
      %dma_start3A_354 = arith.constant 0 : i32
      %dma_start3A_355 = tpu.memref_slice %arg12[%dma_start3A_353, %dma_start3A_354] : memref<10240x128xf32, #tpu.memory_space<vmem_shared>> -> memref<10240x128xf32, #tpu.memory_space<vmem_shared>>
      tpu.enqueue_indirect_dma source(%arg9 : memref<128x128xf32, #tpu.memory_space<vmem>>) target(%dma_start3A_355 : memref<10240x128xf32, #tpu.memory_space<vmem_shared>>) offsets(%dma_start3A_352 : memref<128xi32, #tpu.memory_space<vmem>>) semaphore(%run_scoped3A_349 : memref<!tpu.dma_semaphore, #tpu.memory_space<semaphore_mem>>)
      %dma_wait3A_356 = arith.constant 0 : i32
      %dma_wait3A_357 = tpu.memref_slice %arg11[%run_scoped3A_6, %dma_wait3A_356] : memref<5x128xi32, #tpu.memory_space<vmem>> -> memref<1x128xi32, #tpu.memory_space<vmem>>
      %dma_wait3A_358 = tpu.memref_squeeze %dma_wait3A_357 : memref<1x128xi32, #tpu.memory_space<vmem>> -> memref<128xi32, #tpu.memory_space<vmem>>
      %dma_wait3A_359 = arith.constant 0 : i32
      %dma_wait3A_360 = arith.constant 0 : i32
      %dma_wait3A_361 = tpu.memref_slice %arg12[%dma_wait3A_359, %dma_wait3A_360] : memref<10240x128xf32, #tpu.memory_space<vmem_shared>> -> memref<10240x128xf32, #tpu.memory_space<vmem_shared>>
      tpu.wait_indirect_dma semaphore(%run_scoped3A_349 : memref<!tpu.dma_semaphore, #tpu.memory_space<semaphore_mem>>) src(%arg9 : memref<128x128xf32, #tpu.memory_space<vmem>>) dst(%dma_wait3A_361 : memref<10240x128xf32, #tpu.memory_space<vmem_shared>>)
      tpu.yield
    }) : () -> ()
    %run_scoped3A_7 = arith.constant 2 : i32
    "tpu.region"() ({
      %run_scoped3A_349 = tpu.sem_alloc : memref<!tpu.dma_semaphore, #tpu.memory_space<semaphore_mem>>
      %dma_start3A_350 = arith.constant 0 : i32
      %dma_start3A_351 = tpu.memref_slice %arg11[%run_scoped3A_7, %dma_start3A_350] : memref<5x128xi32, #tpu.memory_space<vmem>> -> memref<1x128xi32, #tpu.memory_space<vmem>>
      %dma_start3A_352 = tpu.memref_squeeze %dma_start3A_351 : memref<1x128xi32, #tpu.memory_space<vmem>> -> memref<128xi32, #tpu.memory_space<vmem>>
      %dma_start3A_353 = arith.constant 0 : i32
      %dma_start3A_354 = arith.constant 0 : i32
      %dma_start3A_355 = tpu.memref_slice %arg12[%dma_start3A_353, %dma_start3A_354] : memref<10240x128xf32, #tpu.memory_space<vmem_shared>> -> memref<10240x128xf32, #tpu.memory_space<vmem_shared>>
      tpu.enqueue_indirect_dma source(%arg9 : memref<128x128xf32, #tpu.memory_space<vmem>>) target(%dma_start3A_355 : memref<10240x128xf32, #tpu.memory_space<vmem_shared>>) offsets(%dma_start3A_352 : memref<128xi32, #tpu.memory_space<vmem>>) semaphore(%run_scoped3A_349 : memref<!tpu.dma_semaphore, #tpu.memory_space<semaphore_mem>>)
      %dma_wait3A_356 = arith.constant 0 : i32
      %dma_wait3A_357 = tpu.memref_slice %arg11[%run_scoped3A_7, %dma_wait3A_356] : memref<5x128xi32, #tpu.memory_space<vmem>> -> memref<1x128xi32, #tpu.memory_space<vmem>>
      %dma_wait3A_358 = tpu.memref_squeeze %dma_wait3A_357 : memref<1x128xi32, #tpu.memory_space<vmem>> -> memref<128xi32, #tpu.memory_space<vmem>>
      %dma_wait3A_359 = arith.constant 0 : i32
      %dma_wait3A_360 = arith.constant 0 : i32
      %dma_wait3A_361 = tpu.memref_slice %arg12[%dma_wait3A_359, %dma_wait3A_360] : memref<10240x128xf32, #tpu.memory_space<vmem_shared>> -> memref<10240x128xf32, #tpu.memory_space<vmem_shared>>
      tpu.wait_indirect_dma semaphore(%run_scoped3A_349 : memref<!tpu.dma_semaphore, #tpu.memory_space<semaphore_mem>>) src(%arg9 : memref<128x128xf32, #tpu.memory_space<vmem>>) dst(%dma_wait3A_361 : memref<10240x128xf32, #tpu.memory_space<vmem_shared>>)
      tpu.yield
    }) : () -> ()
    %run_scoped3A_8 = arith.constant 3 : i32
    "tpu.region"() ({
      %run_scoped3A_349 = tpu.sem_alloc : memref<!tpu.dma_semaphore, #tpu.memory_space<semaphore_mem>>
      %dma_start3A_350 = arith.constant 0 : i32
      %dma_start3A_351 = tpu.memref_slice %arg11[%run_scoped3A_8, %dma_start3A_350] : memref<5x128xi32, #tpu.memory_space<vmem>> -> memref<1x128xi32, #tpu.memory_space<vmem>>
      %dma_start3A_352 = tpu.memref_squeeze %dma_start3A_351 : memref<1x128xi32, #tpu.memory_space<vmem>> -> memref<128xi32, #tpu.memory_space<vmem>>
      %dma_start3A_353 = arith.constant 0 : i32
      %dma_start3A_354 = arith.constant 0 : i32
      %dma_start3A_355 = tpu.memref_slice %arg12[%dma_start3A_353, %dma_start3A_354] : memref<10240x128xf32, #tpu.memory_space<vmem_shared>> -> memref<10240x128xf32, #tpu.memory_space<vmem_shared>>
      tpu.enqueue_indirect_dma source(%arg9 : memref<128x128xf32, #tpu.memory_space<vmem>>) target(%dma_start3A_355 : memref<10240x128xf32, #tpu.memory_space<vmem_shared>>) offsets(%dma_start3A_352 : memref<128xi32, #tpu.memory_space<vmem>>) semaphore(%run_scoped3A_349 : memref<!tpu.dma_semaphore, #tpu.memory_space<semaphore_mem>>)
      %dma_wait3A_356 = arith.constant 0 : i32
      %dma_wait3A_357 = tpu.memref_slice %arg11[%run_scoped3A_8, %dma_wait3A_356] : memref<5x128xi32, #tpu.memory_space<vmem>> -> memref<1x128xi32, #tpu.memory_space<vmem>>
      %dma_wait3A_358 = tpu.memref_squeeze %dma_wait3A_357 : memref<1x128xi32, #tpu.memory_space<vmem>> -> memref<128xi32, #tpu.memory_space<vmem>>
      %dma_wait3A_359 = arith.constant 0 : i32
      %dma_wait3A_360 = arith.constant 0 : i32
      %dma_wait3A_361 = tpu.memref_slice %arg12[%dma_wait3A_359, %dma_wait3A_360] : memref<10240x128xf32, #tpu.memory_space<vmem_shared>> -> memref<10240x128xf32, #tpu.memory_space<vmem_shared>>
      tpu.wait_indirect_dma semaphore(%run_scoped3A_349 : memref<!tpu.dma_semaphore, #tpu.memory_space<semaphore_mem>>) src(%arg9 : memref<128x128xf32, #tpu.memory_space<vmem>>) dst(%dma_wait3A_361 : memref<10240x128xf32, #tpu.memory_space<vmem_shared>>)
      tpu.yield
    }) : () -> ()
    %run_scoped3A_9 = arith.constant 4 : i32
    "tpu.region"() ({
      %run_scoped3A_349 = tpu.sem_alloc : memref<!tpu.dma_semaphore, #tpu.memory_space<semaphore_mem>>
      %dma_start3A_350 = arith.constant 0 : i32
      %dma_start3A_351 = tpu.memref_slice %arg11[%run_scoped3A_9, %dma_start3A_350] : memref<5x128xi32, #tpu.memory_space<vmem>> -> memref<1x128xi32, #tpu.memory_space<vmem>>
      %dma_start3A_352 = tpu.memref_squeeze %dma_start3A_351 : memref<1x128xi32, #tpu.memory_space<vmem>> -> memref<128xi32, #tpu.memory_space<vmem>>
      %dma_start3A_353 = arith.constant 0 : i32
      %dma_start3A_354 = arith.constant 0 : i32
      %dma_start3A_355 = tpu.memref_slice %arg12[%dma_start3A_353, %dma_start3A_354] : memref<10240x128xf32, #tpu.memory_space<vmem_shared>> -> memref<10240x128xf32, #tpu.memory_space<vmem_shared>>
      tpu.enqueue_indirect_dma source(%arg9 : memref<128x128xf32, #tpu.memory_space<vmem>>) target(%dma_start3A_355 : memref<10240x128xf32, #tpu.memory_space<vmem_shared>>) offsets(%dma_start3A_352 : memref<128xi32, #tpu.memory_space<vmem>>) semaphore(%run_scoped3A_349 : memref<!tpu.dma_semaphore, #tpu.memory_space<semaphore_mem>>)
      %dma_wait3A_356 = arith.constant 0 : i32
      %dma_wait3A_357 = tpu.memref_slice %arg11[%run_scoped3A_9, %dma_wait3A_356] : memref<5x128xi32, #tpu.memory_space<vmem>> -> memref<1x128xi32, #tpu.memory_space<vmem>>
      %dma_wait3A_358 = tpu.memref_squeeze %dma_wait3A_357 : memref<1x128xi32, #tpu.memory_space<vmem>> -> memref<128xi32, #tpu.memory_space<vmem>>
      %dma_wait3A_359 = arith.constant 0 : i32
      %dma_wait3A_360 = arith.constant 0 : i32
      %dma_wait3A_361 = tpu.memref_slice %arg12[%dma_wait3A_359, %dma_wait3A_360] : memref<10240x128xf32, #tpu.memory_space<vmem_shared>> -> memref<10240x128xf32, #tpu.memory_space<vmem_shared>>
      tpu.wait_indirect_dma semaphore(%run_scoped3A_349 : memref<!tpu.dma_semaphore, #tpu.memory_space<semaphore_mem>>) src(%arg9 : memref<128x128xf32, #tpu.memory_space<vmem>>) dst(%dma_wait3A_361 : memref<10240x128xf32, #tpu.memory_space<vmem_shared>>)
      tpu.yield
    }) : () -> ()
    %barrier3A = arith.constant 0 : index
    tpu.barrier barrier_id(%barrier3A)
    %mul3A_10 = arith.constant 2 : i32
    %mul3A_11 = arith.muli %add3A, %mul3A_10 : i32
    %add3A_12 = arith.constant 0 : i32
    %add3A_13 = arith.addi %mul3A_11, %add3A_12 : i32
    "tpu.region"() ({
      %run_scoped3A_349 = tpu.sem_alloc : memref<!tpu.dma_semaphore, #tpu.memory_space<semaphore_mem>>
      %dma_start3A_350 = arith.constant 0 : i32
      %dma_start3A_351 = arith.constant 0 : i32
      %dma_start3A_352 = tpu.memref_slice %arg3[%add3A_13, %dma_start3A_350, %dma_start3A_351] : memref<64x40x128xi32, #tpu.memory_space<hbm>> -> memref<1x40x128xi32, #tpu.memory_space<hbm>>
      %dma_start3A_353 = tpu.memref_squeeze %dma_start3A_352 : memref<1x40x128xi32, #tpu.memory_space<hbm>> -> memref<40x128xi32, #tpu.memory_space<hbm>>
      %dma_start3A_354 = arith.constant 0 : i32
      %dma_start3A_355 = arith.constant 0 : i32
      %dma_start3A_356 = tpu.memref_slice %arg3[%add3A_13, %dma_start3A_354, %dma_start3A_355] : memref<64x40x128xi32, #tpu.memory_space<hbm>> -> memref<1x40x128xi32, #tpu.memory_space<hbm>>
      %dma_start3A_357 = tpu.memref_squeeze %dma_start3A_356 : memref<1x40x128xi32, #tpu.memory_space<hbm>> -> memref<40x128xi32, #tpu.memory_space<hbm>>
      tpu.enqueue_dma source(%dma_start3A_357 : memref<40x128xi32, #tpu.memory_space<hbm>>) target(%arg7 : memref<40x128xi32, #tpu.memory_space<vmem>>) target_semaphore(%run_scoped3A_349 : memref<!tpu.dma_semaphore, #tpu.memory_space<semaphore_mem>>)
      %dma_wait3A_358 = arith.constant 0 : i32
      %dma_wait3A_359 = arith.constant 0 : i32
      %dma_wait3A_360 = tpu.memref_slice %arg3[%add3A_13, %dma_wait3A_358, %dma_wait3A_359] : memref<64x40x128xi32, #tpu.memory_space<hbm>> -> memref<1x40x128xi32, #tpu.memory_space<hbm>>
      %dma_wait3A_361 = tpu.memref_squeeze %dma_wait3A_360 : memref<1x40x128xi32, #tpu.memory_space<hbm>> -> memref<40x128xi32, #tpu.memory_space<hbm>>
      %dma_wait3A_362 = arith.constant 0 : i32
      %dma_wait3A_363 = arith.constant 0 : i32
      %dma_wait3A_364 = tpu.memref_slice %arg3[%add3A_13, %dma_wait3A_362, %dma_wait3A_363] : memref<64x40x128xi32, #tpu.memory_space<hbm>> -> memref<1x40x128xi32, #tpu.memory_space<hbm>>
      %dma_wait3A_365 = tpu.memref_squeeze %dma_wait3A_364 : memref<1x40x128xi32, #tpu.memory_space<hbm>> -> memref<40x128xi32, #tpu.memory_space<hbm>>
      tpu.wait_dma2 semaphore(%run_scoped3A_349 : memref<!tpu.dma_semaphore, #tpu.memory_space<semaphore_mem>>) src(%dma_wait3A_365 : memref<40x128xi32, #tpu.memory_space<hbm>>) dst(%arg7 : memref<40x128xi32, #tpu.memory_space<vmem>>)
      tpu.yield
    }) : () -> ()
    %mul3A_14 = arith.constant 2 : i32
    %mul3A_15 = arith.muli %add3A, %mul3A_14 : i32
    %add3A_16 = arith.constant 0 : i32
    %add3A_17 = arith.addi %mul3A_15, %add3A_16 : i32
    "tpu.region"() ({
      %run_scoped3A_349 = tpu.sem_alloc : memref<!tpu.dma_semaphore, #tpu.memory_space<semaphore_mem>>
      %dma_start3A_350 = arith.constant 0 : i32
      %dma_start3A_351 = arith.constant 0 : i32
      %dma_start3A_352 = tpu.memref_slice %arg4[%add3A_17, %dma_start3A_350, %dma_start3A_351] : memref<64x40x128xi32, #tpu.memory_space<hbm>> -> memref<1x40x128xi32, #tpu.memory_space<hbm>>
      %dma_start3A_353 = tpu.memref_squeeze %dma_start3A_352 : memref<1x40x128xi32, #tpu.memory_space<hbm>> -> memref<40x128xi32, #tpu.memory_space<hbm>>
      %dma_start3A_354 = arith.constant 0 : i32
      %dma_start3A_355 = arith.constant 0 : i32
      %dma_start3A_356 = tpu.memref_slice %arg4[%add3A_17, %dma_start3A_354, %dma_start3A_355] : memref<64x40x128xi32, #tpu.memory_space<hbm>> -> memref<1x40x128xi32, #tpu.memory_space<hbm>>
      %dma_start3A_357 = tpu.memref_squeeze %dma_start3A_356 : memref<1x40x128xi32, #tpu.memory_space<hbm>> -> memref<40x128xi32, #tpu.memory_space<hbm>>
      tpu.enqueue_dma source(%dma_start3A_357 : memref<40x128xi32, #tpu.memory_space<hbm>>) target(%arg8 : memref<40x128xi32, #tpu.memory_space<vmem>>) target_semaphore(%run_scoped3A_349 : memref<!tpu.dma_semaphore, #tpu.memory_space<semaphore_mem>>)
      %dma_wait3A_358 = arith.constant 0 : i32
      %dma_wait3A_359 = arith.constant 0 : i32
      %dma_wait3A_360 = tpu.memref_slice %arg4[%add3A_17, %dma_wait3A_358, %dma_wait3A_359] : memref<64x40x128xi32, #tpu.memory_space<hbm>> -> memref<1x40x128xi32, #tpu.memory_space<hbm>>
      %dma_wait3A_361 = tpu.memref_squeeze %dma_wait3A_360 : memref<1x40x128xi32, #tpu.memory_space<hbm>> -> memref<40x128xi32, #tpu.memory_space<hbm>>
      %dma_wait3A_362 = arith.constant 0 : i32
      %dma_wait3A_363 = arith.constant 0 : i32
      %dma_wait3A_364 = tpu.memref_slice %arg4[%add3A_17, %dma_wait3A_362, %dma_wait3A_363] : memref<64x40x128xi32, #tpu.memory_space<hbm>> -> memref<1x40x128xi32, #tpu.memory_space<hbm>>
      %dma_wait3A_365 = tpu.memref_squeeze %dma_wait3A_364 : memref<1x40x128xi32, #tpu.memory_space<hbm>> -> memref<40x128xi32, #tpu.memory_space<hbm>>
      tpu.wait_dma2 semaphore(%run_scoped3A_349 : memref<!tpu.dma_semaphore, #tpu.memory_space<semaphore_mem>>) src(%dma_wait3A_365 : memref<40x128xi32, #tpu.memory_space<hbm>>) dst(%arg8 : memref<40x128xi32, #tpu.memory_space<vmem>>)
      tpu.yield
    }) : () -> ()
    %dma_start3A = arith.constant 0 : i32
    %dma_start3A_18 = arith.constant 0 : i32
    %dma_start3A_19 = tpu.memref_slice %arg7[%dma_start3A, %dma_start3A_18] : memref<40x128xi32, #tpu.memory_space<vmem>> -> memref<1x128xi32, #tpu.memory_space<vmem>>
    %dma_start3A_20 = tpu.memref_squeeze %dma_start3A_19 : memref<1x128xi32, #tpu.memory_space<vmem>> -> memref<128xi32, #tpu.memory_space<vmem>>
    %dma_start3A_21 = arith.constant 0 : i32
    %dma_start3A_22 = arith.constant 0 : i32
    %dma_start3A_23 = tpu.memref_slice %arg2[%dma_start3A_21, %dma_start3A_22] : memref<10240x128xf32, #tpu.memory_space<hbm>> -> memref<10240x128xf32, #tpu.memory_space<hbm>>
    tpu.enqueue_indirect_dma source(%dma_start3A_23 : memref<10240x128xf32, #tpu.memory_space<hbm>>) target(%arg9 : memref<128x128xf32, #tpu.memory_space<vmem>>) offsets(%dma_start3A_20 : memref<128xi32, #tpu.memory_space<vmem>>) semaphore(%arg13 : memref<!tpu.dma_semaphore, #tpu.memory_space<semaphore_mem>>)
    %dma_wait3A = arith.constant 0 : i32
    %dma_wait3A_24 = arith.constant 0 : i32
    %dma_wait3A_25 = tpu.memref_slice %arg7[%dma_wait3A, %dma_wait3A_24] : memref<40x128xi32, #tpu.memory_space<vmem>> -> memref<1x128xi32, #tpu.memory_space<vmem>>
    %dma_wait3A_26 = tpu.memref_squeeze %dma_wait3A_25 : memref<1x128xi32, #tpu.memory_space<vmem>> -> memref<128xi32, #tpu.memory_space<vmem>>
    %dma_wait3A_27 = arith.constant 0 : i32
    %dma_wait3A_28 = arith.constant 0 : i32
    %dma_wait3A_29 = tpu.memref_slice %arg2[%dma_wait3A_27, %dma_wait3A_28] : memref<10240x128xf32, #tpu.memory_space<hbm>> -> memref<10240x128xf32, #tpu.memory_space<hbm>>
    tpu.wait_indirect_dma semaphore(%arg13 : memref<!tpu.dma_semaphore, #tpu.memory_space<semaphore_mem>>) src(%dma_wait3A_29 : memref<10240x128xf32, #tpu.memory_space<hbm>>) dst(%arg9 : memref<128x128xf32, #tpu.memory_space<vmem>>)
    %dma_start3A_30 = arith.constant 1 : i32
    %dma_start3A_31 = arith.constant 0 : i32
    %dma_start3A_32 = tpu.memref_slice %arg7[%dma_start3A_30, %dma_start3A_31] : memref<40x128xi32, #tpu.memory_space<vmem>> -> memref<1x128xi32, #tpu.memory_space<vmem>>
    %dma_start3A_33 = tpu.memref_squeeze %dma_start3A_32 : memref<1x128xi32, #tpu.memory_space<vmem>> -> memref<128xi32, #tpu.memory_space<vmem>>
    %dma_start3A_34 = arith.constant 0 : i32
    %dma_start3A_35 = arith.constant 0 : i32
    %dma_start3A_36 = tpu.memref_slice %arg2[%dma_start3A_34, %dma_start3A_35] : memref<10240x128xf32, #tpu.memory_space<hbm>> -> memref<10240x128xf32, #tpu.memory_space<hbm>>
    tpu.enqueue_indirect_dma source(%dma_start3A_36 : memref<10240x128xf32, #tpu.memory_space<hbm>>) target(%arg10 : memref<128x128xf32, #tpu.memory_space<vmem>>) offsets(%dma_start3A_33 : memref<128xi32, #tpu.memory_space<vmem>>) semaphore(%arg13 : memref<!tpu.dma_semaphore, #tpu.memory_space<semaphore_mem>>)
    %dma_start3A_37 = arith.constant 0 : i32
    %dma_start3A_38 = arith.constant 0 : i32
    %dma_start3A_39 = tpu.memref_slice %arg8[%dma_start3A_37, %dma_start3A_38] : memref<40x128xi32, #tpu.memory_space<vmem>> -> memref<1x128xi32, #tpu.memory_space<vmem>>
    %dma_start3A_40 = tpu.memref_squeeze %dma_start3A_39 : memref<1x128xi32, #tpu.memory_space<vmem>> -> memref<128xi32, #tpu.memory_space<vmem>>
    %dma_start3A_41 = arith.constant 0 : i32
    %dma_start3A_42 = arith.constant 0 : i32
    %dma_start3A_43 = tpu.memref_slice %arg12[%dma_start3A_41, %dma_start3A_42] : memref<10240x128xf32, #tpu.memory_space<vmem_shared>> -> memref<10240x128xf32, #tpu.memory_space<vmem_shared>>
    tpu.enqueue_indirect_dma source(%arg9 : memref<128x128xf32, #tpu.memory_space<vmem>>) target(%dma_start3A_43 : memref<10240x128xf32, #tpu.memory_space<vmem_shared>>) offsets(%dma_start3A_40 : memref<128xi32, #tpu.memory_space<vmem>>) semaphore(%arg14 : memref<!tpu.dma_semaphore, #tpu.memory_space<semaphore_mem>>) {add = true}
    %dma_wait3A_44 = arith.constant 1 : i32
    %dma_wait3A_45 = arith.constant 0 : i32
    %dma_wait3A_46 = tpu.memref_slice %arg7[%dma_wait3A_44, %dma_wait3A_45] : memref<40x128xi32, #tpu.memory_space<vmem>> -> memref<1x128xi32, #tpu.memory_space<vmem>>
    %dma_wait3A_47 = tpu.memref_squeeze %dma_wait3A_46 : memref<1x128xi32, #tpu.memory_space<vmem>> -> memref<128xi32, #tpu.memory_space<vmem>>
    %dma_wait3A_48 = arith.constant 0 : i32
    %dma_wait3A_49 = arith.constant 0 : i32
    %dma_wait3A_50 = tpu.memref_slice %arg2[%dma_wait3A_48, %dma_wait3A_49] : memref<10240x128xf32, #tpu.memory_space<hbm>> -> memref<10240x128xf32, #tpu.memory_space<hbm>>
    tpu.wait_indirect_dma semaphore(%arg13 : memref<!tpu.dma_semaphore, #tpu.memory_space<semaphore_mem>>) src(%dma_wait3A_50 : memref<10240x128xf32, #tpu.memory_space<hbm>>) dst(%arg10 : memref<128x128xf32, #tpu.memory_space<vmem>>)
    %dma_wait3A_51 = arith.constant 0 : i32
    %dma_wait3A_52 = arith.constant 0 : i32
    %dma_wait3A_53 = tpu.memref_slice %arg8[%dma_wait3A_51, %dma_wait3A_52] : memref<40x128xi32, #tpu.memory_space<vmem>> -> memref<1x128xi32, #tpu.memory_space<vmem>>
    %dma_wait3A_54 = tpu.memref_squeeze %dma_wait3A_53 : memref<1x128xi32, #tpu.memory_space<vmem>> -> memref<128xi32, #tpu.memory_space<vmem>>
    %dma_wait3A_55 = arith.constant 0 : i32
    %dma_wait3A_56 = arith.constant 0 : i32
    %dma_wait3A_57 = tpu.memref_slice %arg12[%dma_wait3A_55, %dma_wait3A_56] : memref<10240x128xf32, #tpu.memory_space<vmem_shared>> -> memref<10240x128xf32, #tpu.memory_space<vmem_shared>>
    tpu.wait_indirect_dma semaphore(%arg14 : memref<!tpu.dma_semaphore, #tpu.memory_space<semaphore_mem>>) src(%arg9 : memref<128x128xf32, #tpu.memory_space<vmem>>) dst(%dma_wait3A_57 : memref<10240x128xf32, #tpu.memory_space<vmem_shared>>)
    %dma_start3A_58 = arith.constant 2 : i32
    %dma_start3A_59 = arith.constant 0 : i32
    %dma_start3A_60 = tpu.memref_slice %arg7[%dma_start3A_58, %dma_start3A_59] : memref<40x128xi32, #tpu.memory_space<vmem>> -> memref<1x128xi32, #tpu.memory_space<vmem>>
    %dma_start3A_61 = tpu.memref_squeeze %dma_start3A_60 : memref<1x128xi32, #tpu.memory_space<vmem>> -> memref<128xi32, #tpu.memory_space<vmem>>
    %dma_start3A_62 = arith.constant 0 : i32
    %dma_start3A_63 = arith.constant 0 : i32
    %dma_start3A_64 = tpu.memref_slice %arg2[%dma_start3A_62, %dma_start3A_63] : memref<10240x128xf32, #tpu.memory_space<hbm>> -> memref<10240x128xf32, #tpu.memory_space<hbm>>
    tpu.enqueue_indirect_dma source(%dma_start3A_64 : memref<10240x128xf32, #tpu.memory_space<hbm>>) target(%arg9 : memref<128x128xf32, #tpu.memory_space<vmem>>) offsets(%dma_start3A_61 : memref<128xi32, #tpu.memory_space<vmem>>) semaphore(%arg13 : memref<!tpu.dma_semaphore, #tpu.memory_space<semaphore_mem>>)
    %dma_start3A_65 = arith.constant 1 : i32
    %dma_start3A_66 = arith.constant 0 : i32
    %dma_start3A_67 = tpu.memref_slice %arg8[%dma_start3A_65, %dma_start3A_66] : memref<40x128xi32, #tpu.memory_space<vmem>> -> memref<1x128xi32, #tpu.memory_space<vmem>>
    %dma_start3A_68 = tpu.memref_squeeze %dma_start3A_67 : memref<1x128xi32, #tpu.memory_space<vmem>> -> memref<128xi32, #tpu.memory_space<vmem>>
    %dma_start3A_69 = arith.constant 0 : i32
    %dma_start3A_70 = arith.constant 0 : i32
    %dma_start3A_71 = tpu.memref_slice %arg12[%dma_start3A_69, %dma_start3A_70] : memref<10240x128xf32, #tpu.memory_space<vmem_shared>> -> memref<10240x128xf32, #tpu.memory_space<vmem_shared>>
    tpu.enqueue_indirect_dma source(%arg10 : memref<128x128xf32, #tpu.memory_space<vmem>>) target(%dma_start3A_71 : memref<10240x128xf32, #tpu.memory_space<vmem_shared>>) offsets(%dma_start3A_68 : memref<128xi32, #tpu.memory_space<vmem>>) semaphore(%arg14 : memref<!tpu.dma_semaphore, #tpu.memory_space<semaphore_mem>>) {add = true}
    %scan3A_72 = arith.constant 0 : i32
    %scan3A_73 = arith.constant 18 : i32
    %scan3A_74 = arith.addi %scan3A_72, %scan3A_73 : i32
    %scan3A_75 = arith.constant 1 : i32
    scf.for %scan3A_349 = %scan3A_72 to %scan3A_74 step %scan3A_75  : i32 {
      %mul3A_350 = arith.constant 1 : i32
      %mul3A_351 = arith.muli %scan3A_349, %mul3A_350 : i32
      %add3A_352 = arith.constant 1 : i32
      %add3A_353 = arith.addi %add3A_352, %mul3A_351 : i32
      %mul3A_354 = arith.constant 2 : i32
      %mul3A_355 = arith.muli %add3A_353, %mul3A_354 : i32
      %dma_wait3A_356 = arith.constant 0 : i32
      %dma_wait3A_357 = tpu.memref_slice %arg7[%mul3A_355, %dma_wait3A_356] : memref<40x128xi32, #tpu.memory_space<vmem>> -> memref<1x128xi32, #tpu.memory_space<vmem>>
      %dma_wait3A_358 = tpu.memref_squeeze %dma_wait3A_357 : memref<1x128xi32, #tpu.memory_space<vmem>> -> memref<128xi32, #tpu.memory_space<vmem>>
      %dma_wait3A_359 = arith.constant 0 : i32
      %dma_wait3A_360 = arith.constant 0 : i32
      %dma_wait3A_361 = tpu.memref_slice %arg2[%dma_wait3A_359, %dma_wait3A_360] : memref<10240x128xf32, #tpu.memory_space<hbm>> -> memref<10240x128xf32, #tpu.memory_space<hbm>>
      tpu.wait_indirect_dma semaphore(%arg13 : memref<!tpu.dma_semaphore, #tpu.memory_space<semaphore_mem>>) src(%dma_wait3A_361 : memref<10240x128xf32, #tpu.memory_space<hbm>>) dst(%arg9 : memref<128x128xf32, #tpu.memory_space<vmem>>)
      %sub3A = arith.constant 1 : i32
      %sub3A_362 = arith.subi %mul3A_355, %sub3A : i32
      %dma_wait3A_363 = arith.constant 0 : i32
      %dma_wait3A_364 = tpu.memref_slice %arg8[%sub3A_362, %dma_wait3A_363] : memref<40x128xi32, #tpu.memory_space<vmem>> -> memref<1x128xi32, #tpu.memory_space<vmem>>
      %dma_wait3A_365 = tpu.memref_squeeze %dma_wait3A_364 : memref<1x128xi32, #tpu.memory_space<vmem>> -> memref<128xi32, #tpu.memory_space<vmem>>
      %dma_wait3A_366 = arith.constant 0 : i32
      %dma_wait3A_367 = arith.constant 0 : i32
      %dma_wait3A_368 = tpu.memref_slice %arg12[%dma_wait3A_366, %dma_wait3A_367] : memref<10240x128xf32, #tpu.memory_space<vmem_shared>> -> memref<10240x128xf32, #tpu.memory_space<vmem_shared>>
      tpu.wait_indirect_dma semaphore(%arg14 : memref<!tpu.dma_semaphore, #tpu.memory_space<semaphore_mem>>) src(%arg10 : memref<128x128xf32, #tpu.memory_space<vmem>>) dst(%dma_wait3A_368 : memref<10240x128xf32, #tpu.memory_space<vmem_shared>>)
      %add3A_369 = arith.constant 1 : i32
      %add3A_370 = arith.addi %mul3A_355, %add3A_369 : i32
      %dma_start3A_371 = arith.constant 0 : i32
      %dma_start3A_372 = tpu.memref_slice %arg7[%add3A_370, %dma_start3A_371] : memref<40x128xi32, #tpu.memory_space<vmem>> -> memref<1x128xi32, #tpu.memory_space<vmem>>
      %dma_start3A_373 = tpu.memref_squeeze %dma_start3A_372 : memref<1x128xi32, #tpu.memory_space<vmem>> -> memref<128xi32, #tpu.memory_space<vmem>>
      %dma_start3A_374 = arith.constant 0 : i32
      %dma_start3A_375 = arith.constant 0 : i32
      %dma_start3A_376 = tpu.memref_slice %arg2[%dma_start3A_374, %dma_start3A_375] : memref<10240x128xf32, #tpu.memory_space<hbm>> -> memref<10240x128xf32, #tpu.memory_space<hbm>>
      tpu.enqueue_indirect_dma source(%dma_start3A_376 : memref<10240x128xf32, #tpu.memory_space<hbm>>) target(%arg10 : memref<128x128xf32, #tpu.memory_space<vmem>>) offsets(%dma_start3A_373 : memref<128xi32, #tpu.memory_space<vmem>>) semaphore(%arg13 : memref<!tpu.dma_semaphore, #tpu.memory_space<semaphore_mem>>)
      %dma_start3A_377 = arith.constant 0 : i32
      %dma_start3A_378 = tpu.memref_slice %arg8[%mul3A_355, %dma_start3A_377] : memref<40x128xi32, #tpu.memory_space<vmem>> -> memref<1x128xi32, #tpu.memory_space<vmem>>
      %dma_start3A_379 = tpu.memref_squeeze %dma_start3A_378 : memref<1x128xi32, #tpu.memory_space<vmem>> -> memref<128xi32, #tpu.memory_space<vmem>>
      %dma_start3A_380 = arith.constant 0 : i32
      %dma_start3A_381 = arith.constant 0 : i32
      %dma_start3A_382 = tpu.memref_slice %arg12[%dma_start3A_380, %dma_start3A_381] : memref<10240x128xf32, #tpu.memory_space<vmem_shared>> -> memref<10240x128xf32, #tpu.memory_space<vmem_shared>>
      tpu.enqueue_indirect_dma source(%arg9 : memref<128x128xf32, #tpu.memory_space<vmem>>) target(%dma_start3A_382 : memref<10240x128xf32, #tpu.memory_space<vmem_shared>>) offsets(%dma_start3A_379 : memref<128xi32, #tpu.memory_space<vmem>>) semaphore(%arg14 : memref<!tpu.dma_semaphore, #tpu.memory_space<semaphore_mem>>) {add = true}
      %add3A_383 = arith.constant 1 : i32
      %add3A_384 = arith.addi %mul3A_355, %add3A_383 : i32
      %dma_wait3A_385 = arith.constant 0 : i32
      %dma_wait3A_386 = tpu.memref_slice %arg7[%add3A_384, %dma_wait3A_385] : memref<40x128xi32, #tpu.memory_space<vmem>> -> memref<1x128xi32, #tpu.memory_space<vmem>>
      %dma_wait3A_387 = tpu.memref_squeeze %dma_wait3A_386 : memref<1x128xi32, #tpu.memory_space<vmem>> -> memref<128xi32, #tpu.memory_space<vmem>>
      %dma_wait3A_388 = arith.constant 0 : i32
      %dma_wait3A_389 = arith.constant 0 : i32
      %dma_wait3A_390 = tpu.memref_slice %arg2[%dma_wait3A_388, %dma_wait3A_389] : memref<10240x128xf32, #tpu.memory_space<hbm>> -> memref<10240x128xf32, #tpu.memory_space<hbm>>
      tpu.wait_indirect_dma semaphore(%arg13 : memref<!tpu.dma_semaphore, #tpu.memory_space<semaphore_mem>>) src(%dma_wait3A_390 : memref<10240x128xf32, #tpu.memory_space<hbm>>) dst(%arg10 : memref<128x128xf32, #tpu.memory_space<vmem>>)
      %dma_wait3A_391 = arith.constant 0 : i32
      %dma_wait3A_392 = tpu.memref_slice %arg8[%mul3A_355, %dma_wait3A_391] : memref<40x128xi32, #tpu.memory_space<vmem>> -> memref<1x128xi32, #tpu.memory_space<vmem>>
      %dma_wait3A_393 = tpu.memref_squeeze %dma_wait3A_392 : memref<1x128xi32, #tpu.memory_space<vmem>> -> memref<128xi32, #tpu.memory_space<vmem>>
      %dma_wait3A_394 = arith.constant 0 : i32
      %dma_wait3A_395 = arith.constant 0 : i32
      %dma_wait3A_396 = tpu.memref_slice %arg12[%dma_wait3A_394, %dma_wait3A_395] : memref<10240x128xf32, #tpu.memory_space<vmem_shared>> -> memref<10240x128xf32, #tpu.memory_space<vmem_shared>>
      tpu.wait_indirect_dma semaphore(%arg14 : memref<!tpu.dma_semaphore, #tpu.memory_space<semaphore_mem>>) src(%arg9 : memref<128x128xf32, #tpu.memory_space<vmem>>) dst(%dma_wait3A_396 : memref<10240x128xf32, #tpu.memory_space<vmem_shared>>)
      %add3A_397 = arith.constant 2 : i32
      %add3A_398 = arith.addi %mul3A_355, %add3A_397 : i32
      %dma_start3A_399 = arith.constant 0 : i32
      %dma_start3A_400 = tpu.memref_slice %arg7[%add3A_398, %dma_start3A_399] : memref<40x128xi32, #tpu.memory_space<vmem>> -> memref<1x128xi32, #tpu.memory_space<vmem>>
      %dma_start3A_401 = tpu.memref_squeeze %dma_start3A_400 : memref<1x128xi32, #tpu.memory_space<vmem>> -> memref<128xi32, #tpu.memory_space<vmem>>
      %dma_start3A_402 = arith.constant 0 : i32
      %dma_start3A_403 = arith.constant 0 : i32
      %dma_start3A_404 = tpu.memref_slice %arg2[%dma_start3A_402, %dma_start3A_403] : memref<10240x128xf32, #tpu.memory_space<hbm>> -> memref<10240x128xf32, #tpu.memory_space<hbm>>
      tpu.enqueue_indirect_dma source(%dma_start3A_404 : memref<10240x128xf32, #tpu.memory_space<hbm>>) target(%arg9 : memref<128x128xf32, #tpu.memory_space<vmem>>) offsets(%dma_start3A_401 : memref<128xi32, #tpu.memory_space<vmem>>) semaphore(%arg13 : memref<!tpu.dma_semaphore, #tpu.memory_space<semaphore_mem>>)
      %add3A_405 = arith.constant 1 : i32
      %add3A_406 = arith.addi %mul3A_355, %add3A_405 : i32
      %dma_start3A_407 = arith.constant 0 : i32
      %dma_start3A_408 = tpu.memref_slice %arg8[%add3A_406, %dma_start3A_407] : memref<40x128xi32, #tpu.memory_space<vmem>> -> memref<1x128xi32, #tpu.memory_space<vmem>>
      %dma_start3A_409 = tpu.memref_squeeze %dma_start3A_408 : memref<1x128xi32, #tpu.memory_space<vmem>> -> memref<128xi32, #tpu.memory_space<vmem>>
      %dma_start3A_410 = arith.constant 0 : i32
      %dma_start3A_411 = arith.constant 0 : i32
      %dma_start3A_412 = tpu.memref_slice %arg12[%dma_start3A_410, %dma_start3A_411] : memref<10240x128xf32, #tpu.memory_space<vmem_shared>> -> memref<10240x128xf32, #tpu.memory_space<vmem_shared>>
      tpu.enqueue_indirect_dma source(%arg10 : memref<128x128xf32, #tpu.memory_space<vmem>>) target(%dma_start3A_412 : memref<10240x128xf32, #tpu.memory_space<vmem_shared>>) offsets(%dma_start3A_409 : memref<128xi32, #tpu.memory_space<vmem>>) semaphore(%arg14 : memref<!tpu.dma_semaphore, #tpu.memory_space<semaphore_mem>>) {add = true}
    }
    %scan3A_76 = arith.constant 18 : i32
    %dma_wait3A_77 = arith.constant 38 : i32
    %dma_wait3A_78 = arith.constant 0 : i32
    %dma_wait3A_79 = tpu.memref_slice %arg7[%dma_wait3A_77, %dma_wait3A_78] : memref<40x128xi32, #tpu.memory_space<vmem>> -> memref<1x128xi32, #tpu.memory_space<vmem>>
    %dma_wait3A_80 = tpu.memref_squeeze %dma_wait3A_79 : memref<1x128xi32, #tpu.memory_space<vmem>> -> memref<128xi32, #tpu.memory_space<vmem>>
    %dma_wait3A_81 = arith.constant 0 : i32
    %dma_wait3A_82 = arith.constant 0 : i32
    %dma_wait3A_83 = tpu.memref_slice %arg2[%dma_wait3A_81, %dma_wait3A_82] : memref<10240x128xf32, #tpu.memory_space<hbm>> -> memref<10240x128xf32, #tpu.memory_space<hbm>>
    tpu.wait_indirect_dma semaphore(%arg13 : memref<!tpu.dma_semaphore, #tpu.memory_space<semaphore_mem>>) src(%dma_wait3A_83 : memref<10240x128xf32, #tpu.memory_space<hbm>>) dst(%arg9 : memref<128x128xf32, #tpu.memory_space<vmem>>)
    %dma_wait3A_84 = arith.constant 37 : i32
    %dma_wait3A_85 = arith.constant 0 : i32
    %dma_wait3A_86 = tpu.memref_slice %arg8[%dma_wait3A_84, %dma_wait3A_85] : memref<40x128xi32, #tpu.memory_space<vmem>> -> memref<1x128xi32, #tpu.memory_space<vmem>>
    %dma_wait3A_87 = tpu.memref_squeeze %dma_wait3A_86 : memref<1x128xi32, #tpu.memory_space<vmem>> -> memref<128xi32, #tpu.memory_space<vmem>>
    %dma_wait3A_88 = arith.constant 0 : i32
    %dma_wait3A_89 = arith.constant 0 : i32
    %dma_wait3A_90 = tpu.memref_slice %arg12[%dma_wait3A_88, %dma_wait3A_89] : memref<10240x128xf32, #tpu.memory_space<vmem_shared>> -> memref<10240x128xf32, #tpu.memory_space<vmem_shared>>
    tpu.wait_indirect_dma semaphore(%arg14 : memref<!tpu.dma_semaphore, #tpu.memory_space<semaphore_mem>>) src(%arg10 : memref<128x128xf32, #tpu.memory_space<vmem>>) dst(%dma_wait3A_90 : memref<10240x128xf32, #tpu.memory_space<vmem_shared>>)
    %dma_start3A_91 = arith.constant 39 : i32
    %dma_start3A_92 = arith.constant 0 : i32
    %dma_start3A_93 = tpu.memref_slice %arg7[%dma_start3A_91, %dma_start3A_92] : memref<40x128xi32, #tpu.memory_space<vmem>> -> memref<1x128xi32, #tpu.memory_space<vmem>>
    %dma_start3A_94 = tpu.memref_squeeze %dma_start3A_93 : memref<1x128xi32, #tpu.memory_space<vmem>> -> memref<128xi32, #tpu.memory_space<vmem>>
    %dma_start3A_95 = arith.constant 0 : i32
    %dma_start3A_96 = arith.constant 0 : i32
    %dma_start3A_97 = tpu.memref_slice %arg2[%dma_start3A_95, %dma_start3A_96] : memref<10240x128xf32, #tpu.memory_space<hbm>> -> memref<10240x128xf32, #tpu.memory_space<hbm>>
    tpu.enqueue_indirect_dma source(%dma_start3A_97 : memref<10240x128xf32, #tpu.memory_space<hbm>>) target(%arg10 : memref<128x128xf32, #tpu.memory_space<vmem>>) offsets(%dma_start3A_94 : memref<128xi32, #tpu.memory_space<vmem>>) semaphore(%arg13 : memref<!tpu.dma_semaphore, #tpu.memory_space<semaphore_mem>>)
    %dma_start3A_98 = arith.constant 38 : i32
    %dma_start3A_99 = arith.constant 0 : i32
    %dma_start3A_100 = tpu.memref_slice %arg8[%dma_start3A_98, %dma_start3A_99] : memref<40x128xi32, #tpu.memory_space<vmem>> -> memref<1x128xi32, #tpu.memory_space<vmem>>
    %dma_start3A_101 = tpu.memref_squeeze %dma_start3A_100 : memref<1x128xi32, #tpu.memory_space<vmem>> -> memref<128xi32, #tpu.memory_space<vmem>>
    %dma_start3A_102 = arith.constant 0 : i32
    %dma_start3A_103 = arith.constant 0 : i32
    %dma_start3A_104 = tpu.memref_slice %arg12[%dma_start3A_102, %dma_start3A_103] : memref<10240x128xf32, #tpu.memory_space<vmem_shared>> -> memref<10240x128xf32, #tpu.memory_space<vmem_shared>>
    tpu.enqueue_indirect_dma source(%arg9 : memref<128x128xf32, #tpu.memory_space<vmem>>) target(%dma_start3A_104 : memref<10240x128xf32, #tpu.memory_space<vmem_shared>>) offsets(%dma_start3A_101 : memref<128xi32, #tpu.memory_space<vmem>>) semaphore(%arg14 : memref<!tpu.dma_semaphore, #tpu.memory_space<semaphore_mem>>) {add = true}
    %dma_wait3A_105 = arith.constant 39 : i32
    %dma_wait3A_106 = arith.constant 0 : i32
    %dma_wait3A_107 = tpu.memref_slice %arg7[%dma_wait3A_105, %dma_wait3A_106] : memref<40x128xi32, #tpu.memory_space<vmem>> -> memref<1x128xi32, #tpu.memory_space<vmem>>
    %dma_wait3A_108 = tpu.memref_squeeze %dma_wait3A_107 : memref<1x128xi32, #tpu.memory_space<vmem>> -> memref<128xi32, #tpu.memory_space<vmem>>
    %dma_wait3A_109 = arith.constant 0 : i32
    %dma_wait3A_110 = arith.constant 0 : i32
    %dma_wait3A_111 = tpu.memref_slice %arg2[%dma_wait3A_109, %dma_wait3A_110] : memref<10240x128xf32, #tpu.memory_space<hbm>> -> memref<10240x128xf32, #tpu.memory_space<hbm>>
    tpu.wait_indirect_dma semaphore(%arg13 : memref<!tpu.dma_semaphore, #tpu.memory_space<semaphore_mem>>) src(%dma_wait3A_111 : memref<10240x128xf32, #tpu.memory_space<hbm>>) dst(%arg10 : memref<128x128xf32, #tpu.memory_space<vmem>>)
    %dma_wait3A_112 = arith.constant 38 : i32
    %dma_wait3A_113 = arith.constant 0 : i32
    %dma_wait3A_114 = tpu.memref_slice %arg8[%dma_wait3A_112, %dma_wait3A_113] : memref<40x128xi32, #tpu.memory_space<vmem>> -> memref<1x128xi32, #tpu.memory_space<vmem>>
    %dma_wait3A_115 = tpu.memref_squeeze %dma_wait3A_114 : memref<1x128xi32, #tpu.memory_space<vmem>> -> memref<128xi32, #tpu.memory_space<vmem>>
    %dma_wait3A_116 = arith.constant 0 : i32
    %dma_wait3A_117 = arith.constant 0 : i32
    %dma_wait3A_118 = tpu.memref_slice %arg12[%dma_wait3A_116, %dma_wait3A_117] : memref<10240x128xf32, #tpu.memory_space<vmem_shared>> -> memref<10240x128xf32, #tpu.memory_space<vmem_shared>>
    tpu.wait_indirect_dma semaphore(%arg14 : memref<!tpu.dma_semaphore, #tpu.memory_space<semaphore_mem>>) src(%arg9 : memref<128x128xf32, #tpu.memory_space<vmem>>) dst(%dma_wait3A_118 : memref<10240x128xf32, #tpu.memory_space<vmem_shared>>)
    %dma_start3A_119 = arith.constant 39 : i32
    %dma_start3A_120 = arith.constant 0 : i32
    %dma_start3A_121 = tpu.memref_slice %arg8[%dma_start3A_119, %dma_start3A_120] : memref<40x128xi32, #tpu.memory_space<vmem>> -> memref<1x128xi32, #tpu.memory_space<vmem>>
    %dma_start3A_122 = tpu.memref_squeeze %dma_start3A_121 : memref<1x128xi32, #tpu.memory_space<vmem>> -> memref<128xi32, #tpu.memory_space<vmem>>
    %dma_start3A_123 = arith.constant 0 : i32
    %dma_start3A_124 = arith.constant 0 : i32
    %dma_start3A_125 = tpu.memref_slice %arg12[%dma_start3A_123, %dma_start3A_124] : memref<10240x128xf32, #tpu.memory_space<vmem_shared>> -> memref<10240x128xf32, #tpu.memory_space<vmem_shared>>
    tpu.enqueue_indirect_dma source(%arg10 : memref<128x128xf32, #tpu.memory_space<vmem>>) target(%dma_start3A_125 : memref<10240x128xf32, #tpu.memory_space<vmem_shared>>) offsets(%dma_start3A_122 : memref<128xi32, #tpu.memory_space<vmem>>) semaphore(%arg14 : memref<!tpu.dma_semaphore, #tpu.memory_space<semaphore_mem>>) {add = true}
    %dma_wait3A_126 = arith.constant 39 : i32
    %dma_wait3A_127 = arith.constant 0 : i32
    %dma_wait3A_128 = tpu.memref_slice %arg8[%dma_wait3A_126, %dma_wait3A_127] : memref<40x128xi32, #tpu.memory_space<vmem>> -> memref<1x128xi32, #tpu.memory_space<vmem>>
    %dma_wait3A_129 = tpu.memref_squeeze %dma_wait3A_128 : memref<1x128xi32, #tpu.memory_space<vmem>> -> memref<128xi32, #tpu.memory_space<vmem>>
    %dma_wait3A_130 = arith.constant 0 : i32
    %dma_wait3A_131 = arith.constant 0 : i32
    %dma_wait3A_132 = tpu.memref_slice %arg12[%dma_wait3A_130, %dma_wait3A_131] : memref<10240x128xf32, #tpu.memory_space<vmem_shared>> -> memref<10240x128xf32, #tpu.memory_space<vmem_shared>>
    tpu.wait_indirect_dma semaphore(%arg14 : memref<!tpu.dma_semaphore, #tpu.memory_space<semaphore_mem>>) src(%arg10 : memref<128x128xf32, #tpu.memory_space<vmem>>) dst(%dma_wait3A_132 : memref<10240x128xf32, #tpu.memory_space<vmem_shared>>)
    %mul3A_133 = arith.constant 2 : i32
    %mul3A_134 = arith.muli %add3A, %mul3A_133 : i32
    %add3A_135 = arith.constant 1 : i32
    %add3A_136 = arith.addi %mul3A_134, %add3A_135 : i32
    "tpu.region"() ({
      %run_scoped3A_349 = tpu.sem_alloc : memref<!tpu.dma_semaphore, #tpu.memory_space<semaphore_mem>>
      %dma_start3A_350 = arith.constant 0 : i32
      %dma_start3A_351 = arith.constant 0 : i32
      %dma_start3A_352 = tpu.memref_slice %arg3[%add3A_136, %dma_start3A_350, %dma_start3A_351] : memref<64x40x128xi32, #tpu.memory_space<hbm>> -> memref<1x40x128xi32, #tpu.memory_space<hbm>>
      %dma_start3A_353 = tpu.memref_squeeze %dma_start3A_352 : memref<1x40x128xi32, #tpu.memory_space<hbm>> -> memref<40x128xi32, #tpu.memory_space<hbm>>
      %dma_start3A_354 = arith.constant 0 : i32
      %dma_start3A_355 = arith.constant 0 : i32
      %dma_start3A_356 = tpu.memref_slice %arg3[%add3A_136, %dma_start3A_354, %dma_start3A_355] : memref<64x40x128xi32, #tpu.memory_space<hbm>> -> memref<1x40x128xi32, #tpu.memory_space<hbm>>
      %dma_start3A_357 = tpu.memref_squeeze %dma_start3A_356 : memref<1x40x128xi32, #tpu.memory_space<hbm>> -> memref<40x128xi32, #tpu.memory_space<hbm>>
      tpu.enqueue_dma source(%dma_start3A_357 : memref<40x128xi32, #tpu.memory_space<hbm>>) target(%arg7 : memref<40x128xi32, #tpu.memory_space<vmem>>) target_semaphore(%run_scoped3A_349 : memref<!tpu.dma_semaphore, #tpu.memory_space<semaphore_mem>>)
      %dma_wait3A_358 = arith.constant 0 : i32
      %dma_wait3A_359 = arith.constant 0 : i32
      %dma_wait3A_360 = tpu.memref_slice %arg3[%add3A_136, %dma_wait3A_358, %dma_wait3A_359] : memref<64x40x128xi32, #tpu.memory_space<hbm>> -> memref<1x40x128xi32, #tpu.memory_space<hbm>>
      %dma_wait3A_361 = tpu.memref_squeeze %dma_wait3A_360 : memref<1x40x128xi32, #tpu.memory_space<hbm>> -> memref<40x128xi32, #tpu.memory_space<hbm>>
      %dma_wait3A_362 = arith.constant 0 : i32
      %dma_wait3A_363 = arith.constant 0 : i32
      %dma_wait3A_364 = tpu.memref_slice %arg3[%add3A_136, %dma_wait3A_362, %dma_wait3A_363] : memref<64x40x128xi32, #tpu.memory_space<hbm>> -> memref<1x40x128xi32, #tpu.memory_space<hbm>>
      %dma_wait3A_365 = tpu.memref_squeeze %dma_wait3A_364 : memref<1x40x128xi32, #tpu.memory_space<hbm>> -> memref<40x128xi32, #tpu.memory_space<hbm>>
      tpu.wait_dma2 semaphore(%run_scoped3A_349 : memref<!tpu.dma_semaphore, #tpu.memory_space<semaphore_mem>>) src(%dma_wait3A_365 : memref<40x128xi32, #tpu.memory_space<hbm>>) dst(%arg7 : memref<40x128xi32, #tpu.memory_space<vmem>>)
      tpu.yield
    }) : () -> ()
    %mul3A_137 = arith.constant 2 : i32
    %mul3A_138 = arith.muli %add3A, %mul3A_137 : i32
    %add3A_139 = arith.constant 1 : i32
    %add3A_140 = arith.addi %mul3A_138, %add3A_139 : i32
    "tpu.region"() ({
      %run_scoped3A_349 = tpu.sem_alloc : memref<!tpu.dma_semaphore, #tpu.memory_space<semaphore_mem>>
      %dma_start3A_350 = arith.constant 0 : i32
      %dma_start3A_351 = arith.constant 0 : i32
      %dma_start3A_352 = tpu.memref_slice %arg4[%add3A_140, %dma_start3A_350, %dma_start3A_351] : memref<64x40x128xi32, #tpu.memory_space<hbm>> -> memref<1x40x128xi32, #tpu.memory_space<hbm>>
      %dma_start3A_353 = tpu.memref_squeeze %dma_start3A_352 : memref<1x40x128xi32, #tpu.memory_space<hbm>> -> memref<40x128xi32, #tpu.memory_space<hbm>>
      %dma_start3A_354 = arith.constant 0 : i32
      %dma_start3A_355 = arith.constant 0 : i32
      %dma_start3A_356 = tpu.memref_slice %arg4[%add3A_140, %dma_start3A_354, %dma_start3A_355] : memref<64x40x128xi32, #tpu.memory_space<hbm>> -> memref<1x40x128xi32, #tpu.memory_space<hbm>>
      %dma_start3A_357 = tpu.memref_squeeze %dma_start3A_356 : memref<1x40x128xi32, #tpu.memory_space<hbm>> -> memref<40x128xi32, #tpu.memory_space<hbm>>
      tpu.enqueue_dma source(%dma_start3A_357 : memref<40x128xi32, #tpu.memory_space<hbm>>) target(%arg8 : memref<40x128xi32, #tpu.memory_space<vmem>>) target_semaphore(%run_scoped3A_349 : memref<!tpu.dma_semaphore, #tpu.memory_space<semaphore_mem>>)
      %dma_wait3A_358 = arith.constant 0 : i32
      %dma_wait3A_359 = arith.constant 0 : i32
      %dma_wait3A_360 = tpu.memref_slice %arg4[%add3A_140, %dma_wait3A_358, %dma_wait3A_359] : memref<64x40x128xi32, #tpu.memory_space<hbm>> -> memref<1x40x128xi32, #tpu.memory_space<hbm>>
      %dma_wait3A_361 = tpu.memref_squeeze %dma_wait3A_360 : memref<1x40x128xi32, #tpu.memory_space<hbm>> -> memref<40x128xi32, #tpu.memory_space<hbm>>
      %dma_wait3A_362 = arith.constant 0 : i32
      %dma_wait3A_363 = arith.constant 0 : i32
      %dma_wait3A_364 = tpu.memref_slice %arg4[%add3A_140, %dma_wait3A_362, %dma_wait3A_363] : memref<64x40x128xi32, #tpu.memory_space<hbm>> -> memref<1x40x128xi32, #tpu.memory_space<hbm>>
      %dma_wait3A_365 = tpu.memref_squeeze %dma_wait3A_364 : memref<1x40x128xi32, #tpu.memory_space<hbm>> -> memref<40x128xi32, #tpu.memory_space<hbm>>
      tpu.wait_dma2 semaphore(%run_scoped3A_349 : memref<!tpu.dma_semaphore, #tpu.memory_space<semaphore_mem>>) src(%dma_wait3A_365 : memref<40x128xi32, #tpu.memory_space<hbm>>) dst(%arg8 : memref<40x128xi32, #tpu.memory_space<vmem>>)
      tpu.yield
    }) : () -> ()
    %dma_start3A_141 = arith.constant 0 : i32
    %dma_start3A_142 = arith.constant 0 : i32
    %dma_start3A_143 = tpu.memref_slice %arg7[%dma_start3A_141, %dma_start3A_142] : memref<40x128xi32, #tpu.memory_space<vmem>> -> memref<1x128xi32, #tpu.memory_space<vmem>>
    %dma_start3A_144 = tpu.memref_squeeze %dma_start3A_143 : memref<1x128xi32, #tpu.memory_space<vmem>> -> memref<128xi32, #tpu.memory_space<vmem>>
    %dma_start3A_145 = arith.constant 0 : i32
    %dma_start3A_146 = arith.constant 0 : i32
    %dma_start3A_147 = tpu.memref_slice %arg2[%dma_start3A_145, %dma_start3A_146] : memref<10240x128xf32, #tpu.memory_space<hbm>> -> memref<10240x128xf32, #tpu.memory_space<hbm>>
    tpu.enqueue_indirect_dma source(%dma_start3A_147 : memref<10240x128xf32, #tpu.memory_space<hbm>>) target(%arg9 : memref<128x128xf32, #tpu.memory_space<vmem>>) offsets(%dma_start3A_144 : memref<128xi32, #tpu.memory_space<vmem>>) semaphore(%arg13 : memref<!tpu.dma_semaphore, #tpu.memory_space<semaphore_mem>>)
    %dma_wait3A_148 = arith.constant 0 : i32
    %dma_wait3A_149 = arith.constant 0 : i32
    %dma_wait3A_150 = tpu.memref_slice %arg7[%dma_wait3A_148, %dma_wait3A_149] : memref<40x128xi32, #tpu.memory_space<vmem>> -> memref<1x128xi32, #tpu.memory_space<vmem>>
    %dma_wait3A_151 = tpu.memref_squeeze %dma_wait3A_150 : memref<1x128xi32, #tpu.memory_space<vmem>> -> memref<128xi32, #tpu.memory_space<vmem>>
    %dma_wait3A_152 = arith.constant 0 : i32
    %dma_wait3A_153 = arith.constant 0 : i32
    %dma_wait3A_154 = tpu.memref_slice %arg2[%dma_wait3A_152, %dma_wait3A_153] : memref<10240x128xf32, #tpu.memory_space<hbm>> -> memref<10240x128xf32, #tpu.memory_space<hbm>>
    tpu.wait_indirect_dma semaphore(%arg13 : memref<!tpu.dma_semaphore, #tpu.memory_space<semaphore_mem>>) src(%dma_wait3A_154 : memref<10240x128xf32, #tpu.memory_space<hbm>>) dst(%arg9 : memref<128x128xf32, #tpu.memory_space<vmem>>)
    %dma_start3A_155 = arith.constant 1 : i32
    %dma_start3A_156 = arith.constant 0 : i32
    %dma_start3A_157 = tpu.memref_slice %arg7[%dma_start3A_155, %dma_start3A_156] : memref<40x128xi32, #tpu.memory_space<vmem>> -> memref<1x128xi32, #tpu.memory_space<vmem>>
    %dma_start3A_158 = tpu.memref_squeeze %dma_start3A_157 : memref<1x128xi32, #tpu.memory_space<vmem>> -> memref<128xi32, #tpu.memory_space<vmem>>
    %dma_start3A_159 = arith.constant 0 : i32
    %dma_start3A_160 = arith.constant 0 : i32
    %dma_start3A_161 = tpu.memref_slice %arg2[%dma_start3A_159, %dma_start3A_160] : memref<10240x128xf32, #tpu.memory_space<hbm>> -> memref<10240x128xf32, #tpu.memory_space<hbm>>
    tpu.enqueue_indirect_dma source(%dma_start3A_161 : memref<10240x128xf32, #tpu.memory_space<hbm>>) target(%arg10 : memref<128x128xf32, #tpu.memory_space<vmem>>) offsets(%dma_start3A_158 : memref<128xi32, #tpu.memory_space<vmem>>) semaphore(%arg13 : memref<!tpu.dma_semaphore, #tpu.memory_space<semaphore_mem>>)
    %dma_start3A_162 = arith.constant 0 : i32
    %dma_start3A_163 = arith.constant 0 : i32
    %dma_start3A_164 = tpu.memref_slice %arg8[%dma_start3A_162, %dma_start3A_163] : memref<40x128xi32, #tpu.memory_space<vmem>> -> memref<1x128xi32, #tpu.memory_space<vmem>>
    %dma_start3A_165 = tpu.memref_squeeze %dma_start3A_164 : memref<1x128xi32, #tpu.memory_space<vmem>> -> memref<128xi32, #tpu.memory_space<vmem>>
    %dma_start3A_166 = arith.constant 0 : i32
    %dma_start3A_167 = arith.constant 0 : i32
    %dma_start3A_168 = tpu.memref_slice %arg12[%dma_start3A_166, %dma_start3A_167] : memref<10240x128xf32, #tpu.memory_space<vmem_shared>> -> memref<10240x128xf32, #tpu.memory_space<vmem_shared>>
    tpu.enqueue_indirect_dma source(%arg9 : memref<128x128xf32, #tpu.memory_space<vmem>>) target(%dma_start3A_168 : memref<10240x128xf32, #tpu.memory_space<vmem_shared>>) offsets(%dma_start3A_165 : memref<128xi32, #tpu.memory_space<vmem>>) semaphore(%arg14 : memref<!tpu.dma_semaphore, #tpu.memory_space<semaphore_mem>>) {add = true}
    %dma_wait3A_169 = arith.constant 1 : i32
    %dma_wait3A_170 = arith.constant 0 : i32
    %dma_wait3A_171 = tpu.memref_slice %arg7[%dma_wait3A_169, %dma_wait3A_170] : memref<40x128xi32, #tpu.memory_space<vmem>> -> memref<1x128xi32, #tpu.memory_space<vmem>>
    %dma_wait3A_172 = tpu.memref_squeeze %dma_wait3A_171 : memref<1x128xi32, #tpu.memory_space<vmem>> -> memref<128xi32, #tpu.memory_space<vmem>>
    %dma_wait3A_173 = arith.constant 0 : i32
    %dma_wait3A_174 = arith.constant 0 : i32
    %dma_wait3A_175 = tpu.memref_slice %arg2[%dma_wait3A_173, %dma_wait3A_174] : memref<10240x128xf32, #tpu.memory_space<hbm>> -> memref<10240x128xf32, #tpu.memory_space<hbm>>
    tpu.wait_indirect_dma semaphore(%arg13 : memref<!tpu.dma_semaphore, #tpu.memory_space<semaphore_mem>>) src(%dma_wait3A_175 : memref<10240x128xf32, #tpu.memory_space<hbm>>) dst(%arg10 : memref<128x128xf32, #tpu.memory_space<vmem>>)
    %dma_wait3A_176 = arith.constant 0 : i32
    %dma_wait3A_177 = arith.constant 0 : i32
    %dma_wait3A_178 = tpu.memref_slice %arg8[%dma_wait3A_176, %dma_wait3A_177] : memref<40x128xi32, #tpu.memory_space<vmem>> -> memref<1x128xi32, #tpu.memory_space<vmem>>
    %dma_wait3A_179 = tpu.memref_squeeze %dma_wait3A_178 : memref<1x128xi32, #tpu.memory_space<vmem>> -> memref<128xi32, #tpu.memory_space<vmem>>
    %dma_wait3A_180 = arith.constant 0 : i32
    %dma_wait3A_181 = arith.constant 0 : i32
    %dma_wait3A_182 = tpu.memref_slice %arg12[%dma_wait3A_180, %dma_wait3A_181] : memref<10240x128xf32, #tpu.memory_space<vmem_shared>> -> memref<10240x128xf32, #tpu.memory_space<vmem_shared>>
    tpu.wait_indirect_dma semaphore(%arg14 : memref<!tpu.dma_semaphore, #tpu.memory_space<semaphore_mem>>) src(%arg9 : memref<128x128xf32, #tpu.memory_space<vmem>>) dst(%dma_wait3A_182 : memref<10240x128xf32, #tpu.memory_space<vmem_shared>>)
    %dma_start3A_183 = arith.constant 2 : i32
    %dma_start3A_184 = arith.constant 0 : i32
    %dma_start3A_185 = tpu.memref_slice %arg7[%dma_start3A_183, %dma_start3A_184] : memref<40x128xi32, #tpu.memory_space<vmem>> -> memref<1x128xi32, #tpu.memory_space<vmem>>
    %dma_start3A_186 = tpu.memref_squeeze %dma_start3A_185 : memref<1x128xi32, #tpu.memory_space<vmem>> -> memref<128xi32, #tpu.memory_space<vmem>>
    %dma_start3A_187 = arith.constant 0 : i32
    %dma_start3A_188 = arith.constant 0 : i32
    %dma_start3A_189 = tpu.memref_slice %arg2[%dma_start3A_187, %dma_start3A_188] : memref<10240x128xf32, #tpu.memory_space<hbm>> -> memref<10240x128xf32, #tpu.memory_space<hbm>>
    tpu.enqueue_indirect_dma source(%dma_start3A_189 : memref<10240x128xf32, #tpu.memory_space<hbm>>) target(%arg9 : memref<128x128xf32, #tpu.memory_space<vmem>>) offsets(%dma_start3A_186 : memref<128xi32, #tpu.memory_space<vmem>>) semaphore(%arg13 : memref<!tpu.dma_semaphore, #tpu.memory_space<semaphore_mem>>)
    %dma_start3A_190 = arith.constant 1 : i32
    %dma_start3A_191 = arith.constant 0 : i32
    %dma_start3A_192 = tpu.memref_slice %arg8[%dma_start3A_190, %dma_start3A_191] : memref<40x128xi32, #tpu.memory_space<vmem>> -> memref<1x128xi32, #tpu.memory_space<vmem>>
    %dma_start3A_193 = tpu.memref_squeeze %dma_start3A_192 : memref<1x128xi32, #tpu.memory_space<vmem>> -> memref<128xi32, #tpu.memory_space<vmem>>
    %dma_start3A_194 = arith.constant 0 : i32
    %dma_start3A_195 = arith.constant 0 : i32
    %dma_start3A_196 = tpu.memref_slice %arg12[%dma_start3A_194, %dma_start3A_195] : memref<10240x128xf32, #tpu.memory_space<vmem_shared>> -> memref<10240x128xf32, #tpu.memory_space<vmem_shared>>
    tpu.enqueue_indirect_dma source(%arg10 : memref<128x128xf32, #tpu.memory_space<vmem>>) target(%dma_start3A_196 : memref<10240x128xf32, #tpu.memory_space<vmem_shared>>) offsets(%dma_start3A_193 : memref<128xi32, #tpu.memory_space<vmem>>) semaphore(%arg14 : memref<!tpu.dma_semaphore, #tpu.memory_space<semaphore_mem>>) {add = true}
    %scan3A_197 = arith.constant 0 : i32
    %scan3A_198 = arith.constant 18 : i32
    %scan3A_199 = arith.addi %scan3A_197, %scan3A_198 : i32
    %scan3A_200 = arith.constant 1 : i32
    scf.for %scan3A_349 = %scan3A_197 to %scan3A_199 step %scan3A_200  : i32 {
      %mul3A_350 = arith.constant 1 : i32
      %mul3A_351 = arith.muli %scan3A_349, %mul3A_350 : i32
      %add3A_352 = arith.constant 1 : i32
      %add3A_353 = arith.addi %add3A_352, %mul3A_351 : i32
      %mul3A_354 = arith.constant 2 : i32
      %mul3A_355 = arith.muli %add3A_353, %mul3A_354 : i32
      %dma_wait3A_356 = arith.constant 0 : i32
      %dma_wait3A_357 = tpu.memref_slice %arg7[%mul3A_355, %dma_wait3A_356] : memref<40x128xi32, #tpu.memory_space<vmem>> -> memref<1x128xi32, #tpu.memory_space<vmem>>
      %dma_wait3A_358 = tpu.memref_squeeze %dma_wait3A_357 : memref<1x128xi32, #tpu.memory_space<vmem>> -> memref<128xi32, #tpu.memory_space<vmem>>
      %dma_wait3A_359 = arith.constant 0 : i32
      %dma_wait3A_360 = arith.constant 0 : i32
      %dma_wait3A_361 = tpu.memref_slice %arg2[%dma_wait3A_359, %dma_wait3A_360] : memref<10240x128xf32, #tpu.memory_space<hbm>> -> memref<10240x128xf32, #tpu.memory_space<hbm>>
      tpu.wait_indirect_dma semaphore(%arg13 : memref<!tpu.dma_semaphore, #tpu.memory_space<semaphore_mem>>) src(%dma_wait3A_361 : memref<10240x128xf32, #tpu.memory_space<hbm>>) dst(%arg9 : memref<128x128xf32, #tpu.memory_space<vmem>>)
      %sub3A = arith.constant 1 : i32
      %sub3A_362 = arith.subi %mul3A_355, %sub3A : i32
      %dma_wait3A_363 = arith.constant 0 : i32
      %dma_wait3A_364 = tpu.memref_slice %arg8[%sub3A_362, %dma_wait3A_363] : memref<40x128xi32, #tpu.memory_space<vmem>> -> memref<1x128xi32, #tpu.memory_space<vmem>>
      %dma_wait3A_365 = tpu.memref_squeeze %dma_wait3A_364 : memref<1x128xi32, #tpu.memory_space<vmem>> -> memref<128xi32, #tpu.memory_space<vmem>>
      %dma_wait3A_366 = arith.constant 0 : i32
      %dma_wait3A_367 = arith.constant 0 : i32
      %dma_wait3A_368 = tpu.memref_slice %arg12[%dma_wait3A_366, %dma_wait3A_367] : memref<10240x128xf32, #tpu.memory_space<vmem_shared>> -> memref<10240x128xf32, #tpu.memory_space<vmem_shared>>
      tpu.wait_indirect_dma semaphore(%arg14 : memref<!tpu.dma_semaphore, #tpu.memory_space<semaphore_mem>>) src(%arg10 : memref<128x128xf32, #tpu.memory_space<vmem>>) dst(%dma_wait3A_368 : memref<10240x128xf32, #tpu.memory_space<vmem_shared>>)
      %add3A_369 = arith.constant 1 : i32
      %add3A_370 = arith.addi %mul3A_355, %add3A_369 : i32
      %dma_start3A_371 = arith.constant 0 : i32
      %dma_start3A_372 = tpu.memref_slice %arg7[%add3A_370, %dma_start3A_371] : memref<40x128xi32, #tpu.memory_space<vmem>> -> memref<1x128xi32, #tpu.memory_space<vmem>>
      %dma_start3A_373 = tpu.memref_squeeze %dma_start3A_372 : memref<1x128xi32, #tpu.memory_space<vmem>> -> memref<128xi32, #tpu.memory_space<vmem>>
      %dma_start3A_374 = arith.constant 0 : i32
      %dma_start3A_375 = arith.constant 0 : i32
      %dma_start3A_376 = tpu.memref_slice %arg2[%dma_start3A_374, %dma_start3A_375] : memref<10240x128xf32, #tpu.memory_space<hbm>> -> memref<10240x128xf32, #tpu.memory_space<hbm>>
      tpu.enqueue_indirect_dma source(%dma_start3A_376 : memref<10240x128xf32, #tpu.memory_space<hbm>>) target(%arg10 : memref<128x128xf32, #tpu.memory_space<vmem>>) offsets(%dma_start3A_373 : memref<128xi32, #tpu.memory_space<vmem>>) semaphore(%arg13 : memref<!tpu.dma_semaphore, #tpu.memory_space<semaphore_mem>>)
      %dma_start3A_377 = arith.constant 0 : i32
      %dma_start3A_378 = tpu.memref_slice %arg8[%mul3A_355, %dma_start3A_377] : memref<40x128xi32, #tpu.memory_space<vmem>> -> memref<1x128xi32, #tpu.memory_space<vmem>>
      %dma_start3A_379 = tpu.memref_squeeze %dma_start3A_378 : memref<1x128xi32, #tpu.memory_space<vmem>> -> memref<128xi32, #tpu.memory_space<vmem>>
      %dma_start3A_380 = arith.constant 0 : i32
      %dma_start3A_381 = arith.constant 0 : i32
      %dma_start3A_382 = tpu.memref_slice %arg12[%dma_start3A_380, %dma_start3A_381] : memref<10240x128xf32, #tpu.memory_space<vmem_shared>> -> memref<10240x128xf32, #tpu.memory_space<vmem_shared>>
      tpu.enqueue_indirect_dma source(%arg9 : memref<128x128xf32, #tpu.memory_space<vmem>>) target(%dma_start3A_382 : memref<10240x128xf32, #tpu.memory_space<vmem_shared>>) offsets(%dma_start3A_379 : memref<128xi32, #tpu.memory_space<vmem>>) semaphore(%arg14 : memref<!tpu.dma_semaphore, #tpu.memory_space<semaphore_mem>>) {add = true}
      %add3A_383 = arith.constant 1 : i32
      %add3A_384 = arith.addi %mul3A_355, %add3A_383 : i32
      %dma_wait3A_385 = arith.constant 0 : i32
      %dma_wait3A_386 = tpu.memref_slice %arg7[%add3A_384, %dma_wait3A_385] : memref<40x128xi32, #tpu.memory_space<vmem>> -> memref<1x128xi32, #tpu.memory_space<vmem>>
      %dma_wait3A_387 = tpu.memref_squeeze %dma_wait3A_386 : memref<1x128xi32, #tpu.memory_space<vmem>> -> memref<128xi32, #tpu.memory_space<vmem>>
      %dma_wait3A_388 = arith.constant 0 : i32
      %dma_wait3A_389 = arith.constant 0 : i32
      %dma_wait3A_390 = tpu.memref_slice %arg2[%dma_wait3A_388, %dma_wait3A_389] : memref<10240x128xf32, #tpu.memory_space<hbm>> -> memref<10240x128xf32, #tpu.memory_space<hbm>>
      tpu.wait_indirect_dma semaphore(%arg13 : memref<!tpu.dma_semaphore, #tpu.memory_space<semaphore_mem>>) src(%dma_wait3A_390 : memref<10240x128xf32, #tpu.memory_space<hbm>>) dst(%arg10 : memref<128x128xf32, #tpu.memory_space<vmem>>)
      %dma_wait3A_391 = arith.constant 0 : i32
      %dma_wait3A_392 = tpu.memref_slice %arg8[%mul3A_355, %dma_wait3A_391] : memref<40x128xi32, #tpu.memory_space<vmem>> -> memref<1x128xi32, #tpu.memory_space<vmem>>
      %dma_wait3A_393 = tpu.memref_squeeze %dma_wait3A_392 : memref<1x128xi32, #tpu.memory_space<vmem>> -> memref<128xi32, #tpu.memory_space<vmem>>
      %dma_wait3A_394 = arith.constant 0 : i32
      %dma_wait3A_395 = arith.constant 0 : i32
      %dma_wait3A_396 = tpu.memref_slice %arg12[%dma_wait3A_394, %dma_wait3A_395] : memref<10240x128xf32, #tpu.memory_space<vmem_shared>> -> memref<10240x128xf32, #tpu.memory_space<vmem_shared>>
      tpu.wait_indirect_dma semaphore(%arg14 : memref<!tpu.dma_semaphore, #tpu.memory_space<semaphore_mem>>) src(%arg9 : memref<128x128xf32, #tpu.memory_space<vmem>>) dst(%dma_wait3A_396 : memref<10240x128xf32, #tpu.memory_space<vmem_shared>>)
      %add3A_397 = arith.constant 2 : i32
      %add3A_398 = arith.addi %mul3A_355, %add3A_397 : i32
      %dma_start3A_399 = arith.constant 0 : i32
      %dma_start3A_400 = tpu.memref_slice %arg7[%add3A_398, %dma_start3A_399] : memref<40x128xi32, #tpu.memory_space<vmem>> -> memref<1x128xi32, #tpu.memory_space<vmem>>
      %dma_start3A_401 = tpu.memref_squeeze %dma_start3A_400 : memref<1x128xi32, #tpu.memory_space<vmem>> -> memref<128xi32, #tpu.memory_space<vmem>>
      %dma_start3A_402 = arith.constant 0 : i32
      %dma_start3A_403 = arith.constant 0 : i32
      %dma_start3A_404 = tpu.memref_slice %arg2[%dma_start3A_402, %dma_start3A_403] : memref<10240x128xf32, #tpu.memory_space<hbm>> -> memref<10240x128xf32, #tpu.memory_space<hbm>>
      tpu.enqueue_indirect_dma source(%dma_start3A_404 : memref<10240x128xf32, #tpu.memory_space<hbm>>) target(%arg9 : memref<128x128xf32, #tpu.memory_space<vmem>>) offsets(%dma_start3A_401 : memref<128xi32, #tpu.memory_space<vmem>>) semaphore(%arg13 : memref<!tpu.dma_semaphore, #tpu.memory_space<semaphore_mem>>)
      %add3A_405 = arith.constant 1 : i32
      %add3A_406 = arith.addi %mul3A_355, %add3A_405 : i32
      %dma_start3A_407 = arith.constant 0 : i32
      %dma_start3A_408 = tpu.memref_slice %arg8[%add3A_406, %dma_start3A_407] : memref<40x128xi32, #tpu.memory_space<vmem>> -> memref<1x128xi32, #tpu.memory_space<vmem>>
      %dma_start3A_409 = tpu.memref_squeeze %dma_start3A_408 : memref<1x128xi32, #tpu.memory_space<vmem>> -> memref<128xi32, #tpu.memory_space<vmem>>
      %dma_start3A_410 = arith.constant 0 : i32
      %dma_start3A_411 = arith.constant 0 : i32
      %dma_start3A_412 = tpu.memref_slice %arg12[%dma_start3A_410, %dma_start3A_411] : memref<10240x128xf32, #tpu.memory_space<vmem_shared>> -> memref<10240x128xf32, #tpu.memory_space<vmem_shared>>
      tpu.enqueue_indirect_dma source(%arg10 : memref<128x128xf32, #tpu.memory_space<vmem>>) target(%dma_start3A_412 : memref<10240x128xf32, #tpu.memory_space<vmem_shared>>) offsets(%dma_start3A_409 : memref<128xi32, #tpu.memory_space<vmem>>) semaphore(%arg14 : memref<!tpu.dma_semaphore, #tpu.memory_space<semaphore_mem>>) {add = true}
    }
    %scan3A_201 = arith.constant 18 : i32
    %dma_wait3A_202 = arith.constant 38 : i32
    %dma_wait3A_203 = arith.constant 0 : i32
    %dma_wait3A_204 = tpu.memref_slice %arg7[%dma_wait3A_202, %dma_wait3A_203] : memref<40x128xi32, #tpu.memory_space<vmem>> -> memref<1x128xi32, #tpu.memory_space<vmem>>
    %dma_wait3A_205 = tpu.memref_squeeze %dma_wait3A_204 : memref<1x128xi32, #tpu.memory_space<vmem>> -> memref<128xi32, #tpu.memory_space<vmem>>
    %dma_wait3A_206 = arith.constant 0 : i32
    %dma_wait3A_207 = arith.constant 0 : i32
    %dma_wait3A_208 = tpu.memref_slice %arg2[%dma_wait3A_206, %dma_wait3A_207] : memref<10240x128xf32, #tpu.memory_space<hbm>> -> memref<10240x128xf32, #tpu.memory_space<hbm>>
    tpu.wait_indirect_dma semaphore(%arg13 : memref<!tpu.dma_semaphore, #tpu.memory_space<semaphore_mem>>) src(%dma_wait3A_208 : memref<10240x128xf32, #tpu.memory_space<hbm>>) dst(%arg9 : memref<128x128xf32, #tpu.memory_space<vmem>>)
    %dma_wait3A_209 = arith.constant 37 : i32
    %dma_wait3A_210 = arith.constant 0 : i32
    %dma_wait3A_211 = tpu.memref_slice %arg8[%dma_wait3A_209, %dma_wait3A_210] : memref<40x128xi32, #tpu.memory_space<vmem>> -> memref<1x128xi32, #tpu.memory_space<vmem>>
    %dma_wait3A_212 = tpu.memref_squeeze %dma_wait3A_211 : memref<1x128xi32, #tpu.memory_space<vmem>> -> memref<128xi32, #tpu.memory_space<vmem>>
    %dma_wait3A_213 = arith.constant 0 : i32
    %dma_wait3A_214 = arith.constant 0 : i32
    %dma_wait3A_215 = tpu.memref_slice %arg12[%dma_wait3A_213, %dma_wait3A_214] : memref<10240x128xf32, #tpu.memory_space<vmem_shared>> -> memref<10240x128xf32, #tpu.memory_space<vmem_shared>>
    tpu.wait_indirect_dma semaphore(%arg14 : memref<!tpu.dma_semaphore, #tpu.memory_space<semaphore_mem>>) src(%arg10 : memref<128x128xf32, #tpu.memory_space<vmem>>) dst(%dma_wait3A_215 : memref<10240x128xf32, #tpu.memory_space<vmem_shared>>)
    %dma_start3A_216 = arith.constant 39 : i32
    %dma_start3A_217 = arith.constant 0 : i32
    %dma_start3A_218 = tpu.memref_slice %arg7[%dma_start3A_216, %dma_start3A_217] : memref<40x128xi32, #tpu.memory_space<vmem>> -> memref<1x128xi32, #tpu.memory_space<vmem>>
    %dma_start3A_219 = tpu.memref_squeeze %dma_start3A_218 : memref<1x128xi32, #tpu.memory_space<vmem>> -> memref<128xi32, #tpu.memory_space<vmem>>
    %dma_start3A_220 = arith.constant 0 : i32
    %dma_start3A_221 = arith.constant 0 : i32
    %dma_start3A_222 = tpu.memref_slice %arg2[%dma_start3A_220, %dma_start3A_221] : memref<10240x128xf32, #tpu.memory_space<hbm>> -> memref<10240x128xf32, #tpu.memory_space<hbm>>
    tpu.enqueue_indirect_dma source(%dma_start3A_222 : memref<10240x128xf32, #tpu.memory_space<hbm>>) target(%arg10 : memref<128x128xf32, #tpu.memory_space<vmem>>) offsets(%dma_start3A_219 : memref<128xi32, #tpu.memory_space<vmem>>) semaphore(%arg13 : memref<!tpu.dma_semaphore, #tpu.memory_space<semaphore_mem>>)
    %dma_start3A_223 = arith.constant 38 : i32
    %dma_start3A_224 = arith.constant 0 : i32
    %dma_start3A_225 = tpu.memref_slice %arg8[%dma_start3A_223, %dma_start3A_224] : memref<40x128xi32, #tpu.memory_space<vmem>> -> memref<1x128xi32, #tpu.memory_space<vmem>>
    %dma_start3A_226 = tpu.memref_squeeze %dma_start3A_225 : memref<1x128xi32, #tpu.memory_space<vmem>> -> memref<128xi32, #tpu.memory_space<vmem>>
    %dma_start3A_227 = arith.constant 0 : i32
    %dma_start3A_228 = arith.constant 0 : i32
    %dma_start3A_229 = tpu.memref_slice %arg12[%dma_start3A_227, %dma_start3A_228] : memref<10240x128xf32, #tpu.memory_space<vmem_shared>> -> memref<10240x128xf32, #tpu.memory_space<vmem_shared>>
    tpu.enqueue_indirect_dma source(%arg9 : memref<128x128xf32, #tpu.memory_space<vmem>>) target(%dma_start3A_229 : memref<10240x128xf32, #tpu.memory_space<vmem_shared>>) offsets(%dma_start3A_226 : memref<128xi32, #tpu.memory_space<vmem>>) semaphore(%arg14 : memref<!tpu.dma_semaphore, #tpu.memory_space<semaphore_mem>>) {add = true}
    %dma_wait3A_230 = arith.constant 39 : i32
    %dma_wait3A_231 = arith.constant 0 : i32
    %dma_wait3A_232 = tpu.memref_slice %arg7[%dma_wait3A_230, %dma_wait3A_231] : memref<40x128xi32, #tpu.memory_space<vmem>> -> memref<1x128xi32, #tpu.memory_space<vmem>>
    %dma_wait3A_233 = tpu.memref_squeeze %dma_wait3A_232 : memref<1x128xi32, #tpu.memory_space<vmem>> -> memref<128xi32, #tpu.memory_space<vmem>>
    %dma_wait3A_234 = arith.constant 0 : i32
    %dma_wait3A_235 = arith.constant 0 : i32
    %dma_wait3A_236 = tpu.memref_slice %arg2[%dma_wait3A_234, %dma_wait3A_235] : memref<10240x128xf32, #tpu.memory_space<hbm>> -> memref<10240x128xf32, #tpu.memory_space<hbm>>
    tpu.wait_indirect_dma semaphore(%arg13 : memref<!tpu.dma_semaphore, #tpu.memory_space<semaphore_mem>>) src(%dma_wait3A_236 : memref<10240x128xf32, #tpu.memory_space<hbm>>) dst(%arg10 : memref<128x128xf32, #tpu.memory_space<vmem>>)
    %dma_wait3A_237 = arith.constant 38 : i32
    %dma_wait3A_238 = arith.constant 0 : i32
    %dma_wait3A_239 = tpu.memref_slice %arg8[%dma_wait3A_237, %dma_wait3A_238] : memref<40x128xi32, #tpu.memory_space<vmem>> -> memref<1x128xi32, #tpu.memory_space<vmem>>
    %dma_wait3A_240 = tpu.memref_squeeze %dma_wait3A_239 : memref<1x128xi32, #tpu.memory_space<vmem>> -> memref<128xi32, #tpu.memory_space<vmem>>
    %dma_wait3A_241 = arith.constant 0 : i32
    %dma_wait3A_242 = arith.constant 0 : i32
    %dma_wait3A_243 = tpu.memref_slice %arg12[%dma_wait3A_241, %dma_wait3A_242] : memref<10240x128xf32, #tpu.memory_space<vmem_shared>> -> memref<10240x128xf32, #tpu.memory_space<vmem_shared>>
    tpu.wait_indirect_dma semaphore(%arg14 : memref<!tpu.dma_semaphore, #tpu.memory_space<semaphore_mem>>) src(%arg9 : memref<128x128xf32, #tpu.memory_space<vmem>>) dst(%dma_wait3A_243 : memref<10240x128xf32, #tpu.memory_space<vmem_shared>>)
    %dma_start3A_244 = arith.constant 39 : i32
    %dma_start3A_245 = arith.constant 0 : i32
    %dma_start3A_246 = tpu.memref_slice %arg8[%dma_start3A_244, %dma_start3A_245] : memref<40x128xi32, #tpu.memory_space<vmem>> -> memref<1x128xi32, #tpu.memory_space<vmem>>
    %dma_start3A_247 = tpu.memref_squeeze %dma_start3A_246 : memref<1x128xi32, #tpu.memory_space<vmem>> -> memref<128xi32, #tpu.memory_space<vmem>>
    %dma_start3A_248 = arith.constant 0 : i32
    %dma_start3A_249 = arith.constant 0 : i32
    %dma_start3A_250 = tpu.memref_slice %arg12[%dma_start3A_248, %dma_start3A_249] : memref<10240x128xf32, #tpu.memory_space<vmem_shared>> -> memref<10240x128xf32, #tpu.memory_space<vmem_shared>>
    tpu.enqueue_indirect_dma source(%arg10 : memref<128x128xf32, #tpu.memory_space<vmem>>) target(%dma_start3A_250 : memref<10240x128xf32, #tpu.memory_space<vmem_shared>>) offsets(%dma_start3A_247 : memref<128xi32, #tpu.memory_space<vmem>>) semaphore(%arg14 : memref<!tpu.dma_semaphore, #tpu.memory_space<semaphore_mem>>) {add = true}
    %dma_wait3A_251 = arith.constant 39 : i32
    %dma_wait3A_252 = arith.constant 0 : i32
    %dma_wait3A_253 = tpu.memref_slice %arg8[%dma_wait3A_251, %dma_wait3A_252] : memref<40x128xi32, #tpu.memory_space<vmem>> -> memref<1x128xi32, #tpu.memory_space<vmem>>
    %dma_wait3A_254 = tpu.memref_squeeze %dma_wait3A_253 : memref<1x128xi32, #tpu.memory_space<vmem>> -> memref<128xi32, #tpu.memory_space<vmem>>
    %dma_wait3A_255 = arith.constant 0 : i32
    %dma_wait3A_256 = arith.constant 0 : i32
    %dma_wait3A_257 = tpu.memref_slice %arg12[%dma_wait3A_255, %dma_wait3A_256] : memref<10240x128xf32, #tpu.memory_space<vmem_shared>> -> memref<10240x128xf32, #tpu.memory_space<vmem_shared>>
    tpu.wait_indirect_dma semaphore(%arg14 : memref<!tpu.dma_semaphore, #tpu.memory_space<semaphore_mem>>) src(%arg10 : memref<128x128xf32, #tpu.memory_space<vmem>>) dst(%dma_wait3A_257 : memref<10240x128xf32, #tpu.memory_space<vmem_shared>>)
    %barrier3A_258 = arith.constant 0 : index
    tpu.barrier barrier_id(%barrier3A_258)
    %dma_start3A_259 = arith.constant 0 : i32
    %dma_start3A_260 = arith.constant 0 : i32
    %dma_start3A_261 = tpu.memref_slice %arg11[%dma_start3A_259, %dma_start3A_260] : memref<5x128xi32, #tpu.memory_space<vmem>> -> memref<1x128xi32, #tpu.memory_space<vmem>>
    %dma_start3A_262 = tpu.memref_squeeze %dma_start3A_261 : memref<1x128xi32, #tpu.memory_space<vmem>> -> memref<128xi32, #tpu.memory_space<vmem>>
    %dma_start3A_263 = arith.constant 0 : i32
    %dma_start3A_264 = arith.constant 0 : i32
    %dma_start3A_265 = tpu.memref_slice %arg12[%dma_start3A_263, %dma_start3A_264] : memref<10240x128xf32, #tpu.memory_space<vmem_shared>> -> memref<10240x128xf32, #tpu.memory_space<vmem_shared>>
    tpu.enqueue_indirect_dma source(%dma_start3A_265 : memref<10240x128xf32, #tpu.memory_space<vmem_shared>>) target(%arg9 : memref<128x128xf32, #tpu.memory_space<vmem>>) offsets(%dma_start3A_262 : memref<128xi32, #tpu.memory_space<vmem>>) semaphore(%arg13 : memref<!tpu.dma_semaphore, #tpu.memory_space<semaphore_mem>>)
    %dma_wait3A_266 = arith.constant 0 : i32
    %dma_wait3A_267 = arith.constant 0 : i32
    %dma_wait3A_268 = tpu.memref_slice %arg11[%dma_wait3A_266, %dma_wait3A_267] : memref<5x128xi32, #tpu.memory_space<vmem>> -> memref<1x128xi32, #tpu.memory_space<vmem>>
    %dma_wait3A_269 = tpu.memref_squeeze %dma_wait3A_268 : memref<1x128xi32, #tpu.memory_space<vmem>> -> memref<128xi32, #tpu.memory_space<vmem>>
    %dma_wait3A_270 = arith.constant 0 : i32
    %dma_wait3A_271 = arith.constant 0 : i32
    %dma_wait3A_272 = tpu.memref_slice %arg12[%dma_wait3A_270, %dma_wait3A_271] : memref<10240x128xf32, #tpu.memory_space<vmem_shared>> -> memref<10240x128xf32, #tpu.memory_space<vmem_shared>>
    tpu.wait_indirect_dma semaphore(%arg13 : memref<!tpu.dma_semaphore, #tpu.memory_space<semaphore_mem>>) src(%dma_wait3A_272 : memref<10240x128xf32, #tpu.memory_space<vmem_shared>>) dst(%arg9 : memref<128x128xf32, #tpu.memory_space<vmem>>)
    %mul3A_273 = arith.constant 640 : i32
    %mul3A_274 = arith.muli %arg1, %mul3A_273 : i32
    %add3A_275 = arith.constant 0 : i32
    %add3A_276 = arith.addi %mul3A_274, %add3A_275 : i32
    "tpu.region"() ({
      %run_scoped3A_349 = tpu.sem_alloc : memref<!tpu.dma_semaphore, #tpu.memory_space<semaphore_mem>>
      %dma_start3A_350 = arith.constant 0 : i32
      %dma_start3A_351 = tpu.memref_slice %arg6[%arg0, %add3A_276, %dma_start3A_350] : memref<2x10240x128xf32, #tpu.memory_space<hbm>> -> memref<1x128x128xf32, #tpu.memory_space<hbm>>
      %dma_start3A_352 = tpu.memref_squeeze %dma_start3A_351 : memref<1x128x128xf32, #tpu.memory_space<hbm>> -> memref<128x128xf32, #tpu.memory_space<hbm>>
      %dma_start3A_353 = arith.constant 0 : i32
      %dma_start3A_354 = tpu.memref_slice %arg6[%arg0, %add3A_276, %dma_start3A_353] : memref<2x10240x128xf32, #tpu.memory_space<hbm>> -> memref<1x128x128xf32, #tpu.memory_space<hbm>>
      %dma_start3A_355 = tpu.memref_squeeze %dma_start3A_354 : memref<1x128x128xf32, #tpu.memory_space<hbm>> -> memref<128x128xf32, #tpu.memory_space<hbm>>
      tpu.enqueue_dma source(%arg9 : memref<128x128xf32, #tpu.memory_space<vmem>>) target(%dma_start3A_355 : memref<128x128xf32, #tpu.memory_space<hbm>>) target_semaphore(%run_scoped3A_349 : memref<!tpu.dma_semaphore, #tpu.memory_space<semaphore_mem>>)
      %dma_wait3A_356 = arith.constant 0 : i32
      %dma_wait3A_357 = tpu.memref_slice %arg6[%arg0, %add3A_276, %dma_wait3A_356] : memref<2x10240x128xf32, #tpu.memory_space<hbm>> -> memref<1x128x128xf32, #tpu.memory_space<hbm>>
      %dma_wait3A_358 = tpu.memref_squeeze %dma_wait3A_357 : memref<1x128x128xf32, #tpu.memory_space<hbm>> -> memref<128x128xf32, #tpu.memory_space<hbm>>
      %dma_wait3A_359 = arith.constant 0 : i32
      %dma_wait3A_360 = tpu.memref_slice %arg6[%arg0, %add3A_276, %dma_wait3A_359] : memref<2x10240x128xf32, #tpu.memory_space<hbm>> -> memref<1x128x128xf32, #tpu.memory_space<hbm>>
      %dma_wait3A_361 = tpu.memref_squeeze %dma_wait3A_360 : memref<1x128x128xf32, #tpu.memory_space<hbm>> -> memref<128x128xf32, #tpu.memory_space<hbm>>
      tpu.wait_dma2 semaphore(%run_scoped3A_349 : memref<!tpu.dma_semaphore, #tpu.memory_space<semaphore_mem>>) src(%arg9 : memref<128x128xf32, #tpu.memory_space<vmem>>) dst(%dma_wait3A_361 : memref<128x128xf32, #tpu.memory_space<hbm>>)
      tpu.yield
    }) : () -> ()
    %dma_start3A_277 = arith.constant 1 : i32
    %dma_start3A_278 = arith.constant 0 : i32
    %dma_start3A_279 = tpu.memref_slice %arg11[%dma_start3A_277, %dma_start3A_278] : memref<5x128xi32, #tpu.memory_space<vmem>> -> memref<1x128xi32, #tpu.memory_space<vmem>>
    %dma_start3A_280 = tpu.memref_squeeze %dma_start3A_279 : memref<1x128xi32, #tpu.memory_space<vmem>> -> memref<128xi32, #tpu.memory_space<vmem>>
    %dma_start3A_281 = arith.constant 0 : i32
    %dma_start3A_282 = arith.constant 0 : i32
    %dma_start3A_283 = tpu.memref_slice %arg12[%dma_start3A_281, %dma_start3A_282] : memref<10240x128xf32, #tpu.memory_space<vmem_shared>> -> memref<10240x128xf32, #tpu.memory_space<vmem_shared>>
    tpu.enqueue_indirect_dma source(%dma_start3A_283 : memref<10240x128xf32, #tpu.memory_space<vmem_shared>>) target(%arg9 : memref<128x128xf32, #tpu.memory_space<vmem>>) offsets(%dma_start3A_280 : memref<128xi32, #tpu.memory_space<vmem>>) semaphore(%arg13 : memref<!tpu.dma_semaphore, #tpu.memory_space<semaphore_mem>>)
    %dma_wait3A_284 = arith.constant 1 : i32
    %dma_wait3A_285 = arith.constant 0 : i32
    %dma_wait3A_286 = tpu.memref_slice %arg11[%dma_wait3A_284, %dma_wait3A_285] : memref<5x128xi32, #tpu.memory_space<vmem>> -> memref<1x128xi32, #tpu.memory_space<vmem>>
    %dma_wait3A_287 = tpu.memref_squeeze %dma_wait3A_286 : memref<1x128xi32, #tpu.memory_space<vmem>> -> memref<128xi32, #tpu.memory_space<vmem>>
    %dma_wait3A_288 = arith.constant 0 : i32
    %dma_wait3A_289 = arith.constant 0 : i32
    %dma_wait3A_290 = tpu.memref_slice %arg12[%dma_wait3A_288, %dma_wait3A_289] : memref<10240x128xf32, #tpu.memory_space<vmem_shared>> -> memref<10240x128xf32, #tpu.memory_space<vmem_shared>>
    tpu.wait_indirect_dma semaphore(%arg13 : memref<!tpu.dma_semaphore, #tpu.memory_space<semaphore_mem>>) src(%dma_wait3A_290 : memref<10240x128xf32, #tpu.memory_space<vmem_shared>>) dst(%arg9 : memref<128x128xf32, #tpu.memory_space<vmem>>)
    %mul3A_291 = arith.constant 640 : i32
    %mul3A_292 = arith.muli %arg1, %mul3A_291 : i32
    %add3A_293 = arith.constant 128 : i32
    %add3A_294 = arith.addi %mul3A_292, %add3A_293 : i32
    "tpu.region"() ({
      %run_scoped3A_349 = tpu.sem_alloc : memref<!tpu.dma_semaphore, #tpu.memory_space<semaphore_mem>>
      %dma_start3A_350 = arith.constant 0 : i32
      %dma_start3A_351 = tpu.memref_slice %arg6[%arg0, %add3A_294, %dma_start3A_350] : memref<2x10240x128xf32, #tpu.memory_space<hbm>> -> memref<1x128x128xf32, #tpu.memory_space<hbm>>
      %dma_start3A_352 = tpu.memref_squeeze %dma_start3A_351 : memref<1x128x128xf32, #tpu.memory_space<hbm>> -> memref<128x128xf32, #tpu.memory_space<hbm>>
      %dma_start3A_353 = arith.constant 0 : i32
      %dma_start3A_354 = tpu.memref_slice %arg6[%arg0, %add3A_294, %dma_start3A_353] : memref<2x10240x128xf32, #tpu.memory_space<hbm>> -> memref<1x128x128xf32, #tpu.memory_space<hbm>>
      %dma_start3A_355 = tpu.memref_squeeze %dma_start3A_354 : memref<1x128x128xf32, #tpu.memory_space<hbm>> -> memref<128x128xf32, #tpu.memory_space<hbm>>
      tpu.enqueue_dma source(%arg9 : memref<128x128xf32, #tpu.memory_space<vmem>>) target(%dma_start3A_355 : memref<128x128xf32, #tpu.memory_space<hbm>>) target_semaphore(%run_scoped3A_349 : memref<!tpu.dma_semaphore, #tpu.memory_space<semaphore_mem>>)
      %dma_wait3A_356 = arith.constant 0 : i32
      %dma_wait3A_357 = tpu.memref_slice %arg6[%arg0, %add3A_294, %dma_wait3A_356] : memref<2x10240x128xf32, #tpu.memory_space<hbm>> -> memref<1x128x128xf32, #tpu.memory_space<hbm>>
      %dma_wait3A_358 = tpu.memref_squeeze %dma_wait3A_357 : memref<1x128x128xf32, #tpu.memory_space<hbm>> -> memref<128x128xf32, #tpu.memory_space<hbm>>
      %dma_wait3A_359 = arith.constant 0 : i32
      %dma_wait3A_360 = tpu.memref_slice %arg6[%arg0, %add3A_294, %dma_wait3A_359] : memref<2x10240x128xf32, #tpu.memory_space<hbm>> -> memref<1x128x128xf32, #tpu.memory_space<hbm>>
      %dma_wait3A_361 = tpu.memref_squeeze %dma_wait3A_360 : memref<1x128x128xf32, #tpu.memory_space<hbm>> -> memref<128x128xf32, #tpu.memory_space<hbm>>
      tpu.wait_dma2 semaphore(%run_scoped3A_349 : memref<!tpu.dma_semaphore, #tpu.memory_space<semaphore_mem>>) src(%arg9 : memref<128x128xf32, #tpu.memory_space<vmem>>) dst(%dma_wait3A_361 : memref<128x128xf32, #tpu.memory_space<hbm>>)
      tpu.yield
    }) : () -> ()
    %dma_start3A_295 = arith.constant 2 : i32
    %dma_start3A_296 = arith.constant 0 : i32
    %dma_start3A_297 = tpu.memref_slice %arg11[%dma_start3A_295, %dma_start3A_296] : memref<5x128xi32, #tpu.memory_space<vmem>> -> memref<1x128xi32, #tpu.memory_space<vmem>>
    %dma_start3A_298 = tpu.memref_squeeze %dma_start3A_297 : memref<1x128xi32, #tpu.memory_space<vmem>> -> memref<128xi32, #tpu.memory_space<vmem>>
    %dma_start3A_299 = arith.constant 0 : i32
    %dma_start3A_300 = arith.constant 0 : i32
    %dma_start3A_301 = tpu.memref_slice %arg12[%dma_start3A_299, %dma_start3A_300] : memref<10240x128xf32, #tpu.memory_space<vmem_shared>> -> memref<10240x128xf32, #tpu.memory_space<vmem_shared>>
    tpu.enqueue_indirect_dma source(%dma_start3A_301 : memref<10240x128xf32, #tpu.memory_space<vmem_shared>>) target(%arg9 : memref<128x128xf32, #tpu.memory_space<vmem>>) offsets(%dma_start3A_298 : memref<128xi32, #tpu.memory_space<vmem>>) semaphore(%arg13 : memref<!tpu.dma_semaphore, #tpu.memory_space<semaphore_mem>>)
    %dma_wait3A_302 = arith.constant 2 : i32
    %dma_wait3A_303 = arith.constant 0 : i32
    %dma_wait3A_304 = tpu.memref_slice %arg11[%dma_wait3A_302, %dma_wait3A_303] : memref<5x128xi32, #tpu.memory_space<vmem>> -> memref<1x128xi32, #tpu.memory_space<vmem>>
    %dma_wait3A_305 = tpu.memref_squeeze %dma_wait3A_304 : memref<1x128xi32, #tpu.memory_space<vmem>> -> memref<128xi32, #tpu.memory_space<vmem>>
    %dma_wait3A_306 = arith.constant 0 : i32
    %dma_wait3A_307 = arith.constant 0 : i32
    %dma_wait3A_308 = tpu.memref_slice %arg12[%dma_wait3A_306, %dma_wait3A_307] : memref<10240x128xf32, #tpu.memory_space<vmem_shared>> -> memref<10240x128xf32, #tpu.memory_space<vmem_shared>>
    tpu.wait_indirect_dma semaphore(%arg13 : memref<!tpu.dma_semaphore, #tpu.memory_space<semaphore_mem>>) src(%dma_wait3A_308 : memref<10240x128xf32, #tpu.memory_space<vmem_shared>>) dst(%arg9 : memref<128x128xf32, #tpu.memory_space<vmem>>)
    %mul3A_309 = arith.constant 640 : i32
    %mul3A_310 = arith.muli %arg1, %mul3A_309 : i32
    %add3A_311 = arith.constant 256 : i32
    %add3A_312 = arith.addi %mul3A_310, %add3A_311 : i32
    "tpu.region"() ({
      %run_scoped3A_349 = tpu.sem_alloc : memref<!tpu.dma_semaphore, #tpu.memory_space<semaphore_mem>>
      %dma_start3A_350 = arith.constant 0 : i32
      %dma_start3A_351 = tpu.memref_slice %arg6[%arg0, %add3A_312, %dma_start3A_350] : memref<2x10240x128xf32, #tpu.memory_space<hbm>> -> memref<1x128x128xf32, #tpu.memory_space<hbm>>
      %dma_start3A_352 = tpu.memref_squeeze %dma_start3A_351 : memref<1x128x128xf32, #tpu.memory_space<hbm>> -> memref<128x128xf32, #tpu.memory_space<hbm>>
      %dma_start3A_353 = arith.constant 0 : i32
      %dma_start3A_354 = tpu.memref_slice %arg6[%arg0, %add3A_312, %dma_start3A_353] : memref<2x10240x128xf32, #tpu.memory_space<hbm>> -> memref<1x128x128xf32, #tpu.memory_space<hbm>>
      %dma_start3A_355 = tpu.memref_squeeze %dma_start3A_354 : memref<1x128x128xf32, #tpu.memory_space<hbm>> -> memref<128x128xf32, #tpu.memory_space<hbm>>
      tpu.enqueue_dma source(%arg9 : memref<128x128xf32, #tpu.memory_space<vmem>>) target(%dma_start3A_355 : memref<128x128xf32, #tpu.memory_space<hbm>>) target_semaphore(%run_scoped3A_349 : memref<!tpu.dma_semaphore, #tpu.memory_space<semaphore_mem>>)
      %dma_wait3A_356 = arith.constant 0 : i32
      %dma_wait3A_357 = tpu.memref_slice %arg6[%arg0, %add3A_312, %dma_wait3A_356] : memref<2x10240x128xf32, #tpu.memory_space<hbm>> -> memref<1x128x128xf32, #tpu.memory_space<hbm>>
      %dma_wait3A_358 = tpu.memref_squeeze %dma_wait3A_357 : memref<1x128x128xf32, #tpu.memory_space<hbm>> -> memref<128x128xf32, #tpu.memory_space<hbm>>
      %dma_wait3A_359 = arith.constant 0 : i32
      %dma_wait3A_360 = tpu.memref_slice %arg6[%arg0, %add3A_312, %dma_wait3A_359] : memref<2x10240x128xf32, #tpu.memory_space<hbm>> -> memref<1x128x128xf32, #tpu.memory_space<hbm>>
      %dma_wait3A_361 = tpu.memref_squeeze %dma_wait3A_360 : memref<1x128x128xf32, #tpu.memory_space<hbm>> -> memref<128x128xf32, #tpu.memory_space<hbm>>
      tpu.wait_dma2 semaphore(%run_scoped3A_349 : memref<!tpu.dma_semaphore, #tpu.memory_space<semaphore_mem>>) src(%arg9 : memref<128x128xf32, #tpu.memory_space<vmem>>) dst(%dma_wait3A_361 : memref<128x128xf32, #tpu.memory_space<hbm>>)
      tpu.yield
    }) : () -> ()
    %dma_start3A_313 = arith.constant 3 : i32
    %dma_start3A_314 = arith.constant 0 : i32
    %dma_start3A_315 = tpu.memref_slice %arg11[%dma_start3A_313, %dma_start3A_314] : memref<5x128xi32, #tpu.memory_space<vmem>> -> memref<1x128xi32, #tpu.memory_space<vmem>>
    %dma_start3A_316 = tpu.memref_squeeze %dma_start3A_315 : memref<1x128xi32, #tpu.memory_space<vmem>> -> memref<128xi32, #tpu.memory_space<vmem>>
    %dma_start3A_317 = arith.constant 0 : i32
    %dma_start3A_318 = arith.constant 0 : i32
    %dma_start3A_319 = tpu.memref_slice %arg12[%dma_start3A_317, %dma_start3A_318] : memref<10240x128xf32, #tpu.memory_space<vmem_shared>> -> memref<10240x128xf32, #tpu.memory_space<vmem_shared>>
    tpu.enqueue_indirect_dma source(%dma_start3A_319 : memref<10240x128xf32, #tpu.memory_space<vmem_shared>>) target(%arg9 : memref<128x128xf32, #tpu.memory_space<vmem>>) offsets(%dma_start3A_316 : memref<128xi32, #tpu.memory_space<vmem>>) semaphore(%arg13 : memref<!tpu.dma_semaphore, #tpu.memory_space<semaphore_mem>>)
    %dma_wait3A_320 = arith.constant 3 : i32
    %dma_wait3A_321 = arith.constant 0 : i32
    %dma_wait3A_322 = tpu.memref_slice %arg11[%dma_wait3A_320, %dma_wait3A_321] : memref<5x128xi32, #tpu.memory_space<vmem>> -> memref<1x128xi32, #tpu.memory_space<vmem>>
    %dma_wait3A_323 = tpu.memref_squeeze %dma_wait3A_322 : memref<1x128xi32, #tpu.memory_space<vmem>> -> memref<128xi32, #tpu.memory_space<vmem>>
    %dma_wait3A_324 = arith.constant 0 : i32
    %dma_wait3A_325 = arith.constant 0 : i32
    %dma_wait3A_326 = tpu.memref_slice %arg12[%dma_wait3A_324, %dma_wait3A_325] : memref<10240x128xf32, #tpu.memory_space<vmem_shared>> -> memref<10240x128xf32, #tpu.memory_space<vmem_shared>>
    tpu.wait_indirect_dma semaphore(%arg13 : memref<!tpu.dma_semaphore, #tpu.memory_space<semaphore_mem>>) src(%dma_wait3A_326 : memref<10240x128xf32, #tpu.memory_space<vmem_shared>>) dst(%arg9 : memref<128x128xf32, #tpu.memory_space<vmem>>)
    %mul3A_327 = arith.constant 640 : i32
    %mul3A_328 = arith.muli %arg1, %mul3A_327 : i32
    %add3A_329 = arith.constant 384 : i32
    %add3A_330 = arith.addi %mul3A_328, %add3A_329 : i32
    "tpu.region"() ({
      %run_scoped3A_349 = tpu.sem_alloc : memref<!tpu.dma_semaphore, #tpu.memory_space<semaphore_mem>>
      %dma_start3A_350 = arith.constant 0 : i32
      %dma_start3A_351 = tpu.memref_slice %arg6[%arg0, %add3A_330, %dma_start3A_350] : memref<2x10240x128xf32, #tpu.memory_space<hbm>> -> memref<1x128x128xf32, #tpu.memory_space<hbm>>
      %dma_start3A_352 = tpu.memref_squeeze %dma_start3A_351 : memref<1x128x128xf32, #tpu.memory_space<hbm>> -> memref<128x128xf32, #tpu.memory_space<hbm>>
      %dma_start3A_353 = arith.constant 0 : i32
      %dma_start3A_354 = tpu.memref_slice %arg6[%arg0, %add3A_330, %dma_start3A_353] : memref<2x10240x128xf32, #tpu.memory_space<hbm>> -> memref<1x128x128xf32, #tpu.memory_space<hbm>>
      %dma_start3A_355 = tpu.memref_squeeze %dma_start3A_354 : memref<1x128x128xf32, #tpu.memory_space<hbm>> -> memref<128x128xf32, #tpu.memory_space<hbm>>
      tpu.enqueue_dma source(%arg9 : memref<128x128xf32, #tpu.memory_space<vmem>>) target(%dma_start3A_355 : memref<128x128xf32, #tpu.memory_space<hbm>>) target_semaphore(%run_scoped3A_349 : memref<!tpu.dma_semaphore, #tpu.memory_space<semaphore_mem>>)
      %dma_wait3A_356 = arith.constant 0 : i32
      %dma_wait3A_357 = tpu.memref_slice %arg6[%arg0, %add3A_330, %dma_wait3A_356] : memref<2x10240x128xf32, #tpu.memory_space<hbm>> -> memref<1x128x128xf32, #tpu.memory_space<hbm>>
      %dma_wait3A_358 = tpu.memref_squeeze %dma_wait3A_357 : memref<1x128x128xf32, #tpu.memory_space<hbm>> -> memref<128x128xf32, #tpu.memory_space<hbm>>
      %dma_wait3A_359 = arith.constant 0 : i32
      %dma_wait3A_360 = tpu.memref_slice %arg6[%arg0, %add3A_330, %dma_wait3A_359] : memref<2x10240x128xf32, #tpu.memory_space<hbm>> -> memref<1x128x128xf32, #tpu.memory_space<hbm>>
      %dma_wait3A_361 = tpu.memref_squeeze %dma_wait3A_360 : memref<1x128x128xf32, #tpu.memory_space<hbm>> -> memref<128x128xf32, #tpu.memory_space<hbm>>
      tpu.wait_dma2 semaphore(%run_scoped3A_349 : memref<!tpu.dma_semaphore, #tpu.memory_space<semaphore_mem>>) src(%arg9 : memref<128x128xf32, #tpu.memory_space<vmem>>) dst(%dma_wait3A_361 : memref<128x128xf32, #tpu.memory_space<hbm>>)
      tpu.yield
    }) : () -> ()
    %dma_start3A_331 = arith.constant 4 : i32
    %dma_start3A_332 = arith.constant 0 : i32
    %dma_start3A_333 = tpu.memref_slice %arg11[%dma_start3A_331, %dma_start3A_332] : memref<5x128xi32, #tpu.memory_space<vmem>> -> memref<1x128xi32, #tpu.memory_space<vmem>>
    %dma_start3A_334 = tpu.memref_squeeze %dma_start3A_333 : memref<1x128xi32, #tpu.memory_space<vmem>> -> memref<128xi32, #tpu.memory_space<vmem>>
    %dma_start3A_335 = arith.constant 0 : i32
    %dma_start3A_336 = arith.constant 0 : i32
    %dma_start3A_337 = tpu.memref_slice %arg12[%dma_start3A_335, %dma_start3A_336] : memref<10240x128xf32, #tpu.memory_space<vmem_shared>> -> memref<10240x128xf32, #tpu.memory_space<vmem_shared>>
    tpu.enqueue_indirect_dma source(%dma_start3A_337 : memref<10240x128xf32, #tpu.memory_space<vmem_shared>>) target(%arg9 : memref<128x128xf32, #tpu.memory_space<vmem>>) offsets(%dma_start3A_334 : memref<128xi32, #tpu.memory_space<vmem>>) semaphore(%arg13 : memref<!tpu.dma_semaphore, #tpu.memory_space<semaphore_mem>>)
    %dma_wait3A_338 = arith.constant 4 : i32
    %dma_wait3A_339 = arith.constant 0 : i32
    %dma_wait3A_340 = tpu.memref_slice %arg11[%dma_wait3A_338, %dma_wait3A_339] : memref<5x128xi32, #tpu.memory_space<vmem>> -> memref<1x128xi32, #tpu.memory_space<vmem>>
    %dma_wait3A_341 = tpu.memref_squeeze %dma_wait3A_340 : memref<1x128xi32, #tpu.memory_space<vmem>> -> memref<128xi32, #tpu.memory_space<vmem>>
    %dma_wait3A_342 = arith.constant 0 : i32
    %dma_wait3A_343 = arith.constant 0 : i32
    %dma_wait3A_344 = tpu.memref_slice %arg12[%dma_wait3A_342, %dma_wait3A_343] : memref<10240x128xf32, #tpu.memory_space<vmem_shared>> -> memref<10240x128xf32, #tpu.memory_space<vmem_shared>>
    tpu.wait_indirect_dma semaphore(%arg13 : memref<!tpu.dma_semaphore, #tpu.memory_space<semaphore_mem>>) src(%dma_wait3A_344 : memref<10240x128xf32, #tpu.memory_space<vmem_shared>>) dst(%arg9 : memref<128x128xf32, #tpu.memory_space<vmem>>)
    %mul3A_345 = arith.constant 640 : i32
    %mul3A_346 = arith.muli %arg1, %mul3A_345 : i32
    %add3A_347 = arith.constant 512 : i32
    %add3A_348 = arith.addi %mul3A_346, %add3A_347 : i32
    "tpu.region"() ({
      %run_scoped3A_349 = tpu.sem_alloc : memref<!tpu.dma_semaphore, #tpu.memory_space<semaphore_mem>>
      %dma_start3A_350 = arith.constant 0 : i32
      %dma_start3A_351 = tpu.memref_slice %arg6[%arg0, %add3A_348, %dma_start3A_350] : memref<2x10240x128xf32, #tpu.memory_space<hbm>> -> memref<1x128x128xf32, #tpu.memory_space<hbm>>
      %dma_start3A_352 = tpu.memref_squeeze %dma_start3A_351 : memref<1x128x128xf32, #tpu.memory_space<hbm>> -> memref<128x128xf32, #tpu.memory_space<hbm>>
      %dma_start3A_353 = arith.constant 0 : i32
      %dma_start3A_354 = tpu.memref_slice %arg6[%arg0, %add3A_348, %dma_start3A_353] : memref<2x10240x128xf32, #tpu.memory_space<hbm>> -> memref<1x128x128xf32, #tpu.memory_space<hbm>>
      %dma_start3A_355 = tpu.memref_squeeze %dma_start3A_354 : memref<1x128x128xf32, #tpu.memory_space<hbm>> -> memref<128x128xf32, #tpu.memory_space<hbm>>
      tpu.enqueue_dma source(%arg9 : memref<128x128xf32, #tpu.memory_space<vmem>>) target(%dma_start3A_355 : memref<128x128xf32, #tpu.memory_space<hbm>>) target_semaphore(%run_scoped3A_349 : memref<!tpu.dma_semaphore, #tpu.memory_space<semaphore_mem>>)
      %dma_wait3A_356 = arith.constant 0 : i32
      %dma_wait3A_357 = tpu.memref_slice %arg6[%arg0, %add3A_348, %dma_wait3A_356] : memref<2x10240x128xf32, #tpu.memory_space<hbm>> -> memref<1x128x128xf32, #tpu.memory_space<hbm>>
      %dma_wait3A_358 = tpu.memref_squeeze %dma_wait3A_357 : memref<1x128x128xf32, #tpu.memory_space<hbm>> -> memref<128x128xf32, #tpu.memory_space<hbm>>
      %dma_wait3A_359 = arith.constant 0 : i32
      %dma_wait3A_360 = tpu.memref_slice %arg6[%arg0, %add3A_348, %dma_wait3A_359] : memref<2x10240x128xf32, #tpu.memory_space<hbm>> -> memref<1x128x128xf32, #tpu.memory_space<hbm>>
      %dma_wait3A_361 = tpu.memref_squeeze %dma_wait3A_360 : memref<1x128x128xf32, #tpu.memory_space<hbm>> -> memref<128x128xf32, #tpu.memory_space<hbm>>
      tpu.wait_dma2 semaphore(%run_scoped3A_349 : memref<!tpu.dma_semaphore, #tpu.memory_space<semaphore_mem>>) src(%arg9 : memref<128x128xf32, #tpu.memory_space<vmem>>) dst(%dma_wait3A_361 : memref<128x128xf32, #tpu.memory_space<hbm>>)
      tpu.yield
    }) : () -> ()
    return
  }
}

#map = affine_map<(d0, d1) -> (0, 0, 0)>
module attributes {stable_mosaic.version = 14 : i64} {
  func.func @_count(%arg0: i32, %arg1: i32, %arg2: memref<32x80x128xi32, #tpu.memory_space<hbm>>, %arg3: memref<16x5x128xi32, #tpu.memory_space<hbm>>, %arg4: memref<2x10240x128xf32, #tpu.memory_space<hbm>>, %arg5: memref<80x128xi32, #tpu.memory_space<vmem>>, %arg6: memref<128x128xf32, #tpu.memory_space<vmem>>, %arg7: memref<128x128xf32, #tpu.memory_space<vmem>>, %arg8: memref<5x128xi32, #tpu.memory_space<vmem>>, %arg9: memref<10240x128xf32, #tpu.memory_space<vmem_shared>>, %arg10: memref<!tpu.dma_semaphore, #tpu.memory_space<semaphore_mem>>) attributes {dimension_semantics = [#tpu.dimension_semantics<core_parallel>, #tpu.dimension_semantics<subcore_parallel>], iteration_bounds = array<i64: 2, 16>, scalar_prefetch = 0 : i64, scratch_operands = 6 : i64, tpu.core_type = #tpu.core_type<sc_vector_subcore>, window_params = [{transform_indices = #map}, {transform_indices = #map}, {transform_indices = #map}]} {
    %mul3A = arith.constant 2 : i32
    %mul3A_0 = arith.muli %arg1, %mul3A : i32
    %add3A = arith.addi %mul3A_0, %arg0 : i32
    "tpu.region"() ({
      %run_scoped3A_111 = tpu.sem_alloc : memref<!tpu.dma_semaphore, #tpu.memory_space<semaphore_mem>>
      %dma_start3A_112 = arith.constant 0 : i32
      %dma_start3A_113 = arith.constant 0 : i32
      %dma_start3A_114 = tpu.memref_slice %arg2[%add3A, %dma_start3A_112, %dma_start3A_113] : memref<32x80x128xi32, #tpu.memory_space<hbm>> -> memref<1x80x128xi32, #tpu.memory_space<hbm>>
      %dma_start3A_115 = tpu.memref_squeeze %dma_start3A_114 : memref<1x80x128xi32, #tpu.memory_space<hbm>> -> memref<80x128xi32, #tpu.memory_space<hbm>>
      %dma_start3A_116 = arith.constant 0 : i32
      %dma_start3A_117 = arith.constant 0 : i32
      %dma_start3A_118 = tpu.memref_slice %arg2[%add3A, %dma_start3A_116, %dma_start3A_117] : memref<32x80x128xi32, #tpu.memory_space<hbm>> -> memref<1x80x128xi32, #tpu.memory_space<hbm>>
      %dma_start3A_119 = tpu.memref_squeeze %dma_start3A_118 : memref<1x80x128xi32, #tpu.memory_space<hbm>> -> memref<80x128xi32, #tpu.memory_space<hbm>>
      tpu.enqueue_dma source(%dma_start3A_119 : memref<80x128xi32, #tpu.memory_space<hbm>>) target(%arg5 : memref<80x128xi32, #tpu.memory_space<vmem>>) target_semaphore(%run_scoped3A_111 : memref<!tpu.dma_semaphore, #tpu.memory_space<semaphore_mem>>)
      %dma_wait3A_120 = arith.constant 0 : i32
      %dma_wait3A_121 = arith.constant 0 : i32
      %dma_wait3A_122 = tpu.memref_slice %arg2[%add3A, %dma_wait3A_120, %dma_wait3A_121] : memref<32x80x128xi32, #tpu.memory_space<hbm>> -> memref<1x80x128xi32, #tpu.memory_space<hbm>>
      %dma_wait3A_123 = tpu.memref_squeeze %dma_wait3A_122 : memref<1x80x128xi32, #tpu.memory_space<hbm>> -> memref<80x128xi32, #tpu.memory_space<hbm>>
      %dma_wait3A_124 = arith.constant 0 : i32
      %dma_wait3A_125 = arith.constant 0 : i32
      %dma_wait3A_126 = tpu.memref_slice %arg2[%add3A, %dma_wait3A_124, %dma_wait3A_125] : memref<32x80x128xi32, #tpu.memory_space<hbm>> -> memref<1x80x128xi32, #tpu.memory_space<hbm>>
      %dma_wait3A_127 = tpu.memref_squeeze %dma_wait3A_126 : memref<1x80x128xi32, #tpu.memory_space<hbm>> -> memref<80x128xi32, #tpu.memory_space<hbm>>
      tpu.wait_dma2 semaphore(%run_scoped3A_111 : memref<!tpu.dma_semaphore, #tpu.memory_space<semaphore_mem>>) src(%dma_wait3A_127 : memref<80x128xi32, #tpu.memory_space<hbm>>) dst(%arg5 : memref<80x128xi32, #tpu.memory_space<vmem>>)
      tpu.yield
    }) : () -> ()
    "tpu.region"() ({
      %run_scoped3A_111 = tpu.sem_alloc : memref<!tpu.dma_semaphore, #tpu.memory_space<semaphore_mem>>
      %dma_start3A_112 = arith.constant 0 : i32
      %dma_start3A_113 = arith.constant 0 : i32
      %dma_start3A_114 = tpu.memref_slice %arg3[%arg1, %dma_start3A_112, %dma_start3A_113] : memref<16x5x128xi32, #tpu.memory_space<hbm>> -> memref<1x5x128xi32, #tpu.memory_space<hbm>>
      %dma_start3A_115 = tpu.memref_squeeze %dma_start3A_114 : memref<1x5x128xi32, #tpu.memory_space<hbm>> -> memref<5x128xi32, #tpu.memory_space<hbm>>
      %dma_start3A_116 = arith.constant 0 : i32
      %dma_start3A_117 = arith.constant 0 : i32
      %dma_start3A_118 = tpu.memref_slice %arg3[%arg1, %dma_start3A_116, %dma_start3A_117] : memref<16x5x128xi32, #tpu.memory_space<hbm>> -> memref<1x5x128xi32, #tpu.memory_space<hbm>>
      %dma_start3A_119 = tpu.memref_squeeze %dma_start3A_118 : memref<1x5x128xi32, #tpu.memory_space<hbm>> -> memref<5x128xi32, #tpu.memory_space<hbm>>
      tpu.enqueue_dma source(%dma_start3A_119 : memref<5x128xi32, #tpu.memory_space<hbm>>) target(%arg8 : memref<5x128xi32, #tpu.memory_space<vmem>>) target_semaphore(%run_scoped3A_111 : memref<!tpu.dma_semaphore, #tpu.memory_space<semaphore_mem>>)
      %dma_wait3A_120 = arith.constant 0 : i32
      %dma_wait3A_121 = arith.constant 0 : i32
      %dma_wait3A_122 = tpu.memref_slice %arg3[%arg1, %dma_wait3A_120, %dma_wait3A_121] : memref<16x5x128xi32, #tpu.memory_space<hbm>> -> memref<1x5x128xi32, #tpu.memory_space<hbm>>
      %dma_wait3A_123 = tpu.memref_squeeze %dma_wait3A_122 : memref<1x5x128xi32, #tpu.memory_space<hbm>> -> memref<5x128xi32, #tpu.memory_space<hbm>>
      %dma_wait3A_124 = arith.constant 0 : i32
      %dma_wait3A_125 = arith.constant 0 : i32
      %dma_wait3A_126 = tpu.memref_slice %arg3[%arg1, %dma_wait3A_124, %dma_wait3A_125] : memref<16x5x128xi32, #tpu.memory_space<hbm>> -> memref<1x5x128xi32, #tpu.memory_space<hbm>>
      %dma_wait3A_127 = tpu.memref_squeeze %dma_wait3A_126 : memref<1x5x128xi32, #tpu.memory_space<hbm>> -> memref<5x128xi32, #tpu.memory_space<hbm>>
      tpu.wait_dma2 semaphore(%run_scoped3A_111 : memref<!tpu.dma_semaphore, #tpu.memory_space<semaphore_mem>>) src(%dma_wait3A_127 : memref<5x128xi32, #tpu.memory_space<hbm>>) dst(%arg8 : memref<5x128xi32, #tpu.memory_space<vmem>>)
      tpu.yield
    }) : () -> ()
    %broadcast_in_dim3A = arith.constant 1.000000e+00 : f32
    %broadcast_in_dim3A_1 = vector.broadcast %broadcast_in_dim3A : f32 to vector<16xf32>
    %scan3A = arith.constant 0 : i32
    %scan3A_2 = arith.constant 128 : i32
    %scan3A_3 = arith.addi %scan3A, %scan3A_2 : i32
    %scan3A_4 = arith.constant 1 : i32
    scf.for %scan3A_111 = %scan3A to %scan3A_3 step %scan3A_4  : i32 {
      %mul3A_112 = arith.constant 1 : i32
      %mul3A_113 = arith.muli %scan3A_111, %mul3A_112 : i32
      %add3A_114 = arith.constant 0 : i32
      %add3A_115 = arith.addi %add3A_114, %mul3A_113 : i32
      %swap3A = arith.index_cast %add3A_115 : i32 to index
      %swap3A_116 = arith.constant 0 : index
      %swap3A_117 = tpu.vector_load %arg6[%swap3A, %swap3A_116] {strides = array<i32>} : memref<128x128xf32, #tpu.memory_space<vmem>>, vector<1x16xf32>,
      %swap3A_118 = vector.shape_cast %swap3A_117 : vector<1x16xf32> to vector<16xf32>
      %swap3A_119 = vector.shape_cast %broadcast_in_dim3A_1 : vector<16xf32> to vector<1x16xf32>
      tpu.vector_store %arg6[%swap3A, %swap3A_116], %swap3A_119 {strides = array<i32>} : memref<128x128xf32, #tpu.memory_space<vmem>>, vector<1x16xf32>,
      %swap3A_120 = arith.index_cast %add3A_115 : i32 to index
      %swap3A_121 = arith.constant 16 : index
      %swap3A_122 = tpu.vector_load %arg6[%swap3A_120, %swap3A_121] {strides = array<i32>} : memref<128x128xf32, #tpu.memory_space<vmem>>, vector<1x16xf32>,
      %swap3A_123 = vector.shape_cast %swap3A_122 : vector<1x16xf32> to vector<16xf32>
      %swap3A_124 = vector.shape_cast %broadcast_in_dim3A_1 : vector<16xf32> to vector<1x16xf32>
      tpu.vector_store %arg6[%swap3A_120, %swap3A_121], %swap3A_124 {strides = array<i32>} : memref<128x128xf32, #tpu.memory_space<vmem>>, vector<1x16xf32>,
      %swap3A_125 = arith.index_cast %add3A_115 : i32 to index
      %swap3A_126 = arith.constant 32 : index
      %swap3A_127 = tpu.vector_load %arg6[%swap3A_125, %swap3A_126] {strides = array<i32>} : memref<128x128xf32, #tpu.memory_space<vmem>>, vector<1x16xf32>,
      %swap3A_128 = vector.shape_cast %swap3A_127 : vector<1x16xf32> to vector<16xf32>
      %swap3A_129 = vector.shape_cast %broadcast_in_dim3A_1 : vector<16xf32> to vector<1x16xf32>
      tpu.vector_store %arg6[%swap3A_125, %swap3A_126], %swap3A_129 {strides = array<i32>} : memref<128x128xf32, #tpu.memory_space<vmem>>, vector<1x16xf32>,
      %swap3A_130 = arith.index_cast %add3A_115 : i32 to index
      %swap3A_131 = arith.constant 48 : index
      %swap3A_132 = tpu.vector_load %arg6[%swap3A_130, %swap3A_131] {strides = array<i32>} : memref<128x128xf32, #tpu.memory_space<vmem>>, vector<1x16xf32>,
      %swap3A_133 = vector.shape_cast %swap3A_132 : vector<1x16xf32> to vector<16xf32>
      %swap3A_134 = vector.shape_cast %broadcast_in_dim3A_1 : vector<16xf32> to vector<1x16xf32>
      tpu.vector_store %arg6[%swap3A_130, %swap3A_131], %swap3A_134 {strides = array<i32>} : memref<128x128xf32, #tpu.memory_space<vmem>>, vector<1x16xf32>,
      %swap3A_135 = arith.index_cast %add3A_115 : i32 to index
      %swap3A_136 = arith.constant 64 : index
      %swap3A_137 = tpu.vector_load %arg6[%swap3A_135, %swap3A_136] {strides = array<i32>} : memref<128x128xf32, #tpu.memory_space<vmem>>, vector<1x16xf32>,
      %swap3A_138 = vector.shape_cast %swap3A_137 : vector<1x16xf32> to vector<16xf32>
      %swap3A_139 = vector.shape_cast %broadcast_in_dim3A_1 : vector<16xf32> to vector<1x16xf32>
      tpu.vector_store %arg6[%swap3A_135, %swap3A_136], %swap3A_139 {strides = array<i32>} : memref<128x128xf32, #tpu.memory_space<vmem>>, vector<1x16xf32>,
      %swap3A_140 = arith.index_cast %add3A_115 : i32 to index
      %swap3A_141 = arith.constant 80 : index
      %swap3A_142 = tpu.vector_load %arg6[%swap3A_140, %swap3A_141] {strides = array<i32>} : memref<128x128xf32, #tpu.memory_space<vmem>>, vector<1x16xf32>,
      %swap3A_143 = vector.shape_cast %swap3A_142 : vector<1x16xf32> to vector<16xf32>
      %swap3A_144 = vector.shape_cast %broadcast_in_dim3A_1 : vector<16xf32> to vector<1x16xf32>
      tpu.vector_store %arg6[%swap3A_140, %swap3A_141], %swap3A_144 {strides = array<i32>} : memref<128x128xf32, #tpu.memory_space<vmem>>, vector<1x16xf32>,
      %swap3A_145 = arith.index_cast %add3A_115 : i32 to index
      %swap3A_146 = arith.constant 96 : index
      %swap3A_147 = tpu.vector_load %arg6[%swap3A_145, %swap3A_146] {strides = array<i32>} : memref<128x128xf32, #tpu.memory_space<vmem>>, vector<1x16xf32>,
      %swap3A_148 = vector.shape_cast %swap3A_147 : vector<1x16xf32> to vector<16xf32>
      %swap3A_149 = vector.shape_cast %broadcast_in_dim3A_1 : vector<16xf32> to vector<1x16xf32>
      tpu.vector_store %arg6[%swap3A_145, %swap3A_146], %swap3A_149 {strides = array<i32>} : memref<128x128xf32, #tpu.memory_space<vmem>>, vector<1x16xf32>,
      %swap3A_150 = arith.index_cast %add3A_115 : i32 to index
      %swap3A_151 = arith.constant 112 : index
      %swap3A_152 = tpu.vector_load %arg6[%swap3A_150, %swap3A_151] {strides = array<i32>} : memref<128x128xf32, #tpu.memory_space<vmem>>, vector<1x16xf32>,
      %swap3A_153 = vector.shape_cast %swap3A_152 : vector<1x16xf32> to vector<16xf32>
      %swap3A_154 = vector.shape_cast %broadcast_in_dim3A_1 : vector<16xf32> to vector<1x16xf32>
      tpu.vector_store %arg6[%swap3A_150, %swap3A_151], %swap3A_154 {strides = array<i32>} : memref<128x128xf32, #tpu.memory_space<vmem>>, vector<1x16xf32>,
    }
    %scan3A_5 = arith.constant 128 : i32
    %broadcast_in_dim3A_6 = arith.constant 0.000000e+00 : f32
    %broadcast_in_dim3A_7 = vector.broadcast %broadcast_in_dim3A_6 : f32 to vector<16xf32>
    %scan3A_8 = arith.constant 0 : i32
    %scan3A_9 = arith.constant 128 : i32
    %scan3A_10 = arith.addi %scan3A_8, %scan3A_9 : i32
    %scan3A_11 = arith.constant 1 : i32
    scf.for %scan3A_111 = %scan3A_8 to %scan3A_10 step %scan3A_11  : i32 {
      %mul3A_112 = arith.constant 1 : i32
      %mul3A_113 = arith.muli %scan3A_111, %mul3A_112 : i32
      %add3A_114 = arith.constant 0 : i32
      %add3A_115 = arith.addi %add3A_114, %mul3A_113 : i32
      %swap3A = arith.index_cast %add3A_115 : i32 to index
      %swap3A_116 = arith.constant 0 : index
      %swap3A_117 = tpu.vector_load %arg7[%swap3A, %swap3A_116] {strides = array<i32>} : memref<128x128xf32, #tpu.memory_space<vmem>>, vector<1x16xf32>,
      %swap3A_118 = vector.shape_cast %swap3A_117 : vector<1x16xf32> to vector<16xf32>
      %swap3A_119 = vector.shape_cast %broadcast_in_dim3A_7 : vector<16xf32> to vector<1x16xf32>
      tpu.vector_store %arg7[%swap3A, %swap3A_116], %swap3A_119 {strides = array<i32>} : memref<128x128xf32, #tpu.memory_space<vmem>>, vector<1x16xf32>,
      %swap3A_120 = arith.index_cast %add3A_115 : i32 to index
      %swap3A_121 = arith.constant 16 : index
      %swap3A_122 = tpu.vector_load %arg7[%swap3A_120, %swap3A_121] {strides = array<i32>} : memref<128x128xf32, #tpu.memory_space<vmem>>, vector<1x16xf32>,
      %swap3A_123 = vector.shape_cast %swap3A_122 : vector<1x16xf32> to vector<16xf32>
      %swap3A_124 = vector.shape_cast %broadcast_in_dim3A_7 : vector<16xf32> to vector<1x16xf32>
      tpu.vector_store %arg7[%swap3A_120, %swap3A_121], %swap3A_124 {strides = array<i32>} : memref<128x128xf32, #tpu.memory_space<vmem>>, vector<1x16xf32>,
      %swap3A_125 = arith.index_cast %add3A_115 : i32 to index
      %swap3A_126 = arith.constant 32 : index
      %swap3A_127 = tpu.vector_load %arg7[%swap3A_125, %swap3A_126] {strides = array<i32>} : memref<128x128xf32, #tpu.memory_space<vmem>>, vector<1x16xf32>,
      %swap3A_128 = vector.shape_cast %swap3A_127 : vector<1x16xf32> to vector<16xf32>
      %swap3A_129 = vector.shape_cast %broadcast_in_dim3A_7 : vector<16xf32> to vector<1x16xf32>
      tpu.vector_store %arg7[%swap3A_125, %swap3A_126], %swap3A_129 {strides = array<i32>} : memref<128x128xf32, #tpu.memory_space<vmem>>, vector<1x16xf32>,
      %swap3A_130 = arith.index_cast %add3A_115 : i32 to index
      %swap3A_131 = arith.constant 48 : index
      %swap3A_132 = tpu.vector_load %arg7[%swap3A_130, %swap3A_131] {strides = array<i32>} : memref<128x128xf32, #tpu.memory_space<vmem>>, vector<1x16xf32>,
      %swap3A_133 = vector.shape_cast %swap3A_132 : vector<1x16xf32> to vector<16xf32>
      %swap3A_134 = vector.shape_cast %broadcast_in_dim3A_7 : vector<16xf32> to vector<1x16xf32>
      tpu.vector_store %arg7[%swap3A_130, %swap3A_131], %swap3A_134 {strides = array<i32>} : memref<128x128xf32, #tpu.memory_space<vmem>>, vector<1x16xf32>,
      %swap3A_135 = arith.index_cast %add3A_115 : i32 to index
      %swap3A_136 = arith.constant 64 : index
      %swap3A_137 = tpu.vector_load %arg7[%swap3A_135, %swap3A_136] {strides = array<i32>} : memref<128x128xf32, #tpu.memory_space<vmem>>, vector<1x16xf32>,
      %swap3A_138 = vector.shape_cast %swap3A_137 : vector<1x16xf32> to vector<16xf32>
      %swap3A_139 = vector.shape_cast %broadcast_in_dim3A_7 : vector<16xf32> to vector<1x16xf32>
      tpu.vector_store %arg7[%swap3A_135, %swap3A_136], %swap3A_139 {strides = array<i32>} : memref<128x128xf32, #tpu.memory_space<vmem>>, vector<1x16xf32>,
      %swap3A_140 = arith.index_cast %add3A_115 : i32 to index
      %swap3A_141 = arith.constant 80 : index
      %swap3A_142 = tpu.vector_load %arg7[%swap3A_140, %swap3A_141] {strides = array<i32>} : memref<128x128xf32, #tpu.memory_space<vmem>>, vector<1x16xf32>,
      %swap3A_143 = vector.shape_cast %swap3A_142 : vector<1x16xf32> to vector<16xf32>
      %swap3A_144 = vector.shape_cast %broadcast_in_dim3A_7 : vector<16xf32> to vector<1x16xf32>
      tpu.vector_store %arg7[%swap3A_140, %swap3A_141], %swap3A_144 {strides = array<i32>} : memref<128x128xf32, #tpu.memory_space<vmem>>, vector<1x16xf32>,
      %swap3A_145 = arith.index_cast %add3A_115 : i32 to index
      %swap3A_146 = arith.constant 96 : index
      %swap3A_147 = tpu.vector_load %arg7[%swap3A_145, %swap3A_146] {strides = array<i32>} : memref<128x128xf32, #tpu.memory_space<vmem>>, vector<1x16xf32>,
      %swap3A_148 = vector.shape_cast %swap3A_147 : vector<1x16xf32> to vector<16xf32>
      %swap3A_149 = vector.shape_cast %broadcast_in_dim3A_7 : vector<16xf32> to vector<1x16xf32>
      tpu.vector_store %arg7[%swap3A_145, %swap3A_146], %swap3A_149 {strides = array<i32>} : memref<128x128xf32, #tpu.memory_space<vmem>>, vector<1x16xf32>,
      %swap3A_150 = arith.index_cast %add3A_115 : i32 to index
      %swap3A_151 = arith.constant 112 : index
      %swap3A_152 = tpu.vector_load %arg7[%swap3A_150, %swap3A_151] {strides = array<i32>} : memref<128x128xf32, #tpu.memory_space<vmem>>, vector<1x16xf32>,
      %swap3A_153 = vector.shape_cast %swap3A_152 : vector<1x16xf32> to vector<16xf32>
      %swap3A_154 = vector.shape_cast %broadcast_in_dim3A_7 : vector<16xf32> to vector<1x16xf32>
      tpu.vector_store %arg7[%swap3A_150, %swap3A_151], %swap3A_154 {strides = array<i32>} : memref<128x128xf32, #tpu.memory_space<vmem>>, vector<1x16xf32>,
    }
    %scan3A_12 = arith.constant 128 : i32
    %run_scoped3A = arith.constant 0 : i32
    "tpu.region"() ({
      %run_scoped3A_111 = tpu.sem_alloc : memref<!tpu.dma_semaphore, #tpu.memory_space<semaphore_mem>>
      %dma_start3A_112 = arith.constant 0 : i32
      %dma_start3A_113 = tpu.memref_slice %arg8[%run_scoped3A, %dma_start3A_112] : memref<5x128xi32, #tpu.memory_space<vmem>> -> memref<1x128xi32, #tpu.memory_space<vmem>>
      %dma_start3A_114 = tpu.memref_squeeze %dma_start3A_113 : memref<1x128xi32, #tpu.memory_space<vmem>> -> memref<128xi32, #tpu.memory_space<vmem>>
      %dma_start3A_115 = arith.constant 0 : i32
      %dma_start3A_116 = arith.constant 0 : i32
      %dma_start3A_117 = tpu.memref_slice %arg9[%dma_start3A_115, %dma_start3A_116] : memref<10240x128xf32, #tpu.memory_space<vmem_shared>> -> memref<10240x128xf32, #tpu.memory_space<vmem_shared>>
      tpu.enqueue_indirect_dma source(%arg7 : memref<128x128xf32, #tpu.memory_space<vmem>>) target(%dma_start3A_117 : memref<10240x128xf32, #tpu.memory_space<vmem_shared>>) offsets(%dma_start3A_114 : memref<128xi32, #tpu.memory_space<vmem>>) semaphore(%run_scoped3A_111 : memref<!tpu.dma_semaphore, #tpu.memory_space<semaphore_mem>>)
      %dma_wait3A_118 = arith.constant 0 : i32
      %dma_wait3A_119 = tpu.memref_slice %arg8[%run_scoped3A, %dma_wait3A_118] : memref<5x128xi32, #tpu.memory_space<vmem>> -> memref<1x128xi32, #tpu.memory_space<vmem>>
      %dma_wait3A_120 = tpu.memref_squeeze %dma_wait3A_119 : memref<1x128xi32, #tpu.memory_space<vmem>> -> memref<128xi32, #tpu.memory_space<vmem>>
      %dma_wait3A_121 = arith.constant 0 : i32
      %dma_wait3A_122 = arith.constant 0 : i32
      %dma_wait3A_123 = tpu.memref_slice %arg9[%dma_wait3A_121, %dma_wait3A_122] : memref<10240x128xf32, #tpu.memory_space<vmem_shared>> -> memref<10240x128xf32, #tpu.memory_space<vmem_shared>>
      tpu.wait_indirect_dma semaphore(%run_scoped3A_111 : memref<!tpu.dma_semaphore, #tpu.memory_space<semaphore_mem>>) src(%arg7 : memref<128x128xf32, #tpu.memory_space<vmem>>) dst(%dma_wait3A_123 : memref<10240x128xf32, #tpu.memory_space<vmem_shared>>)
      tpu.yield
    }) : () -> ()
    %run_scoped3A_13 = arith.constant 1 : i32
    "tpu.region"() ({
      %run_scoped3A_111 = tpu.sem_alloc : memref<!tpu.dma_semaphore, #tpu.memory_space<semaphore_mem>>
      %dma_start3A_112 = arith.constant 0 : i32
      %dma_start3A_113 = tpu.memref_slice %arg8[%run_scoped3A_13, %dma_start3A_112] : memref<5x128xi32, #tpu.memory_space<vmem>> -> memref<1x128xi32, #tpu.memory_space<vmem>>
      %dma_start3A_114 = tpu.memref_squeeze %dma_start3A_113 : memref<1x128xi32, #tpu.memory_space<vmem>> -> memref<128xi32, #tpu.memory_space<vmem>>
      %dma_start3A_115 = arith.constant 0 : i32
      %dma_start3A_116 = arith.constant 0 : i32
      %dma_start3A_117 = tpu.memref_slice %arg9[%dma_start3A_115, %dma_start3A_116] : memref<10240x128xf32, #tpu.memory_space<vmem_shared>> -> memref<10240x128xf32, #tpu.memory_space<vmem_shared>>
      tpu.enqueue_indirect_dma source(%arg7 : memref<128x128xf32, #tpu.memory_space<vmem>>) target(%dma_start3A_117 : memref<10240x128xf32, #tpu.memory_space<vmem_shared>>) offsets(%dma_start3A_114 : memref<128xi32, #tpu.memory_space<vmem>>) semaphore(%run_scoped3A_111 : memref<!tpu.dma_semaphore, #tpu.memory_space<semaphore_mem>>)
      %dma_wait3A_118 = arith.constant 0 : i32
      %dma_wait3A_119 = tpu.memref_slice %arg8[%run_scoped3A_13, %dma_wait3A_118] : memref<5x128xi32, #tpu.memory_space<vmem>> -> memref<1x128xi32, #tpu.memory_space<vmem>>
      %dma_wait3A_120 = tpu.memref_squeeze %dma_wait3A_119 : memref<1x128xi32, #tpu.memory_space<vmem>> -> memref<128xi32, #tpu.memory_space<vmem>>
      %dma_wait3A_121 = arith.constant 0 : i32
      %dma_wait3A_122 = arith.constant 0 : i32
      %dma_wait3A_123 = tpu.memref_slice %arg9[%dma_wait3A_121, %dma_wait3A_122] : memref<10240x128xf32, #tpu.memory_space<vmem_shared>> -> memref<10240x128xf32, #tpu.memory_space<vmem_shared>>
      tpu.wait_indirect_dma semaphore(%run_scoped3A_111 : memref<!tpu.dma_semaphore, #tpu.memory_space<semaphore_mem>>) src(%arg7 : memref<128x128xf32, #tpu.memory_space<vmem>>) dst(%dma_wait3A_123 : memref<10240x128xf32, #tpu.memory_space<vmem_shared>>)
      tpu.yield
    }) : () -> ()
    %run_scoped3A_14 = arith.constant 2 : i32
    "tpu.region"() ({
      %run_scoped3A_111 = tpu.sem_alloc : memref<!tpu.dma_semaphore, #tpu.memory_space<semaphore_mem>>
      %dma_start3A_112 = arith.constant 0 : i32
      %dma_start3A_113 = tpu.memref_slice %arg8[%run_scoped3A_14, %dma_start3A_112] : memref<5x128xi32, #tpu.memory_space<vmem>> -> memref<1x128xi32, #tpu.memory_space<vmem>>
      %dma_start3A_114 = tpu.memref_squeeze %dma_start3A_113 : memref<1x128xi32, #tpu.memory_space<vmem>> -> memref<128xi32, #tpu.memory_space<vmem>>
      %dma_start3A_115 = arith.constant 0 : i32
      %dma_start3A_116 = arith.constant 0 : i32
      %dma_start3A_117 = tpu.memref_slice %arg9[%dma_start3A_115, %dma_start3A_116] : memref<10240x128xf32, #tpu.memory_space<vmem_shared>> -> memref<10240x128xf32, #tpu.memory_space<vmem_shared>>
      tpu.enqueue_indirect_dma source(%arg7 : memref<128x128xf32, #tpu.memory_space<vmem>>) target(%dma_start3A_117 : memref<10240x128xf32, #tpu.memory_space<vmem_shared>>) offsets(%dma_start3A_114 : memref<128xi32, #tpu.memory_space<vmem>>) semaphore(%run_scoped3A_111 : memref<!tpu.dma_semaphore, #tpu.memory_space<semaphore_mem>>)
      %dma_wait3A_118 = arith.constant 0 : i32
      %dma_wait3A_119 = tpu.memref_slice %arg8[%run_scoped3A_14, %dma_wait3A_118] : memref<5x128xi32, #tpu.memory_space<vmem>> -> memref<1x128xi32, #tpu.memory_space<vmem>>
      %dma_wait3A_120 = tpu.memref_squeeze %dma_wait3A_119 : memref<1x128xi32, #tpu.memory_space<vmem>> -> memref<128xi32, #tpu.memory_space<vmem>>
      %dma_wait3A_121 = arith.constant 0 : i32
      %dma_wait3A_122 = arith.constant 0 : i32
      %dma_wait3A_123 = tpu.memref_slice %arg9[%dma_wait3A_121, %dma_wait3A_122] : memref<10240x128xf32, #tpu.memory_space<vmem_shared>> -> memref<10240x128xf32, #tpu.memory_space<vmem_shared>>
      tpu.wait_indirect_dma semaphore(%run_scoped3A_111 : memref<!tpu.dma_semaphore, #tpu.memory_space<semaphore_mem>>) src(%arg7 : memref<128x128xf32, #tpu.memory_space<vmem>>) dst(%dma_wait3A_123 : memref<10240x128xf32, #tpu.memory_space<vmem_shared>>)
      tpu.yield
    }) : () -> ()
    %run_scoped3A_15 = arith.constant 3 : i32
    "tpu.region"() ({
      %run_scoped3A_111 = tpu.sem_alloc : memref<!tpu.dma_semaphore, #tpu.memory_space<semaphore_mem>>
      %dma_start3A_112 = arith.constant 0 : i32
      %dma_start3A_113 = tpu.memref_slice %arg8[%run_scoped3A_15, %dma_start3A_112] : memref<5x128xi32, #tpu.memory_space<vmem>> -> memref<1x128xi32, #tpu.memory_space<vmem>>
      %dma_start3A_114 = tpu.memref_squeeze %dma_start3A_113 : memref<1x128xi32, #tpu.memory_space<vmem>> -> memref<128xi32, #tpu.memory_space<vmem>>
      %dma_start3A_115 = arith.constant 0 : i32
      %dma_start3A_116 = arith.constant 0 : i32
      %dma_start3A_117 = tpu.memref_slice %arg9[%dma_start3A_115, %dma_start3A_116] : memref<10240x128xf32, #tpu.memory_space<vmem_shared>> -> memref<10240x128xf32, #tpu.memory_space<vmem_shared>>
      tpu.enqueue_indirect_dma source(%arg7 : memref<128x128xf32, #tpu.memory_space<vmem>>) target(%dma_start3A_117 : memref<10240x128xf32, #tpu.memory_space<vmem_shared>>) offsets(%dma_start3A_114 : memref<128xi32, #tpu.memory_space<vmem>>) semaphore(%run_scoped3A_111 : memref<!tpu.dma_semaphore, #tpu.memory_space<semaphore_mem>>)
      %dma_wait3A_118 = arith.constant 0 : i32
      %dma_wait3A_119 = tpu.memref_slice %arg8[%run_scoped3A_15, %dma_wait3A_118] : memref<5x128xi32, #tpu.memory_space<vmem>> -> memref<1x128xi32, #tpu.memory_space<vmem>>
      %dma_wait3A_120 = tpu.memref_squeeze %dma_wait3A_119 : memref<1x128xi32, #tpu.memory_space<vmem>> -> memref<128xi32, #tpu.memory_space<vmem>>
      %dma_wait3A_121 = arith.constant 0 : i32
      %dma_wait3A_122 = arith.constant 0 : i32
      %dma_wait3A_123 = tpu.memref_slice %arg9[%dma_wait3A_121, %dma_wait3A_122] : memref<10240x128xf32, #tpu.memory_space<vmem_shared>> -> memref<10240x128xf32, #tpu.memory_space<vmem_shared>>
      tpu.wait_indirect_dma semaphore(%run_scoped3A_111 : memref<!tpu.dma_semaphore, #tpu.memory_space<semaphore_mem>>) src(%arg7 : memref<128x128xf32, #tpu.memory_space<vmem>>) dst(%dma_wait3A_123 : memref<10240x128xf32, #tpu.memory_space<vmem_shared>>)
      tpu.yield
    }) : () -> ()
    %run_scoped3A_16 = arith.constant 4 : i32
    "tpu.region"() ({
      %run_scoped3A_111 = tpu.sem_alloc : memref<!tpu.dma_semaphore, #tpu.memory_space<semaphore_mem>>
      %dma_start3A_112 = arith.constant 0 : i32
      %dma_start3A_113 = tpu.memref_slice %arg8[%run_scoped3A_16, %dma_start3A_112] : memref<5x128xi32, #tpu.memory_space<vmem>> -> memref<1x128xi32, #tpu.memory_space<vmem>>
      %dma_start3A_114 = tpu.memref_squeeze %dma_start3A_113 : memref<1x128xi32, #tpu.memory_space<vmem>> -> memref<128xi32, #tpu.memory_space<vmem>>
      %dma_start3A_115 = arith.constant 0 : i32
      %dma_start3A_116 = arith.constant 0 : i32
      %dma_start3A_117 = tpu.memref_slice %arg9[%dma_start3A_115, %dma_start3A_116] : memref<10240x128xf32, #tpu.memory_space<vmem_shared>> -> memref<10240x128xf32, #tpu.memory_space<vmem_shared>>
      tpu.enqueue_indirect_dma source(%arg7 : memref<128x128xf32, #tpu.memory_space<vmem>>) target(%dma_start3A_117 : memref<10240x128xf32, #tpu.memory_space<vmem_shared>>) offsets(%dma_start3A_114 : memref<128xi32, #tpu.memory_space<vmem>>) semaphore(%run_scoped3A_111 : memref<!tpu.dma_semaphore, #tpu.memory_space<semaphore_mem>>)
      %dma_wait3A_118 = arith.constant 0 : i32
      %dma_wait3A_119 = tpu.memref_slice %arg8[%run_scoped3A_16, %dma_wait3A_118] : memref<5x128xi32, #tpu.memory_space<vmem>> -> memref<1x128xi32, #tpu.memory_space<vmem>>
      %dma_wait3A_120 = tpu.memref_squeeze %dma_wait3A_119 : memref<1x128xi32, #tpu.memory_space<vmem>> -> memref<128xi32, #tpu.memory_space<vmem>>
      %dma_wait3A_121 = arith.constant 0 : i32
      %dma_wait3A_122 = arith.constant 0 : i32
      %dma_wait3A_123 = tpu.memref_slice %arg9[%dma_wait3A_121, %dma_wait3A_122] : memref<10240x128xf32, #tpu.memory_space<vmem_shared>> -> memref<10240x128xf32, #tpu.memory_space<vmem_shared>>
      tpu.wait_indirect_dma semaphore(%run_scoped3A_111 : memref<!tpu.dma_semaphore, #tpu.memory_space<semaphore_mem>>) src(%arg7 : memref<128x128xf32, #tpu.memory_space<vmem>>) dst(%dma_wait3A_123 : memref<10240x128xf32, #tpu.memory_space<vmem_shared>>)
      tpu.yield
    }) : () -> ()
    %barrier3A = arith.constant 0 : index
    tpu.barrier barrier_id(%barrier3A)
    %scan3A_17 = arith.constant 0 : i32
    %scan3A_18 = arith.constant 10 : i32
    %scan3A_19 = arith.addi %scan3A_17, %scan3A_18 : i32
    %scan3A_20 = arith.constant 1 : i32
    scf.for %scan3A_111 = %scan3A_17 to %scan3A_19 step %scan3A_20  : i32 {
      %mul3A_112 = arith.constant 1 : i32
      %mul3A_113 = arith.muli %scan3A_111, %mul3A_112 : i32
      %add3A_114 = arith.constant 0 : i32
      %add3A_115 = arith.addi %add3A_114, %mul3A_113 : i32
      %mul3A_116 = arith.constant 8 : i32
      %mul3A_117 = arith.muli %add3A_115, %mul3A_116 : i32
      %add3A_118 = arith.constant 0 : i32
      %add3A_119 = arith.addi %mul3A_117, %add3A_118 : i32
      %dma_start3A_120 = arith.constant 0 : i32
      %dma_start3A_121 = tpu.memref_slice %arg5[%add3A_119, %dma_start3A_120] : memref<80x128xi32, #tpu.memory_space<vmem>> -> memref<1x128xi32, #tpu.memory_space<vmem>>
      %dma_start3A_122 = tpu.memref_squeeze %dma_start3A_121 : memref<1x128xi32, #tpu.memory_space<vmem>> -> memref<128xi32, #tpu.memory_space<vmem>>
      %dma_start3A_123 = arith.constant 0 : i32
      %dma_start3A_124 = arith.constant 0 : i32
      %dma_start3A_125 = tpu.memref_slice %arg9[%dma_start3A_123, %dma_start3A_124] : memref<10240x128xf32, #tpu.memory_space<vmem_shared>> -> memref<10240x128xf32, #tpu.memory_space<vmem_shared>>
      tpu.enqueue_indirect_dma source(%arg6 : memref<128x128xf32, #tpu.memory_space<vmem>>) target(%dma_start3A_125 : memref<10240x128xf32, #tpu.memory_space<vmem_shared>>) offsets(%dma_start3A_122 : memref<128xi32, #tpu.memory_space<vmem>>) semaphore(%arg10 : memref<!tpu.dma_semaphore, #tpu.memory_space<semaphore_mem>>) {add = true}
      %mul3A_126 = arith.constant 8 : i32
      %mul3A_127 = arith.muli %add3A_115, %mul3A_126 : i32
      %add3A_128 = arith.constant 1 : i32
      %add3A_129 = arith.addi %mul3A_127, %add3A_128 : i32
      %dma_start3A_130 = arith.constant 0 : i32
      %dma_start3A_131 = tpu.memref_slice %arg5[%add3A_129, %dma_start3A_130] : memref<80x128xi32, #tpu.memory_space<vmem>> -> memref<1x128xi32, #tpu.memory_space<vmem>>
      %dma_start3A_132 = tpu.memref_squeeze %dma_start3A_131 : memref<1x128xi32, #tpu.memory_space<vmem>> -> memref<128xi32, #tpu.memory_space<vmem>>
      %dma_start3A_133 = arith.constant 0 : i32
      %dma_start3A_134 = arith.constant 0 : i32
      %dma_start3A_135 = tpu.memref_slice %arg9[%dma_start3A_133, %dma_start3A_134] : memref<10240x128xf32, #tpu.memory_space<vmem_shared>> -> memref<10240x128xf32, #tpu.memory_space<vmem_shared>>
      tpu.enqueue_indirect_dma source(%arg6 : memref<128x128xf32, #tpu.memory_space<vmem>>) target(%dma_start3A_135 : memref<10240x128xf32, #tpu.memory_space<vmem_shared>>) offsets(%dma_start3A_132 : memref<128xi32, #tpu.memory_space<vmem>>) semaphore(%arg10 : memref<!tpu.dma_semaphore, #tpu.memory_space<semaphore_mem>>) {add = true}
      %mul3A_136 = arith.constant 8 : i32
      %mul3A_137 = arith.muli %add3A_115, %mul3A_136 : i32
      %add3A_138 = arith.constant 2 : i32
      %add3A_139 = arith.addi %mul3A_137, %add3A_138 : i32
      %dma_start3A_140 = arith.constant 0 : i32
      %dma_start3A_141 = tpu.memref_slice %arg5[%add3A_139, %dma_start3A_140] : memref<80x128xi32, #tpu.memory_space<vmem>> -> memref<1x128xi32, #tpu.memory_space<vmem>>
      %dma_start3A_142 = tpu.memref_squeeze %dma_start3A_141 : memref<1x128xi32, #tpu.memory_space<vmem>> -> memref<128xi32, #tpu.memory_space<vmem>>
      %dma_start3A_143 = arith.constant 0 : i32
      %dma_start3A_144 = arith.constant 0 : i32
      %dma_start3A_145 = tpu.memref_slice %arg9[%dma_start3A_143, %dma_start3A_144] : memref<10240x128xf32, #tpu.memory_space<vmem_shared>> -> memref<10240x128xf32, #tpu.memory_space<vmem_shared>>
      tpu.enqueue_indirect_dma source(%arg6 : memref<128x128xf32, #tpu.memory_space<vmem>>) target(%dma_start3A_145 : memref<10240x128xf32, #tpu.memory_space<vmem_shared>>) offsets(%dma_start3A_142 : memref<128xi32, #tpu.memory_space<vmem>>) semaphore(%arg10 : memref<!tpu.dma_semaphore, #tpu.memory_space<semaphore_mem>>) {add = true}
      %mul3A_146 = arith.constant 8 : i32
      %mul3A_147 = arith.muli %add3A_115, %mul3A_146 : i32
      %add3A_148 = arith.constant 3 : i32
      %add3A_149 = arith.addi %mul3A_147, %add3A_148 : i32
      %dma_start3A_150 = arith.constant 0 : i32
      %dma_start3A_151 = tpu.memref_slice %arg5[%add3A_149, %dma_start3A_150] : memref<80x128xi32, #tpu.memory_space<vmem>> -> memref<1x128xi32, #tpu.memory_space<vmem>>
      %dma_start3A_152 = tpu.memref_squeeze %dma_start3A_151 : memref<1x128xi32, #tpu.memory_space<vmem>> -> memref<128xi32, #tpu.memory_space<vmem>>
      %dma_start3A_153 = arith.constant 0 : i32
      %dma_start3A_154 = arith.constant 0 : i32
      %dma_start3A_155 = tpu.memref_slice %arg9[%dma_start3A_153, %dma_start3A_154] : memref<10240x128xf32, #tpu.memory_space<vmem_shared>> -> memref<10240x128xf32, #tpu.memory_space<vmem_shared>>
      tpu.enqueue_indirect_dma source(%arg6 : memref<128x128xf32, #tpu.memory_space<vmem>>) target(%dma_start3A_155 : memref<10240x128xf32, #tpu.memory_space<vmem_shared>>) offsets(%dma_start3A_152 : memref<128xi32, #tpu.memory_space<vmem>>) semaphore(%arg10 : memref<!tpu.dma_semaphore, #tpu.memory_space<semaphore_mem>>) {add = true}
      %mul3A_156 = arith.constant 8 : i32
      %mul3A_157 = arith.muli %add3A_115, %mul3A_156 : i32
      %add3A_158 = arith.constant 4 : i32
      %add3A_159 = arith.addi %mul3A_157, %add3A_158 : i32
      %dma_start3A_160 = arith.constant 0 : i32
      %dma_start3A_161 = tpu.memref_slice %arg5[%add3A_159, %dma_start3A_160] : memref<80x128xi32, #tpu.memory_space<vmem>> -> memref<1x128xi32, #tpu.memory_space<vmem>>
      %dma_start3A_162 = tpu.memref_squeeze %dma_start3A_161 : memref<1x128xi32, #tpu.memory_space<vmem>> -> memref<128xi32, #tpu.memory_space<vmem>>
      %dma_start3A_163 = arith.constant 0 : i32
      %dma_start3A_164 = arith.constant 0 : i32
      %dma_start3A_165 = tpu.memref_slice %arg9[%dma_start3A_163, %dma_start3A_164] : memref<10240x128xf32, #tpu.memory_space<vmem_shared>> -> memref<10240x128xf32, #tpu.memory_space<vmem_shared>>
      tpu.enqueue_indirect_dma source(%arg6 : memref<128x128xf32, #tpu.memory_space<vmem>>) target(%dma_start3A_165 : memref<10240x128xf32, #tpu.memory_space<vmem_shared>>) offsets(%dma_start3A_162 : memref<128xi32, #tpu.memory_space<vmem>>) semaphore(%arg10 : memref<!tpu.dma_semaphore, #tpu.memory_space<semaphore_mem>>) {add = true}
      %mul3A_166 = arith.constant 8 : i32
      %mul3A_167 = arith.muli %add3A_115, %mul3A_166 : i32
      %add3A_168 = arith.constant 5 : i32
      %add3A_169 = arith.addi %mul3A_167, %add3A_168 : i32
      %dma_start3A_170 = arith.constant 0 : i32
      %dma_start3A_171 = tpu.memref_slice %arg5[%add3A_169, %dma_start3A_170] : memref<80x128xi32, #tpu.memory_space<vmem>> -> memref<1x128xi32, #tpu.memory_space<vmem>>
      %dma_start3A_172 = tpu.memref_squeeze %dma_start3A_171 : memref<1x128xi32, #tpu.memory_space<vmem>> -> memref<128xi32, #tpu.memory_space<vmem>>
      %dma_start3A_173 = arith.constant 0 : i32
      %dma_start3A_174 = arith.constant 0 : i32
      %dma_start3A_175 = tpu.memref_slice %arg9[%dma_start3A_173, %dma_start3A_174] : memref<10240x128xf32, #tpu.memory_space<vmem_shared>> -> memref<10240x128xf32, #tpu.memory_space<vmem_shared>>
      tpu.enqueue_indirect_dma source(%arg6 : memref<128x128xf32, #tpu.memory_space<vmem>>) target(%dma_start3A_175 : memref<10240x128xf32, #tpu.memory_space<vmem_shared>>) offsets(%dma_start3A_172 : memref<128xi32, #tpu.memory_space<vmem>>) semaphore(%arg10 : memref<!tpu.dma_semaphore, #tpu.memory_space<semaphore_mem>>) {add = true}
      %mul3A_176 = arith.constant 8 : i32
      %mul3A_177 = arith.muli %add3A_115, %mul3A_176 : i32
      %add3A_178 = arith.constant 6 : i32
      %add3A_179 = arith.addi %mul3A_177, %add3A_178 : i32
      %dma_start3A_180 = arith.constant 0 : i32
      %dma_start3A_181 = tpu.memref_slice %arg5[%add3A_179, %dma_start3A_180] : memref<80x128xi32, #tpu.memory_space<vmem>> -> memref<1x128xi32, #tpu.memory_space<vmem>>
      %dma_start3A_182 = tpu.memref_squeeze %dma_start3A_181 : memref<1x128xi32, #tpu.memory_space<vmem>> -> memref<128xi32, #tpu.memory_space<vmem>>
      %dma_start3A_183 = arith.constant 0 : i32
      %dma_start3A_184 = arith.constant 0 : i32
      %dma_start3A_185 = tpu.memref_slice %arg9[%dma_start3A_183, %dma_start3A_184] : memref<10240x128xf32, #tpu.memory_space<vmem_shared>> -> memref<10240x128xf32, #tpu.memory_space<vmem_shared>>
      tpu.enqueue_indirect_dma source(%arg6 : memref<128x128xf32, #tpu.memory_space<vmem>>) target(%dma_start3A_185 : memref<10240x128xf32, #tpu.memory_space<vmem_shared>>) offsets(%dma_start3A_182 : memref<128xi32, #tpu.memory_space<vmem>>) semaphore(%arg10 : memref<!tpu.dma_semaphore, #tpu.memory_space<semaphore_mem>>) {add = true}
      %mul3A_186 = arith.constant 8 : i32
      %mul3A_187 = arith.muli %add3A_115, %mul3A_186 : i32
      %add3A_188 = arith.constant 7 : i32
      %add3A_189 = arith.addi %mul3A_187, %add3A_188 : i32
      %dma_start3A_190 = arith.constant 0 : i32
      %dma_start3A_191 = tpu.memref_slice %arg5[%add3A_189, %dma_start3A_190] : memref<80x128xi32, #tpu.memory_space<vmem>> -> memref<1x128xi32, #tpu.memory_space<vmem>>
      %dma_start3A_192 = tpu.memref_squeeze %dma_start3A_191 : memref<1x128xi32, #tpu.memory_space<vmem>> -> memref<128xi32, #tpu.memory_space<vmem>>
      %dma_start3A_193 = arith.constant 0 : i32
      %dma_start3A_194 = arith.constant 0 : i32
      %dma_start3A_195 = tpu.memref_slice %arg9[%dma_start3A_193, %dma_start3A_194] : memref<10240x128xf32, #tpu.memory_space<vmem_shared>> -> memref<10240x128xf32, #tpu.memory_space<vmem_shared>>
      tpu.enqueue_indirect_dma source(%arg6 : memref<128x128xf32, #tpu.memory_space<vmem>>) target(%dma_start3A_195 : memref<10240x128xf32, #tpu.memory_space<vmem_shared>>) offsets(%dma_start3A_192 : memref<128xi32, #tpu.memory_space<vmem>>) semaphore(%arg10 : memref<!tpu.dma_semaphore, #tpu.memory_space<semaphore_mem>>) {add = true}
      %mul3A_196 = arith.constant 8 : i32
      %mul3A_197 = arith.muli %add3A_115, %mul3A_196 : i32
      %add3A_198 = arith.constant 0 : i32
      %add3A_199 = arith.addi %mul3A_197, %add3A_198 : i32
      %dma_wait3A_200 = arith.constant 0 : i32
      %dma_wait3A_201 = tpu.memref_slice %arg5[%add3A_199, %dma_wait3A_200] : memref<80x128xi32, #tpu.memory_space<vmem>> -> memref<1x128xi32, #tpu.memory_space<vmem>>
      %dma_wait3A_202 = tpu.memref_squeeze %dma_wait3A_201 : memref<1x128xi32, #tpu.memory_space<vmem>> -> memref<128xi32, #tpu.memory_space<vmem>>
      %dma_wait3A_203 = arith.constant 0 : i32
      %dma_wait3A_204 = arith.constant 0 : i32
      %dma_wait3A_205 = tpu.memref_slice %arg9[%dma_wait3A_203, %dma_wait3A_204] : memref<10240x128xf32, #tpu.memory_space<vmem_shared>> -> memref<10240x128xf32, #tpu.memory_space<vmem_shared>>
      tpu.wait_indirect_dma semaphore(%arg10 : memref<!tpu.dma_semaphore, #tpu.memory_space<semaphore_mem>>) src(%arg6 : memref<128x128xf32, #tpu.memory_space<vmem>>) dst(%dma_wait3A_205 : memref<10240x128xf32, #tpu.memory_space<vmem_shared>>)
      %mul3A_206 = arith.constant 8 : i32
      %mul3A_207 = arith.muli %add3A_115, %mul3A_206 : i32
      %add3A_208 = arith.constant 1 : i32
      %add3A_209 = arith.addi %mul3A_207, %add3A_208 : i32
      %dma_wait3A_210 = arith.constant 0 : i32
      %dma_wait3A_211 = tpu.memref_slice %arg5[%add3A_209, %dma_wait3A_210] : memref<80x128xi32, #tpu.memory_space<vmem>> -> memref<1x128xi32, #tpu.memory_space<vmem>>
      %dma_wait3A_212 = tpu.memref_squeeze %dma_wait3A_211 : memref<1x128xi32, #tpu.memory_space<vmem>> -> memref<128xi32, #tpu.memory_space<vmem>>
      %dma_wait3A_213 = arith.constant 0 : i32
      %dma_wait3A_214 = arith.constant 0 : i32
      %dma_wait3A_215 = tpu.memref_slice %arg9[%dma_wait3A_213, %dma_wait3A_214] : memref<10240x128xf32, #tpu.memory_space<vmem_shared>> -> memref<10240x128xf32, #tpu.memory_space<vmem_shared>>
      tpu.wait_indirect_dma semaphore(%arg10 : memref<!tpu.dma_semaphore, #tpu.memory_space<semaphore_mem>>) src(%arg6 : memref<128x128xf32, #tpu.memory_space<vmem>>) dst(%dma_wait3A_215 : memref<10240x128xf32, #tpu.memory_space<vmem_shared>>)
      %mul3A_216 = arith.constant 8 : i32
      %mul3A_217 = arith.muli %add3A_115, %mul3A_216 : i32
      %add3A_218 = arith.constant 2 : i32
      %add3A_219 = arith.addi %mul3A_217, %add3A_218 : i32
      %dma_wait3A_220 = arith.constant 0 : i32
      %dma_wait3A_221 = tpu.memref_slice %arg5[%add3A_219, %dma_wait3A_220] : memref<80x128xi32, #tpu.memory_space<vmem>> -> memref<1x128xi32, #tpu.memory_space<vmem>>
      %dma_wait3A_222 = tpu.memref_squeeze %dma_wait3A_221 : memref<1x128xi32, #tpu.memory_space<vmem>> -> memref<128xi32, #tpu.memory_space<vmem>>
      %dma_wait3A_223 = arith.constant 0 : i32
      %dma_wait3A_224 = arith.constant 0 : i32
      %dma_wait3A_225 = tpu.memref_slice %arg9[%dma_wait3A_223, %dma_wait3A_224] : memref<10240x128xf32, #tpu.memory_space<vmem_shared>> -> memref<10240x128xf32, #tpu.memory_space<vmem_shared>>
      tpu.wait_indirect_dma semaphore(%arg10 : memref<!tpu.dma_semaphore, #tpu.memory_space<semaphore_mem>>) src(%arg6 : memref<128x128xf32, #tpu.memory_space<vmem>>) dst(%dma_wait3A_225 : memref<10240x128xf32, #tpu.memory_space<vmem_shared>>)
      %mul3A_226 = arith.constant 8 : i32
      %mul3A_227 = arith.muli %add3A_115, %mul3A_226 : i32
      %add3A_228 = arith.constant 3 : i32
      %add3A_229 = arith.addi %mul3A_227, %add3A_228 : i32
      %dma_wait3A_230 = arith.constant 0 : i32
      %dma_wait3A_231 = tpu.memref_slice %arg5[%add3A_229, %dma_wait3A_230] : memref<80x128xi32, #tpu.memory_space<vmem>> -> memref<1x128xi32, #tpu.memory_space<vmem>>
      %dma_wait3A_232 = tpu.memref_squeeze %dma_wait3A_231 : memref<1x128xi32, #tpu.memory_space<vmem>> -> memref<128xi32, #tpu.memory_space<vmem>>
      %dma_wait3A_233 = arith.constant 0 : i32
      %dma_wait3A_234 = arith.constant 0 : i32
      %dma_wait3A_235 = tpu.memref_slice %arg9[%dma_wait3A_233, %dma_wait3A_234] : memref<10240x128xf32, #tpu.memory_space<vmem_shared>> -> memref<10240x128xf32, #tpu.memory_space<vmem_shared>>
      tpu.wait_indirect_dma semaphore(%arg10 : memref<!tpu.dma_semaphore, #tpu.memory_space<semaphore_mem>>) src(%arg6 : memref<128x128xf32, #tpu.memory_space<vmem>>) dst(%dma_wait3A_235 : memref<10240x128xf32, #tpu.memory_space<vmem_shared>>)
      %mul3A_236 = arith.constant 8 : i32
      %mul3A_237 = arith.muli %add3A_115, %mul3A_236 : i32
      %add3A_238 = arith.constant 4 : i32
      %add3A_239 = arith.addi %mul3A_237, %add3A_238 : i32
      %dma_wait3A_240 = arith.constant 0 : i32
      %dma_wait3A_241 = tpu.memref_slice %arg5[%add3A_239, %dma_wait3A_240] : memref<80x128xi32, #tpu.memory_space<vmem>> -> memref<1x128xi32, #tpu.memory_space<vmem>>
      %dma_wait3A_242 = tpu.memref_squeeze %dma_wait3A_241 : memref<1x128xi32, #tpu.memory_space<vmem>> -> memref<128xi32, #tpu.memory_space<vmem>>
      %dma_wait3A_243 = arith.constant 0 : i32
      %dma_wait3A_244 = arith.constant 0 : i32
      %dma_wait3A_245 = tpu.memref_slice %arg9[%dma_wait3A_243, %dma_wait3A_244] : memref<10240x128xf32, #tpu.memory_space<vmem_shared>> -> memref<10240x128xf32, #tpu.memory_space<vmem_shared>>
      tpu.wait_indirect_dma semaphore(%arg10 : memref<!tpu.dma_semaphore, #tpu.memory_space<semaphore_mem>>) src(%arg6 : memref<128x128xf32, #tpu.memory_space<vmem>>) dst(%dma_wait3A_245 : memref<10240x128xf32, #tpu.memory_space<vmem_shared>>)
      %mul3A_246 = arith.constant 8 : i32
      %mul3A_247 = arith.muli %add3A_115, %mul3A_246 : i32
      %add3A_248 = arith.constant 5 : i32
      %add3A_249 = arith.addi %mul3A_247, %add3A_248 : i32
      %dma_wait3A_250 = arith.constant 0 : i32
      %dma_wait3A_251 = tpu.memref_slice %arg5[%add3A_249, %dma_wait3A_250] : memref<80x128xi32, #tpu.memory_space<vmem>> -> memref<1x128xi32, #tpu.memory_space<vmem>>
      %dma_wait3A_252 = tpu.memref_squeeze %dma_wait3A_251 : memref<1x128xi32, #tpu.memory_space<vmem>> -> memref<128xi32, #tpu.memory_space<vmem>>
      %dma_wait3A_253 = arith.constant 0 : i32
      %dma_wait3A_254 = arith.constant 0 : i32
      %dma_wait3A_255 = tpu.memref_slice %arg9[%dma_wait3A_253, %dma_wait3A_254] : memref<10240x128xf32, #tpu.memory_space<vmem_shared>> -> memref<10240x128xf32, #tpu.memory_space<vmem_shared>>
      tpu.wait_indirect_dma semaphore(%arg10 : memref<!tpu.dma_semaphore, #tpu.memory_space<semaphore_mem>>) src(%arg6 : memref<128x128xf32, #tpu.memory_space<vmem>>) dst(%dma_wait3A_255 : memref<10240x128xf32, #tpu.memory_space<vmem_shared>>)
      %mul3A_256 = arith.constant 8 : i32
      %mul3A_257 = arith.muli %add3A_115, %mul3A_256 : i32
      %add3A_258 = arith.constant 6 : i32
      %add3A_259 = arith.addi %mul3A_257, %add3A_258 : i32
      %dma_wait3A_260 = arith.constant 0 : i32
      %dma_wait3A_261 = tpu.memref_slice %arg5[%add3A_259, %dma_wait3A_260] : memref<80x128xi32, #tpu.memory_space<vmem>> -> memref<1x128xi32, #tpu.memory_space<vmem>>
      %dma_wait3A_262 = tpu.memref_squeeze %dma_wait3A_261 : memref<1x128xi32, #tpu.memory_space<vmem>> -> memref<128xi32, #tpu.memory_space<vmem>>
      %dma_wait3A_263 = arith.constant 0 : i32
      %dma_wait3A_264 = arith.constant 0 : i32
      %dma_wait3A_265 = tpu.memref_slice %arg9[%dma_wait3A_263, %dma_wait3A_264] : memref<10240x128xf32, #tpu.memory_space<vmem_shared>> -> memref<10240x128xf32, #tpu.memory_space<vmem_shared>>
      tpu.wait_indirect_dma semaphore(%arg10 : memref<!tpu.dma_semaphore, #tpu.memory_space<semaphore_mem>>) src(%arg6 : memref<128x128xf32, #tpu.memory_space<vmem>>) dst(%dma_wait3A_265 : memref<10240x128xf32, #tpu.memory_space<vmem_shared>>)
      %mul3A_266 = arith.constant 8 : i32
      %mul3A_267 = arith.muli %add3A_115, %mul3A_266 : i32
      %add3A_268 = arith.constant 7 : i32
      %add3A_269 = arith.addi %mul3A_267, %add3A_268 : i32
      %dma_wait3A_270 = arith.constant 0 : i32
      %dma_wait3A_271 = tpu.memref_slice %arg5[%add3A_269, %dma_wait3A_270] : memref<80x128xi32, #tpu.memory_space<vmem>> -> memref<1x128xi32, #tpu.memory_space<vmem>>
      %dma_wait3A_272 = tpu.memref_squeeze %dma_wait3A_271 : memref<1x128xi32, #tpu.memory_space<vmem>> -> memref<128xi32, #tpu.memory_space<vmem>>
      %dma_wait3A_273 = arith.constant 0 : i32
      %dma_wait3A_274 = arith.constant 0 : i32
      %dma_wait3A_275 = tpu.memref_slice %arg9[%dma_wait3A_273, %dma_wait3A_274] : memref<10240x128xf32, #tpu.memory_space<vmem_shared>> -> memref<10240x128xf32, #tpu.memory_space<vmem_shared>>
      tpu.wait_indirect_dma semaphore(%arg10 : memref<!tpu.dma_semaphore, #tpu.memory_space<semaphore_mem>>) src(%arg6 : memref<128x128xf32, #tpu.memory_space<vmem>>) dst(%dma_wait3A_275 : memref<10240x128xf32, #tpu.memory_space<vmem_shared>>)
    }
    %scan3A_21 = arith.constant 10 : i32
    %barrier3A_22 = arith.constant 0 : index
    tpu.barrier barrier_id(%barrier3A_22)
    %dma_start3A = arith.constant 0 : i32
    %dma_start3A_23 = arith.constant 0 : i32
    %dma_start3A_24 = tpu.memref_slice %arg8[%dma_start3A, %dma_start3A_23] : memref<5x128xi32, #tpu.memory_space<vmem>> -> memref<1x128xi32, #tpu.memory_space<vmem>>
    %dma_start3A_25 = tpu.memref_squeeze %dma_start3A_24 : memref<1x128xi32, #tpu.memory_space<vmem>> -> memref<128xi32, #tpu.memory_space<vmem>>
    %dma_start3A_26 = arith.constant 0 : i32
    %dma_start3A_27 = arith.constant 0 : i32
    %dma_start3A_28 = tpu.memref_slice %arg9[%dma_start3A_26, %dma_start3A_27] : memref<10240x128xf32, #tpu.memory_space<vmem_shared>> -> memref<10240x128xf32, #tpu.memory_space<vmem_shared>>
    tpu.enqueue_indirect_dma source(%dma_start3A_28 : memref<10240x128xf32, #tpu.memory_space<vmem_shared>>) target(%arg7 : memref<128x128xf32, #tpu.memory_space<vmem>>) offsets(%dma_start3A_25 : memref<128xi32, #tpu.memory_space<vmem>>) semaphore(%arg10 : memref<!tpu.dma_semaphore, #tpu.memory_space<semaphore_mem>>)
    %dma_wait3A = arith.constant 0 : i32
    %dma_wait3A_29 = arith.constant 0 : i32
    %dma_wait3A_30 = tpu.memref_slice %arg8[%dma_wait3A, %dma_wait3A_29] : memref<5x128xi32, #tpu.memory_space<vmem>> -> memref<1x128xi32, #tpu.memory_space<vmem>>
    %dma_wait3A_31 = tpu.memref_squeeze %dma_wait3A_30 : memref<1x128xi32, #tpu.memory_space<vmem>> -> memref<128xi32, #tpu.memory_space<vmem>>
    %dma_wait3A_32 = arith.constant 0 : i32
    %dma_wait3A_33 = arith.constant 0 : i32
    %dma_wait3A_34 = tpu.memref_slice %arg9[%dma_wait3A_32, %dma_wait3A_33] : memref<10240x128xf32, #tpu.memory_space<vmem_shared>> -> memref<10240x128xf32, #tpu.memory_space<vmem_shared>>
    tpu.wait_indirect_dma semaphore(%arg10 : memref<!tpu.dma_semaphore, #tpu.memory_space<semaphore_mem>>) src(%dma_wait3A_34 : memref<10240x128xf32, #tpu.memory_space<vmem_shared>>) dst(%arg7 : memref<128x128xf32, #tpu.memory_space<vmem>>)
    %mul3A_35 = arith.constant 640 : i32
    %mul3A_36 = arith.muli %arg1, %mul3A_35 : i32
    %add3A_37 = arith.constant 0 : i32
    %add3A_38 = arith.addi %mul3A_36, %add3A_37 : i32
    "tpu.region"() ({
      %run_scoped3A_111 = tpu.sem_alloc : memref<!tpu.dma_semaphore, #tpu.memory_space<semaphore_mem>>
      %dma_start3A_112 = arith.constant 0 : i32
      %dma_start3A_113 = tpu.memref_slice %arg4[%arg0, %add3A_38, %dma_start3A_112] : memref<2x10240x128xf32, #tpu.memory_space<hbm>> -> memref<1x128x128xf32, #tpu.memory_space<hbm>>
      %dma_start3A_114 = tpu.memref_squeeze %dma_start3A_113 : memref<1x128x128xf32, #tpu.memory_space<hbm>> -> memref<128x128xf32, #tpu.memory_space<hbm>>
      %dma_start3A_115 = arith.constant 0 : i32
      %dma_start3A_116 = tpu.memref_slice %arg4[%arg0, %add3A_38, %dma_start3A_115] : memref<2x10240x128xf32, #tpu.memory_space<hbm>> -> memref<1x128x128xf32, #tpu.memory_space<hbm>>
      %dma_start3A_117 = tpu.memref_squeeze %dma_start3A_116 : memref<1x128x128xf32, #tpu.memory_space<hbm>> -> memref<128x128xf32, #tpu.memory_space<hbm>>
      tpu.enqueue_dma source(%arg7 : memref<128x128xf32, #tpu.memory_space<vmem>>) target(%dma_start3A_117 : memref<128x128xf32, #tpu.memory_space<hbm>>) target_semaphore(%run_scoped3A_111 : memref<!tpu.dma_semaphore, #tpu.memory_space<semaphore_mem>>)
      %dma_wait3A_118 = arith.constant 0 : i32
      %dma_wait3A_119 = tpu.memref_slice %arg4[%arg0, %add3A_38, %dma_wait3A_118] : memref<2x10240x128xf32, #tpu.memory_space<hbm>> -> memref<1x128x128xf32, #tpu.memory_space<hbm>>
      %dma_wait3A_120 = tpu.memref_squeeze %dma_wait3A_119 : memref<1x128x128xf32, #tpu.memory_space<hbm>> -> memref<128x128xf32, #tpu.memory_space<hbm>>
      %dma_wait3A_121 = arith.constant 0 : i32
      %dma_wait3A_122 = tpu.memref_slice %arg4[%arg0, %add3A_38, %dma_wait3A_121] : memref<2x10240x128xf32, #tpu.memory_space<hbm>> -> memref<1x128x128xf32, #tpu.memory_space<hbm>>
      %dma_wait3A_123 = tpu.memref_squeeze %dma_wait3A_122 : memref<1x128x128xf32, #tpu.memory_space<hbm>> -> memref<128x128xf32, #tpu.memory_space<hbm>>
      tpu.wait_dma2 semaphore(%run_scoped3A_111 : memref<!tpu.dma_semaphore, #tpu.memory_space<semaphore_mem>>) src(%arg7 : memref<128x128xf32, #tpu.memory_space<vmem>>) dst(%dma_wait3A_123 : memref<128x128xf32, #tpu.memory_space<hbm>>)
      tpu.yield
    }) : () -> ()
    %dma_start3A_39 = arith.constant 1 : i32
    %dma_start3A_40 = arith.constant 0 : i32
    %dma_start3A_41 = tpu.memref_slice %arg8[%dma_start3A_39, %dma_start3A_40] : memref<5x128xi32, #tpu.memory_space<vmem>> -> memref<1x128xi32, #tpu.memory_space<vmem>>
    %dma_start3A_42 = tpu.memref_squeeze %dma_start3A_41 : memref<1x128xi32, #tpu.memory_space<vmem>> -> memref<128xi32, #tpu.memory_space<vmem>>
    %dma_start3A_43 = arith.constant 0 : i32
    %dma_start3A_44 = arith.constant 0 : i32
    %dma_start3A_45 = tpu.memref_slice %arg9[%dma_start3A_43, %dma_start3A_44] : memref<10240x128xf32, #tpu.memory_space<vmem_shared>> -> memref<10240x128xf32, #tpu.memory_space<vmem_shared>>
    tpu.enqueue_indirect_dma source(%dma_start3A_45 : memref<10240x128xf32, #tpu.memory_space<vmem_shared>>) target(%arg7 : memref<128x128xf32, #tpu.memory_space<vmem>>) offsets(%dma_start3A_42 : memref<128xi32, #tpu.memory_space<vmem>>) semaphore(%arg10 : memref<!tpu.dma_semaphore, #tpu.memory_space<semaphore_mem>>)
    %dma_wait3A_46 = arith.constant 1 : i32
    %dma_wait3A_47 = arith.constant 0 : i32
    %dma_wait3A_48 = tpu.memref_slice %arg8[%dma_wait3A_46, %dma_wait3A_47] : memref<5x128xi32, #tpu.memory_space<vmem>> -> memref<1x128xi32, #tpu.memory_space<vmem>>
    %dma_wait3A_49 = tpu.memref_squeeze %dma_wait3A_48 : memref<1x128xi32, #tpu.memory_space<vmem>> -> memref<128xi32, #tpu.memory_space<vmem>>
    %dma_wait3A_50 = arith.constant 0 : i32
    %dma_wait3A_51 = arith.constant 0 : i32
    %dma_wait3A_52 = tpu.memref_slice %arg9[%dma_wait3A_50, %dma_wait3A_51] : memref<10240x128xf32, #tpu.memory_space<vmem_shared>> -> memref<10240x128xf32, #tpu.memory_space<vmem_shared>>
    tpu.wait_indirect_dma semaphore(%arg10 : memref<!tpu.dma_semaphore, #tpu.memory_space<semaphore_mem>>) src(%dma_wait3A_52 : memref<10240x128xf32, #tpu.memory_space<vmem_shared>>) dst(%arg7 : memref<128x128xf32, #tpu.memory_space<vmem>>)
    %mul3A_53 = arith.constant 640 : i32
    %mul3A_54 = arith.muli %arg1, %mul3A_53 : i32
    %add3A_55 = arith.constant 128 : i32
    %add3A_56 = arith.addi %mul3A_54, %add3A_55 : i32
    "tpu.region"() ({
      %run_scoped3A_111 = tpu.sem_alloc : memref<!tpu.dma_semaphore, #tpu.memory_space<semaphore_mem>>
      %dma_start3A_112 = arith.constant 0 : i32
      %dma_start3A_113 = tpu.memref_slice %arg4[%arg0, %add3A_56, %dma_start3A_112] : memref<2x10240x128xf32, #tpu.memory_space<hbm>> -> memref<1x128x128xf32, #tpu.memory_space<hbm>>
      %dma_start3A_114 = tpu.memref_squeeze %dma_start3A_113 : memref<1x128x128xf32, #tpu.memory_space<hbm>> -> memref<128x128xf32, #tpu.memory_space<hbm>>
      %dma_start3A_115 = arith.constant 0 : i32
      %dma_start3A_116 = tpu.memref_slice %arg4[%arg0, %add3A_56, %dma_start3A_115] : memref<2x10240x128xf32, #tpu.memory_space<hbm>> -> memref<1x128x128xf32, #tpu.memory_space<hbm>>
      %dma_start3A_117 = tpu.memref_squeeze %dma_start3A_116 : memref<1x128x128xf32, #tpu.memory_space<hbm>> -> memref<128x128xf32, #tpu.memory_space<hbm>>
      tpu.enqueue_dma source(%arg7 : memref<128x128xf32, #tpu.memory_space<vmem>>) target(%dma_start3A_117 : memref<128x128xf32, #tpu.memory_space<hbm>>) target_semaphore(%run_scoped3A_111 : memref<!tpu.dma_semaphore, #tpu.memory_space<semaphore_mem>>)
      %dma_wait3A_118 = arith.constant 0 : i32
      %dma_wait3A_119 = tpu.memref_slice %arg4[%arg0, %add3A_56, %dma_wait3A_118] : memref<2x10240x128xf32, #tpu.memory_space<hbm>> -> memref<1x128x128xf32, #tpu.memory_space<hbm>>
      %dma_wait3A_120 = tpu.memref_squeeze %dma_wait3A_119 : memref<1x128x128xf32, #tpu.memory_space<hbm>> -> memref<128x128xf32, #tpu.memory_space<hbm>>
      %dma_wait3A_121 = arith.constant 0 : i32
      %dma_wait3A_122 = tpu.memref_slice %arg4[%arg0, %add3A_56, %dma_wait3A_121] : memref<2x10240x128xf32, #tpu.memory_space<hbm>> -> memref<1x128x128xf32, #tpu.memory_space<hbm>>
      %dma_wait3A_123 = tpu.memref_squeeze %dma_wait3A_122 : memref<1x128x128xf32, #tpu.memory_space<hbm>> -> memref<128x128xf32, #tpu.memory_space<hbm>>
      tpu.wait_dma2 semaphore(%run_scoped3A_111 : memref<!tpu.dma_semaphore, #tpu.memory_space<semaphore_mem>>) src(%arg7 : memref<128x128xf32, #tpu.memory_space<vmem>>) dst(%dma_wait3A_123 : memref<128x128xf32, #tpu.memory_space<hbm>>)
      tpu.yield
    }) : () -> ()
    %dma_start3A_57 = arith.constant 2 : i32
    %dma_start3A_58 = arith.constant 0 : i32
    %dma_start3A_59 = tpu.memref_slice %arg8[%dma_start3A_57, %dma_start3A_58] : memref<5x128xi32, #tpu.memory_space<vmem>> -> memref<1x128xi32, #tpu.memory_space<vmem>>
    %dma_start3A_60 = tpu.memref_squeeze %dma_start3A_59 : memref<1x128xi32, #tpu.memory_space<vmem>> -> memref<128xi32, #tpu.memory_space<vmem>>
    %dma_start3A_61 = arith.constant 0 : i32
    %dma_start3A_62 = arith.constant 0 : i32
    %dma_start3A_63 = tpu.memref_slice %arg9[%dma_start3A_61, %dma_start3A_62] : memref<10240x128xf32, #tpu.memory_space<vmem_shared>> -> memref<10240x128xf32, #tpu.memory_space<vmem_shared>>
    tpu.enqueue_indirect_dma source(%dma_start3A_63 : memref<10240x128xf32, #tpu.memory_space<vmem_shared>>) target(%arg7 : memref<128x128xf32, #tpu.memory_space<vmem>>) offsets(%dma_start3A_60 : memref<128xi32, #tpu.memory_space<vmem>>) semaphore(%arg10 : memref<!tpu.dma_semaphore, #tpu.memory_space<semaphore_mem>>)
    %dma_wait3A_64 = arith.constant 2 : i32
    %dma_wait3A_65 = arith.constant 0 : i32
    %dma_wait3A_66 = tpu.memref_slice %arg8[%dma_wait3A_64, %dma_wait3A_65] : memref<5x128xi32, #tpu.memory_space<vmem>> -> memref<1x128xi32, #tpu.memory_space<vmem>>
    %dma_wait3A_67 = tpu.memref_squeeze %dma_wait3A_66 : memref<1x128xi32, #tpu.memory_space<vmem>> -> memref<128xi32, #tpu.memory_space<vmem>>
    %dma_wait3A_68 = arith.constant 0 : i32
    %dma_wait3A_69 = arith.constant 0 : i32
    %dma_wait3A_70 = tpu.memref_slice %arg9[%dma_wait3A_68, %dma_wait3A_69] : memref<10240x128xf32, #tpu.memory_space<vmem_shared>> -> memref<10240x128xf32, #tpu.memory_space<vmem_shared>>
    tpu.wait_indirect_dma semaphore(%arg10 : memref<!tpu.dma_semaphore, #tpu.memory_space<semaphore_mem>>) src(%dma_wait3A_70 : memref<10240x128xf32, #tpu.memory_space<vmem_shared>>) dst(%arg7 : memref<128x128xf32, #tpu.memory_space<vmem>>)
    %mul3A_71 = arith.constant 640 : i32
    %mul3A_72 = arith.muli %arg1, %mul3A_71 : i32
    %add3A_73 = arith.constant 256 : i32
    %add3A_74 = arith.addi %mul3A_72, %add3A_73 : i32
    "tpu.region"() ({
      %run_scoped3A_111 = tpu.sem_alloc : memref<!tpu.dma_semaphore, #tpu.memory_space<semaphore_mem>>
      %dma_start3A_112 = arith.constant 0 : i32
      %dma_start3A_113 = tpu.memref_slice %arg4[%arg0, %add3A_74, %dma_start3A_112] : memref<2x10240x128xf32, #tpu.memory_space<hbm>> -> memref<1x128x128xf32, #tpu.memory_space<hbm>>
      %dma_start3A_114 = tpu.memref_squeeze %dma_start3A_113 : memref<1x128x128xf32, #tpu.memory_space<hbm>> -> memref<128x128xf32, #tpu.memory_space<hbm>>
      %dma_start3A_115 = arith.constant 0 : i32
      %dma_start3A_116 = tpu.memref_slice %arg4[%arg0, %add3A_74, %dma_start3A_115] : memref<2x10240x128xf32, #tpu.memory_space<hbm>> -> memref<1x128x128xf32, #tpu.memory_space<hbm>>
      %dma_start3A_117 = tpu.memref_squeeze %dma_start3A_116 : memref<1x128x128xf32, #tpu.memory_space<hbm>> -> memref<128x128xf32, #tpu.memory_space<hbm>>
      tpu.enqueue_dma source(%arg7 : memref<128x128xf32, #tpu.memory_space<vmem>>) target(%dma_start3A_117 : memref<128x128xf32, #tpu.memory_space<hbm>>) target_semaphore(%run_scoped3A_111 : memref<!tpu.dma_semaphore, #tpu.memory_space<semaphore_mem>>)
      %dma_wait3A_118 = arith.constant 0 : i32
      %dma_wait3A_119 = tpu.memref_slice %arg4[%arg0, %add3A_74, %dma_wait3A_118] : memref<2x10240x128xf32, #tpu.memory_space<hbm>> -> memref<1x128x128xf32, #tpu.memory_space<hbm>>
      %dma_wait3A_120 = tpu.memref_squeeze %dma_wait3A_119 : memref<1x128x128xf32, #tpu.memory_space<hbm>> -> memref<128x128xf32, #tpu.memory_space<hbm>>
      %dma_wait3A_121 = arith.constant 0 : i32
      %dma_wait3A_122 = tpu.memref_slice %arg4[%arg0, %add3A_74, %dma_wait3A_121] : memref<2x10240x128xf32, #tpu.memory_space<hbm>> -> memref<1x128x128xf32, #tpu.memory_space<hbm>>
      %dma_wait3A_123 = tpu.memref_squeeze %dma_wait3A_122 : memref<1x128x128xf32, #tpu.memory_space<hbm>> -> memref<128x128xf32, #tpu.memory_space<hbm>>
      tpu.wait_dma2 semaphore(%run_scoped3A_111 : memref<!tpu.dma_semaphore, #tpu.memory_space<semaphore_mem>>) src(%arg7 : memref<128x128xf32, #tpu.memory_space<vmem>>) dst(%dma_wait3A_123 : memref<128x128xf32, #tpu.memory_space<hbm>>)
      tpu.yield
    }) : () -> ()
    %dma_start3A_75 = arith.constant 3 : i32
    %dma_start3A_76 = arith.constant 0 : i32
    %dma_start3A_77 = tpu.memref_slice %arg8[%dma_start3A_75, %dma_start3A_76] : memref<5x128xi32, #tpu.memory_space<vmem>> -> memref<1x128xi32, #tpu.memory_space<vmem>>
    %dma_start3A_78 = tpu.memref_squeeze %dma_start3A_77 : memref<1x128xi32, #tpu.memory_space<vmem>> -> memref<128xi32, #tpu.memory_space<vmem>>
    %dma_start3A_79 = arith.constant 0 : i32
    %dma_start3A_80 = arith.constant 0 : i32
    %dma_start3A_81 = tpu.memref_slice %arg9[%dma_start3A_79, %dma_start3A_80] : memref<10240x128xf32, #tpu.memory_space<vmem_shared>> -> memref<10240x128xf32, #tpu.memory_space<vmem_shared>>
    tpu.enqueue_indirect_dma source(%dma_start3A_81 : memref<10240x128xf32, #tpu.memory_space<vmem_shared>>) target(%arg7 : memref<128x128xf32, #tpu.memory_space<vmem>>) offsets(%dma_start3A_78 : memref<128xi32, #tpu.memory_space<vmem>>) semaphore(%arg10 : memref<!tpu.dma_semaphore, #tpu.memory_space<semaphore_mem>>)
    %dma_wait3A_82 = arith.constant 3 : i32
    %dma_wait3A_83 = arith.constant 0 : i32
    %dma_wait3A_84 = tpu.memref_slice %arg8[%dma_wait3A_82, %dma_wait3A_83] : memref<5x128xi32, #tpu.memory_space<vmem>> -> memref<1x128xi32, #tpu.memory_space<vmem>>
    %dma_wait3A_85 = tpu.memref_squeeze %dma_wait3A_84 : memref<1x128xi32, #tpu.memory_space<vmem>> -> memref<128xi32, #tpu.memory_space<vmem>>
    %dma_wait3A_86 = arith.constant 0 : i32
    %dma_wait3A_87 = arith.constant 0 : i32
    %dma_wait3A_88 = tpu.memref_slice %arg9[%dma_wait3A_86, %dma_wait3A_87] : memref<10240x128xf32, #tpu.memory_space<vmem_shared>> -> memref<10240x128xf32, #tpu.memory_space<vmem_shared>>
    tpu.wait_indirect_dma semaphore(%arg10 : memref<!tpu.dma_semaphore, #tpu.memory_space<semaphore_mem>>) src(%dma_wait3A_88 : memref<10240x128xf32, #tpu.memory_space<vmem_shared>>) dst(%arg7 : memref<128x128xf32, #tpu.memory_space<vmem>>)
    %mul3A_89 = arith.constant 640 : i32
    %mul3A_90 = arith.muli %arg1, %mul3A_89 : i32
    %add3A_91 = arith.constant 384 : i32
    %add3A_92 = arith.addi %mul3A_90, %add3A_91 : i32
    "tpu.region"() ({
      %run_scoped3A_111 = tpu.sem_alloc : memref<!tpu.dma_semaphore, #tpu.memory_space<semaphore_mem>>
      %dma_start3A_112 = arith.constant 0 : i32
      %dma_start3A_113 = tpu.memref_slice %arg4[%arg0, %add3A_92, %dma_start3A_112] : memref<2x10240x128xf32, #tpu.memory_space<hbm>> -> memref<1x128x128xf32, #tpu.memory_space<hbm>>
      %dma_start3A_114 = tpu.memref_squeeze %dma_start3A_113 : memref<1x128x128xf32, #tpu.memory_space<hbm>> -> memref<128x128xf32, #tpu.memory_space<hbm>>
      %dma_start3A_115 = arith.constant 0 : i32
      %dma_start3A_116 = tpu.memref_slice %arg4[%arg0, %add3A_92, %dma_start3A_115] : memref<2x10240x128xf32, #tpu.memory_space<hbm>> -> memref<1x128x128xf32, #tpu.memory_space<hbm>>
      %dma_start3A_117 = tpu.memref_squeeze %dma_start3A_116 : memref<1x128x128xf32, #tpu.memory_space<hbm>> -> memref<128x128xf32, #tpu.memory_space<hbm>>
      tpu.enqueue_dma source(%arg7 : memref<128x128xf32, #tpu.memory_space<vmem>>) target(%dma_start3A_117 : memref<128x128xf32, #tpu.memory_space<hbm>>) target_semaphore(%run_scoped3A_111 : memref<!tpu.dma_semaphore, #tpu.memory_space<semaphore_mem>>)
      %dma_wait3A_118 = arith.constant 0 : i32
      %dma_wait3A_119 = tpu.memref_slice %arg4[%arg0, %add3A_92, %dma_wait3A_118] : memref<2x10240x128xf32, #tpu.memory_space<hbm>> -> memref<1x128x128xf32, #tpu.memory_space<hbm>>
      %dma_wait3A_120 = tpu.memref_squeeze %dma_wait3A_119 : memref<1x128x128xf32, #tpu.memory_space<hbm>> -> memref<128x128xf32, #tpu.memory_space<hbm>>
      %dma_wait3A_121 = arith.constant 0 : i32
      %dma_wait3A_122 = tpu.memref_slice %arg4[%arg0, %add3A_92, %dma_wait3A_121] : memref<2x10240x128xf32, #tpu.memory_space<hbm>> -> memref<1x128x128xf32, #tpu.memory_space<hbm>>
      %dma_wait3A_123 = tpu.memref_squeeze %dma_wait3A_122 : memref<1x128x128xf32, #tpu.memory_space<hbm>> -> memref<128x128xf32, #tpu.memory_space<hbm>>
      tpu.wait_dma2 semaphore(%run_scoped3A_111 : memref<!tpu.dma_semaphore, #tpu.memory_space<semaphore_mem>>) src(%arg7 : memref<128x128xf32, #tpu.memory_space<vmem>>) dst(%dma_wait3A_123 : memref<128x128xf32, #tpu.memory_space<hbm>>)
      tpu.yield
    }) : () -> ()
    %dma_start3A_93 = arith.constant 4 : i32
    %dma_start3A_94 = arith.constant 0 : i32
    %dma_start3A_95 = tpu.memref_slice %arg8[%dma_start3A_93, %dma_start3A_94] : memref<5x128xi32, #tpu.memory_space<vmem>> -> memref<1x128xi32, #tpu.memory_space<vmem>>
    %dma_start3A_96 = tpu.memref_squeeze %dma_start3A_95 : memref<1x128xi32, #tpu.memory_space<vmem>> -> memref<128xi32, #tpu.memory_space<vmem>>
    %dma_start3A_97 = arith.constant 0 : i32
    %dma_start3A_98 = arith.constant 0 : i32
    %dma_start3A_99 = tpu.memref_slice %arg9[%dma_start3A_97, %dma_start3A_98] : memref<10240x128xf32, #tpu.memory_space<vmem_shared>> -> memref<10240x128xf32, #tpu.memory_space<vmem_shared>>
    tpu.enqueue_indirect_dma source(%dma_start3A_99 : memref<10240x128xf32, #tpu.memory_space<vmem_shared>>) target(%arg7 : memref<128x128xf32, #tpu.memory_space<vmem>>) offsets(%dma_start3A_96 : memref<128xi32, #tpu.memory_space<vmem>>) semaphore(%arg10 : memref<!tpu.dma_semaphore, #tpu.memory_space<semaphore_mem>>)
    %dma_wait3A_100 = arith.constant 4 : i32
    %dma_wait3A_101 = arith.constant 0 : i32
    %dma_wait3A_102 = tpu.memref_slice %arg8[%dma_wait3A_100, %dma_wait3A_101] : memref<5x128xi32, #tpu.memory_space<vmem>> -> memref<1x128xi32, #tpu.memory_space<vmem>>
    %dma_wait3A_103 = tpu.memref_squeeze %dma_wait3A_102 : memref<1x128xi32, #tpu.memory_space<vmem>> -> memref<128xi32, #tpu.memory_space<vmem>>
    %dma_wait3A_104 = arith.constant 0 : i32
    %dma_wait3A_105 = arith.constant 0 : i32
    %dma_wait3A_106 = tpu.memref_slice %arg9[%dma_wait3A_104, %dma_wait3A_105] : memref<10240x128xf32, #tpu.memory_space<vmem_shared>> -> memref<10240x128xf32, #tpu.memory_space<vmem_shared>>
    tpu.wait_indirect_dma semaphore(%arg10 : memref<!tpu.dma_semaphore, #tpu.memory_space<semaphore_mem>>) src(%dma_wait3A_106 : memref<10240x128xf32, #tpu.memory_space<vmem_shared>>) dst(%arg7 : memref<128x128xf32, #tpu.memory_space<vmem>>)
    %mul3A_107 = arith.constant 640 : i32
    %mul3A_108 = arith.muli %arg1, %mul3A_107 : i32
    %add3A_109 = arith.constant 512 : i32
    %add3A_110 = arith.addi %mul3A_108, %add3A_109 : i32
    "tpu.region"() ({
      %run_scoped3A_111 = tpu.sem_alloc : memref<!tpu.dma_semaphore, #tpu.memory_space<semaphore_mem>>
      %dma_start3A_112 = arith.constant 0 : i32
      %dma_start3A_113 = tpu.memref_slice %arg4[%arg0, %add3A_110, %dma_start3A_112] : memref<2x10240x128xf32, #tpu.memory_space<hbm>> -> memref<1x128x128xf32, #tpu.memory_space<hbm>>
      %dma_start3A_114 = tpu.memref_squeeze %dma_start3A_113 : memref<1x128x128xf32, #tpu.memory_space<hbm>> -> memref<128x128xf32, #tpu.memory_space<hbm>>
      %dma_start3A_115 = arith.constant 0 : i32
      %dma_start3A_116 = tpu.memref_slice %arg4[%arg0, %add3A_110, %dma_start3A_115] : memref<2x10240x128xf32, #tpu.memory_space<hbm>> -> memref<1x128x128xf32, #tpu.memory_space<hbm>>
      %dma_start3A_117 = tpu.memref_squeeze %dma_start3A_116 : memref<1x128x128xf32, #tpu.memory_space<hbm>> -> memref<128x128xf32, #tpu.memory_space<hbm>>
      tpu.enqueue_dma source(%arg7 : memref<128x128xf32, #tpu.memory_space<vmem>>) target(%dma_start3A_117 : memref<128x128xf32, #tpu.memory_space<hbm>>) target_semaphore(%run_scoped3A_111 : memref<!tpu.dma_semaphore, #tpu.memory_space<semaphore_mem>>)
      %dma_wait3A_118 = arith.constant 0 : i32
      %dma_wait3A_119 = tpu.memref_slice %arg4[%arg0, %add3A_110, %dma_wait3A_118] : memref<2x10240x128xf32, #tpu.memory_space<hbm>> -> memref<1x128x128xf32, #tpu.memory_space<hbm>>
      %dma_wait3A_120 = tpu.memref_squeeze %dma_wait3A_119 : memref<1x128x128xf32, #tpu.memory_space<hbm>> -> memref<128x128xf32, #tpu.memory_space<hbm>>
      %dma_wait3A_121 = arith.constant 0 : i32
      %dma_wait3A_122 = tpu.memref_slice %arg4[%arg0, %add3A_110, %dma_wait3A_121] : memref<2x10240x128xf32, #tpu.memory_space<hbm>> -> memref<1x128x128xf32, #tpu.memory_space<hbm>>
      %dma_wait3A_123 = tpu.memref_squeeze %dma_wait3A_122 : memref<1x128x128xf32, #tpu.memory_space<hbm>> -> memref<128x128xf32, #tpu.memory_space<hbm>>
      tpu.wait_dma2 semaphore(%run_scoped3A_111 : memref<!tpu.dma_semaphore, #tpu.memory_space<semaphore_mem>>) src(%arg7 : memref<128x128xf32, #tpu.memory_space<vmem>>) dst(%dma_wait3A_123 : memref<128x128xf32, #tpu.memory_space<hbm>>)
      tpu.yield
    }) : () -> ()
    return
  }
}

#map = affine_map<(d0, d1) -> (0, 0)>
#map1 = affine_map<(d0, d1) -> (0, 0, 0)>
module attributes {stable_mosaic.version = 14 : i64} {
  func.func @_agg(%arg0: i32, %arg1: i32, %arg2: memref<10240x128xf32, #tpu.memory_space<hbm>>, %arg3: memref<64x40x128xi32, #tpu.memory_space<hbm>>, %arg4: memref<64x40x128xi32, #tpu.memory_space<hbm>>, %arg5: memref<16x5x128xi32, #tpu.memory_space<hbm>>, %arg6: memref<2x10240x128xf32, #tpu.memory_space<hbm>>, %arg7: memref<40x128xi32, #tpu.memory_space<vmem>>, %arg8: memref<40x128xi32, #tpu.memory_space<vmem>>, %arg9: memref<128x128xf32, #tpu.memory_space<vmem>>, %arg10: memref<128x128xf32, #tpu.memory_space<vmem>>, %arg11: memref<5x128xi32, #tpu.memory_space<vmem>>, %arg12: memref<10240x128xf32, #tpu.memory_space<vmem_shared>>, %arg13: memref<!tpu.dma_semaphore, #tpu.memory_space<semaphore_mem>>, %arg14: memref<!tpu.dma_semaphore, #tpu.memory_space<semaphore_mem>>) attributes {dimension_semantics = [#tpu.dimension_semantics<core_parallel>, #tpu.dimension_semantics<subcore_parallel>], iteration_bounds = array<i64: 2, 16>, scalar_prefetch = 0 : i64, scratch_operands = 8 : i64, tpu.core_type = #tpu.core_type<sc_vector_subcore>, window_params = [{transform_indices = #map}, {transform_indices = #map1}, {transform_indices = #map1}, {transform_indices = #map1}, {transform_indices = #map1}]} {
    %mul3A = arith.constant 2 : i32
    %mul3A_0 = arith.muli %arg1, %mul3A : i32
    %add3A = arith.addi %mul3A_0, %arg0 : i32
    "tpu.region"() ({
      %run_scoped3A_349 = tpu.sem_alloc : memref<!tpu.dma_semaphore, #tpu.memory_space<semaphore_mem>>
      %dma_start3A_350 = arith.constant 0 : i32
      %dma_start3A_351 = arith.constant 0 : i32
      %dma_start3A_352 = tpu.memref_slice %arg5[%arg1, %dma_start3A_350, %dma_start3A_351] : memref<16x5x128xi32, #tpu.memory_space<hbm>> -> memref<1x5x128xi32, #tpu.memory_space<hbm>>
      %dma_start3A_353 = tpu.memref_squeeze %dma_start3A_352 : memref<1x5x128xi32, #tpu.memory_space<hbm>> -> memref<5x128xi32, #tpu.memory_space<hbm>>
      %dma_start3A_354 = arith.constant 0 : i32
      %dma_start3A_355 = arith.constant 0 : i32
      %dma_start3A_356 = tpu.memref_slice %arg5[%arg1, %dma_start3A_354, %dma_start3A_355] : memref<16x5x128xi32, #tpu.memory_space<hbm>> -> memref<1x5x128xi32, #tpu.memory_space<hbm>>
      %dma_start3A_357 = tpu.memref_squeeze %dma_start3A_356 : memref<1x5x128xi32, #tpu.memory_space<hbm>> -> memref<5x128xi32, #tpu.memory_space<hbm>>
      tpu.enqueue_dma source(%dma_start3A_357 : memref<5x128xi32, #tpu.memory_space<hbm>>) target(%arg11 : memref<5x128xi32, #tpu.memory_space<vmem>>) target_semaphore(%run_scoped3A_349 : memref<!tpu.dma_semaphore, #tpu.memory_space<semaphore_mem>>)
      %dma_wait3A_358 = arith.constant 0 : i32
      %dma_wait3A_359 = arith.constant 0 : i32
      %dma_wait3A_360 = tpu.memref_slice %arg5[%arg1, %dma_wait3A_358, %dma_wait3A_359] : memref<16x5x128xi32, #tpu.memory_space<hbm>> -> memref<1x5x128xi32, #tpu.memory_space<hbm>>
      %dma_wait3A_361 = tpu.memref_squeeze %dma_wait3A_360 : memref<1x5x128xi32, #tpu.memory_space<hbm>> -> memref<5x128xi32, #tpu.memory_space<hbm>>
      %dma_wait3A_362 = arith.constant 0 : i32
      %dma_wait3A_363 = arith.constant 0 : i32
      %dma_wait3A_364 = tpu.memref_slice %arg5[%arg1, %dma_wait3A_362, %dma_wait3A_363] : memref<16x5x128xi32, #tpu.memory_space<hbm>> -> memref<1x5x128xi32, #tpu.memory_space<hbm>>
      %dma_wait3A_365 = tpu.memref_squeeze %dma_wait3A_364 : memref<1x5x128xi32, #tpu.memory_space<hbm>> -> memref<5x128xi32, #tpu.memory_space<hbm>>
      tpu.wait_dma2 semaphore(%run_scoped3A_349 : memref<!tpu.dma_semaphore, #tpu.memory_space<semaphore_mem>>) src(%dma_wait3A_365 : memref<5x128xi32, #tpu.memory_space<hbm>>) dst(%arg11 : memref<5x128xi32, #tpu.memory_space<vmem>>)
      tpu.yield
    }) : () -> ()
    %broadcast_in_dim3A = arith.constant 0.000000e+00 : f32
    %broadcast_in_dim3A_1 = vector.broadcast %broadcast_in_dim3A : f32 to vector<16xf32>
    %scan3A = arith.constant 0 : i32
    %scan3A_2 = arith.constant 128 : i32
    %scan3A_3 = arith.addi %scan3A, %scan3A_2 : i32
    %scan3A_4 = arith.constant 1 : i32
    scf.for %scan3A_349 = %scan3A to %scan3A_3 step %scan3A_4  : i32 {
      %mul3A_350 = arith.constant 1 : i32
      %mul3A_351 = arith.muli %scan3A_349, %mul3A_350 : i32
      %add3A_352 = arith.constant 0 : i32
      %add3A_353 = arith.addi %add3A_352, %mul3A_351 : i32
      %swap3A = arith.index_cast %add3A_353 : i32 to index
      %swap3A_354 = arith.constant 0 : index
      %swap3A_355 = tpu.vector_load %arg9[%swap3A, %swap3A_354] {strides = array<i32>} : memref<128x128xf32, #tpu.memory_space<vmem>>, vector<1x16xf32>,
      %swap3A_356 = vector.shape_cast %swap3A_355 : vector<1x16xf32> to vector<16xf32>
      %swap3A_357 = vector.shape_cast %broadcast_in_dim3A_1 : vector<16xf32> to vector<1x16xf32>
      tpu.vector_store %arg9[%swap3A, %swap3A_354], %swap3A_357 {strides = array<i32>} : memref<128x128xf32, #tpu.memory_space<vmem>>, vector<1x16xf32>,
      %swap3A_358 = arith.index_cast %add3A_353 : i32 to index
      %swap3A_359 = arith.constant 16 : index
      %swap3A_360 = tpu.vector_load %arg9[%swap3A_358, %swap3A_359] {strides = array<i32>} : memref<128x128xf32, #tpu.memory_space<vmem>>, vector<1x16xf32>,
      %swap3A_361 = vector.shape_cast %swap3A_360 : vector<1x16xf32> to vector<16xf32>
      %swap3A_362 = vector.shape_cast %broadcast_in_dim3A_1 : vector<16xf32> to vector<1x16xf32>
      tpu.vector_store %arg9[%swap3A_358, %swap3A_359], %swap3A_362 {strides = array<i32>} : memref<128x128xf32, #tpu.memory_space<vmem>>, vector<1x16xf32>,
      %swap3A_363 = arith.index_cast %add3A_353 : i32 to index
      %swap3A_364 = arith.constant 32 : index
      %swap3A_365 = tpu.vector_load %arg9[%swap3A_363, %swap3A_364] {strides = array<i32>} : memref<128x128xf32, #tpu.memory_space<vmem>>, vector<1x16xf32>,
      %swap3A_366 = vector.shape_cast %swap3A_365 : vector<1x16xf32> to vector<16xf32>
      %swap3A_367 = vector.shape_cast %broadcast_in_dim3A_1 : vector<16xf32> to vector<1x16xf32>
      tpu.vector_store %arg9[%swap3A_363, %swap3A_364], %swap3A_367 {strides = array<i32>} : memref<128x128xf32, #tpu.memory_space<vmem>>, vector<1x16xf32>,
      %swap3A_368 = arith.index_cast %add3A_353 : i32 to index
      %swap3A_369 = arith.constant 48 : index
      %swap3A_370 = tpu.vector_load %arg9[%swap3A_368, %swap3A_369] {strides = array<i32>} : memref<128x128xf32, #tpu.memory_space<vmem>>, vector<1x16xf32>,
      %swap3A_371 = vector.shape_cast %swap3A_370 : vector<1x16xf32> to vector<16xf32>
      %swap3A_372 = vector.shape_cast %broadcast_in_dim3A_1 : vector<16xf32> to vector<1x16xf32>
      tpu.vector_store %arg9[%swap3A_368, %swap3A_369], %swap3A_372 {strides = array<i32>} : memref<128x128xf32, #tpu.memory_space<vmem>>, vector<1x16xf32>,
      %swap3A_373 = arith.index_cast %add3A_353 : i32 to index
      %swap3A_374 = arith.constant 64 : index
      %swap3A_375 = tpu.vector_load %arg9[%swap3A_373, %swap3A_374] {strides = array<i32>} : memref<128x128xf32, #tpu.memory_space<vmem>>, vector<1x16xf32>,
      %swap3A_376 = vector.shape_cast %swap3A_375 : vector<1x16xf32> to vector<16xf32>
      %swap3A_377 = vector.shape_cast %broadcast_in_dim3A_1 : vector<16xf32> to vector<1x16xf32>
      tpu.vector_store %arg9[%swap3A_373, %swap3A_374], %swap3A_377 {strides = array<i32>} : memref<128x128xf32, #tpu.memory_space<vmem>>, vector<1x16xf32>,
      %swap3A_378 = arith.index_cast %add3A_353 : i32 to index
      %swap3A_379 = arith.constant 80 : index
      %swap3A_380 = tpu.vector_load %arg9[%swap3A_378, %swap3A_379] {strides = array<i32>} : memref<128x128xf32, #tpu.memory_space<vmem>>, vector<1x16xf32>,
      %swap3A_381 = vector.shape_cast %swap3A_380 : vector<1x16xf32> to vector<16xf32>
      %swap3A_382 = vector.shape_cast %broadcast_in_dim3A_1 : vector<16xf32> to vector<1x16xf32>
      tpu.vector_store %arg9[%swap3A_378, %swap3A_379], %swap3A_382 {strides = array<i32>} : memref<128x128xf32, #tpu.memory_space<vmem>>, vector<1x16xf32>,
      %swap3A_383 = arith.index_cast %add3A_353 : i32 to index
      %swap3A_384 = arith.constant 96 : index
      %swap3A_385 = tpu.vector_load %arg9[%swap3A_383, %swap3A_384] {strides = array<i32>} : memref<128x128xf32, #tpu.memory_space<vmem>>, vector<1x16xf32>,
      %swap3A_386 = vector.shape_cast %swap3A_385 : vector<1x16xf32> to vector<16xf32>
      %swap3A_387 = vector.shape_cast %broadcast_in_dim3A_1 : vector<16xf32> to vector<1x16xf32>
      tpu.vector_store %arg9[%swap3A_383, %swap3A_384], %swap3A_387 {strides = array<i32>} : memref<128x128xf32, #tpu.memory_space<vmem>>, vector<1x16xf32>,
      %swap3A_388 = arith.index_cast %add3A_353 : i32 to index
      %swap3A_389 = arith.constant 112 : index
      %swap3A_390 = tpu.vector_load %arg9[%swap3A_388, %swap3A_389] {strides = array<i32>} : memref<128x128xf32, #tpu.memory_space<vmem>>, vector<1x16xf32>,
      %swap3A_391 = vector.shape_cast %swap3A_390 : vector<1x16xf32> to vector<16xf32>
      %swap3A_392 = vector.shape_cast %broadcast_in_dim3A_1 : vector<16xf32> to vector<1x16xf32>
      tpu.vector_store %arg9[%swap3A_388, %swap3A_389], %swap3A_392 {strides = array<i32>} : memref<128x128xf32, #tpu.memory_space<vmem>>, vector<1x16xf32>,
    }
    %scan3A_5 = arith.constant 128 : i32
    %run_scoped3A = arith.constant 0 : i32
    "tpu.region"() ({
      %run_scoped3A_349 = tpu.sem_alloc : memref<!tpu.dma_semaphore, #tpu.memory_space<semaphore_mem>>
      %dma_start3A_350 = arith.constant 0 : i32
      %dma_start3A_351 = tpu.memref_slice %arg11[%run_scoped3A, %dma_start3A_350] : memref<5x128xi32, #tpu.memory_space<vmem>> -> memref<1x128xi32, #tpu.memory_space<vmem>>
      %dma_start3A_352 = tpu.memref_squeeze %dma_start3A_351 : memref<1x128xi32, #tpu.memory_space<vmem>> -> memref<128xi32, #tpu.memory_space<vmem>>
      %dma_start3A_353 = arith.constant 0 : i32
      %dma_start3A_354 = arith.constant 0 : i32
      %dma_start3A_355 = tpu.memref_slice %arg12[%dma_start3A_353, %dma_start3A_354] : memref<10240x128xf32, #tpu.memory_space<vmem_shared>> -> memref<10240x128xf32, #tpu.memory_space<vmem_shared>>
      tpu.enqueue_indirect_dma source(%arg9 : memref<128x128xf32, #tpu.memory_space<vmem>>) target(%dma_start3A_355 : memref<10240x128xf32, #tpu.memory_space<vmem_shared>>) offsets(%dma_start3A_352 : memref<128xi32, #tpu.memory_space<vmem>>) semaphore(%run_scoped3A_349 : memref<!tpu.dma_semaphore, #tpu.memory_space<semaphore_mem>>)
      %dma_wait3A_356 = arith.constant 0 : i32
      %dma_wait3A_357 = tpu.memref_slice %arg11[%run_scoped3A, %dma_wait3A_356] : memref<5x128xi32, #tpu.memory_space<vmem>> -> memref<1x128xi32, #tpu.memory_space<vmem>>
      %dma_wait3A_358 = tpu.memref_squeeze %dma_wait3A_357 : memref<1x128xi32, #tpu.memory_space<vmem>> -> memref<128xi32, #tpu.memory_space<vmem>>
      %dma_wait3A_359 = arith.constant 0 : i32
      %dma_wait3A_360 = arith.constant 0 : i32
      %dma_wait3A_361 = tpu.memref_slice %arg12[%dma_wait3A_359, %dma_wait3A_360] : memref<10240x128xf32, #tpu.memory_space<vmem_shared>> -> memref<10240x128xf32, #tpu.memory_space<vmem_shared>>
      tpu.wait_indirect_dma semaphore(%run_scoped3A_349 : memref<!tpu.dma_semaphore, #tpu.memory_space<semaphore_mem>>) src(%arg9 : memref<128x128xf32, #tpu.memory_space<vmem>>) dst(%dma_wait3A_361 : memref<10240x128xf32, #tpu.memory_space<vmem_shared>>)
      tpu.yield
    }) : () -> ()
    %run_scoped3A_6 = arith.constant 1 : i32
    "tpu.region"() ({
      %run_scoped3A_349 = tpu.sem_alloc : memref<!tpu.dma_semaphore, #tpu.memory_space<semaphore_mem>>
      %dma_start3A_350 = arith.constant 0 : i32
      %dma_start3A_351 = tpu.memref_slice %arg11[%run_scoped3A_6, %dma_start3A_350] : memref<5x128xi32, #tpu.memory_space<vmem>> -> memref<1x128xi32, #tpu.memory_space<vmem>>
      %dma_start3A_352 = tpu.memref_squeeze %dma_start3A_351 : memref<1x128xi32, #tpu.memory_space<vmem>> -> memref<128xi32, #tpu.memory_space<vmem>>
      %dma_start3A_353 = arith.constant 0 : i32
      %dma_start3A_354 = arith.constant 0 : i32
      %dma_start3A_355 = tpu.memref_slice %arg12[%dma_start3A_353, %dma_start3A_354] : memref<10240x128xf32, #tpu.memory_space<vmem_shared>> -> memref<10240x128xf32, #tpu.memory_space<vmem_shared>>
      tpu.enqueue_indirect_dma source(%arg9 : memref<128x128xf32, #tpu.memory_space<vmem>>) target(%dma_start3A_355 : memref<10240x128xf32, #tpu.memory_space<vmem_shared>>) offsets(%dma_start3A_352 : memref<128xi32, #tpu.memory_space<vmem>>) semaphore(%run_scoped3A_349 : memref<!tpu.dma_semaphore, #tpu.memory_space<semaphore_mem>>)
      %dma_wait3A_356 = arith.constant 0 : i32
      %dma_wait3A_357 = tpu.memref_slice %arg11[%run_scoped3A_6, %dma_wait3A_356] : memref<5x128xi32, #tpu.memory_space<vmem>> -> memref<1x128xi32, #tpu.memory_space<vmem>>
      %dma_wait3A_358 = tpu.memref_squeeze %dma_wait3A_357 : memref<1x128xi32, #tpu.memory_space<vmem>> -> memref<128xi32, #tpu.memory_space<vmem>>
      %dma_wait3A_359 = arith.constant 0 : i32
      %dma_wait3A_360 = arith.constant 0 : i32
      %dma_wait3A_361 = tpu.memref_slice %arg12[%dma_wait3A_359, %dma_wait3A_360] : memref<10240x128xf32, #tpu.memory_space<vmem_shared>> -> memref<10240x128xf32, #tpu.memory_space<vmem_shared>>
      tpu.wait_indirect_dma semaphore(%run_scoped3A_349 : memref<!tpu.dma_semaphore, #tpu.memory_space<semaphore_mem>>) src(%arg9 : memref<128x128xf32, #tpu.memory_space<vmem>>) dst(%dma_wait3A_361 : memref<10240x128xf32, #tpu.memory_space<vmem_shared>>)
      tpu.yield
    }) : () -> ()
    %run_scoped3A_7 = arith.constant 2 : i32
    "tpu.region"() ({
      %run_scoped3A_349 = tpu.sem_alloc : memref<!tpu.dma_semaphore, #tpu.memory_space<semaphore_mem>>
      %dma_start3A_350 = arith.constant 0 : i32
      %dma_start3A_351 = tpu.memref_slice %arg11[%run_scoped3A_7, %dma_start3A_350] : memref<5x128xi32, #tpu.memory_space<vmem>> -> memref<1x128xi32, #tpu.memory_space<vmem>>
      %dma_start3A_352 = tpu.memref_squeeze %dma_start3A_351 : memref<1x128xi32, #tpu.memory_space<vmem>> -> memref<128xi32, #tpu.memory_space<vmem>>
      %dma_start3A_353 = arith.constant 0 : i32
      %dma_start3A_354 = arith.constant 0 : i32
      %dma_start3A_355 = tpu.memref_slice %arg12[%dma_start3A_353, %dma_start3A_354] : memref<10240x128xf32, #tpu.memory_space<vmem_shared>> -> memref<10240x128xf32, #tpu.memory_space<vmem_shared>>
      tpu.enqueue_indirect_dma source(%arg9 : memref<128x128xf32, #tpu.memory_space<vmem>>) target(%dma_start3A_355 : memref<10240x128xf32, #tpu.memory_space<vmem_shared>>) offsets(%dma_start3A_352 : memref<128xi32, #tpu.memory_space<vmem>>) semaphore(%run_scoped3A_349 : memref<!tpu.dma_semaphore, #tpu.memory_space<semaphore_mem>>)
      %dma_wait3A_356 = arith.constant 0 : i32
      %dma_wait3A_357 = tpu.memref_slice %arg11[%run_scoped3A_7, %dma_wait3A_356] : memref<5x128xi32, #tpu.memory_space<vmem>> -> memref<1x128xi32, #tpu.memory_space<vmem>>
      %dma_wait3A_358 = tpu.memref_squeeze %dma_wait3A_357 : memref<1x128xi32, #tpu.memory_space<vmem>> -> memref<128xi32, #tpu.memory_space<vmem>>
      %dma_wait3A_359 = arith.constant 0 : i32
      %dma_wait3A_360 = arith.constant 0 : i32
      %dma_wait3A_361 = tpu.memref_slice %arg12[%dma_wait3A_359, %dma_wait3A_360] : memref<10240x128xf32, #tpu.memory_space<vmem_shared>> -> memref<10240x128xf32, #tpu.memory_space<vmem_shared>>
      tpu.wait_indirect_dma semaphore(%run_scoped3A_349 : memref<!tpu.dma_semaphore, #tpu.memory_space<semaphore_mem>>) src(%arg9 : memref<128x128xf32, #tpu.memory_space<vmem>>) dst(%dma_wait3A_361 : memref<10240x128xf32, #tpu.memory_space<vmem_shared>>)
      tpu.yield
    }) : () -> ()
    %run_scoped3A_8 = arith.constant 3 : i32
    "tpu.region"() ({
      %run_scoped3A_349 = tpu.sem_alloc : memref<!tpu.dma_semaphore, #tpu.memory_space<semaphore_mem>>
      %dma_start3A_350 = arith.constant 0 : i32
      %dma_start3A_351 = tpu.memref_slice %arg11[%run_scoped3A_8, %dma_start3A_350] : memref<5x128xi32, #tpu.memory_space<vmem>> -> memref<1x128xi32, #tpu.memory_space<vmem>>
      %dma_start3A_352 = tpu.memref_squeeze %dma_start3A_351 : memref<1x128xi32, #tpu.memory_space<vmem>> -> memref<128xi32, #tpu.memory_space<vmem>>
      %dma_start3A_353 = arith.constant 0 : i32
      %dma_start3A_354 = arith.constant 0 : i32
      %dma_start3A_355 = tpu.memref_slice %arg12[%dma_start3A_353, %dma_start3A_354] : memref<10240x128xf32, #tpu.memory_space<vmem_shared>> -> memref<10240x128xf32, #tpu.memory_space<vmem_shared>>
      tpu.enqueue_indirect_dma source(%arg9 : memref<128x128xf32, #tpu.memory_space<vmem>>) target(%dma_start3A_355 : memref<10240x128xf32, #tpu.memory_space<vmem_shared>>) offsets(%dma_start3A_352 : memref<128xi32, #tpu.memory_space<vmem>>) semaphore(%run_scoped3A_349 : memref<!tpu.dma_semaphore, #tpu.memory_space<semaphore_mem>>)
      %dma_wait3A_356 = arith.constant 0 : i32
      %dma_wait3A_357 = tpu.memref_slice %arg11[%run_scoped3A_8, %dma_wait3A_356] : memref<5x128xi32, #tpu.memory_space<vmem>> -> memref<1x128xi32, #tpu.memory_space<vmem>>
      %dma_wait3A_358 = tpu.memref_squeeze %dma_wait3A_357 : memref<1x128xi32, #tpu.memory_space<vmem>> -> memref<128xi32, #tpu.memory_space<vmem>>
      %dma_wait3A_359 = arith.constant 0 : i32
      %dma_wait3A_360 = arith.constant 0 : i32
      %dma_wait3A_361 = tpu.memref_slice %arg12[%dma_wait3A_359, %dma_wait3A_360] : memref<10240x128xf32, #tpu.memory_space<vmem_shared>> -> memref<10240x128xf32, #tpu.memory_space<vmem_shared>>
      tpu.wait_indirect_dma semaphore(%run_scoped3A_349 : memref<!tpu.dma_semaphore, #tpu.memory_space<semaphore_mem>>) src(%arg9 : memref<128x128xf32, #tpu.memory_space<vmem>>) dst(%dma_wait3A_361 : memref<10240x128xf32, #tpu.memory_space<vmem_shared>>)
      tpu.yield
    }) : () -> ()
    %run_scoped3A_9 = arith.constant 4 : i32
    "tpu.region"() ({
      %run_scoped3A_349 = tpu.sem_alloc : memref<!tpu.dma_semaphore, #tpu.memory_space<semaphore_mem>>
      %dma_start3A_350 = arith.constant 0 : i32
      %dma_start3A_351 = tpu.memref_slice %arg11[%run_scoped3A_9, %dma_start3A_350] : memref<5x128xi32, #tpu.memory_space<vmem>> -> memref<1x128xi32, #tpu.memory_space<vmem>>
      %dma_start3A_352 = tpu.memref_squeeze %dma_start3A_351 : memref<1x128xi32, #tpu.memory_space<vmem>> -> memref<128xi32, #tpu.memory_space<vmem>>
      %dma_start3A_353 = arith.constant 0 : i32
      %dma_start3A_354 = arith.constant 0 : i32
      %dma_start3A_355 = tpu.memref_slice %arg12[%dma_start3A_353, %dma_start3A_354] : memref<10240x128xf32, #tpu.memory_space<vmem_shared>> -> memref<10240x128xf32, #tpu.memory_space<vmem_shared>>
      tpu.enqueue_indirect_dma source(%arg9 : memref<128x128xf32, #tpu.memory_space<vmem>>) target(%dma_start3A_355 : memref<10240x128xf32, #tpu.memory_space<vmem_shared>>) offsets(%dma_start3A_352 : memref<128xi32, #tpu.memory_space<vmem>>) semaphore(%run_scoped3A_349 : memref<!tpu.dma_semaphore, #tpu.memory_space<semaphore_mem>>)
      %dma_wait3A_356 = arith.constant 0 : i32
      %dma_wait3A_357 = tpu.memref_slice %arg11[%run_scoped3A_9, %dma_wait3A_356] : memref<5x128xi32, #tpu.memory_space<vmem>> -> memref<1x128xi32, #tpu.memory_space<vmem>>
      %dma_wait3A_358 = tpu.memref_squeeze %dma_wait3A_357 : memref<1x128xi32, #tpu.memory_space<vmem>> -> memref<128xi32, #tpu.memory_space<vmem>>
      %dma_wait3A_359 = arith.constant 0 : i32
      %dma_wait3A_360 = arith.constant 0 : i32
      %dma_wait3A_361 = tpu.memref_slice %arg12[%dma_wait3A_359, %dma_wait3A_360] : memref<10240x128xf32, #tpu.memory_space<vmem_shared>> -> memref<10240x128xf32, #tpu.memory_space<vmem_shared>>
      tpu.wait_indirect_dma semaphore(%run_scoped3A_349 : memref<!tpu.dma_semaphore, #tpu.memory_space<semaphore_mem>>) src(%arg9 : memref<128x128xf32, #tpu.memory_space<vmem>>) dst(%dma_wait3A_361 : memref<10240x128xf32, #tpu.memory_space<vmem_shared>>)
      tpu.yield
    }) : () -> ()
    %barrier3A = arith.constant 0 : index
    tpu.barrier barrier_id(%barrier3A)
    %mul3A_10 = arith.constant 2 : i32
    %mul3A_11 = arith.muli %add3A, %mul3A_10 : i32
    %add3A_12 = arith.constant 0 : i32
    %add3A_13 = arith.addi %mul3A_11, %add3A_12 : i32
    "tpu.region"() ({
      %run_scoped3A_349 = tpu.sem_alloc : memref<!tpu.dma_semaphore, #tpu.memory_space<semaphore_mem>>
      %dma_start3A_350 = arith.constant 0 : i32
      %dma_start3A_351 = arith.constant 0 : i32
      %dma_start3A_352 = tpu.memref_slice %arg3[%add3A_13, %dma_start3A_350, %dma_start3A_351] : memref<64x40x128xi32, #tpu.memory_space<hbm>> -> memref<1x40x128xi32, #tpu.memory_space<hbm>>
      %dma_start3A_353 = tpu.memref_squeeze %dma_start3A_352 : memref<1x40x128xi32, #tpu.memory_space<hbm>> -> memref<40x128xi32, #tpu.memory_space<hbm>>
      %dma_start3A_354 = arith.constant 0 : i32
      %dma_start3A_355 = arith.constant 0 : i32
      %dma_start3A_356 = tpu.memref_slice %arg3[%add3A_13, %dma_start3A_354, %dma_start3A_355] : memref<64x40x128xi32, #tpu.memory_space<hbm>> -> memref<1x40x128xi32, #tpu.memory_space<hbm>>
      %dma_start3A_357 = tpu.memref_squeeze %dma_start3A_356 : memref<1x40x128xi32, #tpu.memory_space<hbm>> -> memref<40x128xi32, #tpu.memory_space<hbm>>
      tpu.enqueue_dma source(%dma_start3A_357 : memref<40x128xi32, #tpu.memory_space<hbm>>) target(%arg7 : memref<40x128xi32, #tpu.memory_space<vmem>>) target_semaphore(%run_scoped3A_349 : memref<!tpu.dma_semaphore, #tpu.memory_space<semaphore_mem>>)
      %dma_wait3A_358 = arith.constant 0 : i32
      %dma_wait3A_359 = arith.constant 0 : i32
      %dma_wait3A_360 = tpu.memref_slice %arg3[%add3A_13, %dma_wait3A_358, %dma_wait3A_359] : memref<64x40x128xi32, #tpu.memory_space<hbm>> -> memref<1x40x128xi32, #tpu.memory_space<hbm>>
      %dma_wait3A_361 = tpu.memref_squeeze %dma_wait3A_360 : memref<1x40x128xi32, #tpu.memory_space<hbm>> -> memref<40x128xi32, #tpu.memory_space<hbm>>
      %dma_wait3A_362 = arith.constant 0 : i32
      %dma_wait3A_363 = arith.constant 0 : i32
      %dma_wait3A_364 = tpu.memref_slice %arg3[%add3A_13, %dma_wait3A_362, %dma_wait3A_363] : memref<64x40x128xi32, #tpu.memory_space<hbm>> -> memref<1x40x128xi32, #tpu.memory_space<hbm>>
      %dma_wait3A_365 = tpu.memref_squeeze %dma_wait3A_364 : memref<1x40x128xi32, #tpu.memory_space<hbm>> -> memref<40x128xi32, #tpu.memory_space<hbm>>
      tpu.wait_dma2 semaphore(%run_scoped3A_349 : memref<!tpu.dma_semaphore, #tpu.memory_space<semaphore_mem>>) src(%dma_wait3A_365 : memref<40x128xi32, #tpu.memory_space<hbm>>) dst(%arg7 : memref<40x128xi32, #tpu.memory_space<vmem>>)
      tpu.yield
    }) : () -> ()
    %mul3A_14 = arith.constant 2 : i32
    %mul3A_15 = arith.muli %add3A, %mul3A_14 : i32
    %add3A_16 = arith.constant 0 : i32
    %add3A_17 = arith.addi %mul3A_15, %add3A_16 : i32
    "tpu.region"() ({
      %run_scoped3A_349 = tpu.sem_alloc : memref<!tpu.dma_semaphore, #tpu.memory_space<semaphore_mem>>
      %dma_start3A_350 = arith.constant 0 : i32
      %dma_start3A_351 = arith.constant 0 : i32
      %dma_start3A_352 = tpu.memref_slice %arg4[%add3A_17, %dma_start3A_350, %dma_start3A_351] : memref<64x40x128xi32, #tpu.memory_space<hbm>> -> memref<1x40x128xi32, #tpu.memory_space<hbm>>
      %dma_start3A_353 = tpu.memref_squeeze %dma_start3A_352 : memref<1x40x128xi32, #tpu.memory_space<hbm>> -> memref<40x128xi32, #tpu.memory_space<hbm>>
      %dma_start3A_354 = arith.constant 0 : i32
      %dma_start3A_355 = arith.constant 0 : i32
      %dma_start3A_356 = tpu.memref_slice %arg4[%add3A_17, %dma_start3A_354, %dma_start3A_355] : memref<64x40x128xi32, #tpu.memory_space<hbm>> -> memref<1x40x128xi32, #tpu.memory_space<hbm>>
      %dma_start3A_357 = tpu.memref_squeeze %dma_start3A_356 : memref<1x40x128xi32, #tpu.memory_space<hbm>> -> memref<40x128xi32, #tpu.memory_space<hbm>>
      tpu.enqueue_dma source(%dma_start3A_357 : memref<40x128xi32, #tpu.memory_space<hbm>>) target(%arg8 : memref<40x128xi32, #tpu.memory_space<vmem>>) target_semaphore(%run_scoped3A_349 : memref<!tpu.dma_semaphore, #tpu.memory_space<semaphore_mem>>)
      %dma_wait3A_358 = arith.constant 0 : i32
      %dma_wait3A_359 = arith.constant 0 : i32
      %dma_wait3A_360 = tpu.memref_slice %arg4[%add3A_17, %dma_wait3A_358, %dma_wait3A_359] : memref<64x40x128xi32, #tpu.memory_space<hbm>> -> memref<1x40x128xi32, #tpu.memory_space<hbm>>
      %dma_wait3A_361 = tpu.memref_squeeze %dma_wait3A_360 : memref<1x40x128xi32, #tpu.memory_space<hbm>> -> memref<40x128xi32, #tpu.memory_space<hbm>>
      %dma_wait3A_362 = arith.constant 0 : i32
      %dma_wait3A_363 = arith.constant 0 : i32
      %dma_wait3A_364 = tpu.memref_slice %arg4[%add3A_17, %dma_wait3A_362, %dma_wait3A_363] : memref<64x40x128xi32, #tpu.memory_space<hbm>> -> memref<1x40x128xi32, #tpu.memory_space<hbm>>
      %dma_wait3A_365 = tpu.memref_squeeze %dma_wait3A_364 : memref<1x40x128xi32, #tpu.memory_space<hbm>> -> memref<40x128xi32, #tpu.memory_space<hbm>>
      tpu.wait_dma2 semaphore(%run_scoped3A_349 : memref<!tpu.dma_semaphore, #tpu.memory_space<semaphore_mem>>) src(%dma_wait3A_365 : memref<40x128xi32, #tpu.memory_space<hbm>>) dst(%arg8 : memref<40x128xi32, #tpu.memory_space<vmem>>)
      tpu.yield
    }) : () -> ()
    %dma_start3A = arith.constant 0 : i32
    %dma_start3A_18 = arith.constant 0 : i32
    %dma_start3A_19 = tpu.memref_slice %arg7[%dma_start3A, %dma_start3A_18] : memref<40x128xi32, #tpu.memory_space<vmem>> -> memref<1x128xi32, #tpu.memory_space<vmem>>
    %dma_start3A_20 = tpu.memref_squeeze %dma_start3A_19 : memref<1x128xi32, #tpu.memory_space<vmem>> -> memref<128xi32, #tpu.memory_space<vmem>>
    %dma_start3A_21 = arith.constant 0 : i32
    %dma_start3A_22 = arith.constant 0 : i32
    %dma_start3A_23 = tpu.memref_slice %arg2[%dma_start3A_21, %dma_start3A_22] : memref<10240x128xf32, #tpu.memory_space<hbm>> -> memref<10240x128xf32, #tpu.memory_space<hbm>>
    tpu.enqueue_indirect_dma source(%dma_start3A_23 : memref<10240x128xf32, #tpu.memory_space<hbm>>) target(%arg9 : memref<128x128xf32, #tpu.memory_space<vmem>>) offsets(%dma_start3A_20 : memref<128xi32, #tpu.memory_space<vmem>>) semaphore(%arg13 : memref<!tpu.dma_semaphore, #tpu.memory_space<semaphore_mem>>)
    %dma_wait3A = arith.constant 0 : i32
    %dma_wait3A_24 = arith.constant 0 : i32
    %dma_wait3A_25 = tpu.memref_slice %arg7[%dma_wait3A, %dma_wait3A_24] : memref<40x128xi32, #tpu.memory_space<vmem>> -> memref<1x128xi32, #tpu.memory_space<vmem>>
    %dma_wait3A_26 = tpu.memref_squeeze %dma_wait3A_25 : memref<1x128xi32, #tpu.memory_space<vmem>> -> memref<128xi32, #tpu.memory_space<vmem>>
    %dma_wait3A_27 = arith.constant 0 : i32
    %dma_wait3A_28 = arith.constant 0 : i32
    %dma_wait3A_29 = tpu.memref_slice %arg2[%dma_wait3A_27, %dma_wait3A_28] : memref<10240x128xf32, #tpu.memory_space<hbm>> -> memref<10240x128xf32, #tpu.memory_space<hbm>>
    tpu.wait_indirect_dma semaphore(%arg13 : memref<!tpu.dma_semaphore, #tpu.memory_space<semaphore_mem>>) src(%dma_wait3A_29 : memref<10240x128xf32, #tpu.memory_space<hbm>>) dst(%arg9 : memref<128x128xf32, #tpu.memory_space<vmem>>)
    %dma_start3A_30 = arith.constant 1 : i32
    %dma_start3A_31 = arith.constant 0 : i32
    %dma_start3A_32 = tpu.memref_slice %arg7[%dma_start3A_30, %dma_start3A_31] : memref<40x128xi32, #tpu.memory_space<vmem>> -> memref<1x128xi32, #tpu.memory_space<vmem>>
    %dma_start3A_33 = tpu.memref_squeeze %dma_start3A_32 : memref<1x128xi32, #tpu.memory_space<vmem>> -> memref<128xi32, #tpu.memory_space<vmem>>
    %dma_start3A_34 = arith.constant 0 : i32
    %dma_start3A_35 = arith.constant 0 : i32
    %dma_start3A_36 = tpu.memref_slice %arg2[%dma_start3A_34, %dma_start3A_35] : memref<10240x128xf32, #tpu.memory_space<hbm>> -> memref<10240x128xf32, #tpu.memory_space<hbm>>
    tpu.enqueue_indirect_dma source(%dma_start3A_36 : memref<10240x128xf32, #tpu.memory_space<hbm>>) target(%arg10 : memref<128x128xf32, #tpu.memory_space<vmem>>) offsets(%dma_start3A_33 : memref<128xi32, #tpu.memory_space<vmem>>) semaphore(%arg13 : memref<!tpu.dma_semaphore, #tpu.memory_space<semaphore_mem>>)
    %dma_start3A_37 = arith.constant 0 : i32
    %dma_start3A_38 = arith.constant 0 : i32
    %dma_start3A_39 = tpu.memref_slice %arg8[%dma_start3A_37, %dma_start3A_38] : memref<40x128xi32, #tpu.memory_space<vmem>> -> memref<1x128xi32, #tpu.memory_space<vmem>>
    %dma_start3A_40 = tpu.memref_squeeze %dma_start3A_39 : memref<1x128xi32, #tpu.memory_space<vmem>> -> memref<128xi32, #tpu.memory_space<vmem>>
    %dma_start3A_41 = arith.constant 0 : i32
    %dma_start3A_42 = arith.constant 0 : i32
    %dma_start3A_43 = tpu.memref_slice %arg12[%dma_start3A_41, %dma_start3A_42] : memref<10240x128xf32, #tpu.memory_space<vmem_shared>> -> memref<10240x128xf32, #tpu.memory_space<vmem_shared>>
    tpu.enqueue_indirect_dma source(%arg9 : memref<128x128xf32, #tpu.memory_space<vmem>>) target(%dma_start3A_43 : memref<10240x128xf32, #tpu.memory_space<vmem_shared>>) offsets(%dma_start3A_40 : memref<128xi32, #tpu.memory_space<vmem>>) semaphore(%arg14 : memref<!tpu.dma_semaphore, #tpu.memory_space<semaphore_mem>>) {add = true}
    %dma_wait3A_44 = arith.constant 1 : i32
    %dma_wait3A_45 = arith.constant 0 : i32
    %dma_wait3A_46 = tpu.memref_slice %arg7[%dma_wait3A_44, %dma_wait3A_45] : memref<40x128xi32, #tpu.memory_space<vmem>> -> memref<1x128xi32, #tpu.memory_space<vmem>>
    %dma_wait3A_47 = tpu.memref_squeeze %dma_wait3A_46 : memref<1x128xi32, #tpu.memory_space<vmem>> -> memref<128xi32, #tpu.memory_space<vmem>>
    %dma_wait3A_48 = arith.constant 0 : i32
    %dma_wait3A_49 = arith.constant 0 : i32
    %dma_wait3A_50 = tpu.memref_slice %arg2[%dma_wait3A_48, %dma_wait3A_49] : memref<10240x128xf32, #tpu.memory_space<hbm>> -> memref<10240x128xf32, #tpu.memory_space<hbm>>
    tpu.wait_indirect_dma semaphore(%arg13 : memref<!tpu.dma_semaphore, #tpu.memory_space<semaphore_mem>>) src(%dma_wait3A_50 : memref<10240x128xf32, #tpu.memory_space<hbm>>) dst(%arg10 : memref<128x128xf32, #tpu.memory_space<vmem>>)
    %dma_wait3A_51 = arith.constant 0 : i32
    %dma_wait3A_52 = arith.constant 0 : i32
    %dma_wait3A_53 = tpu.memref_slice %arg8[%dma_wait3A_51, %dma_wait3A_52] : memref<40x128xi32, #tpu.memory_space<vmem>> -> memref<1x128xi32, #tpu.memory_space<vmem>>
    %dma_wait3A_54 = tpu.memref_squeeze %dma_wait3A_53 : memref<1x128xi32, #tpu.memory_space<vmem>> -> memref<128xi32, #tpu.memory_space<vmem>>
    %dma_wait3A_55 = arith.constant 0 : i32
    %dma_wait3A_56 = arith.constant 0 : i32
    %dma_wait3A_57 = tpu.memref_slice %arg12[%dma_wait3A_55, %dma_wait3A_56] : memref<10240x128xf32, #tpu.memory_space<vmem_shared>> -> memref<10240x128xf32, #tpu.memory_space<vmem_shared>>
    tpu.wait_indirect_dma semaphore(%arg14 : memref<!tpu.dma_semaphore, #tpu.memory_space<semaphore_mem>>) src(%arg9 : memref<128x128xf32, #tpu.memory_space<vmem>>) dst(%dma_wait3A_57 : memref<10240x128xf32, #tpu.memory_space<vmem_shared>>)
    %dma_start3A_58 = arith.constant 2 : i32
    %dma_start3A_59 = arith.constant 0 : i32
    %dma_start3A_60 = tpu.memref_slice %arg7[%dma_start3A_58, %dma_start3A_59] : memref<40x128xi32, #tpu.memory_space<vmem>> -> memref<1x128xi32, #tpu.memory_space<vmem>>
    %dma_start3A_61 = tpu.memref_squeeze %dma_start3A_60 : memref<1x128xi32, #tpu.memory_space<vmem>> -> memref<128xi32, #tpu.memory_space<vmem>>
    %dma_start3A_62 = arith.constant 0 : i32
    %dma_start3A_63 = arith.constant 0 : i32
    %dma_start3A_64 = tpu.memref_slice %arg2[%dma_start3A_62, %dma_start3A_63] : memref<10240x128xf32, #tpu.memory_space<hbm>> -> memref<10240x128xf32, #tpu.memory_space<hbm>>
    tpu.enqueue_indirect_dma source(%dma_start3A_64 : memref<10240x128xf32, #tpu.memory_space<hbm>>) target(%arg9 : memref<128x128xf32, #tpu.memory_space<vmem>>) offsets(%dma_start3A_61 : memref<128xi32, #tpu.memory_space<vmem>>) semaphore(%arg13 : memref<!tpu.dma_semaphore, #tpu.memory_space<semaphore_mem>>)
    %dma_start3A_65 = arith.constant 1 : i32
    %dma_start3A_66 = arith.constant 0 : i32
    %dma_start3A_67 = tpu.memref_slice %arg8[%dma_start3A_65, %dma_start3A_66] : memref<40x128xi32, #tpu.memory_space<vmem>> -> memref<1x128xi32, #tpu.memory_space<vmem>>
    %dma_start3A_68 = tpu.memref_squeeze %dma_start3A_67 : memref<1x128xi32, #tpu.memory_space<vmem>> -> memref<128xi32, #tpu.memory_space<vmem>>
    %dma_start3A_69 = arith.constant 0 : i32
    %dma_start3A_70 = arith.constant 0 : i32
    %dma_start3A_71 = tpu.memref_slice %arg12[%dma_start3A_69, %dma_start3A_70] : memref<10240x128xf32, #tpu.memory_space<vmem_shared>> -> memref<10240x128xf32, #tpu.memory_space<vmem_shared>>
    tpu.enqueue_indirect_dma source(%arg10 : memref<128x128xf32, #tpu.memory_space<vmem>>) target(%dma_start3A_71 : memref<10240x128xf32, #tpu.memory_space<vmem_shared>>) offsets(%dma_start3A_68 : memref<128xi32, #tpu.memory_space<vmem>>) semaphore(%arg14 : memref<!tpu.dma_semaphore, #tpu.memory_space<semaphore_mem>>) {add = true}
    %scan3A_72 = arith.constant 0 : i32
    %scan3A_73 = arith.constant 18 : i32
    %scan3A_74 = arith.addi %scan3A_72, %scan3A_73 : i32
    %scan3A_75 = arith.constant 1 : i32
    scf.for %scan3A_349 = %scan3A_72 to %scan3A_74 step %scan3A_75  : i32 {
      %mul3A_350 = arith.constant 1 : i32
      %mul3A_351 = arith.muli %scan3A_349, %mul3A_350 : i32
      %add3A_352 = arith.constant 1 : i32
      %add3A_353 = arith.addi %add3A_352, %mul3A_351 : i32
      %mul3A_354 = arith.constant 2 : i32
      %mul3A_355 = arith.muli %add3A_353, %mul3A_354 : i32
      %dma_wait3A_356 = arith.constant 0 : i32
      %dma_wait3A_357 = tpu.memref_slice %arg7[%mul3A_355, %dma_wait3A_356] : memref<40x128xi32, #tpu.memory_space<vmem>> -> memref<1x128xi32, #tpu.memory_space<vmem>>
      %dma_wait3A_358 = tpu.memref_squeeze %dma_wait3A_357 : memref<1x128xi32, #tpu.memory_space<vmem>> -> memref<128xi32, #tpu.memory_space<vmem>>
      %dma_wait3A_359 = arith.constant 0 : i32
      %dma_wait3A_360 = arith.constant 0 : i32
      %dma_wait3A_361 = tpu.memref_slice %arg2[%dma_wait3A_359, %dma_wait3A_360] : memref<10240x128xf32, #tpu.memory_space<hbm>> -> memref<10240x128xf32, #tpu.memory_space<hbm>>
      tpu.wait_indirect_dma semaphore(%arg13 : memref<!tpu.dma_semaphore, #tpu.memory_space<semaphore_mem>>) src(%dma_wait3A_361 : memref<10240x128xf32, #tpu.memory_space<hbm>>) dst(%arg9 : memref<128x128xf32, #tpu.memory_space<vmem>>)
      %sub3A = arith.constant 1 : i32
      %sub3A_362 = arith.subi %mul3A_355, %sub3A : i32
      %dma_wait3A_363 = arith.constant 0 : i32
      %dma_wait3A_364 = tpu.memref_slice %arg8[%sub3A_362, %dma_wait3A_363] : memref<40x128xi32, #tpu.memory_space<vmem>> -> memref<1x128xi32, #tpu.memory_space<vmem>>
      %dma_wait3A_365 = tpu.memref_squeeze %dma_wait3A_364 : memref<1x128xi32, #tpu.memory_space<vmem>> -> memref<128xi32, #tpu.memory_space<vmem>>
      %dma_wait3A_366 = arith.constant 0 : i32
      %dma_wait3A_367 = arith.constant 0 : i32
      %dma_wait3A_368 = tpu.memref_slice %arg12[%dma_wait3A_366, %dma_wait3A_367] : memref<10240x128xf32, #tpu.memory_space<vmem_shared>> -> memref<10240x128xf32, #tpu.memory_space<vmem_shared>>
      tpu.wait_indirect_dma semaphore(%arg14 : memref<!tpu.dma_semaphore, #tpu.memory_space<semaphore_mem>>) src(%arg10 : memref<128x128xf32, #tpu.memory_space<vmem>>) dst(%dma_wait3A_368 : memref<10240x128xf32, #tpu.memory_space<vmem_shared>>)
      %add3A_369 = arith.constant 1 : i32
      %add3A_370 = arith.addi %mul3A_355, %add3A_369 : i32
      %dma_start3A_371 = arith.constant 0 : i32
      %dma_start3A_372 = tpu.memref_slice %arg7[%add3A_370, %dma_start3A_371] : memref<40x128xi32, #tpu.memory_space<vmem>> -> memref<1x128xi32, #tpu.memory_space<vmem>>
      %dma_start3A_373 = tpu.memref_squeeze %dma_start3A_372 : memref<1x128xi32, #tpu.memory_space<vmem>> -> memref<128xi32, #tpu.memory_space<vmem>>
      %dma_start3A_374 = arith.constant 0 : i32
      %dma_start3A_375 = arith.constant 0 : i32
      %dma_start3A_376 = tpu.memref_slice %arg2[%dma_start3A_374, %dma_start3A_375] : memref<10240x128xf32, #tpu.memory_space<hbm>> -> memref<10240x128xf32, #tpu.memory_space<hbm>>
      tpu.enqueue_indirect_dma source(%dma_start3A_376 : memref<10240x128xf32, #tpu.memory_space<hbm>>) target(%arg10 : memref<128x128xf32, #tpu.memory_space<vmem>>) offsets(%dma_start3A_373 : memref<128xi32, #tpu.memory_space<vmem>>) semaphore(%arg13 : memref<!tpu.dma_semaphore, #tpu.memory_space<semaphore_mem>>)
      %dma_start3A_377 = arith.constant 0 : i32
      %dma_start3A_378 = tpu.memref_slice %arg8[%mul3A_355, %dma_start3A_377] : memref<40x128xi32, #tpu.memory_space<vmem>> -> memref<1x128xi32, #tpu.memory_space<vmem>>
      %dma_start3A_379 = tpu.memref_squeeze %dma_start3A_378 : memref<1x128xi32, #tpu.memory_space<vmem>> -> memref<128xi32, #tpu.memory_space<vmem>>
      %dma_start3A_380 = arith.constant 0 : i32
      %dma_start3A_381 = arith.constant 0 : i32
      %dma_start3A_382 = tpu.memref_slice %arg12[%dma_start3A_380, %dma_start3A_381] : memref<10240x128xf32, #tpu.memory_space<vmem_shared>> -> memref<10240x128xf32, #tpu.memory_space<vmem_shared>>
      tpu.enqueue_indirect_dma source(%arg9 : memref<128x128xf32, #tpu.memory_space<vmem>>) target(%dma_start3A_382 : memref<10240x128xf32, #tpu.memory_space<vmem_shared>>) offsets(%dma_start3A_379 : memref<128xi32, #tpu.memory_space<vmem>>) semaphore(%arg14 : memref<!tpu.dma_semaphore, #tpu.memory_space<semaphore_mem>>) {add = true}
      %add3A_383 = arith.constant 1 : i32
      %add3A_384 = arith.addi %mul3A_355, %add3A_383 : i32
      %dma_wait3A_385 = arith.constant 0 : i32
      %dma_wait3A_386 = tpu.memref_slice %arg7[%add3A_384, %dma_wait3A_385] : memref<40x128xi32, #tpu.memory_space<vmem>> -> memref<1x128xi32, #tpu.memory_space<vmem>>
      %dma_wait3A_387 = tpu.memref_squeeze %dma_wait3A_386 : memref<1x128xi32, #tpu.memory_space<vmem>> -> memref<128xi32, #tpu.memory_space<vmem>>
      %dma_wait3A_388 = arith.constant 0 : i32
      %dma_wait3A_389 = arith.constant 0 : i32
      %dma_wait3A_390 = tpu.memref_slice %arg2[%dma_wait3A_388, %dma_wait3A_389] : memref<10240x128xf32, #tpu.memory_space<hbm>> -> memref<10240x128xf32, #tpu.memory_space<hbm>>
      tpu.wait_indirect_dma semaphore(%arg13 : memref<!tpu.dma_semaphore, #tpu.memory_space<semaphore_mem>>) src(%dma_wait3A_390 : memref<10240x128xf32, #tpu.memory_space<hbm>>) dst(%arg10 : memref<128x128xf32, #tpu.memory_space<vmem>>)
      %dma_wait3A_391 = arith.constant 0 : i32
      %dma_wait3A_392 = tpu.memref_slice %arg8[%mul3A_355, %dma_wait3A_391] : memref<40x128xi32, #tpu.memory_space<vmem>> -> memref<1x128xi32, #tpu.memory_space<vmem>>
      %dma_wait3A_393 = tpu.memref_squeeze %dma_wait3A_392 : memref<1x128xi32, #tpu.memory_space<vmem>> -> memref<128xi32, #tpu.memory_space<vmem>>
      %dma_wait3A_394 = arith.constant 0 : i32
      %dma_wait3A_395 = arith.constant 0 : i32
      %dma_wait3A_396 = tpu.memref_slice %arg12[%dma_wait3A_394, %dma_wait3A_395] : memref<10240x128xf32, #tpu.memory_space<vmem_shared>> -> memref<10240x128xf32, #tpu.memory_space<vmem_shared>>
      tpu.wait_indirect_dma semaphore(%arg14 : memref<!tpu.dma_semaphore, #tpu.memory_space<semaphore_mem>>) src(%arg9 : memref<128x128xf32, #tpu.memory_space<vmem>>) dst(%dma_wait3A_396 : memref<10240x128xf32, #tpu.memory_space<vmem_shared>>)
      %add3A_397 = arith.constant 2 : i32
      %add3A_398 = arith.addi %mul3A_355, %add3A_397 : i32
      %dma_start3A_399 = arith.constant 0 : i32
      %dma_start3A_400 = tpu.memref_slice %arg7[%add3A_398, %dma_start3A_399] : memref<40x128xi32, #tpu.memory_space<vmem>> -> memref<1x128xi32, #tpu.memory_space<vmem>>
      %dma_start3A_401 = tpu.memref_squeeze %dma_start3A_400 : memref<1x128xi32, #tpu.memory_space<vmem>> -> memref<128xi32, #tpu.memory_space<vmem>>
      %dma_start3A_402 = arith.constant 0 : i32
      %dma_start3A_403 = arith.constant 0 : i32
      %dma_start3A_404 = tpu.memref_slice %arg2[%dma_start3A_402, %dma_start3A_403] : memref<10240x128xf32, #tpu.memory_space<hbm>> -> memref<10240x128xf32, #tpu.memory_space<hbm>>
      tpu.enqueue_indirect_dma source(%dma_start3A_404 : memref<10240x128xf32, #tpu.memory_space<hbm>>) target(%arg9 : memref<128x128xf32, #tpu.memory_space<vmem>>) offsets(%dma_start3A_401 : memref<128xi32, #tpu.memory_space<vmem>>) semaphore(%arg13 : memref<!tpu.dma_semaphore, #tpu.memory_space<semaphore_mem>>)
      %add3A_405 = arith.constant 1 : i32
      %add3A_406 = arith.addi %mul3A_355, %add3A_405 : i32
      %dma_start3A_407 = arith.constant 0 : i32
      %dma_start3A_408 = tpu.memref_slice %arg8[%add3A_406, %dma_start3A_407] : memref<40x128xi32, #tpu.memory_space<vmem>> -> memref<1x128xi32, #tpu.memory_space<vmem>>
      %dma_start3A_409 = tpu.memref_squeeze %dma_start3A_408 : memref<1x128xi32, #tpu.memory_space<vmem>> -> memref<128xi32, #tpu.memory_space<vmem>>
      %dma_start3A_410 = arith.constant 0 : i32
      %dma_start3A_411 = arith.constant 0 : i32
      %dma_start3A_412 = tpu.memref_slice %arg12[%dma_start3A_410, %dma_start3A_411] : memref<10240x128xf32, #tpu.memory_space<vmem_shared>> -> memref<10240x128xf32, #tpu.memory_space<vmem_shared>>
      tpu.enqueue_indirect_dma source(%arg10 : memref<128x128xf32, #tpu.memory_space<vmem>>) target(%dma_start3A_412 : memref<10240x128xf32, #tpu.memory_space<vmem_shared>>) offsets(%dma_start3A_409 : memref<128xi32, #tpu.memory_space<vmem>>) semaphore(%arg14 : memref<!tpu.dma_semaphore, #tpu.memory_space<semaphore_mem>>) {add = true}
    }
    %scan3A_76 = arith.constant 18 : i32
    %dma_wait3A_77 = arith.constant 38 : i32
    %dma_wait3A_78 = arith.constant 0 : i32
    %dma_wait3A_79 = tpu.memref_slice %arg7[%dma_wait3A_77, %dma_wait3A_78] : memref<40x128xi32, #tpu.memory_space<vmem>> -> memref<1x128xi32, #tpu.memory_space<vmem>>
    %dma_wait3A_80 = tpu.memref_squeeze %dma_wait3A_79 : memref<1x128xi32, #tpu.memory_space<vmem>> -> memref<128xi32, #tpu.memory_space<vmem>>
    %dma_wait3A_81 = arith.constant 0 : i32
    %dma_wait3A_82 = arith.constant 0 : i32
    %dma_wait3A_83 = tpu.memref_slice %arg2[%dma_wait3A_81, %dma_wait3A_82] : memref<10240x128xf32, #tpu.memory_space<hbm>> -> memref<10240x128xf32, #tpu.memory_space<hbm>>
    tpu.wait_indirect_dma semaphore(%arg13 : memref<!tpu.dma_semaphore, #tpu.memory_space<semaphore_mem>>) src(%dma_wait3A_83 : memref<10240x128xf32, #tpu.memory_space<hbm>>) dst(%arg9 : memref<128x128xf32, #tpu.memory_space<vmem>>)
    %dma_wait3A_84 = arith.constant 37 : i32
    %dma_wait3A_85 = arith.constant 0 : i32
    %dma_wait3A_86 = tpu.memref_slice %arg8[%dma_wait3A_84, %dma_wait3A_85] : memref<40x128xi32, #tpu.memory_space<vmem>> -> memref<1x128xi32, #tpu.memory_space<vmem>>
    %dma_wait3A_87 = tpu.memref_squeeze %dma_wait3A_86 : memref<1x128xi32, #tpu.memory_space<vmem>> -> memref<128xi32, #tpu.memory_space<vmem>>
    %dma_wait3A_88 = arith.constant 0 : i32
    %dma_wait3A_89 = arith.constant 0 : i32
    %dma_wait3A_90 = tpu.memref_slice %arg12[%dma_wait3A_88, %dma_wait3A_89] : memref<10240x128xf32, #tpu.memory_space<vmem_shared>> -> memref<10240x128xf32, #tpu.memory_space<vmem_shared>>
    tpu.wait_indirect_dma semaphore(%arg14 : memref<!tpu.dma_semaphore, #tpu.memory_space<semaphore_mem>>) src(%arg10 : memref<128x128xf32, #tpu.memory_space<vmem>>) dst(%dma_wait3A_90 : memref<10240x128xf32, #tpu.memory_space<vmem_shared>>)
    %dma_start3A_91 = arith.constant 39 : i32
    %dma_start3A_92 = arith.constant 0 : i32
    %dma_start3A_93 = tpu.memref_slice %arg7[%dma_start3A_91, %dma_start3A_92] : memref<40x128xi32, #tpu.memory_space<vmem>> -> memref<1x128xi32, #tpu.memory_space<vmem>>
    %dma_start3A_94 = tpu.memref_squeeze %dma_start3A_93 : memref<1x128xi32, #tpu.memory_space<vmem>> -> memref<128xi32, #tpu.memory_space<vmem>>
    %dma_start3A_95 = arith.constant 0 : i32
    %dma_start3A_96 = arith.constant 0 : i32
    %dma_start3A_97 = tpu.memref_slice %arg2[%dma_start3A_95, %dma_start3A_96] : memref<10240x128xf32, #tpu.memory_space<hbm>> -> memref<10240x128xf32, #tpu.memory_space<hbm>>
    tpu.enqueue_indirect_dma source(%dma_start3A_97 : memref<10240x128xf32, #tpu.memory_space<hbm>>) target(%arg10 : memref<128x128xf32, #tpu.memory_space<vmem>>) offsets(%dma_start3A_94 : memref<128xi32, #tpu.memory_space<vmem>>) semaphore(%arg13 : memref<!tpu.dma_semaphore, #tpu.memory_space<semaphore_mem>>)
    %dma_start3A_98 = arith.constant 38 : i32
    %dma_start3A_99 = arith.constant 0 : i32
    %dma_start3A_100 = tpu.memref_slice %arg8[%dma_start3A_98, %dma_start3A_99] : memref<40x128xi32, #tpu.memory_space<vmem>> -> memref<1x128xi32, #tpu.memory_space<vmem>>
    %dma_start3A_101 = tpu.memref_squeeze %dma_start3A_100 : memref<1x128xi32, #tpu.memory_space<vmem>> -> memref<128xi32, #tpu.memory_space<vmem>>
    %dma_start3A_102 = arith.constant 0 : i32
    %dma_start3A_103 = arith.constant 0 : i32
    %dma_start3A_104 = tpu.memref_slice %arg12[%dma_start3A_102, %dma_start3A_103] : memref<10240x128xf32, #tpu.memory_space<vmem_shared>> -> memref<10240x128xf32, #tpu.memory_space<vmem_shared>>
    tpu.enqueue_indirect_dma source(%arg9 : memref<128x128xf32, #tpu.memory_space<vmem>>) target(%dma_start3A_104 : memref<10240x128xf32, #tpu.memory_space<vmem_shared>>) offsets(%dma_start3A_101 : memref<128xi32, #tpu.memory_space<vmem>>) semaphore(%arg14 : memref<!tpu.dma_semaphore, #tpu.memory_space<semaphore_mem>>) {add = true}
    %dma_wait3A_105 = arith.constant 39 : i32
    %dma_wait3A_106 = arith.constant 0 : i32
    %dma_wait3A_107 = tpu.memref_slice %arg7[%dma_wait3A_105, %dma_wait3A_106] : memref<40x128xi32, #tpu.memory_space<vmem>> -> memref<1x128xi32, #tpu.memory_space<vmem>>
    %dma_wait3A_108 = tpu.memref_squeeze %dma_wait3A_107 : memref<1x128xi32, #tpu.memory_space<vmem>> -> memref<128xi32, #tpu.memory_space<vmem>>
    %dma_wait3A_109 = arith.constant 0 : i32
    %dma_wait3A_110 = arith.constant 0 : i32
    %dma_wait3A_111 = tpu.memref_slice %arg2[%dma_wait3A_109, %dma_wait3A_110] : memref<10240x128xf32, #tpu.memory_space<hbm>> -> memref<10240x128xf32, #tpu.memory_space<hbm>>
    tpu.wait_indirect_dma semaphore(%arg13 : memref<!tpu.dma_semaphore, #tpu.memory_space<semaphore_mem>>) src(%dma_wait3A_111 : memref<10240x128xf32, #tpu.memory_space<hbm>>) dst(%arg10 : memref<128x128xf32, #tpu.memory_space<vmem>>)
    %dma_wait3A_112 = arith.constant 38 : i32
    %dma_wait3A_113 = arith.constant 0 : i32
    %dma_wait3A_114 = tpu.memref_slice %arg8[%dma_wait3A_112, %dma_wait3A_113] : memref<40x128xi32, #tpu.memory_space<vmem>> -> memref<1x128xi32, #tpu.memory_space<vmem>>
    %dma_wait3A_115 = tpu.memref_squeeze %dma_wait3A_114 : memref<1x128xi32, #tpu.memory_space<vmem>> -> memref<128xi32, #tpu.memory_space<vmem>>
    %dma_wait3A_116 = arith.constant 0 : i32
    %dma_wait3A_117 = arith.constant 0 : i32
    %dma_wait3A_118 = tpu.memref_slice %arg12[%dma_wait3A_116, %dma_wait3A_117] : memref<10240x128xf32, #tpu.memory_space<vmem_shared>> -> memref<10240x128xf32, #tpu.memory_space<vmem_shared>>
    tpu.wait_indirect_dma semaphore(%arg14 : memref<!tpu.dma_semaphore, #tpu.memory_space<semaphore_mem>>) src(%arg9 : memref<128x128xf32, #tpu.memory_space<vmem>>) dst(%dma_wait3A_118 : memref<10240x128xf32, #tpu.memory_space<vmem_shared>>)
    %dma_start3A_119 = arith.constant 39 : i32
    %dma_start3A_120 = arith.constant 0 : i32
    %dma_start3A_121 = tpu.memref_slice %arg8[%dma_start3A_119, %dma_start3A_120] : memref<40x128xi32, #tpu.memory_space<vmem>> -> memref<1x128xi32, #tpu.memory_space<vmem>>
    %dma_start3A_122 = tpu.memref_squeeze %dma_start3A_121 : memref<1x128xi32, #tpu.memory_space<vmem>> -> memref<128xi32, #tpu.memory_space<vmem>>
    %dma_start3A_123 = arith.constant 0 : i32
    %dma_start3A_124 = arith.constant 0 : i32
    %dma_start3A_125 = tpu.memref_slice %arg12[%dma_start3A_123, %dma_start3A_124] : memref<10240x128xf32, #tpu.memory_space<vmem_shared>> -> memref<10240x128xf32, #tpu.memory_space<vmem_shared>>
    tpu.enqueue_indirect_dma source(%arg10 : memref<128x128xf32, #tpu.memory_space<vmem>>) target(%dma_start3A_125 : memref<10240x128xf32, #tpu.memory_space<vmem_shared>>) offsets(%dma_start3A_122 : memref<128xi32, #tpu.memory_space<vmem>>) semaphore(%arg14 : memref<!tpu.dma_semaphore, #tpu.memory_space<semaphore_mem>>) {add = true}
    %dma_wait3A_126 = arith.constant 39 : i32
    %dma_wait3A_127 = arith.constant 0 : i32
    %dma_wait3A_128 = tpu.memref_slice %arg8[%dma_wait3A_126, %dma_wait3A_127] : memref<40x128xi32, #tpu.memory_space<vmem>> -> memref<1x128xi32, #tpu.memory_space<vmem>>
    %dma_wait3A_129 = tpu.memref_squeeze %dma_wait3A_128 : memref<1x128xi32, #tpu.memory_space<vmem>> -> memref<128xi32, #tpu.memory_space<vmem>>
    %dma_wait3A_130 = arith.constant 0 : i32
    %dma_wait3A_131 = arith.constant 0 : i32
    %dma_wait3A_132 = tpu.memref_slice %arg12[%dma_wait3A_130, %dma_wait3A_131] : memref<10240x128xf32, #tpu.memory_space<vmem_shared>> -> memref<10240x128xf32, #tpu.memory_space<vmem_shared>>
    tpu.wait_indirect_dma semaphore(%arg14 : memref<!tpu.dma_semaphore, #tpu.memory_space<semaphore_mem>>) src(%arg10 : memref<128x128xf32, #tpu.memory_space<vmem>>) dst(%dma_wait3A_132 : memref<10240x128xf32, #tpu.memory_space<vmem_shared>>)
    %mul3A_133 = arith.constant 2 : i32
    %mul3A_134 = arith.muli %add3A, %mul3A_133 : i32
    %add3A_135 = arith.constant 1 : i32
    %add3A_136 = arith.addi %mul3A_134, %add3A_135 : i32
    "tpu.region"() ({
      %run_scoped3A_349 = tpu.sem_alloc : memref<!tpu.dma_semaphore, #tpu.memory_space<semaphore_mem>>
      %dma_start3A_350 = arith.constant 0 : i32
      %dma_start3A_351 = arith.constant 0 : i32
      %dma_start3A_352 = tpu.memref_slice %arg3[%add3A_136, %dma_start3A_350, %dma_start3A_351] : memref<64x40x128xi32, #tpu.memory_space<hbm>> -> memref<1x40x128xi32, #tpu.memory_space<hbm>>
      %dma_start3A_353 = tpu.memref_squeeze %dma_start3A_352 : memref<1x40x128xi32, #tpu.memory_space<hbm>> -> memref<40x128xi32, #tpu.memory_space<hbm>>
      %dma_start3A_354 = arith.constant 0 : i32
      %dma_start3A_355 = arith.constant 0 : i32
      %dma_start3A_356 = tpu.memref_slice %arg3[%add3A_136, %dma_start3A_354, %dma_start3A_355] : memref<64x40x128xi32, #tpu.memory_space<hbm>> -> memref<1x40x128xi32, #tpu.memory_space<hbm>>
      %dma_start3A_357 = tpu.memref_squeeze %dma_start3A_356 : memref<1x40x128xi32, #tpu.memory_space<hbm>> -> memref<40x128xi32, #tpu.memory_space<hbm>>
      tpu.enqueue_dma source(%dma_start3A_357 : memref<40x128xi32, #tpu.memory_space<hbm>>) target(%arg7 : memref<40x128xi32, #tpu.memory_space<vmem>>) target_semaphore(%run_scoped3A_349 : memref<!tpu.dma_semaphore, #tpu.memory_space<semaphore_mem>>)
      %dma_wait3A_358 = arith.constant 0 : i32
      %dma_wait3A_359 = arith.constant 0 : i32
      %dma_wait3A_360 = tpu.memref_slice %arg3[%add3A_136, %dma_wait3A_358, %dma_wait3A_359] : memref<64x40x128xi32, #tpu.memory_space<hbm>> -> memref<1x40x128xi32, #tpu.memory_space<hbm>>
      %dma_wait3A_361 = tpu.memref_squeeze %dma_wait3A_360 : memref<1x40x128xi32, #tpu.memory_space<hbm>> -> memref<40x128xi32, #tpu.memory_space<hbm>>
      %dma_wait3A_362 = arith.constant 0 : i32
      %dma_wait3A_363 = arith.constant 0 : i32
      %dma_wait3A_364 = tpu.memref_slice %arg3[%add3A_136, %dma_wait3A_362, %dma_wait3A_363] : memref<64x40x128xi32, #tpu.memory_space<hbm>> -> memref<1x40x128xi32, #tpu.memory_space<hbm>>
      %dma_wait3A_365 = tpu.memref_squeeze %dma_wait3A_364 : memref<1x40x128xi32, #tpu.memory_space<hbm>> -> memref<40x128xi32, #tpu.memory_space<hbm>>
      tpu.wait_dma2 semaphore(%run_scoped3A_349 : memref<!tpu.dma_semaphore, #tpu.memory_space<semaphore_mem>>) src(%dma_wait3A_365 : memref<40x128xi32, #tpu.memory_space<hbm>>) dst(%arg7 : memref<40x128xi32, #tpu.memory_space<vmem>>)
      tpu.yield
    }) : () -> ()
    %mul3A_137 = arith.constant 2 : i32
    %mul3A_138 = arith.muli %add3A, %mul3A_137 : i32
    %add3A_139 = arith.constant 1 : i32
    %add3A_140 = arith.addi %mul3A_138, %add3A_139 : i32
    "tpu.region"() ({
      %run_scoped3A_349 = tpu.sem_alloc : memref<!tpu.dma_semaphore, #tpu.memory_space<semaphore_mem>>
      %dma_start3A_350 = arith.constant 0 : i32
      %dma_start3A_351 = arith.constant 0 : i32
      %dma_start3A_352 = tpu.memref_slice %arg4[%add3A_140, %dma_start3A_350, %dma_start3A_351] : memref<64x40x128xi32, #tpu.memory_space<hbm>> -> memref<1x40x128xi32, #tpu.memory_space<hbm>>
      %dma_start3A_353 = tpu.memref_squeeze %dma_start3A_352 : memref<1x40x128xi32, #tpu.memory_space<hbm>> -> memref<40x128xi32, #tpu.memory_space<hbm>>
      %dma_start3A_354 = arith.constant 0 : i32
      %dma_start3A_355 = arith.constant 0 : i32
      %dma_start3A_356 = tpu.memref_slice %arg4[%add3A_140, %dma_start3A_354, %dma_start3A_355] : memref<64x40x128xi32, #tpu.memory_space<hbm>> -> memref<1x40x128xi32, #tpu.memory_space<hbm>>
      %dma_start3A_357 = tpu.memref_squeeze %dma_start3A_356 : memref<1x40x128xi32, #tpu.memory_space<hbm>> -> memref<40x128xi32, #tpu.memory_space<hbm>>
      tpu.enqueue_dma source(%dma_start3A_357 : memref<40x128xi32, #tpu.memory_space<hbm>>) target(%arg8 : memref<40x128xi32, #tpu.memory_space<vmem>>) target_semaphore(%run_scoped3A_349 : memref<!tpu.dma_semaphore, #tpu.memory_space<semaphore_mem>>)
      %dma_wait3A_358 = arith.constant 0 : i32
      %dma_wait3A_359 = arith.constant 0 : i32
      %dma_wait3A_360 = tpu.memref_slice %arg4[%add3A_140, %dma_wait3A_358, %dma_wait3A_359] : memref<64x40x128xi32, #tpu.memory_space<hbm>> -> memref<1x40x128xi32, #tpu.memory_space<hbm>>
      %dma_wait3A_361 = tpu.memref_squeeze %dma_wait3A_360 : memref<1x40x128xi32, #tpu.memory_space<hbm>> -> memref<40x128xi32, #tpu.memory_space<hbm>>
      %dma_wait3A_362 = arith.constant 0 : i32
      %dma_wait3A_363 = arith.constant 0 : i32
      %dma_wait3A_364 = tpu.memref_slice %arg4[%add3A_140, %dma_wait3A_362, %dma_wait3A_363] : memref<64x40x128xi32, #tpu.memory_space<hbm>> -> memref<1x40x128xi32, #tpu.memory_space<hbm>>
      %dma_wait3A_365 = tpu.memref_squeeze %dma_wait3A_364 : memref<1x40x128xi32, #tpu.memory_space<hbm>> -> memref<40x128xi32, #tpu.memory_space<hbm>>
      tpu.wait_dma2 semaphore(%run_scoped3A_349 : memref<!tpu.dma_semaphore, #tpu.memory_space<semaphore_mem>>) src(%dma_wait3A_365 : memref<40x128xi32, #tpu.memory_space<hbm>>) dst(%arg8 : memref<40x128xi32, #tpu.memory_space<vmem>>)
      tpu.yield
    }) : () -> ()
    %dma_start3A_141 = arith.constant 0 : i32
    %dma_start3A_142 = arith.constant 0 : i32
    %dma_start3A_143 = tpu.memref_slice %arg7[%dma_start3A_141, %dma_start3A_142] : memref<40x128xi32, #tpu.memory_space<vmem>> -> memref<1x128xi32, #tpu.memory_space<vmem>>
    %dma_start3A_144 = tpu.memref_squeeze %dma_start3A_143 : memref<1x128xi32, #tpu.memory_space<vmem>> -> memref<128xi32, #tpu.memory_space<vmem>>
    %dma_start3A_145 = arith.constant 0 : i32
    %dma_start3A_146 = arith.constant 0 : i32
    %dma_start3A_147 = tpu.memref_slice %arg2[%dma_start3A_145, %dma_start3A_146] : memref<10240x128xf32, #tpu.memory_space<hbm>> -> memref<10240x128xf32, #tpu.memory_space<hbm>>
    tpu.enqueue_indirect_dma source(%dma_start3A_147 : memref<10240x128xf32, #tpu.memory_space<hbm>>) target(%arg9 : memref<128x128xf32, #tpu.memory_space<vmem>>) offsets(%dma_start3A_144 : memref<128xi32, #tpu.memory_space<vmem>>) semaphore(%arg13 : memref<!tpu.dma_semaphore, #tpu.memory_space<semaphore_mem>>)
    %dma_wait3A_148 = arith.constant 0 : i32
    %dma_wait3A_149 = arith.constant 0 : i32
    %dma_wait3A_150 = tpu.memref_slice %arg7[%dma_wait3A_148, %dma_wait3A_149] : memref<40x128xi32, #tpu.memory_space<vmem>> -> memref<1x128xi32, #tpu.memory_space<vmem>>
    %dma_wait3A_151 = tpu.memref_squeeze %dma_wait3A_150 : memref<1x128xi32, #tpu.memory_space<vmem>> -> memref<128xi32, #tpu.memory_space<vmem>>
    %dma_wait3A_152 = arith.constant 0 : i32
    %dma_wait3A_153 = arith.constant 0 : i32
    %dma_wait3A_154 = tpu.memref_slice %arg2[%dma_wait3A_152, %dma_wait3A_153] : memref<10240x128xf32, #tpu.memory_space<hbm>> -> memref<10240x128xf32, #tpu.memory_space<hbm>>
    tpu.wait_indirect_dma semaphore(%arg13 : memref<!tpu.dma_semaphore, #tpu.memory_space<semaphore_mem>>) src(%dma_wait3A_154 : memref<10240x128xf32, #tpu.memory_space<hbm>>) dst(%arg9 : memref<128x128xf32, #tpu.memory_space<vmem>>)
    %dma_start3A_155 = arith.constant 1 : i32
    %dma_start3A_156 = arith.constant 0 : i32
    %dma_start3A_157 = tpu.memref_slice %arg7[%dma_start3A_155, %dma_start3A_156] : memref<40x128xi32, #tpu.memory_space<vmem>> -> memref<1x128xi32, #tpu.memory_space<vmem>>
    %dma_start3A_158 = tpu.memref_squeeze %dma_start3A_157 : memref<1x128xi32, #tpu.memory_space<vmem>> -> memref<128xi32, #tpu.memory_space<vmem>>
    %dma_start3A_159 = arith.constant 0 : i32
    %dma_start3A_160 = arith.constant 0 : i32
    %dma_start3A_161 = tpu.memref_slice %arg2[%dma_start3A_159, %dma_start3A_160] : memref<10240x128xf32, #tpu.memory_space<hbm>> -> memref<10240x128xf32, #tpu.memory_space<hbm>>
    tpu.enqueue_indirect_dma source(%dma_start3A_161 : memref<10240x128xf32, #tpu.memory_space<hbm>>) target(%arg10 : memref<128x128xf32, #tpu.memory_space<vmem>>) offsets(%dma_start3A_158 : memref<128xi32, #tpu.memory_space<vmem>>) semaphore(%arg13 : memref<!tpu.dma_semaphore, #tpu.memory_space<semaphore_mem>>)
    %dma_start3A_162 = arith.constant 0 : i32
    %dma_start3A_163 = arith.constant 0 : i32
    %dma_start3A_164 = tpu.memref_slice %arg8[%dma_start3A_162, %dma_start3A_163] : memref<40x128xi32, #tpu.memory_space<vmem>> -> memref<1x128xi32, #tpu.memory_space<vmem>>
    %dma_start3A_165 = tpu.memref_squeeze %dma_start3A_164 : memref<1x128xi32, #tpu.memory_space<vmem>> -> memref<128xi32, #tpu.memory_space<vmem>>
    %dma_start3A_166 = arith.constant 0 : i32
    %dma_start3A_167 = arith.constant 0 : i32
    %dma_start3A_168 = tpu.memref_slice %arg12[%dma_start3A_166, %dma_start3A_167] : memref<10240x128xf32, #tpu.memory_space<vmem_shared>> -> memref<10240x128xf32, #tpu.memory_space<vmem_shared>>
    tpu.enqueue_indirect_dma source(%arg9 : memref<128x128xf32, #tpu.memory_space<vmem>>) target(%dma_start3A_168 : memref<10240x128xf32, #tpu.memory_space<vmem_shared>>) offsets(%dma_start3A_165 : memref<128xi32, #tpu.memory_space<vmem>>) semaphore(%arg14 : memref<!tpu.dma_semaphore, #tpu.memory_space<semaphore_mem>>) {add = true}
    %dma_wait3A_169 = arith.constant 1 : i32
    %dma_wait3A_170 = arith.constant 0 : i32
    %dma_wait3A_171 = tpu.memref_slice %arg7[%dma_wait3A_169, %dma_wait3A_170] : memref<40x128xi32, #tpu.memory_space<vmem>> -> memref<1x128xi32, #tpu.memory_space<vmem>>
    %dma_wait3A_172 = tpu.memref_squeeze %dma_wait3A_171 : memref<1x128xi32, #tpu.memory_space<vmem>> -> memref<128xi32, #tpu.memory_space<vmem>>
    %dma_wait3A_173 = arith.constant 0 : i32
    %dma_wait3A_174 = arith.constant 0 : i32
    %dma_wait3A_175 = tpu.memref_slice %arg2[%dma_wait3A_173, %dma_wait3A_174] : memref<10240x128xf32, #tpu.memory_space<hbm>> -> memref<10240x128xf32, #tpu.memory_space<hbm>>
    tpu.wait_indirect_dma semaphore(%arg13 : memref<!tpu.dma_semaphore, #tpu.memory_space<semaphore_mem>>) src(%dma_wait3A_175 : memref<10240x128xf32, #tpu.memory_space<hbm>>) dst(%arg10 : memref<128x128xf32, #tpu.memory_space<vmem>>)
    %dma_wait3A_176 = arith.constant 0 : i32
    %dma_wait3A_177 = arith.constant 0 : i32
    %dma_wait3A_178 = tpu.memref_slice %arg8[%dma_wait3A_176, %dma_wait3A_177] : memref<40x128xi32, #tpu.memory_space<vmem>> -> memref<1x128xi32, #tpu.memory_space<vmem>>
    %dma_wait3A_179 = tpu.memref_squeeze %dma_wait3A_178 : memref<1x128xi32, #tpu.memory_space<vmem>> -> memref<128xi32, #tpu.memory_space<vmem>>
    %dma_wait3A_180 = arith.constant 0 : i32
    %dma_wait3A_181 = arith.constant 0 : i32
    %dma_wait3A_182 = tpu.memref_slice %arg12[%dma_wait3A_180, %dma_wait3A_181] : memref<10240x128xf32, #tpu.memory_space<vmem_shared>> -> memref<10240x128xf32, #tpu.memory_space<vmem_shared>>
    tpu.wait_indirect_dma semaphore(%arg14 : memref<!tpu.dma_semaphore, #tpu.memory_space<semaphore_mem>>) src(%arg9 : memref<128x128xf32, #tpu.memory_space<vmem>>) dst(%dma_wait3A_182 : memref<10240x128xf32, #tpu.memory_space<vmem_shared>>)
    %dma_start3A_183 = arith.constant 2 : i32
    %dma_start3A_184 = arith.constant 0 : i32
    %dma_start3A_185 = tpu.memref_slice %arg7[%dma_start3A_183, %dma_start3A_184] : memref<40x128xi32, #tpu.memory_space<vmem>> -> memref<1x128xi32, #tpu.memory_space<vmem>>
    %dma_start3A_186 = tpu.memref_squeeze %dma_start3A_185 : memref<1x128xi32, #tpu.memory_space<vmem>> -> memref<128xi32, #tpu.memory_space<vmem>>
    %dma_start3A_187 = arith.constant 0 : i32
    %dma_start3A_188 = arith.constant 0 : i32
    %dma_start3A_189 = tpu.memref_slice %arg2[%dma_start3A_187, %dma_start3A_188] : memref<10240x128xf32, #tpu.memory_space<hbm>> -> memref<10240x128xf32, #tpu.memory_space<hbm>>
    tpu.enqueue_indirect_dma source(%dma_start3A_189 : memref<10240x128xf32, #tpu.memory_space<hbm>>) target(%arg9 : memref<128x128xf32, #tpu.memory_space<vmem>>) offsets(%dma_start3A_186 : memref<128xi32, #tpu.memory_space<vmem>>) semaphore(%arg13 : memref<!tpu.dma_semaphore, #tpu.memory_space<semaphore_mem>>)
    %dma_start3A_190 = arith.constant 1 : i32
    %dma_start3A_191 = arith.constant 0 : i32
    %dma_start3A_192 = tpu.memref_slice %arg8[%dma_start3A_190, %dma_start3A_191] : memref<40x128xi32, #tpu.memory_space<vmem>> -> memref<1x128xi32, #tpu.memory_space<vmem>>
    %dma_start3A_193 = tpu.memref_squeeze %dma_start3A_192 : memref<1x128xi32, #tpu.memory_space<vmem>> -> memref<128xi32, #tpu.memory_space<vmem>>
    %dma_start3A_194 = arith.constant 0 : i32
    %dma_start3A_195 = arith.constant 0 : i32
    %dma_start3A_196 = tpu.memref_slice %arg12[%dma_start3A_194, %dma_start3A_195] : memref<10240x128xf32, #tpu.memory_space<vmem_shared>> -> memref<10240x128xf32, #tpu.memory_space<vmem_shared>>
    tpu.enqueue_indirect_dma source(%arg10 : memref<128x128xf32, #tpu.memory_space<vmem>>) target(%dma_start3A_196 : memref<10240x128xf32, #tpu.memory_space<vmem_shared>>) offsets(%dma_start3A_193 : memref<128xi32, #tpu.memory_space<vmem>>) semaphore(%arg14 : memref<!tpu.dma_semaphore, #tpu.memory_space<semaphore_mem>>) {add = true}
    %scan3A_197 = arith.constant 0 : i32
    %scan3A_198 = arith.constant 18 : i32
    %scan3A_199 = arith.addi %scan3A_197, %scan3A_198 : i32
    %scan3A_200 = arith.constant 1 : i32
    scf.for %scan3A_349 = %scan3A_197 to %scan3A_199 step %scan3A_200  : i32 {
      %mul3A_350 = arith.constant 1 : i32
      %mul3A_351 = arith.muli %scan3A_349, %mul3A_350 : i32
      %add3A_352 = arith.constant 1 : i32
      %add3A_353 = arith.addi %add3A_352, %mul3A_351 : i32
      %mul3A_354 = arith.constant 2 : i32
      %mul3A_355 = arith.muli %add3A_353, %mul3A_354 : i32
      %dma_wait3A_356 = arith.constant 0 : i32
      %dma_wait3A_357 = tpu.memref_slice %arg7[%mul3A_355, %dma_wait3A_356] : memref<40x128xi32, #tpu.memory_space<vmem>> -> memref<1x128xi32, #tpu.memory_space<vmem>>
      %dma_wait3A_358 = tpu.memref_squeeze %dma_wait3A_357 : memref<1x128xi32, #tpu.memory_space<vmem>> -> memref<128xi32, #tpu.memory_space<vmem>>
      %dma_wait3A_359 = arith.constant 0 : i32
      %dma_wait3A_360 = arith.constant 0 : i32
      %dma_wait3A_361 = tpu.memref_slice %arg2[%dma_wait3A_359, %dma_wait3A_360] : memref<10240x128xf32, #tpu.memory_space<hbm>> -> memref<10240x128xf32, #tpu.memory_space<hbm>>
      tpu.wait_indirect_dma semaphore(%arg13 : memref<!tpu.dma_semaphore, #tpu.memory_space<semaphore_mem>>) src(%dma_wait3A_361 : memref<10240x128xf32, #tpu.memory_space<hbm>>) dst(%arg9 : memref<128x128xf32, #tpu.memory_space<vmem>>)
      %sub3A = arith.constant 1 : i32
      %sub3A_362 = arith.subi %mul3A_355, %sub3A : i32
      %dma_wait3A_363 = arith.constant 0 : i32
      %dma_wait3A_364 = tpu.memref_slice %arg8[%sub3A_362, %dma_wait3A_363] : memref<40x128xi32, #tpu.memory_space<vmem>> -> memref<1x128xi32, #tpu.memory_space<vmem>>
      %dma_wait3A_365 = tpu.memref_squeeze %dma_wait3A_364 : memref<1x128xi32, #tpu.memory_space<vmem>> -> memref<128xi32, #tpu.memory_space<vmem>>
      %dma_wait3A_366 = arith.constant 0 : i32
      %dma_wait3A_367 = arith.constant 0 : i32
      %dma_wait3A_368 = tpu.memref_slice %arg12[%dma_wait3A_366, %dma_wait3A_367] : memref<10240x128xf32, #tpu.memory_space<vmem_shared>> -> memref<10240x128xf32, #tpu.memory_space<vmem_shared>>
      tpu.wait_indirect_dma semaphore(%arg14 : memref<!tpu.dma_semaphore, #tpu.memory_space<semaphore_mem>>) src(%arg10 : memref<128x128xf32, #tpu.memory_space<vmem>>) dst(%dma_wait3A_368 : memref<10240x128xf32, #tpu.memory_space<vmem_shared>>)
      %add3A_369 = arith.constant 1 : i32
      %add3A_370 = arith.addi %mul3A_355, %add3A_369 : i32
      %dma_start3A_371 = arith.constant 0 : i32
      %dma_start3A_372 = tpu.memref_slice %arg7[%add3A_370, %dma_start3A_371] : memref<40x128xi32, #tpu.memory_space<vmem>> -> memref<1x128xi32, #tpu.memory_space<vmem>>
      %dma_start3A_373 = tpu.memref_squeeze %dma_start3A_372 : memref<1x128xi32, #tpu.memory_space<vmem>> -> memref<128xi32, #tpu.memory_space<vmem>>
      %dma_start3A_374 = arith.constant 0 : i32
      %dma_start3A_375 = arith.constant 0 : i32
      %dma_start3A_376 = tpu.memref_slice %arg2[%dma_start3A_374, %dma_start3A_375] : memref<10240x128xf32, #tpu.memory_space<hbm>> -> memref<10240x128xf32, #tpu.memory_space<hbm>>
      tpu.enqueue_indirect_dma source(%dma_start3A_376 : memref<10240x128xf32, #tpu.memory_space<hbm>>) target(%arg10 : memref<128x128xf32, #tpu.memory_space<vmem>>) offsets(%dma_start3A_373 : memref<128xi32, #tpu.memory_space<vmem>>) semaphore(%arg13 : memref<!tpu.dma_semaphore, #tpu.memory_space<semaphore_mem>>)
      %dma_start3A_377 = arith.constant 0 : i32
      %dma_start3A_378 = tpu.memref_slice %arg8[%mul3A_355, %dma_start3A_377] : memref<40x128xi32, #tpu.memory_space<vmem>> -> memref<1x128xi32, #tpu.memory_space<vmem>>
      %dma_start3A_379 = tpu.memref_squeeze %dma_start3A_378 : memref<1x128xi32, #tpu.memory_space<vmem>> -> memref<128xi32, #tpu.memory_space<vmem>>
      %dma_start3A_380 = arith.constant 0 : i32
      %dma_start3A_381 = arith.constant 0 : i32
      %dma_start3A_382 = tpu.memref_slice %arg12[%dma_start3A_380, %dma_start3A_381] : memref<10240x128xf32, #tpu.memory_space<vmem_shared>> -> memref<10240x128xf32, #tpu.memory_space<vmem_shared>>
      tpu.enqueue_indirect_dma source(%arg9 : memref<128x128xf32, #tpu.memory_space<vmem>>) target(%dma_start3A_382 : memref<10240x128xf32, #tpu.memory_space<vmem_shared>>) offsets(%dma_start3A_379 : memref<128xi32, #tpu.memory_space<vmem>>) semaphore(%arg14 : memref<!tpu.dma_semaphore, #tpu.memory_space<semaphore_mem>>) {add = true}
      %add3A_383 = arith.constant 1 : i32
      %add3A_384 = arith.addi %mul3A_355, %add3A_383 : i32
      %dma_wait3A_385 = arith.constant 0 : i32
      %dma_wait3A_386 = tpu.memref_slice %arg7[%add3A_384, %dma_wait3A_385] : memref<40x128xi32, #tpu.memory_space<vmem>> -> memref<1x128xi32, #tpu.memory_space<vmem>>
      %dma_wait3A_387 = tpu.memref_squeeze %dma_wait3A_386 : memref<1x128xi32, #tpu.memory_space<vmem>> -> memref<128xi32, #tpu.memory_space<vmem>>
      %dma_wait3A_388 = arith.constant 0 : i32
      %dma_wait3A_389 = arith.constant 0 : i32
      %dma_wait3A_390 = tpu.memref_slice %arg2[%dma_wait3A_388, %dma_wait3A_389] : memref<10240x128xf32, #tpu.memory_space<hbm>> -> memref<10240x128xf32, #tpu.memory_space<hbm>>
      tpu.wait_indirect_dma semaphore(%arg13 : memref<!tpu.dma_semaphore, #tpu.memory_space<semaphore_mem>>) src(%dma_wait3A_390 : memref<10240x128xf32, #tpu.memory_space<hbm>>) dst(%arg10 : memref<128x128xf32, #tpu.memory_space<vmem>>)
      %dma_wait3A_391 = arith.constant 0 : i32
      %dma_wait3A_392 = tpu.memref_slice %arg8[%mul3A_355, %dma_wait3A_391] : memref<40x128xi32, #tpu.memory_space<vmem>> -> memref<1x128xi32, #tpu.memory_space<vmem>>
      %dma_wait3A_393 = tpu.memref_squeeze %dma_wait3A_392 : memref<1x128xi32, #tpu.memory_space<vmem>> -> memref<128xi32, #tpu.memory_space<vmem>>
      %dma_wait3A_394 = arith.constant 0 : i32
      %dma_wait3A_395 = arith.constant 0 : i32
      %dma_wait3A_396 = tpu.memref_slice %arg12[%dma_wait3A_394, %dma_wait3A_395] : memref<10240x128xf32, #tpu.memory_space<vmem_shared>> -> memref<10240x128xf32, #tpu.memory_space<vmem_shared>>
      tpu.wait_indirect_dma semaphore(%arg14 : memref<!tpu.dma_semaphore, #tpu.memory_space<semaphore_mem>>) src(%arg9 : memref<128x128xf32, #tpu.memory_space<vmem>>) dst(%dma_wait3A_396 : memref<10240x128xf32, #tpu.memory_space<vmem_shared>>)
      %add3A_397 = arith.constant 2 : i32
      %add3A_398 = arith.addi %mul3A_355, %add3A_397 : i32
      %dma_start3A_399 = arith.constant 0 : i32
      %dma_start3A_400 = tpu.memref_slice %arg7[%add3A_398, %dma_start3A_399] : memref<40x128xi32, #tpu.memory_space<vmem>> -> memref<1x128xi32, #tpu.memory_space<vmem>>
      %dma_start3A_401 = tpu.memref_squeeze %dma_start3A_400 : memref<1x128xi32, #tpu.memory_space<vmem>> -> memref<128xi32, #tpu.memory_space<vmem>>
      %dma_start3A_402 = arith.constant 0 : i32
      %dma_start3A_403 = arith.constant 0 : i32
      %dma_start3A_404 = tpu.memref_slice %arg2[%dma_start3A_402, %dma_start3A_403] : memref<10240x128xf32, #tpu.memory_space<hbm>> -> memref<10240x128xf32, #tpu.memory_space<hbm>>
      tpu.enqueue_indirect_dma source(%dma_start3A_404 : memref<10240x128xf32, #tpu.memory_space<hbm>>) target(%arg9 : memref<128x128xf32, #tpu.memory_space<vmem>>) offsets(%dma_start3A_401 : memref<128xi32, #tpu.memory_space<vmem>>) semaphore(%arg13 : memref<!tpu.dma_semaphore, #tpu.memory_space<semaphore_mem>>)
      %add3A_405 = arith.constant 1 : i32
      %add3A_406 = arith.addi %mul3A_355, %add3A_405 : i32
      %dma_start3A_407 = arith.constant 0 : i32
      %dma_start3A_408 = tpu.memref_slice %arg8[%add3A_406, %dma_start3A_407] : memref<40x128xi32, #tpu.memory_space<vmem>> -> memref<1x128xi32, #tpu.memory_space<vmem>>
      %dma_start3A_409 = tpu.memref_squeeze %dma_start3A_408 : memref<1x128xi32, #tpu.memory_space<vmem>> -> memref<128xi32, #tpu.memory_space<vmem>>
      %dma_start3A_410 = arith.constant 0 : i32
      %dma_start3A_411 = arith.constant 0 : i32
      %dma_start3A_412 = tpu.memref_slice %arg12[%dma_start3A_410, %dma_start3A_411] : memref<10240x128xf32, #tpu.memory_space<vmem_shared>> -> memref<10240x128xf32, #tpu.memory_space<vmem_shared>>
      tpu.enqueue_indirect_dma source(%arg10 : memref<128x128xf32, #tpu.memory_space<vmem>>) target(%dma_start3A_412 : memref<10240x128xf32, #tpu.memory_space<vmem_shared>>) offsets(%dma_start3A_409 : memref<128xi32, #tpu.memory_space<vmem>>) semaphore(%arg14 : memref<!tpu.dma_semaphore, #tpu.memory_space<semaphore_mem>>) {add = true}
    }
    %scan3A_201 = arith.constant 18 : i32
    %dma_wait3A_202 = arith.constant 38 : i32
    %dma_wait3A_203 = arith.constant 0 : i32
    %dma_wait3A_204 = tpu.memref_slice %arg7[%dma_wait3A_202, %dma_wait3A_203] : memref<40x128xi32, #tpu.memory_space<vmem>> -> memref<1x128xi32, #tpu.memory_space<vmem>>
    %dma_wait3A_205 = tpu.memref_squeeze %dma_wait3A_204 : memref<1x128xi32, #tpu.memory_space<vmem>> -> memref<128xi32, #tpu.memory_space<vmem>>
    %dma_wait3A_206 = arith.constant 0 : i32
    %dma_wait3A_207 = arith.constant 0 : i32
    %dma_wait3A_208 = tpu.memref_slice %arg2[%dma_wait3A_206, %dma_wait3A_207] : memref<10240x128xf32, #tpu.memory_space<hbm>> -> memref<10240x128xf32, #tpu.memory_space<hbm>>
    tpu.wait_indirect_dma semaphore(%arg13 : memref<!tpu.dma_semaphore, #tpu.memory_space<semaphore_mem>>) src(%dma_wait3A_208 : memref<10240x128xf32, #tpu.memory_space<hbm>>) dst(%arg9 : memref<128x128xf32, #tpu.memory_space<vmem>>)
    %dma_wait3A_209 = arith.constant 37 : i32
    %dma_wait3A_210 = arith.constant 0 : i32
    %dma_wait3A_211 = tpu.memref_slice %arg8[%dma_wait3A_209, %dma_wait3A_210] : memref<40x128xi32, #tpu.memory_space<vmem>> -> memref<1x128xi32, #tpu.memory_space<vmem>>
    %dma_wait3A_212 = tpu.memref_squeeze %dma_wait3A_211 : memref<1x128xi32, #tpu.memory_space<vmem>> -> memref<128xi32, #tpu.memory_space<vmem>>
    %dma_wait3A_213 = arith.constant 0 : i32
    %dma_wait3A_214 = arith.constant 0 : i32
    %dma_wait3A_215 = tpu.memref_slice %arg12[%dma_wait3A_213, %dma_wait3A_214] : memref<10240x128xf32, #tpu.memory_space<vmem_shared>> -> memref<10240x128xf32, #tpu.memory_space<vmem_shared>>
    tpu.wait_indirect_dma semaphore(%arg14 : memref<!tpu.dma_semaphore, #tpu.memory_space<semaphore_mem>>) src(%arg10 : memref<128x128xf32, #tpu.memory_space<vmem>>) dst(%dma_wait3A_215 : memref<10240x128xf32, #tpu.memory_space<vmem_shared>>)
    %dma_start3A_216 = arith.constant 39 : i32
    %dma_start3A_217 = arith.constant 0 : i32
    %dma_start3A_218 = tpu.memref_slice %arg7[%dma_start3A_216, %dma_start3A_217] : memref<40x128xi32, #tpu.memory_space<vmem>> -> memref<1x128xi32, #tpu.memory_space<vmem>>
    %dma_start3A_219 = tpu.memref_squeeze %dma_start3A_218 : memref<1x128xi32, #tpu.memory_space<vmem>> -> memref<128xi32, #tpu.memory_space<vmem>>
    %dma_start3A_220 = arith.constant 0 : i32
    %dma_start3A_221 = arith.constant 0 : i32
    %dma_start3A_222 = tpu.memref_slice %arg2[%dma_start3A_220, %dma_start3A_221] : memref<10240x128xf32, #tpu.memory_space<hbm>> -> memref<10240x128xf32, #tpu.memory_space<hbm>>
    tpu.enqueue_indirect_dma source(%dma_start3A_222 : memref<10240x128xf32, #tpu.memory_space<hbm>>) target(%arg10 : memref<128x128xf32, #tpu.memory_space<vmem>>) offsets(%dma_start3A_219 : memref<128xi32, #tpu.memory_space<vmem>>) semaphore(%arg13 : memref<!tpu.dma_semaphore, #tpu.memory_space<semaphore_mem>>)
    %dma_start3A_223 = arith.constant 38 : i32
    %dma_start3A_224 = arith.constant 0 : i32
    %dma_start3A_225 = tpu.memref_slice %arg8[%dma_start3A_223, %dma_start3A_224] : memref<40x128xi32, #tpu.memory_space<vmem>> -> memref<1x128xi32, #tpu.memory_space<vmem>>
    %dma_start3A_226 = tpu.memref_squeeze %dma_start3A_225 : memref<1x128xi32, #tpu.memory_space<vmem>> -> memref<128xi32, #tpu.memory_space<vmem>>
    %dma_start3A_227 = arith.constant 0 : i32
    %dma_start3A_228 = arith.constant 0 : i32
    %dma_start3A_229 = tpu.memref_slice %arg12[%dma_start3A_227, %dma_start3A_228] : memref<10240x128xf32, #tpu.memory_space<vmem_shared>> -> memref<10240x128xf32, #tpu.memory_space<vmem_shared>>
    tpu.enqueue_indirect_dma source(%arg9 : memref<128x128xf32, #tpu.memory_space<vmem>>) target(%dma_start3A_229 : memref<10240x128xf32, #tpu.memory_space<vmem_shared>>) offsets(%dma_start3A_226 : memref<128xi32, #tpu.memory_space<vmem>>) semaphore(%arg14 : memref<!tpu.dma_semaphore, #tpu.memory_space<semaphore_mem>>) {add = true}
    %dma_wait3A_230 = arith.constant 39 : i32
    %dma_wait3A_231 = arith.constant 0 : i32
    %dma_wait3A_232 = tpu.memref_slice %arg7[%dma_wait3A_230, %dma_wait3A_231] : memref<40x128xi32, #tpu.memory_space<vmem>> -> memref<1x128xi32, #tpu.memory_space<vmem>>
    %dma_wait3A_233 = tpu.memref_squeeze %dma_wait3A_232 : memref<1x128xi32, #tpu.memory_space<vmem>> -> memref<128xi32, #tpu.memory_space<vmem>>
    %dma_wait3A_234 = arith.constant 0 : i32
    %dma_wait3A_235 = arith.constant 0 : i32
    %dma_wait3A_236 = tpu.memref_slice %arg2[%dma_wait3A_234, %dma_wait3A_235] : memref<10240x128xf32, #tpu.memory_space<hbm>> -> memref<10240x128xf32, #tpu.memory_space<hbm>>
    tpu.wait_indirect_dma semaphore(%arg13 : memref<!tpu.dma_semaphore, #tpu.memory_space<semaphore_mem>>) src(%dma_wait3A_236 : memref<10240x128xf32, #tpu.memory_space<hbm>>) dst(%arg10 : memref<128x128xf32, #tpu.memory_space<vmem>>)
    %dma_wait3A_237 = arith.constant 38 : i32
    %dma_wait3A_238 = arith.constant 0 : i32
    %dma_wait3A_239 = tpu.memref_slice %arg8[%dma_wait3A_237, %dma_wait3A_238] : memref<40x128xi32, #tpu.memory_space<vmem>> -> memref<1x128xi32, #tpu.memory_space<vmem>>
    %dma_wait3A_240 = tpu.memref_squeeze %dma_wait3A_239 : memref<1x128xi32, #tpu.memory_space<vmem>> -> memref<128xi32, #tpu.memory_space<vmem>>
    %dma_wait3A_241 = arith.constant 0 : i32
    %dma_wait3A_242 = arith.constant 0 : i32
    %dma_wait3A_243 = tpu.memref_slice %arg12[%dma_wait3A_241, %dma_wait3A_242] : memref<10240x128xf32, #tpu.memory_space<vmem_shared>> -> memref<10240x128xf32, #tpu.memory_space<vmem_shared>>
    tpu.wait_indirect_dma semaphore(%arg14 : memref<!tpu.dma_semaphore, #tpu.memory_space<semaphore_mem>>) src(%arg9 : memref<128x128xf32, #tpu.memory_space<vmem>>) dst(%dma_wait3A_243 : memref<10240x128xf32, #tpu.memory_space<vmem_shared>>)
    %dma_start3A_244 = arith.constant 39 : i32
    %dma_start3A_245 = arith.constant 0 : i32
    %dma_start3A_246 = tpu.memref_slice %arg8[%dma_start3A_244, %dma_start3A_245] : memref<40x128xi32, #tpu.memory_space<vmem>> -> memref<1x128xi32, #tpu.memory_space<vmem>>
    %dma_start3A_247 = tpu.memref_squeeze %dma_start3A_246 : memref<1x128xi32, #tpu.memory_space<vmem>> -> memref<128xi32, #tpu.memory_space<vmem>>
    %dma_start3A_248 = arith.constant 0 : i32
    %dma_start3A_249 = arith.constant 0 : i32
    %dma_start3A_250 = tpu.memref_slice %arg12[%dma_start3A_248, %dma_start3A_249] : memref<10240x128xf32, #tpu.memory_space<vmem_shared>> -> memref<10240x128xf32, #tpu.memory_space<vmem_shared>>
    tpu.enqueue_indirect_dma source(%arg10 : memref<128x128xf32, #tpu.memory_space<vmem>>) target(%dma_start3A_250 : memref<10240x128xf32, #tpu.memory_space<vmem_shared>>) offsets(%dma_start3A_247 : memref<128xi32, #tpu.memory_space<vmem>>) semaphore(%arg14 : memref<!tpu.dma_semaphore, #tpu.memory_space<semaphore_mem>>) {add = true}
    %dma_wait3A_251 = arith.constant 39 : i32
    %dma_wait3A_252 = arith.constant 0 : i32
    %dma_wait3A_253 = tpu.memref_slice %arg8[%dma_wait3A_251, %dma_wait3A_252] : memref<40x128xi32, #tpu.memory_space<vmem>> -> memref<1x128xi32, #tpu.memory_space<vmem>>
    %dma_wait3A_254 = tpu.memref_squeeze %dma_wait3A_253 : memref<1x128xi32, #tpu.memory_space<vmem>> -> memref<128xi32, #tpu.memory_space<vmem>>
    %dma_wait3A_255 = arith.constant 0 : i32
    %dma_wait3A_256 = arith.constant 0 : i32
    %dma_wait3A_257 = tpu.memref_slice %arg12[%dma_wait3A_255, %dma_wait3A_256] : memref<10240x128xf32, #tpu.memory_space<vmem_shared>> -> memref<10240x128xf32, #tpu.memory_space<vmem_shared>>
    tpu.wait_indirect_dma semaphore(%arg14 : memref<!tpu.dma_semaphore, #tpu.memory_space<semaphore_mem>>) src(%arg10 : memref<128x128xf32, #tpu.memory_space<vmem>>) dst(%dma_wait3A_257 : memref<10240x128xf32, #tpu.memory_space<vmem_shared>>)
    %barrier3A_258 = arith.constant 0 : index
    tpu.barrier barrier_id(%barrier3A_258)
    %dma_start3A_259 = arith.constant 0 : i32
    %dma_start3A_260 = arith.constant 0 : i32
    %dma_start3A_261 = tpu.memref_slice %arg11[%dma_start3A_259, %dma_start3A_260] : memref<5x128xi32, #tpu.memory_space<vmem>> -> memref<1x128xi32, #tpu.memory_space<vmem>>
    %dma_start3A_262 = tpu.memref_squeeze %dma_start3A_261 : memref<1x128xi32, #tpu.memory_space<vmem>> -> memref<128xi32, #tpu.memory_space<vmem>>
    %dma_start3A_263 = arith.constant 0 : i32
    %dma_start3A_264 = arith.constant 0 : i32
    %dma_start3A_265 = tpu.memref_slice %arg12[%dma_start3A_263, %dma_start3A_264] : memref<10240x128xf32, #tpu.memory_space<vmem_shared>> -> memref<10240x128xf32, #tpu.memory_space<vmem_shared>>
    tpu.enqueue_indirect_dma source(%dma_start3A_265 : memref<10240x128xf32, #tpu.memory_space<vmem_shared>>) target(%arg9 : memref<128x128xf32, #tpu.memory_space<vmem>>) offsets(%dma_start3A_262 : memref<128xi32, #tpu.memory_space<vmem>>) semaphore(%arg13 : memref<!tpu.dma_semaphore, #tpu.memory_space<semaphore_mem>>)
    %dma_wait3A_266 = arith.constant 0 : i32
    %dma_wait3A_267 = arith.constant 0 : i32
    %dma_wait3A_268 = tpu.memref_slice %arg11[%dma_wait3A_266, %dma_wait3A_267] : memref<5x128xi32, #tpu.memory_space<vmem>> -> memref<1x128xi32, #tpu.memory_space<vmem>>
    %dma_wait3A_269 = tpu.memref_squeeze %dma_wait3A_268 : memref<1x128xi32, #tpu.memory_space<vmem>> -> memref<128xi32, #tpu.memory_space<vmem>>
    %dma_wait3A_270 = arith.constant 0 : i32
    %dma_wait3A_271 = arith.constant 0 : i32
    %dma_wait3A_272 = tpu.memref_slice %arg12[%dma_wait3A_270, %dma_wait3A_271] : memref<10240x128xf32, #tpu.memory_space<vmem_shared>> -> memref<10240x128xf32, #tpu.memory_space<vmem_shared>>
    tpu.wait_indirect_dma semaphore(%arg13 : memref<!tpu.dma_semaphore, #tpu.memory_space<semaphore_mem>>) src(%dma_wait3A_272 : memref<10240x128xf32, #tpu.memory_space<vmem_shared>>) dst(%arg9 : memref<128x128xf32, #tpu.memory_space<vmem>>)
    %mul3A_273 = arith.constant 640 : i32
    %mul3A_274 = arith.muli %arg1, %mul3A_273 : i32
    %add3A_275 = arith.constant 0 : i32
    %add3A_276 = arith.addi %mul3A_274, %add3A_275 : i32
    "tpu.region"() ({
      %run_scoped3A_349 = tpu.sem_alloc : memref<!tpu.dma_semaphore, #tpu.memory_space<semaphore_mem>>
      %dma_start3A_350 = arith.constant 0 : i32
      %dma_start3A_351 = tpu.memref_slice %arg6[%arg0, %add3A_276, %dma_start3A_350] : memref<2x10240x128xf32, #tpu.memory_space<hbm>> -> memref<1x128x128xf32, #tpu.memory_space<hbm>>
      %dma_start3A_352 = tpu.memref_squeeze %dma_start3A_351 : memref<1x128x128xf32, #tpu.memory_space<hbm>> -> memref<128x128xf32, #tpu.memory_space<hbm>>
      %dma_start3A_353 = arith.constant 0 : i32
      %dma_start3A_354 = tpu.memref_slice %arg6[%arg0, %add3A_276, %dma_start3A_353] : memref<2x10240x128xf32, #tpu.memory_space<hbm>> -> memref<1x128x128xf32, #tpu.memory_space<hbm>>
      %dma_start3A_355 = tpu.memref_squeeze %dma_start3A_354 : memref<1x128x128xf32, #tpu.memory_space<hbm>> -> memref<128x128xf32, #tpu.memory_space<hbm>>
      tpu.enqueue_dma source(%arg9 : memref<128x128xf32, #tpu.memory_space<vmem>>) target(%dma_start3A_355 : memref<128x128xf32, #tpu.memory_space<hbm>>) target_semaphore(%run_scoped3A_349 : memref<!tpu.dma_semaphore, #tpu.memory_space<semaphore_mem>>)
      %dma_wait3A_356 = arith.constant 0 : i32
      %dma_wait3A_357 = tpu.memref_slice %arg6[%arg0, %add3A_276, %dma_wait3A_356] : memref<2x10240x128xf32, #tpu.memory_space<hbm>> -> memref<1x128x128xf32, #tpu.memory_space<hbm>>
      %dma_wait3A_358 = tpu.memref_squeeze %dma_wait3A_357 : memref<1x128x128xf32, #tpu.memory_space<hbm>> -> memref<128x128xf32, #tpu.memory_space<hbm>>
      %dma_wait3A_359 = arith.constant 0 : i32
      %dma_wait3A_360 = tpu.memref_slice %arg6[%arg0, %add3A_276, %dma_wait3A_359] : memref<2x10240x128xf32, #tpu.memory_space<hbm>> -> memref<1x128x128xf32, #tpu.memory_space<hbm>>
      %dma_wait3A_361 = tpu.memref_squeeze %dma_wait3A_360 : memref<1x128x128xf32, #tpu.memory_space<hbm>> -> memref<128x128xf32, #tpu.memory_space<hbm>>
      tpu.wait_dma2 semaphore(%run_scoped3A_349 : memref<!tpu.dma_semaphore, #tpu.memory_space<semaphore_mem>>) src(%arg9 : memref<128x128xf32, #tpu.memory_space<vmem>>) dst(%dma_wait3A_361 : memref<128x128xf32, #tpu.memory_space<hbm>>)
      tpu.yield
    }) : () -> ()
    %dma_start3A_277 = arith.constant 1 : i32
    %dma_start3A_278 = arith.constant 0 : i32
    %dma_start3A_279 = tpu.memref_slice %arg11[%dma_start3A_277, %dma_start3A_278] : memref<5x128xi32, #tpu.memory_space<vmem>> -> memref<1x128xi32, #tpu.memory_space<vmem>>
    %dma_start3A_280 = tpu.memref_squeeze %dma_start3A_279 : memref<1x128xi32, #tpu.memory_space<vmem>> -> memref<128xi32, #tpu.memory_space<vmem>>
    %dma_start3A_281 = arith.constant 0 : i32
    %dma_start3A_282 = arith.constant 0 : i32
    %dma_start3A_283 = tpu.memref_slice %arg12[%dma_start3A_281, %dma_start3A_282] : memref<10240x128xf32, #tpu.memory_space<vmem_shared>> -> memref<10240x128xf32, #tpu.memory_space<vmem_shared>>
    tpu.enqueue_indirect_dma source(%dma_start3A_283 : memref<10240x128xf32, #tpu.memory_space<vmem_shared>>) target(%arg9 : memref<128x128xf32, #tpu.memory_space<vmem>>) offsets(%dma_start3A_280 : memref<128xi32, #tpu.memory_space<vmem>>) semaphore(%arg13 : memref<!tpu.dma_semaphore, #tpu.memory_space<semaphore_mem>>)
    %dma_wait3A_284 = arith.constant 1 : i32
    %dma_wait3A_285 = arith.constant 0 : i32
    %dma_wait3A_286 = tpu.memref_slice %arg11[%dma_wait3A_284, %dma_wait3A_285] : memref<5x128xi32, #tpu.memory_space<vmem>> -> memref<1x128xi32, #tpu.memory_space<vmem>>
    %dma_wait3A_287 = tpu.memref_squeeze %dma_wait3A_286 : memref<1x128xi32, #tpu.memory_space<vmem>> -> memref<128xi32, #tpu.memory_space<vmem>>
    %dma_wait3A_288 = arith.constant 0 : i32
    %dma_wait3A_289 = arith.constant 0 : i32
    %dma_wait3A_290 = tpu.memref_slice %arg12[%dma_wait3A_288, %dma_wait3A_289] : memref<10240x128xf32, #tpu.memory_space<vmem_shared>> -> memref<10240x128xf32, #tpu.memory_space<vmem_shared>>
    tpu.wait_indirect_dma semaphore(%arg13 : memref<!tpu.dma_semaphore, #tpu.memory_space<semaphore_mem>>) src(%dma_wait3A_290 : memref<10240x128xf32, #tpu.memory_space<vmem_shared>>) dst(%arg9 : memref<128x128xf32, #tpu.memory_space<vmem>>)
    %mul3A_291 = arith.constant 640 : i32
    %mul3A_292 = arith.muli %arg1, %mul3A_291 : i32
    %add3A_293 = arith.constant 128 : i32
    %add3A_294 = arith.addi %mul3A_292, %add3A_293 : i32
    "tpu.region"() ({
      %run_scoped3A_349 = tpu.sem_alloc : memref<!tpu.dma_semaphore, #tpu.memory_space<semaphore_mem>>
      %dma_start3A_350 = arith.constant 0 : i32
      %dma_start3A_351 = tpu.memref_slice %arg6[%arg0, %add3A_294, %dma_start3A_350] : memref<2x10240x128xf32, #tpu.memory_space<hbm>> -> memref<1x128x128xf32, #tpu.memory_space<hbm>>
      %dma_start3A_352 = tpu.memref_squeeze %dma_start3A_351 : memref<1x128x128xf32, #tpu.memory_space<hbm>> -> memref<128x128xf32, #tpu.memory_space<hbm>>
      %dma_start3A_353 = arith.constant 0 : i32
      %dma_start3A_354 = tpu.memref_slice %arg6[%arg0, %add3A_294, %dma_start3A_353] : memref<2x10240x128xf32, #tpu.memory_space<hbm>> -> memref<1x128x128xf32, #tpu.memory_space<hbm>>
      %dma_start3A_355 = tpu.memref_squeeze %dma_start3A_354 : memref<1x128x128xf32, #tpu.memory_space<hbm>> -> memref<128x128xf32, #tpu.memory_space<hbm>>
      tpu.enqueue_dma source(%arg9 : memref<128x128xf32, #tpu.memory_space<vmem>>) target(%dma_start3A_355 : memref<128x128xf32, #tpu.memory_space<hbm>>) target_semaphore(%run_scoped3A_349 : memref<!tpu.dma_semaphore, #tpu.memory_space<semaphore_mem>>)
      %dma_wait3A_356 = arith.constant 0 : i32
      %dma_wait3A_357 = tpu.memref_slice %arg6[%arg0, %add3A_294, %dma_wait3A_356] : memref<2x10240x128xf32, #tpu.memory_space<hbm>> -> memref<1x128x128xf32, #tpu.memory_space<hbm>>
      %dma_wait3A_358 = tpu.memref_squeeze %dma_wait3A_357 : memref<1x128x128xf32, #tpu.memory_space<hbm>> -> memref<128x128xf32, #tpu.memory_space<hbm>>
      %dma_wait3A_359 = arith.constant 0 : i32
      %dma_wait3A_360 = tpu.memref_slice %arg6[%arg0, %add3A_294, %dma_wait3A_359] : memref<2x10240x128xf32, #tpu.memory_space<hbm>> -> memref<1x128x128xf32, #tpu.memory_space<hbm>>
      %dma_wait3A_361 = tpu.memref_squeeze %dma_wait3A_360 : memref<1x128x128xf32, #tpu.memory_space<hbm>> -> memref<128x128xf32, #tpu.memory_space<hbm>>
      tpu.wait_dma2 semaphore(%run_scoped3A_349 : memref<!tpu.dma_semaphore, #tpu.memory_space<semaphore_mem>>) src(%arg9 : memref<128x128xf32, #tpu.memory_space<vmem>>) dst(%dma_wait3A_361 : memref<128x128xf32, #tpu.memory_space<hbm>>)
      tpu.yield
    }) : () -> ()
    %dma_start3A_295 = arith.constant 2 : i32
    %dma_start3A_296 = arith.constant 0 : i32
    %dma_start3A_297 = tpu.memref_slice %arg11[%dma_start3A_295, %dma_start3A_296] : memref<5x128xi32, #tpu.memory_space<vmem>> -> memref<1x128xi32, #tpu.memory_space<vmem>>
    %dma_start3A_298 = tpu.memref_squeeze %dma_start3A_297 : memref<1x128xi32, #tpu.memory_space<vmem>> -> memref<128xi32, #tpu.memory_space<vmem>>
    %dma_start3A_299 = arith.constant 0 : i32
    %dma_start3A_300 = arith.constant 0 : i32
    %dma_start3A_301 = tpu.memref_slice %arg12[%dma_start3A_299, %dma_start3A_300] : memref<10240x128xf32, #tpu.memory_space<vmem_shared>> -> memref<10240x128xf32, #tpu.memory_space<vmem_shared>>
    tpu.enqueue_indirect_dma source(%dma_start3A_301 : memref<10240x128xf32, #tpu.memory_space<vmem_shared>>) target(%arg9 : memref<128x128xf32, #tpu.memory_space<vmem>>) offsets(%dma_start3A_298 : memref<128xi32, #tpu.memory_space<vmem>>) semaphore(%arg13 : memref<!tpu.dma_semaphore, #tpu.memory_space<semaphore_mem>>)
    %dma_wait3A_302 = arith.constant 2 : i32
    %dma_wait3A_303 = arith.constant 0 : i32
    %dma_wait3A_304 = tpu.memref_slice %arg11[%dma_wait3A_302, %dma_wait3A_303] : memref<5x128xi32, #tpu.memory_space<vmem>> -> memref<1x128xi32, #tpu.memory_space<vmem>>
    %dma_wait3A_305 = tpu.memref_squeeze %dma_wait3A_304 : memref<1x128xi32, #tpu.memory_space<vmem>> -> memref<128xi32, #tpu.memory_space<vmem>>
    %dma_wait3A_306 = arith.constant 0 : i32
    %dma_wait3A_307 = arith.constant 0 : i32
    %dma_wait3A_308 = tpu.memref_slice %arg12[%dma_wait3A_306, %dma_wait3A_307] : memref<10240x128xf32, #tpu.memory_space<vmem_shared>> -> memref<10240x128xf32, #tpu.memory_space<vmem_shared>>
    tpu.wait_indirect_dma semaphore(%arg13 : memref<!tpu.dma_semaphore, #tpu.memory_space<semaphore_mem>>) src(%dma_wait3A_308 : memref<10240x128xf32, #tpu.memory_space<vmem_shared>>) dst(%arg9 : memref<128x128xf32, #tpu.memory_space<vmem>>)
    %mul3A_309 = arith.constant 640 : i32
    %mul3A_310 = arith.muli %arg1, %mul3A_309 : i32
    %add3A_311 = arith.constant 256 : i32
    %add3A_312 = arith.addi %mul3A_310, %add3A_311 : i32
    "tpu.region"() ({
      %run_scoped3A_349 = tpu.sem_alloc : memref<!tpu.dma_semaphore, #tpu.memory_space<semaphore_mem>>
      %dma_start3A_350 = arith.constant 0 : i32
      %dma_start3A_351 = tpu.memref_slice %arg6[%arg0, %add3A_312, %dma_start3A_350] : memref<2x10240x128xf32, #tpu.memory_space<hbm>> -> memref<1x128x128xf32, #tpu.memory_space<hbm>>
      %dma_start3A_352 = tpu.memref_squeeze %dma_start3A_351 : memref<1x128x128xf32, #tpu.memory_space<hbm>> -> memref<128x128xf32, #tpu.memory_space<hbm>>
      %dma_start3A_353 = arith.constant 0 : i32
      %dma_start3A_354 = tpu.memref_slice %arg6[%arg0, %add3A_312, %dma_start3A_353] : memref<2x10240x128xf32, #tpu.memory_space<hbm>> -> memref<1x128x128xf32, #tpu.memory_space<hbm>>
      %dma_start3A_355 = tpu.memref_squeeze %dma_start3A_354 : memref<1x128x128xf32, #tpu.memory_space<hbm>> -> memref<128x128xf32, #tpu.memory_space<hbm>>
      tpu.enqueue_dma source(%arg9 : memref<128x128xf32, #tpu.memory_space<vmem>>) target(%dma_start3A_355 : memref<128x128xf32, #tpu.memory_space<hbm>>) target_semaphore(%run_scoped3A_349 : memref<!tpu.dma_semaphore, #tpu.memory_space<semaphore_mem>>)
      %dma_wait3A_356 = arith.constant 0 : i32
      %dma_wait3A_357 = tpu.memref_slice %arg6[%arg0, %add3A_312, %dma_wait3A_356] : memref<2x10240x128xf32, #tpu.memory_space<hbm>> -> memref<1x128x128xf32, #tpu.memory_space<hbm>>
      %dma_wait3A_358 = tpu.memref_squeeze %dma_wait3A_357 : memref<1x128x128xf32, #tpu.memory_space<hbm>> -> memref<128x128xf32, #tpu.memory_space<hbm>>
      %dma_wait3A_359 = arith.constant 0 : i32
      %dma_wait3A_360 = tpu.memref_slice %arg6[%arg0, %add3A_312, %dma_wait3A_359] : memref<2x10240x128xf32, #tpu.memory_space<hbm>> -> memref<1x128x128xf32, #tpu.memory_space<hbm>>
      %dma_wait3A_361 = tpu.memref_squeeze %dma_wait3A_360 : memref<1x128x128xf32, #tpu.memory_space<hbm>> -> memref<128x128xf32, #tpu.memory_space<hbm>>
      tpu.wait_dma2 semaphore(%run_scoped3A_349 : memref<!tpu.dma_semaphore, #tpu.memory_space<semaphore_mem>>) src(%arg9 : memref<128x128xf32, #tpu.memory_space<vmem>>) dst(%dma_wait3A_361 : memref<128x128xf32, #tpu.memory_space<hbm>>)
      tpu.yield
    }) : () -> ()
    %dma_start3A_313 = arith.constant 3 : i32
    %dma_start3A_314 = arith.constant 0 : i32
    %dma_start3A_315 = tpu.memref_slice %arg11[%dma_start3A_313, %dma_start3A_314] : memref<5x128xi32, #tpu.memory_space<vmem>> -> memref<1x128xi32, #tpu.memory_space<vmem>>
    %dma_start3A_316 = tpu.memref_squeeze %dma_start3A_315 : memref<1x128xi32, #tpu.memory_space<vmem>> -> memref<128xi32, #tpu.memory_space<vmem>>
    %dma_start3A_317 = arith.constant 0 : i32
    %dma_start3A_318 = arith.constant 0 : i32
    %dma_start3A_319 = tpu.memref_slice %arg12[%dma_start3A_317, %dma_start3A_318] : memref<10240x128xf32, #tpu.memory_space<vmem_shared>> -> memref<10240x128xf32, #tpu.memory_space<vmem_shared>>
    tpu.enqueue_indirect_dma source(%dma_start3A_319 : memref<10240x128xf32, #tpu.memory_space<vmem_shared>>) target(%arg9 : memref<128x128xf32, #tpu.memory_space<vmem>>) offsets(%dma_start3A_316 : memref<128xi32, #tpu.memory_space<vmem>>) semaphore(%arg13 : memref<!tpu.dma_semaphore, #tpu.memory_space<semaphore_mem>>)
    %dma_wait3A_320 = arith.constant 3 : i32
    %dma_wait3A_321 = arith.constant 0 : i32
    %dma_wait3A_322 = tpu.memref_slice %arg11[%dma_wait3A_320, %dma_wait3A_321] : memref<5x128xi32, #tpu.memory_space<vmem>> -> memref<1x128xi32, #tpu.memory_space<vmem>>
    %dma_wait3A_323 = tpu.memref_squeeze %dma_wait3A_322 : memref<1x128xi32, #tpu.memory_space<vmem>> -> memref<128xi32, #tpu.memory_space<vmem>>
    %dma_wait3A_324 = arith.constant 0 : i32
    %dma_wait3A_325 = arith.constant 0 : i32
    %dma_wait3A_326 = tpu.memref_slice %arg12[%dma_wait3A_324, %dma_wait3A_325] : memref<10240x128xf32, #tpu.memory_space<vmem_shared>> -> memref<10240x128xf32, #tpu.memory_space<vmem_shared>>
    tpu.wait_indirect_dma semaphore(%arg13 : memref<!tpu.dma_semaphore, #tpu.memory_space<semaphore_mem>>) src(%dma_wait3A_326 : memref<10240x128xf32, #tpu.memory_space<vmem_shared>>) dst(%arg9 : memref<128x128xf32, #tpu.memory_space<vmem>>)
    %mul3A_327 = arith.constant 640 : i32
    %mul3A_328 = arith.muli %arg1, %mul3A_327 : i32
    %add3A_329 = arith.constant 384 : i32
    %add3A_330 = arith.addi %mul3A_328, %add3A_329 : i32
    "tpu.region"() ({
      %run_scoped3A_349 = tpu.sem_alloc : memref<!tpu.dma_semaphore, #tpu.memory_space<semaphore_mem>>
      %dma_start3A_350 = arith.constant 0 : i32
      %dma_start3A_351 = tpu.memref_slice %arg6[%arg0, %add3A_330, %dma_start3A_350] : memref<2x10240x128xf32, #tpu.memory_space<hbm>> -> memref<1x128x128xf32, #tpu.memory_space<hbm>>
      %dma_start3A_352 = tpu.memref_squeeze %dma_start3A_351 : memref<1x128x128xf32, #tpu.memory_space<hbm>> -> memref<128x128xf32, #tpu.memory_space<hbm>>
      %dma_start3A_353 = arith.constant 0 : i32
      %dma_start3A_354 = tpu.memref_slice %arg6[%arg0, %add3A_330, %dma_start3A_353] : memref<2x10240x128xf32, #tpu.memory_space<hbm>> -> memref<1x128x128xf32, #tpu.memory_space<hbm>>
      %dma_start3A_355 = tpu.memref_squeeze %dma_start3A_354 : memref<1x128x128xf32, #tpu.memory_space<hbm>> -> memref<128x128xf32, #tpu.memory_space<hbm>>
      tpu.enqueue_dma source(%arg9 : memref<128x128xf32, #tpu.memory_space<vmem>>) target(%dma_start3A_355 : memref<128x128xf32, #tpu.memory_space<hbm>>) target_semaphore(%run_scoped3A_349 : memref<!tpu.dma_semaphore, #tpu.memory_space<semaphore_mem>>)
      %dma_wait3A_356 = arith.constant 0 : i32
      %dma_wait3A_357 = tpu.memref_slice %arg6[%arg0, %add3A_330, %dma_wait3A_356] : memref<2x10240x128xf32, #tpu.memory_space<hbm>> -> memref<1x128x128xf32, #tpu.memory_space<hbm>>
      %dma_wait3A_358 = tpu.memref_squeeze %dma_wait3A_357 : memref<1x128x128xf32, #tpu.memory_space<hbm>> -> memref<128x128xf32, #tpu.memory_space<hbm>>
      %dma_wait3A_359 = arith.constant 0 : i32
      %dma_wait3A_360 = tpu.memref_slice %arg6[%arg0, %add3A_330, %dma_wait3A_359] : memref<2x10240x128xf32, #tpu.memory_space<hbm>> -> memref<1x128x128xf32, #tpu.memory_space<hbm>>
      %dma_wait3A_361 = tpu.memref_squeeze %dma_wait3A_360 : memref<1x128x128xf32, #tpu.memory_space<hbm>> -> memref<128x128xf32, #tpu.memory_space<hbm>>
      tpu.wait_dma2 semaphore(%run_scoped3A_349 : memref<!tpu.dma_semaphore, #tpu.memory_space<semaphore_mem>>) src(%arg9 : memref<128x128xf32, #tpu.memory_space<vmem>>) dst(%dma_wait3A_361 : memref<128x128xf32, #tpu.memory_space<hbm>>)
      tpu.yield
    }) : () -> ()
    %dma_start3A_331 = arith.constant 4 : i32
    %dma_start3A_332 = arith.constant 0 : i32
    %dma_start3A_333 = tpu.memref_slice %arg11[%dma_start3A_331, %dma_start3A_332] : memref<5x128xi32, #tpu.memory_space<vmem>> -> memref<1x128xi32, #tpu.memory_space<vmem>>
    %dma_start3A_334 = tpu.memref_squeeze %dma_start3A_333 : memref<1x128xi32, #tpu.memory_space<vmem>> -> memref<128xi32, #tpu.memory_space<vmem>>
    %dma_start3A_335 = arith.constant 0 : i32
    %dma_start3A_336 = arith.constant 0 : i32
    %dma_start3A_337 = tpu.memref_slice %arg12[%dma_start3A_335, %dma_start3A_336] : memref<10240x128xf32, #tpu.memory_space<vmem_shared>> -> memref<10240x128xf32, #tpu.memory_space<vmem_shared>>
    tpu.enqueue_indirect_dma source(%dma_start3A_337 : memref<10240x128xf32, #tpu.memory_space<vmem_shared>>) target(%arg9 : memref<128x128xf32, #tpu.memory_space<vmem>>) offsets(%dma_start3A_334 : memref<128xi32, #tpu.memory_space<vmem>>) semaphore(%arg13 : memref<!tpu.dma_semaphore, #tpu.memory_space<semaphore_mem>>)
    %dma_wait3A_338 = arith.constant 4 : i32
    %dma_wait3A_339 = arith.constant 0 : i32
    %dma_wait3A_340 = tpu.memref_slice %arg11[%dma_wait3A_338, %dma_wait3A_339] : memref<5x128xi32, #tpu.memory_space<vmem>> -> memref<1x128xi32, #tpu.memory_space<vmem>>
    %dma_wait3A_341 = tpu.memref_squeeze %dma_wait3A_340 : memref<1x128xi32, #tpu.memory_space<vmem>> -> memref<128xi32, #tpu.memory_space<vmem>>
    %dma_wait3A_342 = arith.constant 0 : i32
    %dma_wait3A_343 = arith.constant 0 : i32
    %dma_wait3A_344 = tpu.memref_slice %arg12[%dma_wait3A_342, %dma_wait3A_343] : memref<10240x128xf32, #tpu.memory_space<vmem_shared>> -> memref<10240x128xf32, #tpu.memory_space<vmem_shared>>
    tpu.wait_indirect_dma semaphore(%arg13 : memref<!tpu.dma_semaphore, #tpu.memory_space<semaphore_mem>>) src(%dma_wait3A_344 : memref<10240x128xf32, #tpu.memory_space<vmem_shared>>) dst(%arg9 : memref<128x128xf32, #tpu.memory_space<vmem>>)
    %mul3A_345 = arith.constant 640 : i32
    %mul3A_346 = arith.muli %arg1, %mul3A_345 : i32
    %add3A_347 = arith.constant 512 : i32
    %add3A_348 = arith.addi %mul3A_346, %add3A_347 : i32
    "tpu.region"() ({
      %run_scoped3A_349 = tpu.sem_alloc : memref<!tpu.dma_semaphore, #tpu.memory_space<semaphore_mem>>
      %dma_start3A_350 = arith.constant 0 : i32
      %dma_start3A_351 = tpu.memref_slice %arg6[%arg0, %add3A_348, %dma_start3A_350] : memref<2x10240x128xf32, #tpu.memory_space<hbm>> -> memref<1x128x128xf32, #tpu.memory_space<hbm>>
      %dma_start3A_352 = tpu.memref_squeeze %dma_start3A_351 : memref<1x128x128xf32, #tpu.memory_space<hbm>> -> memref<128x128xf32, #tpu.memory_space<hbm>>
      %dma_start3A_353 = arith.constant 0 : i32
      %dma_start3A_354 = tpu.memref_slice %arg6[%arg0, %add3A_348, %dma_start3A_353] : memref<2x10240x128xf32, #tpu.memory_space<hbm>> -> memref<1x128x128xf32, #tpu.memory_space<hbm>>
      %dma_start3A_355 = tpu.memref_squeeze %dma_start3A_354 : memref<1x128x128xf32, #tpu.memory_space<hbm>> -> memref<128x128xf32, #tpu.memory_space<hbm>>
      tpu.enqueue_dma source(%arg9 : memref<128x128xf32, #tpu.memory_space<vmem>>) target(%dma_start3A_355 : memref<128x128xf32, #tpu.memory_space<hbm>>) target_semaphore(%run_scoped3A_349 : memref<!tpu.dma_semaphore, #tpu.memory_space<semaphore_mem>>)
      %dma_wait3A_356 = arith.constant 0 : i32
      %dma_wait3A_357 = tpu.memref_slice %arg6[%arg0, %add3A_348, %dma_wait3A_356] : memref<2x10240x128xf32, #tpu.memory_space<hbm>> -> memref<1x128x128xf32, #tpu.memory_space<hbm>>
      %dma_wait3A_358 = tpu.memref_squeeze %dma_wait3A_357 : memref<1x128x128xf32, #tpu.memory_space<hbm>> -> memref<128x128xf32, #tpu.memory_space<hbm>>
      %dma_wait3A_359 = arith.constant 0 : i32
      %dma_wait3A_360 = tpu.memref_slice %arg6[%arg0, %add3A_348, %dma_wait3A_359] : memref<2x10240x128xf32, #tpu.memory_space<hbm>> -> memref<1x128x128xf32, #tpu.memory_space<hbm>>
      %dma_wait3A_361 = tpu.memref_squeeze %dma_wait3A_360 : memref<1x128x128xf32, #tpu.memory_space<hbm>> -> memref<128x128xf32, #tpu.memory_space<hbm>>
      tpu.wait_dma2 semaphore(%run_scoped3A_349 : memref<!tpu.dma_semaphore, #tpu.memory_space<semaphore_mem>>) src(%arg9 : memref<128x128xf32, #tpu.memory_space<vmem>>) dst(%dma_wait3A_361 : memref<128x128xf32, #tpu.memory_space<hbm>>)
      tpu.yield
    }) : () -> ()
    return
  }
}

module attributes {stable_mosaic.version = 14 : i64} {
  func.func @_scale_body(%arg0: i32, %arg1: memref<1280x1xf32, #tpu.memory_space<vmem>>, %arg2: memref<1280x128xf32, #tpu.memory_space<vmem>>, %arg3: memref<1280x128xf32, #tpu.memory_space<vmem>>) attributes {dimension_semantics = [#tpu.dimension_semantics<arbitrary>], iteration_bounds = array<i64: 8>, scalar_prefetch = 0 : i64, scratch_operands = 0 : i64, tpu.core_type = #tpu.core_type<tc>, window_params = [{transform_indices = @transform_0, window_bounds = array<i64: 1280, 1>}, {transform_indices = @transform_1, window_bounds = array<i64: 1280, 128>}, {transform_indices = @transform_2, window_bounds = array<i64: 1280, 128>}]} {
    %get3A = arith.constant 0 : index
    %get3A_0 = arith.constant 0 : index
    %get3A_1 = vector.load %arg1[%get3A, %get3A_0] : memref<1280x1xf32, #tpu.memory_space<vmem>>, vector<1280x1xf32>
    %get3A_2 = vector.shape_cast %get3A_1 : vector<1280x1xf32> to vector<1280xf32>
    %gt3A = arith.constant 0.000000e+00 : f32
    %gt3A_3 = vector.broadcast %gt3A : f32 to vector<1280xf32>
    %gt3A_4 = arith.cmpf ogt, %get3A_2, %gt3A_3 : vector<1280xf32>
    %rsqrt3A = math.rsqrt %get3A_2 : vector<1280xf32>
    %jit3A = arith.constant 1.000000e+00 : f32
    %broadcast_in_dim3A = vector.broadcast %jit3A : f32 to vector<1280xf32>
    %select_n3A = arith.select %gt3A_4, %rsqrt3A, %broadcast_in_dim3A : vector<1280xi1>, vector<1280xf32>
    %get3A_5 = arith.constant 0 : index
    %get3A_6 = arith.constant 0 : index
    %get3A_7 = vector.load %arg2[%get3A_5, %get3A_6] : memref<1280x128xf32, #tpu.memory_space<vmem>>, vector<1280x128xf32>
    %broadcast_in_dim3A_8 = vector.shape_cast %select_n3A : vector<1280xf32> to vector<1280x1xf32>
    %mul3A = vector.broadcast %broadcast_in_dim3A_8 : vector<1280x1xf32> to vector<1280x128xf32>
    %mul3A_9 = arith.mulf %get3A_7, %mul3A : vector<1280x128xf32>
    %swap3A = arith.constant 0 : index
    %swap3A_10 = arith.constant 0 : index
    %swap3A_11 = vector.load %arg3[%swap3A, %swap3A_10] : memref<1280x128xf32, #tpu.memory_space<vmem>>, vector<1280x128xf32>
    tpu.vector_store %arg3[%swap3A, %swap3A_10], %mul3A_9 {strides = array<i32>} : memref<1280x128xf32, #tpu.memory_space<vmem>>, vector<1280x128xf32>,
    return
  }
  func.func @transform_0(%arg0: i32) -> (i32, i32) {
    %c0_i32 = arith.constant 0 : i32
    %c0_i32_0 = arith.constant 0 : i32
    return %arg0, %c0_i32 : i32, i32
  }
  func.func @transform_1(%arg0: i32) -> (i32, i32) {
    %c0_i32 = arith.constant 0 : i32
    %c0_i32_0 = arith.constant 0 : i32
    return %arg0, %c0_i32 : i32, i32
  }
  func.func @transform_2(%arg0: i32) -> (i32, i32) {
    %c0_i32 = arith.constant 0 : i32
    %c0_i32_0 = arith.constant 0 : i32
    return %arg0, %c0_i32 : i32, i32
  }
}

module attributes {stable_mosaic.version = 14 : i64} {
  func.func @_mid_body(%arg0: i32, %arg1: memref<2x1280x128xf32, #tpu.memory_space<vmem>>, %arg2: memref<1280x1xf32, #tpu.memory_space<vmem>>, %arg3: memref<1280x1xf32, #tpu.memory_space<vmem>>, %arg4: memref<128x256xf32, #tpu.memory_space<vmem>>, %arg5: memref<256xf32, #tpu.memory_space<vmem>>, %arg6: memref<256x128xf32, #tpu.memory_space<vmem>>, %arg7: memref<1280x128xf32, #tpu.memory_space<vmem>>) attributes {dimension_semantics = [#tpu.dimension_semantics<arbitrary>], iteration_bounds = array<i64: 8>, scalar_prefetch = 0 : i64, scratch_operands = 0 : i64, tpu.core_type = #tpu.core_type<tc>, window_params = [{transform_indices = @transform_0, window_bounds = array<i64: 2, 1280, 128>}, {transform_indices = @transform_1, window_bounds = array<i64: 1280, 1>}, {transform_indices = @transform_2, window_bounds = array<i64: 1280, 1>}, {pipeline_mode = #tpu.pipeline_mode<synchronous>, transform_indices = @transform_3, window_bounds = array<i64: 128, 256>}, {pipeline_mode = #tpu.pipeline_mode<synchronous>, transform_indices = @transform_4, window_bounds = array<i64: 256>}, {pipeline_mode = #tpu.pipeline_mode<synchronous>, transform_indices = @transform_5, window_bounds = array<i64: 256, 128>}, {transform_indices = @transform_6, window_bounds = array<i64: 1280, 128>}]} {
    %get3A = arith.constant 0 : index
    %get3A_0 = arith.constant 0 : index
    %get3A_1 = arith.constant 0 : index
    %get3A_2 = vector.load %arg1[%get3A, %get3A_0, %get3A_1] : memref<2x1280x128xf32, #tpu.memory_space<vmem>>, vector<1x1280x128xf32>
    %get3A_3 = vector.shape_cast %get3A_2 : vector<1x1280x128xf32> to vector<1280x128xf32>
    %get3A_4 = arith.constant 1 : index
    %get3A_5 = arith.constant 0 : index
    %get3A_6 = arith.constant 0 : index
    %get3A_7 = vector.load %arg1[%get3A_4, %get3A_5, %get3A_6] : memref<2x1280x128xf32, #tpu.memory_space<vmem>>, vector<1x1280x128xf32>
    %get3A_8 = vector.shape_cast %get3A_7 : vector<1x1280x128xf32> to vector<1280x128xf32>
    %add3A = arith.addf %get3A_3, %get3A_8 : vector<1280x128xf32>
    %get3A_9 = arith.constant 0 : index
    %get3A_10 = arith.constant 0 : index
    %get3A_11 = vector.load %arg3[%get3A_9, %get3A_10] : memref<1280x1xf32, #tpu.memory_space<vmem>>, vector<1280x1xf32>
    %get3A_12 = vector.shape_cast %get3A_11 : vector<1280x1xf32> to vector<1280xf32>
    %gt3A = arith.constant 0.000000e+00 : f32
    %gt3A_13 = vector.broadcast %gt3A : f32 to vector<1280xf32>
    %gt3A_14 = arith.cmpf ogt, %get3A_12, %gt3A_13 : vector<1280xf32>
    %rsqrt3A = math.rsqrt %get3A_12 : vector<1280xf32>
    %jit3A = arith.constant 1.000000e+00 : f32
    %broadcast_in_dim3A = vector.broadcast %jit3A : f32 to vector<1280xf32>
    %select_n3A = arith.select %gt3A_14, %rsqrt3A, %broadcast_in_dim3A : vector<1280xi1>, vector<1280xf32>
    %get3A_15 = arith.constant 0 : index
    %get3A_16 = arith.constant 0 : index
    %get3A_17 = vector.load %arg2[%get3A_15, %get3A_16] : memref<1280x1xf32, #tpu.memory_space<vmem>>, vector<1280x1xf32>
    %get3A_18 = vector.shape_cast %get3A_17 : vector<1280x1xf32> to vector<1280xf32>
    %gt3A_19 = arith.constant 0.000000e+00 : f32
    %gt3A_20 = vector.broadcast %gt3A_19 : f32 to vector<1280xf32>
    %gt3A_21 = arith.cmpf ogt, %get3A_18, %gt3A_20 : vector<1280xf32>
    %rsqrt3A_22 = math.rsqrt %get3A_18 : vector<1280xf32>
    %jit3A_23 = arith.constant 1.000000e+00 : f32
    %broadcast_in_dim3A_24 = vector.broadcast %jit3A_23 : f32 to vector<1280xf32>
    %select_n3A_25 = arith.select %gt3A_21, %rsqrt3A_22, %broadcast_in_dim3A_24 : vector<1280xi1>, vector<1280xf32>
    %get3A_26 = arith.constant 0 : index
    %get3A_27 = arith.constant 0 : index
    %get3A_28 = vector.load %arg4[%get3A_26, %get3A_27] : memref<128x256xf32, #tpu.memory_space<vmem>>, vector<128x256xf32>
    %dot_general3A = arith.constant dense<0.000000e+00> : vector<1280x256xf32>
    %dot_general3A_29 = tpu.matmul %add3A, %get3A_28, %dot_general3A {dimension_numbers = #tpu.dot_dimension_numbers<[1], [0], [0], [1], [0, 0, 1, 1], [], []>, transpose_lhs_hint = false} : vector<1280x128xf32>, vector<128x256xf32>, vector<1280x256xf32> -> vector<1280x256xf32>
    %broadcast_in_dim3A_30 = vector.shape_cast %select_n3A : vector<1280xf32> to vector<1280x1xf32>
    %mul3A = vector.broadcast %broadcast_in_dim3A_30 : vector<1280x1xf32> to vector<1280x256xf32>
    %mul3A_31 = arith.mulf %dot_general3A_29, %mul3A : vector<1280x256xf32>
    %get3A_32 = arith.constant 0 : index
    %get3A_33 = vector.load %arg5[%get3A_32] : memref<256xf32, #tpu.memory_space<vmem>>, vector<256xf32>
    %broadcast_in_dim3A_34 = vector.shape_cast %get3A_33 : vector<256xf32> to vector<1x256xf32>
    %add3A_35 = vector.broadcast %broadcast_in_dim3A_34 : vector<1x256xf32> to vector<1280x256xf32>
    %add3A_36 = arith.addf %mul3A_31, %add3A_35 : vector<1280x256xf32>
    %max3A = arith.constant 0.000000e+00 : f32
    %max3A_37 = vector.broadcast %max3A : f32 to vector<1280x256xf32>
    %max3A_38 = arith.maximumf %add3A_36, %max3A_37 : vector<1280x256xf32>
    %broadcast_in_dim3A_39 = vector.shape_cast %select_n3A_25 : vector<1280xf32> to vector<1280x1xf32>
    %mul3A_40 = vector.broadcast %broadcast_in_dim3A_39 : vector<1280x1xf32> to vector<1280x256xf32>
    %mul3A_41 = arith.mulf %max3A_38, %mul3A_40 : vector<1280x256xf32>
    %get3A_42 = arith.constant 0 : index
    %get3A_43 = arith.constant 0 : index
    %get3A_44 = vector.load %arg6[%get3A_42, %get3A_43] : memref<256x128xf32, #tpu.memory_space<vmem>>, vector<256x128xf32>
    %dot_general3A_45 = arith.constant dense<0.000000e+00> : vector<1280x128xf32>
    %dot_general3A_46 = tpu.matmul %mul3A_41, %get3A_44, %dot_general3A_45 {dimension_numbers = #tpu.dot_dimension_numbers<[1], [0], [0], [1], [0, 0, 1, 1], [], []>, transpose_lhs_hint = false} : vector<1280x256xf32>, vector<256x128xf32>, vector<1280x128xf32> -> vector<1280x128xf32>
    %mul3A_47 = arith.constant 1280 : i32
    %mul3A_48 = arith.muli %arg0, %mul3A_47 : i32
    %iota3A = tpu.iota {dimensions = array<i32: 0>} : vector<1280x1xi32>
    %add3A_49 = vector.broadcast %mul3A_48 : i32 to vector<1280x1xi32>
    %add3A_50 = arith.addi %add3A_49, %iota3A : vector<1280x1xi32>
    %lt3A = arith.constant 10000 : i32
    %lt3A_51 = vector.broadcast %lt3A : i32 to vector<1280x1xi32>
    %lt3A_52 = arith.cmpi slt, %add3A_50, %lt3A_51 : vector<1280x1xi32>
    %jit3A_53 = arith.constant 0.000000e+00 : f32
    %broadcast_in_dim3A_54 = vector.shape_cast %lt3A_52 : vector<1280x1xi1> to vector<1280x1xi1>
    %broadcast_in_dim3A_55 = vector.broadcast %broadcast_in_dim3A_54 : vector<1280x1xi1> to vector<1280x128xi1>
    %broadcast_in_dim3A_56 = vector.broadcast %jit3A_53 : f32 to vector<1280x128xf32>
    %select_n3A_57 = arith.select %broadcast_in_dim3A_55, %dot_general3A_46, %broadcast_in_dim3A_56 : vector<1280x128xi1>, vector<1280x128xf32>
    %swap3A = arith.constant 0 : index
    %swap3A_58 = arith.constant 0 : index
    %swap3A_59 = vector.load %arg7[%swap3A, %swap3A_58] : memref<1280x128xf32, #tpu.memory_space<vmem>>, vector<1280x128xf32>
    tpu.vector_store %arg7[%swap3A, %swap3A_58], %select_n3A_57 {strides = array<i32>} : memref<1280x128xf32, #tpu.memory_space<vmem>>, vector<1280x128xf32>,
    return
  }
  func.func @transform_0(%arg0: i32) -> (i32, i32, i32) {
    %c0_i32 = arith.constant 0 : i32
    %c0_i32_0 = arith.constant 0 : i32
    %c0_i32_1 = arith.constant 0 : i32
    return %c0_i32, %arg0, %c0_i32_0 : i32, i32, i32
  }
  func.func @transform_1(%arg0: i32) -> (i32, i32) {
    %c0_i32 = arith.constant 0 : i32
    %c0_i32_0 = arith.constant 0 : i32
    return %arg0, %c0_i32 : i32, i32
  }
  func.func @transform_2(%arg0: i32) -> (i32, i32) {
    %c0_i32 = arith.constant 0 : i32
    %c0_i32_0 = arith.constant 0 : i32
    return %arg0, %c0_i32 : i32, i32
  }
  func.func @transform_3(%arg0: i32) -> (i32, i32) {
    %c0_i32 = arith.constant 0 : i32
    %c0_i32_0 = arith.constant 0 : i32
    %c0_i32_1 = arith.constant 0 : i32
    return %c0_i32, %c0_i32_0 : i32, i32
  }
  func.func @transform_4(%arg0: i32) -> i32 {
    %c0_i32 = arith.constant 0 : i32
    %c0_i32_0 = arith.constant 0 : i32
    return %c0_i32 : i32
  }
  func.func @transform_5(%arg0: i32) -> (i32, i32) {
    %c0_i32 = arith.constant 0 : i32
    %c0_i32_0 = arith.constant 0 : i32
    %c0_i32_1 = arith.constant 0 : i32
    return %c0_i32, %c0_i32_0 : i32, i32
  }
  func.func @transform_6(%arg0: i32) -> (i32, i32) {
    %c0_i32 = arith.constant 0 : i32
    %c0_i32_0 = arith.constant 0 : i32
    return %arg0, %c0_i32 : i32, i32
  }
}

module attributes {stable_mosaic.version = 14 : i64} {
  func.func @_final_body(%arg0: i32, %arg1: memref<2x1280x128xf32, #tpu.memory_space<vmem>>, %arg2: memref<1280x1xf32, #tpu.memory_space<vmem>>, %arg3: memref<128xf32, #tpu.memory_space<vmem>>, %arg4: memref<1280x128xf32, #tpu.memory_space<vmem>>) attributes {dimension_semantics = [#tpu.dimension_semantics<arbitrary>], iteration_bounds = array<i64: 8>, scalar_prefetch = 0 : i64, scratch_operands = 0 : i64, tpu.core_type = #tpu.core_type<tc>, window_params = [{transform_indices = @transform_0, window_bounds = array<i64: 2, 1280, 128>}, {transform_indices = @transform_1, window_bounds = array<i64: 1280, 1>}, {pipeline_mode = #tpu.pipeline_mode<synchronous>, transform_indices = @transform_2, window_bounds = array<i64: 128>}, {transform_indices = @transform_3, window_bounds = array<i64: 1280, 128>}]} {
    %get3A = arith.constant 0 : index
    %get3A_0 = arith.constant 0 : index
    %get3A_1 = vector.load %arg2[%get3A, %get3A_0] : memref<1280x1xf32, #tpu.memory_space<vmem>>, vector<1280x1xf32>
    %get3A_2 = vector.shape_cast %get3A_1 : vector<1280x1xf32> to vector<1280xf32>
    %gt3A = arith.constant 0.000000e+00 : f32
    %gt3A_3 = vector.broadcast %gt3A : f32 to vector<1280xf32>
    %gt3A_4 = arith.cmpf ogt, %get3A_2, %gt3A_3 : vector<1280xf32>
    %rsqrt3A = math.rsqrt %get3A_2 : vector<1280xf32>
    %jit3A = arith.constant 1.000000e+00 : f32
    %broadcast_in_dim3A = vector.broadcast %jit3A : f32 to vector<1280xf32>
    %select_n3A = arith.select %gt3A_4, %rsqrt3A, %broadcast_in_dim3A : vector<1280xi1>, vector<1280xf32>
    %get3A_5 = arith.constant 0 : index
    %get3A_6 = arith.constant 0 : index
    %get3A_7 = arith.constant 0 : index
    %get3A_8 = vector.load %arg1[%get3A_5, %get3A_6, %get3A_7] : memref<2x1280x128xf32, #tpu.memory_space<vmem>>, vector<1x1280x128xf32>
    %get3A_9 = vector.shape_cast %get3A_8 : vector<1x1280x128xf32> to vector<1280x128xf32>
    %get3A_10 = arith.constant 1 : index
    %get3A_11 = arith.constant 0 : index
    %get3A_12 = arith.constant 0 : index
    %get3A_13 = vector.load %arg1[%get3A_10, %get3A_11, %get3A_12] : memref<2x1280x128xf32, #tpu.memory_space<vmem>>, vector<1x1280x128xf32>
    %get3A_14 = vector.shape_cast %get3A_13 : vector<1x1280x128xf32> to vector<1280x128xf32>
    %add3A = arith.addf %get3A_9, %get3A_14 : vector<1280x128xf32>
    %broadcast_in_dim3A_15 = vector.shape_cast %select_n3A : vector<1280xf32> to vector<1280x1xf32>
    %mul3A = vector.broadcast %broadcast_in_dim3A_15 : vector<1280x1xf32> to vector<1280x128xf32>
    %mul3A_16 = arith.mulf %add3A, %mul3A : vector<1280x128xf32>
    %get3A_17 = arith.constant 0 : index
    %get3A_18 = vector.load %arg3[%get3A_17] : memref<128xf32, #tpu.memory_space<vmem>>, vector<128xf32>
    %broadcast_in_dim3A_19 = vector.shape_cast %get3A_18 : vector<128xf32> to vector<1x128xf32>
    %add3A_20 = vector.broadcast %broadcast_in_dim3A_19 : vector<1x128xf32> to vector<1280x128xf32>
    %add3A_21 = arith.addf %mul3A_16, %add3A_20 : vector<1280x128xf32>
    %swap3A = arith.constant 0 : index
    %swap3A_22 = arith.constant 0 : index
    %swap3A_23 = vector.load %arg4[%swap3A, %swap3A_22] : memref<1280x128xf32, #tpu.memory_space<vmem>>, vector<1280x128xf32>
    tpu.vector_store %arg4[%swap3A, %swap3A_22], %add3A_21 {strides = array<i32>} : memref<1280x128xf32, #tpu.memory_space<vmem>>, vector<1280x128xf32>,
    return
  }
  func.func @transform_0(%arg0: i32) -> (i32, i32, i32) {
    %c0_i32 = arith.constant 0 : i32
    %c0_i32_0 = arith.constant 0 : i32
    %c0_i32_1 = arith.constant 0 : i32
    return %c0_i32, %arg0, %c0_i32_0 : i32, i32, i32
  }
  func.func @transform_1(%arg0: i32) -> (i32, i32) {
    %c0_i32 = arith.constant 0 : i32
    %c0_i32_0 = arith.constant 0 : i32
    return %arg0, %c0_i32 : i32, i32
  }
  func.func @transform_2(%arg0: i32) -> i32 {
    %c0_i32 = arith.constant 0 : i32
    %c0_i32_0 = arith.constant 0 : i32
    return %c0_i32 : i32
  }
  func.func @transform_3(%arg0: i32) -> (i32, i32) {
    %c0_i32 = arith.constant 0 : i32
    %c0_i32_0 = arith.constant 0 : i32
    return %arg0, %c0_i32 : i32, i32
  }
}

</mosaic_0001>

<sc_bundles>
// kernel: kernel.12.cloned.1.call-start
scs
__scs_entry_jumppad:
0x0: {  	(pc) =	sbr.rel $0x88, $3  }
0x1: {  	(tag) =	ssettag $0x0;
	lr =	simm.s32 $0x1  }
0x2: {  	[smem:$0x3F9B] =	sst lr;
	_ =	strace $0xD0000000  }
0x3: {  	_ = 	snop  }
0x4: {  	_ = 	snop  }
0x5: {  	_ = 	snop  }
0x6: {  	_ = 	snop  }
0x7: {  	_ = 	snop  }
__scs_overlays_trampoline_lowered:
0x8: {  	[smem:$0x3FAA] =	sst s0  }
0x9: {  	[smem:$0x3FAB] =	sst s1  }
0xa: {  	[smem:$0x3FAC] =	sst s2  }
0xb: {  	[smem:$0x3FAD] =	sst s3  }
0xc: {  	[smem:$0x3FAE] =	sst s4  }
0xd: {  	[smem:$0x3FAF] =	sst s5  }
0xe: {  	[smem:$0x3FB0] =	sst s6  }
0xf: {  	[smem:$0x3FB1] =	sst s7  }
0x10: {  	[smem:$0x3FB2] =	sst s8  }
0x11: {  	[smem:$0x3FB3] =	sst s9;
	s0 =	simm.s32 @!p0 $0x0  }
0x12: {  	s1 =	sld [smem:$0x3F99];
	s0 =	simm.s32 @p0 $0x1  }
0x13: {  	[smem:$0x3FB4] =	sst s0;
	s0 =	simm.s32 @!p1 $0x0  }
0x14: {  	s2 =	sld [smem:$0x3F98];
	s0 =	simm.s32 @p1 $0x1  }
0x15: {  	[smem:$0x3FB5] =	sst s0;
	s0 =	simm.s32 @!p2 $0x0  }
0x16: {  	s3 =	sld [smem:$0x3FDB];
	s0 =	simm.s32 @p2 $0x1  }
0x17: {  	s4 =	simm.s32 $0x1BF5;
	[smem:$0x3FB7] =	sst s0  }
0x18: {  	s0 =	sld [smem:$0x3F9A];
	_ =	swait.ge [sflag:s4], $0x0  }
0x19: {  	s7 =	sld [smem:$0x3F9B]  }
0x1a: {  	s8 =	sadd.s32 $0xFFFFE003, lr  }
0x1b: {  	s9 =	sadd.s32 $0xFFFFFEF7, lr;
	s5 =	simm.s32 $0xFFFFFFFF;
	p2 =	slt.u32 s8, $0xFFFFF086  }
0x1c: {  	p1 =	slt.u32 s9, $0xF7A;
	s5 =	simm.s32 @!p2 $0x0  }
0x1d: {  	s5 =	simm.s32 @p1 $0x1;
	p0 =	seq.s32 s7, s2  }
0x1e: {  	s7 =	smul.u32 @!p0 $0xF7A, s2;
	p2 =	seq.s32 @!p0 s5, $0x0  }
0x1f: {  	s9 =	smul.u32 $0xF7A, s1;
	s8 =	simm.s32 @!p0 $0x1BF5;
	p2 =	por !p2, p0  }
0x20: {  	[sflag:s8] =	ssyncset.s32 @!p0 $0xFFFFF086;
	s6 =	sadd.s32 @!p0 s3, s7;
	s7 =	simm.s32 @!p0 $0x108  }
0x21: {  	s3 =	sadd.s32 s3, s9;
	s6 =	sadd.s32 @!p0 $0x88, s6;
	s7 =	simm.s32 @p2 $0x1082  }
0x22: {  	[simem:s7], [sflag:s8] =	dma.local @!p0 [hbm:s6], $0xF7A  }
0x23: {  	s9 =	sor.u32 $0xD0000000, s2;
	s6 =	simm.s32 $0x108;
	_ =	swait.ge @!p0 [sflag:s8], $0x0  }
0x24: {  	s3 =	sadd.s32 $0x88, s3;
	s6 =	simm.s32 @!p1 $0x1082;
	[sflag:s4] =	ssyncset.s32 $0xFFFFF086  }
0x25: {  	[simem:s6], [sflag:s4] =	dma.local [hbm:s3], $0xF7A  }
0x26: {  	[smem:$0x3F9B] =	sst s1;
	(tag) =	ssettag s2;
	_ =	strace s9  }
0x27: {  	s1 =	sld [smem:$0x3FAB]  }
0x28: {  	s2 =	sld [smem:$0x3FAC]  }
0x29: {  	s4 =	sld [smem:$0x3FAE]  }
0x2a: {  	p0 =	seq.s32 s5, $0x0;
	s5 =	sld [smem:$0x3FAF]  }
0x2b: {  	s6 =	sld [smem:$0x3FB0]  }
0x2c: {  	s7 =	sld [smem:$0x3FB1]  }
0x2d: {  	s3 =	simm.s32 $0x108;
	s8 =	sld [smem:$0x3FB2]  }
0x2e: {  	s3 =	simm.s32 @!p0 $0x1082;
	s9 =	sld [smem:$0x3FB3]  }
0x2f: {  	lr =	sadd.s32 s0, s3;
	s0 =	sld [smem:$0x3FAA]  }
0x30: {  	s3 =	sld [smem:$0x3FAD]  }
0x31: {  	[smem:$0x3FB6] =	sst s10  }
0x32: {  	s10 =	sld [smem:$0x3FB4];
	_ =	sdelay $0x3  }
0x33: {  	p0 =	seq.s32 s10, $0x1;
	s10 =	sld [smem:$0x3FB6];
	_ =	sdelay $0x3  }
0x34: {  	[smem:$0x3FB6] =	sst s10  }
0x35: {  	s10 =	sld [smem:$0x3FB5];
	_ =	sdelay $0x3  }
0x36: {  	p1 =	seq.s32 s10, $0x1;
	s10 =	sld [smem:$0x3FB6];
	_ =	sdelay $0x3  }
0x37: {  	[smem:$0x3FB6] =	sst s10  }
0x38: {  	s10 =	sld [smem:$0x3FB7]  }
0x39: {  	_ = 	snop;
	(pc) =	sbr.ind lr, $3  }
0x3a: {  	_ = 	snop  }
0x3b: {  	_ = 	snop  }
0x3c: {  	p2 =	seq.s32 s10, $0x1;
	s10 =	sld [smem:$0x3FB6]  }
0x3d: {  	_ =	shalt  }
0x3e: {  	_ =	shalt  }
0x3f: {  	_ =	shalt  }
0x40: {  	_ =	shalt  }
0x41: {  	_ =	shalt  }
0x42: {  	_ =	shalt  }
0x43: {  	_ =	shalt  }
0x44: {  	_ =	shalt  }
0x45: {  	_ =	shalt  }
0x46: {  	_ =	shalt  }
0x47: {  	_ =	shalt  }
0x48: {  	_ =	shalt  }
0x49: {  	_ =	shalt  }
0x4a: {  	_ =	shalt  }
0x4b: {  	_ =	shalt  }
0x4c: {  	_ =	shalt  }
0x4d: {  	_ =	shalt  }
0x4e: {  	_ =	shalt  }
0x4f: {  	_ =	shalt  }
0x50: {  	_ =	shalt  }
0x51: {  	_ =	shalt  }
0x52: {  	_ =	shalt  }
0x53: {  	_ =	shalt  }
0x54: {  	_ =	shalt  }
0x55: {  	_ =	shalt  }
0x56: {  	_ =	shalt  }
0x57: {  	_ =	shalt  }
0x58: {  	_ =	shalt  }
0x59: {  	_ =	shalt  }
0x5a: {  	_ =	shalt  }
0x5b: {  	_ =	shalt  }
0x5c: {  	_ =	shalt  }
0x5d: {  	_ =	shalt  }
0x5e: {  	_ =	shalt  }
0x5f: {  	_ =	shalt  }
0x60: {  	_ =	shalt  }
0x61: {  	_ =	shalt  }
0x62: {  	_ =	shalt  }
0x63: {  	_ =	shalt  }
0x64: {  	_ =	shalt  }
0x65: {  	_ =	shalt  }
0x66: {  	_ =	shalt  }
0x67: {  	_ =	shalt  }
0x68: {  	_ =	shalt  }
0x69: {  	_ =	shalt  }
0x6a: {  	_ =	shalt  }
0x6b: {  	_ =	shalt  }
0x6c: {  	_ =	shalt  }
0x6d: {  	_ =	shalt  }
0x6e: {  	_ =	shalt  }
0x6f: {  	_ =	shalt  }
0x70: {  	_ =	shalt  }
0x71: {  	_ =	shalt  }
0x72: {  	_ =	shalt  }
0x73: {  	_ =	shalt  }
0x74: {  	_ =	shalt  }
0x75: {  	_ =	shalt  }
0x76: {  	_ =	shalt  }
0x77: {  	_ =	shalt  }
0x78: {  	_ =	shalt  }
0x79: {  	_ =	shalt  }
0x7a: {  	_ =	shalt  }
0x7b: {  	_ =	shalt  }
0x7c: {  	_ =	shalt  }
0x7d: {  	_ =	shalt  }
0x7e: {  	_ =	shalt  }
0x7f: {  	_ =	shalt  }
0x80: {  	_ =	shalt  }
0x81: {  	_ =	shalt  }
0x82: {  	_ =	shalt  }
0x83: {  	_ =	shalt  }
0x84: {  	_ =	shalt  }
0x85: {  	_ =	shalt  }
0x86: {  	_ =	shalt  }
0x87: {  	_ =	shalt  }
.Lfunc_end0:
.L_simem_size_0:
called_computation.1_lowered:
.L_overlay_start_0:
0x88: {  	s2 =	sld [smem:$0x3FD9]  }
0x89: {  	s3 =	sld [smem:$0x3FFE];
	_ =	sdelay $0x1  }
0x8a: {  	s1 =	srdreg.scid  }
0x8b: {  	s0 =	sand.u32 $0x1, s1  }
0x8c: {  	s17 =	sshll.u32 s0, $0xA;
	s2 =	sadd.s32 s3, s2  }
0x8d: {  	s2 =	sadd.s32 s2, s17  }
0x8e: {  	[smem:$0x3FC2] =	sst s2  }
0x8f: {  	_ = 	snop  }
0x90: {  	s2 =	sld [smem:$0x3FD0];
	(tm) =	ssettm $0x1  }
0x91: {  	s18 =	sld [smem:$0x3FFB];
	_ =	sdelay $0x3  }
0x92: {  	_ =	strace s18  }
0x93: {  	s3 =	sld [smem:$0x3FFC];
	_ =	sdelay $0x3  }
0x94: {  	_ =	strace s3  }
0x95: {  	s3 =	sld [smem:$0x3FFD];
	_ =	sdelay $0x3  }
0x96: {  	_ =	strace s3  }
0x97: {  	_ =	strace $0x8FFFFFFF  }
0x98: {  	s19 =	sld [smem:$0x3FDB];
	_ =	sdelay $0x1  }
0x99: {  	s4 =	simm.s32 $_scs_section_size  }
0x9a: {  	s5 =	simm.s32 $_size__tile_overlayer_lowered;
	s6 =	simm.s32 $_tile_overlayer_lowered  }
0x9b: {  	s22 =	simm.s32 $0x1BFF;
	s21 =	sshll.u32 s6, $0x1;
	s3 =	sadd.s32 s4, s19  }
0x9c: {  	s7 =	simm.s32 $0x0;
	s20 =	sshll.u32 s5, $0x1;
	s5 =	sadd.s32 s21, s3  }
0x9d: {  	[timem:s7], [sflag:s22] =	dma.local [hbm:s5], s20  }
0x9e: {  	_ =	swait.ge [sflag:s22], s20  }
0x9f: {  	s4 =	ssub.s32 $0x0, s20;
	[sflag:s22] =	ssyncset.done $0x0  }
0xa0: {  	[sflag:s22] =	ssyncadd.s32 s4;
	_ =	sdelay $0x1  }
0xa1: {  	s23 =	simm.s32 $0x1B8B  }
0xa2: {  	_ =	swait.ge [sflag:s23], $0x1  }
0xa3: {  	[sflag:s23] =	ssyncset.done $0x0  }
0xa4: {  	s25 =	simm.s32 $0x1B8E;
	s24 =	sld [smem:$0x3FFE];
	[sflag:s23] =	ssyncadd.s32 $0xFFFFFFFF  }
0xa5: {  	s26 =	simm.s32 $execute0_lowered;
	[smem:$0x3FD2] =	sst s25  }
0xa6: {  	s5 =	sshll.u32 s26, $0x1;
	_ =	strace $0x80000046;
	[dreg:$0x1] =	wrdreg $0xFFFFFFFF  }
0xa7: {  	s28 =	simm.s32 $_size_execute0_lowered;
	s3 =	sadd.s32 s3, s5;
	[dreg:$0x0] =	wrdreg $0x0  }
0xa8: {  	s5 =	sshll.u32 s28, $0x1;
	[dreg:$0x2] =	wrdreg s3  }
0xa9: {  	[dreg:$0x3] =	wrdreg s5  }
0xaa: {  	[dreg:$0x4] =	wrdreg $0xC0  }
0xab: {  	_ =	task [dreg:s7], $0x5FFFF  }
0xac: {  	[dreg:$0x1] =	wrdreg $0xFFFFFFFF  }
0xad: {  	[dreg:$0x0] =	wrdreg $0x60  }
0xae: {  	[dreg:$0x2] =	wrdreg s2  }
0xaf: {  	[dreg:$0x3] =	wrdreg s24  }
0xb0: {  	[dreg:$0x4] =	wrdreg $0xAC000  }
0xb1: {  	[dreg:$0x5] =	wrdreg $0xA  }
0xb2: {  	_ =	task.clear_ibuf [dreg:s7], $0x6FFFF;
	_ =	strace $0x90000046  }
0xb3: {  	s29 =	simm.s32 $0xA;
	_ =	strace $0x80000048  }
0xb4: {  	_ =	swait.ge [sflag:s29], $0x1  }
0xb5: {  	[sflag:s29] =	ssyncadd.s32 $0xFFFFFFFF  }
0xb6: {  	_ =	strace $0x90000048  }
0xb7: {  	_ =	sfence  }
0xb8: {  	s30 =	sld [smem:$0x0];
	_ =	sdelay $0x2  }
0xb9: {  	s31 =	sshll.u32 s1, $0xD;
	s1 =	sshrl.u32 s1, $0x2  }
0xba: {  	s3 =	sand.u32 $0x4000, s31;
	s1 =	sadd.s32 s1, s30  }
0xbb: {  	s0 =	sor.u32 s3, s0;
	s1 =	sshll.u32 s1, $0x11  }
0xbc: {  	s0 =	sor.u32 s1, s0  }
0xbd: {  	s0 =	sadd.s32 $0x8F2B, s0  }
0xbe: {  	[sflag:s0] =	ssyncadd.remote.s32 $0x1  }
0xbf: {  	_ =	sfence.sel $0xFFFF  }
0xc0: {  	[dreg:$0x0] =	wrdreg $0xFFFFFFFF;
	(pc) =	sbr.abs _section_cstart, $3  }
0xc1: {  	[dreg:$0x1] =	wrdreg $0xFFFFFFFF  }
0xc2: {  	_ =	task.clear_ibuf [dreg:s7], $0x2FFFF;
	_ =	strace $0x9FFFFFFF  }
0xc3: {  	(tm) =	ssettm $0x7FFFFFFF  }
tec
execute0_lowered:
.L_overlay_start_1:
0x0: {  	(tag) =	ssettag $0x1  }
0x1: {  	s4 =	rddreg [dreg:$0x0]  }
0x2: {  	s5 =	rddreg [dreg:$0x1]  }
0x3: {  	s1 =	rddreg [dreg:$0x2]  }
0x4: {  	s2 =	srdreg.scid;
	s0 =	rddreg [dreg:$0x3];
	s3 =	simm.s32 $0x0  }
0x5: {  	s13 =	simm.s32 $0xA800;
	s14 =	simm.s32 $0x80;
	s15 =	simm.s32 $0x6800  }
0x6: {  	s16 =	simm.s32 $0xA880;
	s17 =	simm.s32 $0xA900;
	s18 =	simm.s32 $0xA980  }
0x7: {  	s19 =	simm.s32 $0xAA00;
	s20 =	simm.s32 $0x2800;
	s6 =	sand.u32 $0x1, s2  }
0x8: {  	s21 =	simm.s32 $0x1;
	s2 =	stileid.u32;
	s7 =	smul.u32 $0x140000, s6  }
0x9: {  	s22 =	simm.s32 $0x0;
	[smem:$0x7FF] =	sst s3;
	s8 =	smul.u32 $0x14000, s2  }
0xa: {  	s9 =	sshll.u32 s2, $0x1;
	_ =	strace $0x80000047;
	s10 =	sshll.u32 s2, $0x7  }
0xb: {  	s9 =	sor.u32 s6, s9;
	s6 =	ssub.s32 $0x2, s6;
	s7 =	sadd.s32 s8, s7  }
0xc: {  	s29 =	smul.u32 $0x500, s9;
	s31 =	sshrl.u32 s6, $0x1;
	s7 =	sshrl.u32 s7, $0x3  }
0xd: {  	s30 =	sadd.s32 s10, s5;
	s12 =	ssub.s32 s6, s31;
	s11 =	sadd.s32 s7, s5  }
0xe: {  	s4 =	sadd.s32 s4, s29;
	s5 =	sadd.s32 $0x2000, s30;
	s6 =	sadd.s32 $0x2800, s11  }
0xf: {  	s7 =	sadd.s32 $0x3000, s11;
	s8 =	sadd.s32 $0x3800, s11;
	s9 =	sadd.s32 $0x4000, s11  }
0x10: {  	v0 =	vimm.f32 $1.000000000e+00;
	v1 =	vimm.f32 $0.0e+00;
	s10 =	sadd.s32 $0x4800, s11;
	s11 =	smax.u32 s12, $0x1;
	s12 =	simm.s32 $0x2  }
.LBB2_1:
0x11: {  	[tilespmem:s3], [sflag:$0x2] =	stream.linear.gather [hbm4b:s4+s3], $0x2800, $0x38;
	[tilespmem:$0x1EC00] =	vst v63  }
0x12: {  	_ =	swait.ge [sflag:s12], $0x2800  }
0x13: {  	[sflag:s12] =	ssyncset.done $0x0  }
0x14: {  	[sflag:s12] =	ssyncadd.s32 $0xFFFFD800  }
0x15: {  	[tilespmem:s13], [sflag:$0x2] =	stream.linear.gather [hbm4b:s5+s3], $0x280, $0x38;
	[tilespmem:$0x1EC00] =	vst v63  }
0x16: {  	_ =	swait.ge [sflag:s12], $0x280  }
0x17: {  	[sflag:s12] =	ssyncset.done $0x0  }
0x18: {  	s23 =	simm.s32 $0x0;
	s24 =	simm.s32 $0x200;
	[sflag:s12] =	ssyncadd.s32 $0xFFFFFD80  }
.LBB2_2:
0x19: {  	p0 =	sne.s32 s24, $0xFE00;
	[tilespmem:s23+$0x2870] =	vst v0  }
0x1a: {  	[tilespmem:s23+$0x2800] =	vst v0  }
0x1b: {  	[tilespmem:s23+$0x2810] =	vst v0  }
.Ltmp0:
0x1c: {  	[tilespmem:s23+$0x2820] =	vst v0;
	(pc) =	sbr.rel @p0 .LBB2_2-.Ltmp0, $4  }
0x1d: {  	[tilespmem:s23+$0x2830] =	vst v0  }
0x1e: {  	[tilespmem:s23+$0x2840] =	vst v0  }
0x1f: {  	[tilespmem:s23+$0x2850] =	vst v0  }
0x20: {  	[tilespmem:s23+$0x2860] =	vst v0;
	s23 =	sshra.s32 s24, $0x2;
	s24 =	sadd.s32 $0x200, s24  }
0x21: {  	[tilespmem:s23+$0x2870] =	vst v0  }
0x22: {  	[tilespmem:s23+$0x2800] =	vst v0  }
0x23: {  	[tilespmem:s23+$0x2810] =	vst v0  }
0x24: {  	[tilespmem:s23+$0x2820] =	vst v0  }
0x25: {  	[tilespmem:s23+$0x2830] =	vst v0  }
0x26: {  	[tilespmem:s23+$0x2840] =	vst v0  }
0x27: {  	[tilespmem:s23+$0x2850] =	vst v0  }
0x28: {  	[tilespmem:s23+$0x2860] =	vst v0;
	s23 =	simm.s32 $0x0;
	s24 =	simm.s32 $0x200  }
.LBB2_4:
0x29: {  	p0 =	sne.s32 s24, $0xFE00;
	[tilespmem:s23+$0x6870] =	vst v1  }
0x2a: {  	[tilespmem:s23+$0x6800] =	vst v1  }
0x2b: {  	[tilespmem:s23+$0x6810] =	vst v1  }
.Ltmp1:
0x2c: {  	[tilespmem:s23+$0x6820] =	vst v1;
	(pc) =	sbr.rel @p0 .LBB2_4-.Ltmp1, $4  }
0x2d: {  	[tilespmem:s23+$0x6830] =	vst v1  }
0x2e: {  	[tilespmem:s23+$0x6840] =	vst v1  }
0x2f: {  	[tilespmem:s23+$0x6850] =	vst v1  }
0x30: {  	[tilespmem:s23+$0x6860] =	vst v1;
	s23 =	sshra.s32 s24, $0x2;
	s24 =	sadd.s32 $0x200, s24  }
0x31: {  	[tilespmem:s23+$0x6870] =	vst v1  }
0x32: {  	[tilespmem:s23+$0x6800] =	vst v1  }
0x33: {  	[tilespmem:s23+$0x6810] =	vst v1  }
0x34: {  	[tilespmem:s23+$0x6820] =	vst v1  }
0x35: {  	[tilespmem:s23+$0x6830] =	vst v1  }
0x36: {  	[tilespmem:s23+$0x6840] =	vst v1  }
0x37: {  	[tilespmem:s23+$0x6850] =	vst v1  }
0x38: {  	[tilespmem:s23+$0x6860] =	vst v1  }
0x39: {  	[spmem:s1] =	stream.indirect.scatter [tilespmem:s15], [sflag:$0x2], $0x80, s13, s14, $0xb8;
	[tilespmem:$0x1EC00] =	vst v63  }
0x3a: {  	_ =	swait.ge [sflag:s12], $0x4000  }
0x3b: {  	[sflag:s12] =	ssyncset.done $0x0  }
0x3c: {  	[sflag:s12] =	ssyncadd.s32 $0xFFFFC000  }
0x3d: {  	[spmem:s1] =	stream.indirect.scatter [tilespmem:s15], [sflag:$0x2], $0x80, s16, s14, $0xb8;
	[tilespmem:$0x1EC00] =	vst v63  }
0x3e: {  	_ =	swait.ge [sflag:s12], $0x4000  }
0x3f: {  	[sflag:s12] =	ssyncset.done $0x0  }
0x40: {  	[sflag:s12] =	ssyncadd.s32 $0xFFFFC000  }
0x41: {  	[spmem:s1] =	stream.indirect.scatter [tilespmem:s15], [sflag:$0x2], $0x80, s17, s14, $0xb8;
	[tilespmem:$0x1EC00] =	vst v63  }
0x42: {  	_ =	swait.ge [sflag:s12], $0x4000  }
0x43: {  	[sflag:s12] =	ssyncset.done $0x0  }
0x44: {  	[sflag:s12] =	ssyncadd.s32 $0xFFFFC000  }
0x45: {  	[spmem:s1] =	stream.indirect.scatter [tilespmem:s15], [sflag:$0x2], $0x80, s18, s14, $0xb8;
	[tilespmem:$0x1EC00] =	vst v63  }
0x46: {  	_ =	swait.ge [sflag:s12], $0x4000  }
0x47: {  	[sflag:s12] =	ssyncset.done $0x0  }
0x48: {  	[sflag:s12] =	ssyncadd.s32 $0xFFFFC000  }
0x49: {  	[spmem:s1] =	stream.indirect.scatter [tilespmem:s15], [sflag:$0x2], $0x80, s19, s14, $0xb8;
	[tilespmem:$0x1EC00] =	vst v63  }
0x4a: {  	_ =	swait.ge [sflag:s12], $0x4000  }
0x4b: {  	[sflag:s12] =	ssyncset.done $0x0  }
0x4c: {  	[sflag:s12] =	ssyncadd.s32 $0xFFFFC000  }
0x4d: {  	s31 =	simm.s32 $0x0;
	[bflag:$0x0] =	sbarrier.arrive $0xFFFF  }
0x4e: {  	[spmem:s1] =	stream.indirect.scatter.add.f32 [tilespmem:s20], [sflag:$0x1], $0x80, s31, s14, $0xb8;
	[tilespmem:$0x1EC00] =	vst v63  }
0x4f: {  	s24 =	simm.s32 $0x80  }
0x50: {  	[spmem:s1] =	stream.indirect.scatter.add.f32 [tilespmem:s20], [sflag:$0x1], $0x80, s24, s14, $0xb8;
	[tilespmem:$0x1EC00] =	vst v63  }
0x51: {  	s25 =	simm.s32 $0x100  }
0x52: {  	[spmem:s1] =	stream.indirect.scatter.add.f32 [tilespmem:s20], [sflag:$0x1], $0x80, s25, s14, $0xb8;
	[tilespmem:$0x1EC00] =	vst v63  }
0x53: {  	s26 =	simm.s32 $0x180  }
0x54: {  	[spmem:s1] =	stream.indirect.scatter.add.f32 [tilespmem:s20], [sflag:$0x1], $0x80, s26, s14, $0xb8;
	[tilespmem:$0x1EC00] =	vst v63  }
0x55: {  	s28 =	simm.s32 $0x200  }
0x56: {  	[spmem:s1] =	stream.indirect.scatter.add.f32 [tilespmem:s20], [sflag:$0x1], $0x80, s28, s14, $0xb8;
	[tilespmem:$0x1EC00] =	vst v63  }
0x57: {  	s29 =	simm.s32 $0x280  }
0x58: {  	[spmem:s1] =	stream.indirect.scatter.add.f32 [tilespmem:s20], [sflag:$0x1], $0x80, s29, s14, $0xb8;
	[tilespmem:$0x1EC00] =	vst v63  }
0x59: {  	s30 =	simm.s32 $0x300  }
0x5a: {  	[spmem:s1] =	stream.indirect.scatter.add.f32 [tilespmem:s20], [sflag:$0x1], $0x80, s30, s14, $0xb8;
	[tilespmem:$0x1EC00] =	vst v63  }
0x5b: {  	s31 =	simm.s32 $0x380  }
0x5c: {  	[spmem:s1] =	stream.indirect.scatter.add.f32 [tilespmem:s20], [sflag:$0x1], $0x80, s31, s14, $0xb8;
	[tilespmem:$0x1EC00] =	vst v63  }
0x5d: {  	_ =	swait.ge [sflag:s21], $0x4000  }
0x5e: {  	[sflag:s21] =	ssyncset.done $0x0  }
0x5f: {  	[sflag:s21] =	ssyncadd.s32 $0xFFFFC000  }
0x60: {  	_ =	swait.ge [sflag:s21], $0x4000  }
0x61: {  	[sflag:s21] =	ssyncset.done $0x0  }
0x62: {  	[sflag:s21] =	ssyncadd.s32 $0xFFFFC000  }
0x63: {  	_ =	swait.ge [sflag:s21], $0x4000  }
0x64: {  	[sflag:s21] =	ssyncset.done $0x0  }
0x65: {  	[sflag:s21] =	ssyncadd.s32 $0xFFFFC000  }
0x66: {  	_ =	swait.ge [sflag:s21], $0x4000  }
0x67: {  	[sflag:s21] =	ssyncset.done $0x0  }
0x68: {  	[sflag:s21] =	ssyncadd.s32 $0xFFFFC000  }
0x69: {  	_ =	swait.ge [sflag:s21], $0x4000  }
0x6a: {  	[sflag:s21] =	ssyncset.done $0x0  }
0x6b: {  	[sflag:s21] =	ssyncadd.s32 $0xFFFFC000  }
0x6c: {  	_ =	swait.ge [sflag:s21], $0x4000  }
0x6d: {  	[sflag:s21] =	ssyncset.done $0x0  }
0x6e: {  	[sflag:s21] =	ssyncadd.s32 $0xFFFFC000  }
0x6f: {  	_ =	swait.ge [sflag:s21], $0x4000  }
0x70: {  	[sflag:s21] =	ssyncset.done $0x0  }
0x71: {  	[sflag:s21] =	ssyncadd.s32 $0xFFFFC000  }
0x72: {  	_ =	swait.ge [sflag:s21], $0x4000  }
0x73: {  	s23 =	simm.s32 $0x1000;
	s25 =	simm.s32 $0x2000;
	[sflag:s21] =	ssyncset.done $0x0  }
.LBB2_6:
0x74: {  	s26 =	sshra.s32 s23, $0x2  }
0x75: {  	[sflag:s21] =	ssyncadd.s32 $0xFFFFC000;
	s23 =	smov.u32 s25;
	s24 =	sadd.s32 $0x1000, s25  }
0x76: {  	[spmem:s1] =	stream.indirect.scatter.add.f32 [tilespmem:s20], [sflag:$0x1], $0x80, s26, s14, $0xb8;
	[tilespmem:$0x1EC00] =	vst v63  }
0x77: {  	p0 =	sne.s32 s25, $0x9000;
	s25 =	sadd.s32 $0x80, s26  }
0x78: {  	[spmem:s1] =	stream.indirect.scatter.add.f32 [tilespmem:s20], [sflag:$0x1], $0x80, s25, s14, $0xb8;
	[tilespmem:$0x1EC00] =	vst v63  }
0x79: {  	s25 =	sadd.s32 $0x100, s26  }
0x7a: {  	[spmem:s1] =	stream.indirect.scatter.add.f32 [tilespmem:s20], [sflag:$0x1], $0x80, s25, s14, $0xb8;
	[tilespmem:$0x1EC00] =	vst v63  }
0x7b: {  	s25 =	sadd.s32 $0x180, s26  }
0x7c: {  	[spmem:s1] =	stream.indirect.scatter.add.f32 [tilespmem:s20], [sflag:$0x1], $0x80, s25, s14, $0xb8;
	[tilespmem:$0x1EC00] =	vst v63  }
0x7d: {  	s25 =	sadd.s32 $0x200, s26  }
0x7e: {  	[spmem:s1] =	stream.indirect.scatter.add.f32 [tilespmem:s20], [sflag:$0x1], $0x80, s25, s14, $0xb8;
	[tilespmem:$0x1EC00] =	vst v63  }
0x7f: {  	s25 =	sadd.s32 $0x280, s26  }
0x80: {  	[spmem:s1] =	stream.indirect.scatter.add.f32 [tilespmem:s20], [sflag:$0x1], $0x80, s25, s14, $0xb8;
	[tilespmem:$0x1EC00] =	vst v63  }
0x81: {  	s25 =	sadd.s32 $0x300, s26  }
0x82: {  	[spmem:s1] =	stream.indirect.scatter.add.f32 [tilespmem:s20], [sflag:$0x1], $0x80, s25, s14, $0xb8;
	[tilespmem:$0x1EC00] =	vst v63  }
0x83: {  	s25 =	sadd.s32 $0x380, s26  }
0x84: {  	[spmem:s1] =	stream.indirect.scatter.add.f32 [tilespmem:s20], [sflag:$0x1], $0x80, s25, s14, $0xb8;
	[tilespmem:$0x1EC00] =	vst v63  }
0x85: {  	_ =	swait.ge [sflag:s21], $0x4000  }
0x86: {  	[sflag:s21] =	ssyncset.done $0x0  }
0x87: {  	[sflag:s21] =	ssyncadd.s32 $0xFFFFC000  }
0x88: {  	_ =	swait.ge [sflag:s21], $0x4000  }
0x89: {  	[sflag:s21] =	ssyncset.done $0x0  }
0x8a: {  	[sflag:s21] =	ssyncadd.s32 $0xFFFFC000  }
0x8b: {  	_ =	swait.ge [sflag:s21], $0x4000  }
0x8c: {  	[sflag:s21] =	ssyncset.done $0x0  }
0x8d: {  	[sflag:s21] =	ssyncadd.s32 $0xFFFFC000  }
0x8e: {  	_ =	swait.ge [sflag:s21], $0x4000  }
0x8f: {  	[sflag:s21] =	ssyncset.done $0x0  }
0x90: {  	[sflag:s21] =	ssyncadd.s32 $0xFFFFC000  }
0x91: {  	_ =	swait.ge [sflag:s21], $0x4000  }
0x92: {  	[sflag:s21] =	ssyncset.done $0x0  }
0x93: {  	[sflag:s21] =	ssyncadd.s32 $0xFFFFC000  }
0x94: {  	_ =	swait.ge [sflag:s21], $0x4000  }
0x95: {  	[sflag:s21] =	ssyncset.done $0x0  }
0x96: {  	[sflag:s21] =	ssyncadd.s32 $0xFFFFC000  }
.Ltmp2:
0x97: {  	_ =	swait.ge [sflag:s21], $0x4000;
	(pc) =	sbr.rel @p0 .LBB2_6-.Ltmp2, $4  }
0x98: {  	[sflag:s21] =	ssyncset.done $0x0  }
0x99: {  	[sflag:s21] =	ssyncadd.s32 $0xFFFFC000  }
0x9a: {  	_ =	swait.ge [sflag:s21], $0x4000  }
0x9b: {  	s25 =	smov.u32 s24;
	[sflag:s21] =	ssyncset.done $0x0  }
0x9c: {  	s23 =	sshra.s32 s23, $0x2;
	[sflag:s21] =	ssyncadd.s32 $0xFFFFC000  }
0x9d: {  	[spmem:s1] =	stream.indirect.scatter.add.f32 [tilespmem:s20], [sflag:$0x1], $0x80, s23, s14, $0xb8;
	[tilespmem:$0x1EC00] =	vst v63  }
0x9e: {  	s24 =	sadd.s32 $0x80, s23  }
0x9f: {  	[spmem:s1] =	stream.indirect.scatter.add.f32 [tilespmem:s20], [sflag:$0x1], $0x80, s24, s14, $0xb8;
	[tilespmem:$0x1EC00] =	vst v63  }
0xa0: {  	s26 =	sadd.s32 $0x100, s23  }
0xa1: {  	[spmem:s1] =	stream.indirect.scatter.add.f32 [tilespmem:s20], [sflag:$0x1], $0x80, s26, s14, $0xb8;
	[tilespmem:$0x1EC00] =	vst v63  }
0xa2: {  	s28 =	sadd.s32 $0x180, s23  }
0xa3: {  	[spmem:s1] =	stream.indirect.scatter.add.f32 [tilespmem:s20], [sflag:$0x1], $0x80, s28, s14, $0xb8;
	[tilespmem:$0x1EC00] =	vst v63  }
0xa4: {  	s29 =	sadd.s32 $0x200, s23  }
0xa5: {  	[spmem:s1] =	stream.indirect.scatter.add.f32 [tilespmem:s20], [sflag:$0x1], $0x80, s29, s14, $0xb8;
	[tilespmem:$0x1EC00] =	vst v63  }
0xa6: {  	s30 =	sadd.s32 $0x280, s23  }
0xa7: {  	[spmem:s1] =	stream.indirect.scatter.add.f32 [tilespmem:s20], [sflag:$0x1], $0x80, s30, s14, $0xb8;
	[tilespmem:$0x1EC00] =	vst v63  }
0xa8: {  	s31 =	sadd.s32 $0x300, s23  }
0xa9: {  	[spmem:s1] =	stream.indirect.scatter.add.f32 [tilespmem:s20], [sflag:$0x1], $0x80, s31, s14, $0xb8;
	[tilespmem:$0x1EC00] =	vst v63  }
0xaa: {  	s23 =	sadd.s32 $0x380, s23  }
0xab: {  	[spmem:s1] =	stream.indirect.scatter.add.f32 [tilespmem:s20], [sflag:$0x1], $0x80, s23, s14, $0xb8;
	[tilespmem:$0x1EC00] =	vst v63  }
0xac: {  	_ =	swait.ge [sflag:s21], $0x4000  }
0xad: {  	[sflag:s21] =	ssyncset.done $0x0  }
0xae: {  	[sflag:s21] =	ssyncadd.s32 $0xFFFFC000  }
0xaf: {  	_ =	swait.ge [sflag:s21], $0x4000  }
0xb0: {  	[sflag:s21] =	ssyncset.done $0x0  }
0xb1: {  	[sflag:s21] =	ssyncadd.s32 $0xFFFFC000  }
0xb2: {  	_ =	swait.ge [sflag:s21], $0x4000  }
0xb3: {  	[sflag:s21] =	ssyncset.done $0x0  }
0xb4: {  	[sflag:s21] =	ssyncadd.s32 $0xFFFFC000  }
0xb5: {  	_ =	swait.ge [sflag:s21], $0x4000  }
0xb6: {  	[sflag:s21] =	ssyncset.done $0x0  }
0xb7: {  	[sflag:s21] =	ssyncadd.s32 $0xFFFFC000  }
0xb8: {  	_ =	swait.ge [sflag:s21], $0x4000  }
0xb9: {  	[sflag:s21] =	ssyncset.done $0x0  }
0xba: {  	[sflag:s21] =	ssyncadd.s32 $0xFFFFC000  }
0xbb: {  	_ =	swait.ge [sflag:s21], $0x4000  }
0xbc: {  	[sflag:s21] =	ssyncset.done $0x0  }
0xbd: {  	[sflag:s21] =	ssyncadd.s32 $0xFFFFC000  }
0xbe: {  	_ =	swait.ge [sflag:s21], $0x4000  }
0xbf: {  	[sflag:s21] =	ssyncset.done $0x0  }
0xc0: {  	[sflag:s21] =	ssyncadd.s32 $0xFFFFC000  }
0xc1: {  	_ =	swait.ge [sflag:s21], $0x4000  }
0xc2: {  	[sflag:s21] =	ssyncset.done $0x0  }
0xc3: {  	[sflag:s21] =	ssyncadd.s32 $0xFFFFC000  }
0xc4: {  	[bflag:$0x0] =	sbarrier.arrive $0xFFFF  }
0xc5: {  	[tilespmem:s15], [sflag:$0x1] =	stream.indirect.gather [spmem:s1], $0x80, s13, s14, $0xb8;
	[tilespmem:$0x1EC00] =	vst v63  }
0xc6: {  	_ =	swait.ge [sflag:s21], $0x4000  }
0xc7: {  	[sflag:s21] =	ssyncset.done $0x0  }
0xc8: {  	[sflag:s21] =	ssyncadd.s32 $0xFFFFC000  }
0xc9: {  	[hbm4b:s6+s3] =	stream.linear.scatter [tilespmem:s15], [sflag:$0x2], $0x4000, $0x38;
	[tilespmem:$0x1EC00] =	vst v63  }
0xca: {  	_ =	swait.ge [sflag:s12], $0x4000  }
0xcb: {  	[sflag:s12] =	ssyncset.done $0x0  }
0xcc: {  	[sflag:s12] =	ssyncadd.s32 $0xFFFFC000  }
0xcd: {  	[tilespmem:s15], [sflag:$0x1] =	stream.indirect.gather [spmem:s1], $0x80, s16, s14, $0xb8;
	[tilespmem:$0x1EC00] =	vst v63  }
0xce: {  	_ =	swait.ge [sflag:s21], $0x4000  }
0xcf: {  	[sflag:s21] =	ssyncset.done $0x0  }
0xd0: {  	[sflag:s21] =	ssyncadd.s32 $0xFFFFC000  }
0xd1: {  	[hbm4b:s7+s3] =	stream.linear.scatter [tilespmem:s15], [sflag:$0x2], $0x4000, $0x38;
	[tilespmem:$0x1EC00] =	vst v63  }
0xd2: {  	_ =	swait.ge [sflag:s12], $0x4000  }
0xd3: {  	[sflag:s12] =	ssyncset.done $0x0  }
0xd4: {  	[sflag:s12] =	ssyncadd.s32 $0xFFFFC000  }
0xd5: {  	[tilespmem:s15], [sflag:$0x1] =	stream.indirect.gather [spmem:s1], $0x80, s17, s14, $0xb8;
	[tilespmem:$0x1EC00] =	vst v63  }
0xd6: {  	_ =	swait.ge [sflag:s21], $0x4000  }
0xd7: {  	[sflag:s21] =	ssyncset.done $0x0  }
0xd8: {  	[sflag:s21] =	ssyncadd.s32 $0xFFFFC000  }
0xd9: {  	[hbm4b:s8+s3] =	stream.linear.scatter [tilespmem:s15], [sflag:$0x2], $0x4000, $0x38;
	[tilespmem:$0x1EC00] =	vst v63  }
0xda: {  	_ =	swait.ge [sflag:s12], $0x4000  }
0xdb: {  	[sflag:s12] =	ssyncset.done $0x0  }
0xdc: {  	[sflag:s12] =	ssyncadd.s32 $0xFFFFC000  }
0xdd: {  	[tilespmem:s15], [sflag:$0x1] =	stream.indirect.gather [spmem:s1], $0x80, s18, s14, $0xb8;
	[tilespmem:$0x1EC00] =	vst v63  }
0xde: {  	_ =	swait.ge [sflag:s21], $0x4000  }
0xdf: {  	[sflag:s21] =	ssyncset.done $0x0  }
0xe0: {  	[sflag:s21] =	ssyncadd.s32 $0xFFFFC000  }
0xe1: {  	[hbm4b:s9+s3] =	stream.linear.scatter [tilespmem:s15], [sflag:$0x2], $0x4000, $0x38;
	[tilespmem:$0x1EC00] =	vst v63  }
0xe2: {  	_ =	swait.ge [sflag:s12], $0x4000  }
0xe3: {  	[sflag:s12] =	ssyncset.done $0x0  }
0xe4: {  	[sflag:s12] =	ssyncadd.s32 $0xFFFFC000  }
0xe5: {  	[tilespmem:s15], [sflag:$0x1] =	stream.indirect.gather [spmem:s1], $0x80, s19, s14, $0xb8;
	[tilespmem:$0x1EC00] =	vst v63  }
0xe6: {  	s22 =	sadd.s32 $0x1, s22;
	_ =	swait.ge [sflag:s21], $0x4000  }
0xe7: {  	p0 =	sne.s32 s22, s11;
	[sflag:s21] =	ssyncset.done $0x0  }
.Ltmp3:
0xe8: {  	[sflag:s21] =	ssyncadd.s32 $0xFFFFC000;
	(pc) =	sbr.rel @p0 .LBB2_1-.Ltmp3, $4  }
0xe9: {  	[hbm4b:s10+s3] =	stream.linear.scatter [tilespmem:s15], [sflag:$0x2], $0x4000, $0x38;
	[tilespmem:$0x1EC00] =	vst v63  }
0xea: {  	_ =	swait.ge [sflag:s12], $0x4000  }
0xeb: {  	[sflag:s12] =	ssyncset.done $0x0  }
0xec: {  	[sflag:s12] =	ssyncadd.s32 $0xFFFFC000  }
0xed: {  	_ =	sfence.sel $0x180000  }
0xee: {  	[bflag:$0x0] =	sbarrier.arrive $0xFFFF  }
0xef: {  	p0 =	sne.s32 s2, $0x0;
	_ =	strace $0x90000047  }
0xf0: {  	s0 =	sadd.s32 @!p0 $0x100000, s0;
	[bflag:$0x2] =	sbarrier.arrive $0xFFFF  }
0xf1: {  	[sflag:s0] =	ssyncadd.tile.s32 @!p0 $0x1;
	_ =	shalt  }
.Lfunc_end2:
_tile_overlayer_lowered:
.L_overlay_start_2:
0xf2: {  	(tag) =	ssettag $0x2  }
0xf3: {  	s0 =	rddreg [dreg:$0x0];
	s2 =	stileid.u32  }
0xf4: {  	s1 =	rddreg [dreg:$0x1];
	p0 =	sne.s32 s2, $0x0  }
0xf5: {  	s3 =	rddreg [dreg:$0x2];
	[bflag:$0x3] =	sbarrier.arrive $0xFFFF;
	s2 =	simm.s32 @!p0 $0x1C02  }
0xf6: {  	[timem:s3], [sflag:s2] =	dma.local @!p0 [hbm:s0], s1  }
0xf7: {  	s0 =	simm.s32 @!p0 $0x2  }
0xf8: {  	_ =	swait.ge @!p0 [sflag:s0], s1  }
0xf9: {  	s1 =	ssub.s32 @!p0 $0x0, s1;
	[sflag:s0] =	ssyncset.done @!p0 $0x0  }
0xfa: {  	[sflag:s0] =	ssyncadd.s32 @!p0 s1  }
0xfb: {  	[bflag:$0x3] =	sbarrier.arrive $0xFFFF  }
0xfc: {  	_ =	shalt  }

// kernel: kernel.15.cloned.1.call-start
scs
__scs_entry_jumppad:
0x0: {  	(pc) =	sbr.rel $0x88, $3  }
0x1: {  	(tag) =	ssettag $0x0;
	lr =	simm.s32 $0x1  }
0x2: {  	[smem:$0x3F9B] =	sst lr;
	_ =	strace $0xD0000000  }
0x3: {  	_ = 	snop  }
0x4: {  	_ = 	snop  }
0x5: {  	_ = 	snop  }
0x6: {  	_ = 	snop  }
0x7: {  	_ = 	snop  }
__scs_overlays_trampoline_lowered:
0x8: {  	[smem:$0x3FAA] =	sst s0  }
0x9: {  	[smem:$0x3FAB] =	sst s1  }
0xa: {  	[smem:$0x3FAC] =	sst s2  }
0xb: {  	[smem:$0x3FAD] =	sst s3  }
0xc: {  	[smem:$0x3FAE] =	sst s4  }
0xd: {  	[smem:$0x3FAF] =	sst s5  }
0xe: {  	[smem:$0x3FB0] =	sst s6  }
0xf: {  	[smem:$0x3FB1] =	sst s7  }
0x10: {  	[smem:$0x3FB2] =	sst s8  }
0x11: {  	[smem:$0x3FB3] =	sst s9;
	s0 =	simm.s32 @!p0 $0x0  }
0x12: {  	s1 =	sld [smem:$0x3F99];
	s0 =	simm.s32 @p0 $0x1  }
0x13: {  	[smem:$0x3FB4] =	sst s0;
	s0 =	simm.s32 @!p1 $0x0  }
0x14: {  	s2 =	sld [smem:$0x3F98];
	s0 =	simm.s32 @p1 $0x1  }
0x15: {  	[smem:$0x3FB5] =	sst s0;
	s0 =	simm.s32 @!p2 $0x0  }
0x16: {  	s3 =	sld [smem:$0x3FDB];
	s0 =	simm.s32 @p2 $0x1  }
0x17: {  	s4 =	simm.s32 $0x1BF5;
	[smem:$0x3FB7] =	sst s0  }
0x18: {  	s0 =	sld [smem:$0x3F9A];
	_ =	swait.ge [sflag:s4], $0x0  }
0x19: {  	s7 =	sld [smem:$0x3F9B]  }
0x1a: {  	s8 =	sadd.s32 $0xFFFFE003, lr  }
0x1b: {  	s9 =	sadd.s32 $0xFFFFFEF7, lr;
	s5 =	simm.s32 $0xFFFFFFFF;
	p2 =	slt.u32 s8, $0xFFFFF086  }
0x1c: {  	p1 =	slt.u32 s9, $0xF7A;
	s5 =	simm.s32 @!p2 $0x0  }
0x1d: {  	s5 =	simm.s32 @p1 $0x1;
	p0 =	seq.s32 s7, s2  }
0x1e: {  	s7 =	smul.u32 @!p0 $0xF7A, s2;
	p2 =	seq.s32 @!p0 s5, $0x0  }
0x1f: {  	s9 =	smul.u32 $0xF7A, s1;
	s8 =	simm.s32 @!p0 $0x1BF5;
	p2 =	por !p2, p0  }
0x20: {  	[sflag:s8] =	ssyncset.s32 @!p0 $0xFFFFF086;
	s6 =	sadd.s32 @!p0 s3, s7;
	s7 =	simm.s32 @!p0 $0x108  }
0x21: {  	s3 =	sadd.s32 s3, s9;
	s6 =	sadd.s32 @!p0 $0x88, s6;
	s7 =	simm.s32 @p2 $0x1082  }
0x22: {  	[simem:s7], [sflag:s8] =	dma.local @!p0 [hbm:s6], $0xF7A  }
0x23: {  	s9 =	sor.u32 $0xD0000000, s2;
	s6 =	simm.s32 $0x108;
	_ =	swait.ge @!p0 [sflag:s8], $0x0  }
0x24: {  	s3 =	sadd.s32 $0x88, s3;
	s6 =	simm.s32 @!p1 $0x1082;
	[sflag:s4] =	ssyncset.s32 $0xFFFFF086  }
0x25: {  	[simem:s6], [sflag:s4] =	dma.local [hbm:s3], $0xF7A  }
0x26: {  	[smem:$0x3F9B] =	sst s1;
	(tag) =	ssettag s2;
	_ =	strace s9  }
0x27: {  	s1 =	sld [smem:$0x3FAB]  }
0x28: {  	s2 =	sld [smem:$0x3FAC]  }
0x29: {  	s4 =	sld [smem:$0x3FAE]  }
0x2a: {  	p0 =	seq.s32 s5, $0x0;
	s5 =	sld [smem:$0x3FAF]  }
0x2b: {  	s6 =	sld [smem:$0x3FB0]  }
0x2c: {  	s7 =	sld [smem:$0x3FB1]  }
0x2d: {  	s3 =	simm.s32 $0x108;
	s8 =	sld [smem:$0x3FB2]  }
0x2e: {  	s3 =	simm.s32 @!p0 $0x1082;
	s9 =	sld [smem:$0x3FB3]  }
0x2f: {  	lr =	sadd.s32 s0, s3;
	s0 =	sld [smem:$0x3FAA]  }
0x30: {  	s3 =	sld [smem:$0x3FAD]  }
0x31: {  	[smem:$0x3FB6] =	sst s10  }
0x32: {  	s10 =	sld [smem:$0x3FB4];
	_ =	sdelay $0x3  }
0x33: {  	p0 =	seq.s32 s10, $0x1;
	s10 =	sld [smem:$0x3FB6];
	_ =	sdelay $0x3  }
0x34: {  	[smem:$0x3FB6] =	sst s10  }
0x35: {  	s10 =	sld [smem:$0x3FB5];
	_ =	sdelay $0x3  }
0x36: {  	p1 =	seq.s32 s10, $0x1;
	s10 =	sld [smem:$0x3FB6];
	_ =	sdelay $0x3  }
0x37: {  	[smem:$0x3FB6] =	sst s10  }
0x38: {  	s10 =	sld [smem:$0x3FB7]  }
0x39: {  	_ = 	snop;
	(pc) =	sbr.ind lr, $3  }
0x3a: {  	_ = 	snop  }
0x3b: {  	_ = 	snop  }
0x3c: {  	p2 =	seq.s32 s10, $0x1;
	s10 =	sld [smem:$0x3FB6]  }
0x3d: {  	_ =	shalt  }
0x3e: {  	_ =	shalt  }
0x3f: {  	_ =	shalt  }
0x40: {  	_ =	shalt  }
0x41: {  	_ =	shalt  }
0x42: {  	_ =	shalt  }
0x43: {  	_ =	shalt  }
0x44: {  	_ =	shalt  }
0x45: {  	_ =	shalt  }
0x46: {  	_ =	shalt  }
0x47: {  	_ =	shalt  }
0x48: {  	_ =	shalt  }
0x49: {  	_ =	shalt  }
0x4a: {  	_ =	shalt  }
0x4b: {  	_ =	shalt  }
0x4c: {  	_ =	shalt  }
0x4d: {  	_ =	shalt  }
0x4e: {  	_ =	shalt  }
0x4f: {  	_ =	shalt  }
0x50: {  	_ =	shalt  }
0x51: {  	_ =	shalt  }
0x52: {  	_ =	shalt  }
0x53: {  	_ =	shalt  }
0x54: {  	_ =	shalt  }
0x55: {  	_ =	shalt  }
0x56: {  	_ =	shalt  }
0x57: {  	_ =	shalt  }
0x58: {  	_ =	shalt  }
0x59: {  	_ =	shalt  }
0x5a: {  	_ =	shalt  }
0x5b: {  	_ =	shalt  }
0x5c: {  	_ =	shalt  }
0x5d: {  	_ =	shalt  }
0x5e: {  	_ =	shalt  }
0x5f: {  	_ =	shalt  }
0x60: {  	_ =	shalt  }
0x61: {  	_ =	shalt  }
0x62: {  	_ =	shalt  }
0x63: {  	_ =	shalt  }
0x64: {  	_ =	shalt  }
0x65: {  	_ =	shalt  }
0x66: {  	_ =	shalt  }
0x67: {  	_ =	shalt  }
0x68: {  	_ =	shalt  }
0x69: {  	_ =	shalt  }
0x6a: {  	_ =	shalt  }
0x6b: {  	_ =	shalt  }
0x6c: {  	_ =	shalt  }
0x6d: {  	_ =	shalt  }
0x6e: {  	_ =	shalt  }
0x6f: {  	_ =	shalt  }
0x70: {  	_ =	shalt  }
0x71: {  	_ =	shalt  }
0x72: {  	_ =	shalt  }
0x73: {  	_ =	shalt  }
0x74: {  	_ =	shalt  }
0x75: {  	_ =	shalt  }
0x76: {  	_ =	shalt  }
0x77: {  	_ =	shalt  }
0x78: {  	_ =	shalt  }
0x79: {  	_ =	shalt  }
0x7a: {  	_ =	shalt  }
0x7b: {  	_ =	shalt  }
0x7c: {  	_ =	shalt  }
0x7d: {  	_ =	shalt  }
0x7e: {  	_ =	shalt  }
0x7f: {  	_ =	shalt  }
0x80: {  	_ =	shalt  }
0x81: {  	_ =	shalt  }
0x82: {  	_ =	shalt  }
0x83: {  	_ =	shalt  }
0x84: {  	_ =	shalt  }
0x85: {  	_ =	shalt  }
0x86: {  	_ =	shalt  }
0x87: {  	_ =	shalt  }
.Lfunc_end0:
.L_simem_size_0:
called_computation.2_lowered:
.L_overlay_start_0:
0x88: {  	s2 =	sld [smem:$0x3FD9]  }
0x89: {  	s3 =	sld [smem:$0x3FFE];
	_ =	sdelay $0x1  }
0x8a: {  	s1 =	srdreg.scid  }
0x8b: {  	s0 =	sand.u32 $0x1, s1  }
0x8c: {  	s17 =	sshll.u32 s0, $0xA;
	s2 =	sadd.s32 s3, s2  }
0x8d: {  	s2 =	sadd.s32 s2, s17  }
0x8e: {  	[smem:$0x3FC2] =	sst s2  }
0x8f: {  	_ = 	snop  }
0x90: {  	s2 =	sld [smem:$0x3FD0];
	(tm) =	ssettm $0x1  }
0x91: {  	s18 =	sld [smem:$0x3FFB];
	_ =	sdelay $0x3  }
0x92: {  	_ =	strace s18  }
0x93: {  	s3 =	sld [smem:$0x3FFC];
	_ =	sdelay $0x3  }
0x94: {  	_ =	strace s3  }
0x95: {  	s3 =	sld [smem:$0x3FFD];
	_ =	sdelay $0x3  }
0x96: {  	_ =	strace s3  }
0x97: {  	_ =	strace $0x8FFFFFFF  }
0x98: {  	s19 =	sld [smem:$0x3FDB];
	_ =	sdelay $0x1  }
0x99: {  	s4 =	simm.s32 $_scs_section_size  }
0x9a: {  	s5 =	simm.s32 $_size__tile_overlayer_lowered;
	s6 =	simm.s32 $_tile_overlayer_lowered  }
0x9b: {  	s22 =	simm.s32 $0x1BFF;
	s21 =	sshll.u32 s6, $0x1;
	s3 =	sadd.s32 s4, s19  }
0x9c: {  	s7 =	simm.s32 $0x0;
	s20 =	sshll.u32 s5, $0x1;
	s5 =	sadd.s32 s21, s3  }
0x9d: {  	[timem:s7], [sflag:s22] =	dma.local [hbm:s5], s20  }
0x9e: {  	_ =	swait.ge [sflag:s22], s20  }
0x9f: {  	s4 =	ssub.s32 $0x0, s20;
	[sflag:s22] =	ssyncset.done $0x0  }
0xa0: {  	[sflag:s22] =	ssyncadd.s32 s4;
	_ =	sdelay $0x1  }
0xa1: {  	s23 =	simm.s32 $0x1B8B  }
0xa2: {  	_ =	swait.ge [sflag:s23], $0x1  }
0xa3: {  	[sflag:s23] =	ssyncset.done $0x0  }
0xa4: {  	s25 =	simm.s32 $0x1B8E;
	s24 =	sld [smem:$0x3FFE];
	[sflag:s23] =	ssyncadd.s32 $0xFFFFFFFF  }
0xa5: {  	s26 =	simm.s32 $execute0_lowered;
	[smem:$0x3FD2] =	sst s25  }
0xa6: {  	s5 =	sshll.u32 s26, $0x1;
	_ =	strace $0x8000004C;
	[dreg:$0x1] =	wrdreg $0xFFFFFFFF  }
0xa7: {  	s28 =	simm.s32 $_size_execute0_lowered;
	s3 =	sadd.s32 s3, s5;
	[dreg:$0x0] =	wrdreg $0x0  }
0xa8: {  	s5 =	sshll.u32 s28, $0x1;
	[dreg:$0x2] =	wrdreg s3  }
0xa9: {  	[dreg:$0x3] =	wrdreg s5  }
0xaa: {  	[dreg:$0x4] =	wrdreg $0xC0  }
0xab: {  	_ =	task [dreg:s7], $0x5FFFF  }
0xac: {  	[dreg:$0x1] =	wrdreg $0xFFFFFFFF  }
0xad: {  	[dreg:$0x0] =	wrdreg $0x60  }
0xae: {  	[dreg:$0x2] =	wrdreg s24  }
0xaf: {  	[dreg:$0x3] =	wrdreg s2  }
0xb0: {  	[dreg:$0x4] =	wrdreg $0xAC000  }
0xb1: {  	[dreg:$0x5] =	wrdreg $0x9  }
0xb2: {  	_ =	task.clear_ibuf [dreg:s7], $0x6FFFF;
	_ =	strace $0x9000004C  }
0xb3: {  	s29 =	simm.s32 $0x9;
	_ =	strace $0x8000004E  }
0xb4: {  	_ =	swait.ge [sflag:s29], $0x1  }
0xb5: {  	[sflag:s29] =	ssyncadd.s32 $0xFFFFFFFF  }
0xb6: {  	_ =	strace $0x9000004E  }
0xb7: {  	_ =	sfence  }
0xb8: {  	s30 =	sld [smem:$0x0];
	_ =	sdelay $0x2  }
0xb9: {  	s31 =	sshll.u32 s1, $0xD;
	s1 =	sshrl.u32 s1, $0x2  }
0xba: {  	s3 =	sand.u32 $0x4000, s31;
	s1 =	sadd.s32 s1, s30  }
0xbb: {  	s0 =	sor.u32 s3, s0;
	s1 =	sshll.u32 s1, $0x11  }
0xbc: {  	s0 =	sor.u32 s1, s0  }
0xbd: {  	s0 =	sadd.s32 $0x8F2B, s0  }
0xbe: {  	[sflag:s0] =	ssyncadd.remote.s32 $0x1  }
0xbf: {  	_ =	sfence.sel $0xFFFF  }
0xc0: {  	[dreg:$0x0] =	wrdreg $0xFFFFFFFF;
	(pc) =	sbr.abs _section_cstart, $3  }
0xc1: {  	[dreg:$0x1] =	wrdreg $0xFFFFFFFF  }
0xc2: {  	_ =	task.clear_ibuf [dreg:s7], $0x2FFFF;
	_ =	strace $0x9FFFFFFF  }
0xc3: {  	(tm) =	ssettm $0x7FFFFFFF  }
tec
execute0_lowered:
.L_overlay_start_1:
0x0: {  	(tag) =	ssettag $0x1  }
0x1: {  	s0 =	rddreg [dreg:$0x0]  }
0x2: {  	s2 =	rddreg [dreg:$0x1]  }
0x3: {  	s1 =	rddreg [dreg:$0x2];
	s3 =	simm.s32 $0x0  }
0x4: {  	s4 =	srdreg.scid;
	s9 =	stileid.u32;
	s16 =	simm.s32 $0xA800  }
0x5: {  	s17 =	simm.s32 $0x3;
	s18 =	simm.s32 $0x80;
	s19 =	simm.s32 $0x2800  }
0x6: {  	s28 =	simm.s32 $0x2;
	s29 =	simm.s32 $0x100;
	s30 =	simm.s32 $0x1480  }
0x7: {  	s31 =	simm.s32 $0x1380;
	[smem:$0x7FF] =	sst s3;
	s5 =	sand.u32 $0x1, s4  }
0x8: {  	s4 =	sadd.s32 $0x2800, s0;
	s6 =	sshll.u32 s9, $0x7;
	s8 =	smul.u32 $0x14000, s9  }
0x9: {  	s9 =	sshll.u32 s9, $0x2;
	s11 =	sadd.s32 $0x52800, s0;
	_ =	strace $0x8000004D  }
0xa: {  	s7 =	smul.u32 $0x140000, s5;
	s10 =	sshll.u32 s5, $0x1;
	s5 =	ssub.s32 $0x2, s5  }
0xb: {  	s6 =	sadd.s32 s6, s0;
	s9 =	sor.u32 s10, s9;
	s21 =	sshrl.u32 s5, $0x1  }
0xc: {  	s6 =	sadd.s32 $0x2000, s6;
	s7 =	sadd.s32 s8, s7;
	s20 =	smul.u32 $0x1400, s9  }
0xd: {  	s9 =	smul.u32 $0x280, s9;
	s5 =	ssub.s32 s5, s21;
	[dreg:$0x4] =	wrdreg s6  }
0xe: {  	s21 =	simm.s32 $0xA900;
	s7 =	sshrl.u32 s7, $0x3;
	s15 =	smax.u32 s5, $0x1  }
0xf: {  	s5 =	simm.s32 $0x0;
	s0 =	sadd.s32 s7, s0;
	s23 =	sadd.s32 s11, s9  }
0x10: {  	s22 =	sshrl.u32 s20, $0x3;
	s25 =	sadd.s32 s2, s9;
	[dreg:$0x5] =	wrdreg s23  }
0x11: {  	s20 =	simm.s32 $0xA880;
	s24 =	sadd.s32 $0x280, s22;
	[dreg:$0x6] =	wrdreg s25  }
0x12: {  	s10 =	sadd.s32 $0x5C800, s0;
	s12 =	sadd.s32 $0x5D800, s0;
	s13 =	sadd.s32 $0x5E000, s0  }
0x13: {  	s14 =	sadd.s32 $0x5E800, s0;
	s22 =	simm.s32 $0xA980;
	s23 =	simm.s32 $0xAA00  }
0x14: {  	s25 =	simm.s32 $0x1;
	s26 =	sadd.s32 s11, s24;
	s9 =	sadd.s32 s2, s24  }
0x15: {  	s11 =	sadd.s32 $0x5D000, s0;
	s24 =	simm.s32 $0x1400;
	s0 =	simm.s32 $0x2700  }
0x16: {  	v0 =	vimm.f32 $0.0e+00;
	s2 =	simm.s32 $0x2780;
	[dreg:$0x7] =	wrdreg s26;
	s26 =	simm.s32 $0x6800  }
.LBB2_1:
0x17: {  	s6 =	rddreg [dreg:$0x4]  }
0x18: {  	[tilespmem:s16], [sflag:$0x3] =	stream.linear.gather [hbm4b:s6+s3], $0x280, $0x38;
	[tilespmem:$0x1EC00] =	vst v63  }
0x19: {  	_ =	swait.ge [sflag:s17], $0x280  }
0x1a: {  	[sflag:s17] =	ssyncset.done $0x0  }
0x1b: {  	s7 =	simm.s32 $0x200;
	s6 =	simm.s32 $0x0;
	[sflag:s17] =	ssyncadd.s32 $0xFFFFFD80  }
.LBB2_2:
0x1c: {  	p0 =	sne.s32 s7, $0xFE00;
	[tilespmem:s6+$0x2870] =	vst v0  }
0x1d: {  	[tilespmem:s6+$0x2800] =	vst v0  }
0x1e: {  	[tilespmem:s6+$0x2810] =	vst v0  }
.Ltmp0:
0x1f: {  	[tilespmem:s6+$0x2820] =	vst v0;
	(pc) =	sbr.rel @p0 .LBB2_2-.Ltmp0, $4  }
0x20: {  	[tilespmem:s6+$0x2830] =	vst v0  }
0x21: {  	[tilespmem:s6+$0x2840] =	vst v0  }
0x22: {  	[tilespmem:s6+$0x2850] =	vst v0  }
0x23: {  	[tilespmem:s6+$0x2860] =	vst v0;
	s6 =	sshra.s32 s7, $0x2;
	s7 =	sadd.s32 $0x200, s7  }
0x24: {  	[tilespmem:s6+$0x2870] =	vst v0  }
0x25: {  	[tilespmem:s6+$0x2800] =	vst v0  }
0x26: {  	[tilespmem:s6+$0x2810] =	vst v0  }
0x27: {  	[tilespmem:s6+$0x2820] =	vst v0  }
0x28: {  	[tilespmem:s6+$0x2830] =	vst v0  }
0x29: {  	[tilespmem:s6+$0x2840] =	vst v0  }
0x2a: {  	[tilespmem:s6+$0x2850] =	vst v0  }
0x2b: {  	[tilespmem:s6+$0x2860] =	vst v0  }
0x2c: {  	[spmem:s1] =	stream.indirect.scatter [tilespmem:s19], [sflag:$0x3], $0x80, s16, s18, $0xb8;
	[tilespmem:$0x1EC00] =	vst v63  }
0x2d: {  	_ =	swait.ge [sflag:s17], $0x4000  }
0x2e: {  	[sflag:s17] =	ssyncset.done $0x0  }
0x2f: {  	[sflag:s17] =	ssyncadd.s32 $0xFFFFC000  }
0x30: {  	[spmem:s1] =	stream.indirect.scatter [tilespmem:s19], [sflag:$0x3], $0x80, s20, s18, $0xb8;
	[tilespmem:$0x1EC00] =	vst v63  }
0x31: {  	_ =	swait.ge [sflag:s17], $0x4000  }
0x32: {  	[sflag:s17] =	ssyncset.done $0x0  }
0x33: {  	[sflag:s17] =	ssyncadd.s32 $0xFFFFC000  }
0x34: {  	[spmem:s1] =	stream.indirect.scatter [tilespmem:s19], [sflag:$0x3], $0x80, s21, s18, $0xb8;
	[tilespmem:$0x1EC00] =	vst v63  }
0x35: {  	_ =	swait.ge [sflag:s17], $0x4000  }
0x36: {  	[sflag:s17] =	ssyncset.done $0x0  }
0x37: {  	[sflag:s17] =	ssyncadd.s32 $0xFFFFC000  }
0x38: {  	[spmem:s1] =	stream.indirect.scatter [tilespmem:s19], [sflag:$0x3], $0x80, s22, s18, $0xb8;
	[tilespmem:$0x1EC00] =	vst v63  }
0x39: {  	_ =	swait.ge [sflag:s17], $0x4000  }
0x3a: {  	[sflag:s17] =	ssyncset.done $0x0  }
0x3b: {  	[sflag:s17] =	ssyncadd.s32 $0xFFFFC000  }
0x3c: {  	[spmem:s1] =	stream.indirect.scatter [tilespmem:s19], [sflag:$0x3], $0x80, s23, s18, $0xb8;
	[tilespmem:$0x1EC00] =	vst v63  }
0x3d: {  	_ =	swait.ge [sflag:s17], $0x4000  }
0x3e: {  	[sflag:s17] =	ssyncset.done $0x0  }
0x3f: {  	[sflag:s17] =	ssyncadd.s32 $0xFFFFC000  }
0x40: {  	[bflag:$0x0] =	sbarrier.arrive $0xFFFF  }
0x41: {  	s8 =	rddreg [dreg:$0x5]  }
0x42: {  	[tilespmem:s3], [sflag:$0x3] =	stream.linear.gather [hbm4b:s8+s3], $0x1400, $0x38;
	[tilespmem:$0x1EC00] =	vst v63  }
0x43: {  	_ =	swait.ge [sflag:s17], $0x1400  }
0x44: {  	[sflag:s17] =	ssyncset.done $0x0  }
0x45: {  	s7 =	rddreg [dreg:$0x6];
	[sflag:s17] =	ssyncadd.s32 $0xFFFFEC00  }
0x46: {  	[tilespmem:s24], [sflag:$0x3] =	stream.linear.gather [hbm4b:s7+s3], $0x1400, $0x38;
	[tilespmem:$0x1EC00] =	vst v63  }
0x47: {  	_ =	swait.ge [sflag:s17], $0x1400  }
0x48: {  	[sflag:s17] =	ssyncset.done $0x0  }
0x49: {  	[sflag:s17] =	ssyncadd.s32 $0xFFFFEC00  }
0x4a: {  	[tilespmem:s19], [sflag:$0x1] =	stream.indirect.gather [hbm4b:s4+s18], $0x80, s3, s18, $0xb8;
	[tilespmem:$0x1EC00] =	vst v63  }
0x4b: {  	_ =	swait.ge [sflag:s25], $0x4000  }
0x4c: {  	[sflag:s25] =	ssyncset.done $0x0  }
0x4d: {  	[sflag:s25] =	ssyncadd.s32 $0xFFFFC000  }
0x4e: {  	[tilespmem:s26], [sflag:$0x1] =	stream.indirect.gather [hbm4b:s4+s18], $0x80, s18, s18, $0xb8;
	[tilespmem:$0x1EC00] =	vst v63  }
0x4f: {  	_ = 	snop  }
0x50: {  	[spmem:s1] =	stream.indirect.scatter.add.f32 [tilespmem:s19], [sflag:$0x2], $0x80, s24, s18, $0xb8;
	[tilespmem:$0x1EC00] =	vst v63  }
0x51: {  	_ =	swait.ge [sflag:s25], $0x4000  }
0x52: {  	[sflag:s25] =	ssyncset.done $0x0  }
0x53: {  	[sflag:s25] =	ssyncadd.s32 $0xFFFFC000  }
0x54: {  	_ =	swait.ge [sflag:s28], $0x4000  }
0x55: {  	[sflag:s28] =	ssyncset.done $0x0  }
0x56: {  	[sflag:s28] =	ssyncadd.s32 $0xFFFFC000  }
0x57: {  	[tilespmem:s19], [sflag:$0x1] =	stream.indirect.gather [hbm4b:s4+s18], $0x80, s29, s18, $0xb8;
	[tilespmem:$0x1EC00] =	vst v63  }
0x58: {  	_ = 	snop  }
0x59: {  	[spmem:s1] =	stream.indirect.scatter.add.f32 [tilespmem:s26], [sflag:$0x2], $0x80, s30, s18, $0xb8;
	[tilespmem:$0x1EC00] =	vst v63  }
0x5a: {  	_ =	swait.ge [sflag:s25], $0x4000  }
0x5b: {  	[sflag:s25] =	ssyncset.done $0x0  }
0x5c: {  	[sflag:s25] =	ssyncadd.s32 $0xFFFFC000  }
0x5d: {  	_ =	swait.ge [sflag:s28], $0x4000  }
0x5e: {  	[sflag:s28] =	ssyncset.done $0x0  }
0x5f: {  	s8 =	simm.s32 $0x180;
	[sflag:s28] =	ssyncadd.s32 $0xFFFFC000  }
0x60: {  	[tilespmem:s26], [sflag:$0x1] =	stream.indirect.gather [hbm4b:s4+s18], $0x80, s8, s18, $0xb8;
	[tilespmem:$0x1EC00] =	vst v63  }
0x61: {  	s7 =	simm.s32 $0x1500  }
0x62: {  	[spmem:s1] =	stream.indirect.scatter.add.f32 [tilespmem:s19], [sflag:$0x2], $0x80, s7, s18, $0xb8;
	[tilespmem:$0x1EC00] =	vst v63  }
0x63: {  	_ =	swait.ge [sflag:s25], $0x4000  }
0x64: {  	[sflag:s25] =	ssyncset.done $0x0  }
0x65: {  	[sflag:s25] =	ssyncadd.s32 $0xFFFFC000  }
0x66: {  	_ =	swait.ge [sflag:s28], $0x4000  }
0x67: {  	s6 =	simm.s32 $0xFFFFBC00;
	[sflag:s28] =	ssyncset.done $0x0  }
0x68: {  	s8 =	simm.s32 $0x200;
	s7 =	simm.s32 $0x1580;
	[sflag:s28] =	ssyncadd.s32 $0xFFFFC000  }
0x69: {  	[tilespmem:s19], [sflag:$0x1] =	stream.indirect.gather [hbm4b:s4+s18], $0x80, s8, s18, $0xb8;
	[tilespmem:$0x1EC00] =	vst v63  }
.LBB2_4:
0x6a: {  	[spmem:s1] =	stream.indirect.scatter.add.f32 [tilespmem:s26], [sflag:$0x2], $0x80, s7, s18, $0xb8;
	[tilespmem:$0x1EC00] =	vst v63  }
0x6b: {  	s7 =	smov.u32 s6  }
0x6c: {  	p0 =	sne.s32 s6, $0xFFFFFC00;
	s6 =	sadd.s32 $0x400, s6;
	_ =	swait.ge [sflag:s25], $0x4000  }
0x6d: {  	[sflag:s25] =	ssyncset.done $0x0  }
0x6e: {  	[sflag:s25] =	ssyncadd.s32 $0xFFFFC000  }
0x6f: {  	_ =	swait.ge [sflag:s28], $0x4000  }
0x70: {  	s7 =	sshra.s32 s7, $0x2;
	[sflag:s28] =	ssyncset.done $0x0  }
0x71: {  	s8 =	sadd.s32 $0x1380, s7;
	[sflag:s28] =	ssyncadd.s32 $0xFFFFC000  }
0x72: {  	[tilespmem:s26], [sflag:$0x1] =	stream.indirect.gather [hbm4b:s4+s18], $0x80, s8, s18, $0xb8;
	[tilespmem:$0x1EC00] =	vst v63  }
0x73: {  	s8 =	sadd.s32 $0x2700, s7  }
0x74: {  	[spmem:s1] =	stream.indirect.scatter.add.f32 [tilespmem:s19], [sflag:$0x2], $0x80, s8, s18, $0xb8;
	[tilespmem:$0x1EC00] =	vst v63  }
0x75: {  	_ =	swait.ge [sflag:s25], $0x4000  }
0x76: {  	[sflag:s25] =	ssyncset.done $0x0  }
0x77: {  	[sflag:s25] =	ssyncadd.s32 $0xFFFFC000  }
.Ltmp1:
0x78: {  	_ =	swait.ge [sflag:s28], $0x4000;
	(pc) =	sbr.rel @p0 .LBB2_4-.Ltmp1, $4  }
0x79: {  	[sflag:s28] =	ssyncset.done $0x0  }
0x7a: {  	s8 =	sadd.s32 $0x1400, s7;
	[sflag:s28] =	ssyncadd.s32 $0xFFFFC000  }
0x7b: {  	[tilespmem:s19], [sflag:$0x1] =	stream.indirect.gather [hbm4b:s4+s18], $0x80, s8, s18, $0xb8;
	[tilespmem:$0x1EC00] =	vst v63  }
0x7c: {  	s7 =	sadd.s32 $0x2780, s7  }
0x7d: {  	[spmem:s1] =	stream.indirect.scatter.add.f32 [tilespmem:s26], [sflag:$0x2], $0x80, s7, s18, $0xb8;
	[tilespmem:$0x1EC00] =	vst v63  }
0x7e: {  	_ =	swait.ge [sflag:s25], $0x4000  }
0x7f: {  	[sflag:s25] =	ssyncset.done $0x0  }
0x80: {  	[sflag:s25] =	ssyncadd.s32 $0xFFFFC000  }
0x81: {  	_ =	swait.ge [sflag:s28], $0x4000  }
0x82: {  	[sflag:s28] =	ssyncset.done $0x0  }
0x83: {  	[sflag:s28] =	ssyncadd.s32 $0xFFFFC000  }
0x84: {  	[tilespmem:s26], [sflag:$0x1] =	stream.indirect.gather [hbm4b:s4+s18], $0x80, s31, s18, $0xb8;
	[tilespmem:$0x1EC00] =	vst v63  }
0x85: {  	_ = 	snop  }
0x86: {  	[spmem:s1] =	stream.indirect.scatter.add.f32 [tilespmem:s19], [sflag:$0x2], $0x80, s0, s18, $0xb8;
	[tilespmem:$0x1EC00] =	vst v63  }
0x87: {  	_ =	swait.ge [sflag:s25], $0x4000  }
0x88: {  	[sflag:s25] =	ssyncset.done $0x0  }
0x89: {  	[sflag:s25] =	ssyncadd.s32 $0xFFFFC000  }
0x8a: {  	_ =	swait.ge [sflag:s28], $0x4000  }
0x8b: {  	[sflag:s28] =	ssyncset.done $0x0  }
0x8c: {  	[sflag:s28] =	ssyncadd.s32 $0xFFFFC000  }
0x8d: {  	[spmem:s1] =	stream.indirect.scatter.add.f32 [tilespmem:s26], [sflag:$0x2], $0x80, s2, s18, $0xb8;
	[tilespmem:$0x1EC00] =	vst v63  }
0x8e: {  	_ =	swait.ge [sflag:s28], $0x4000  }
0x8f: {  	[sflag:s28] =	ssyncset.done $0x0  }
0x90: {  	s6 =	rddreg [dreg:$0x7];
	[sflag:s28] =	ssyncadd.s32 $0xFFFFC000  }
0x91: {  	[tilespmem:s3], [sflag:$0x3] =	stream.linear.gather [hbm4b:s6+s3], $0x1400, $0x38;
	[tilespmem:$0x1EC00] =	vst v63  }
0x92: {  	_ =	swait.ge [sflag:s17], $0x1400  }
0x93: {  	[sflag:s17] =	ssyncset.done $0x0  }
0x94: {  	[sflag:s17] =	ssyncadd.s32 $0xFFFFEC00  }
0x95: {  	[tilespmem:s24], [sflag:$0x3] =	stream.linear.gather [hbm4b:s9+s3], $0x1400, $0x38;
	[tilespmem:$0x1EC00] =	vst v63  }
0x96: {  	_ =	swait.ge [sflag:s17], $0x1400  }
0x97: {  	[sflag:s17] =	ssyncset.done $0x0  }
0x98: {  	[sflag:s17] =	ssyncadd.s32 $0xFFFFEC00  }
0x99: {  	[tilespmem:s19], [sflag:$0x1] =	stream.indirect.gather [hbm4b:s4+s18], $0x80, s3, s18, $0xb8;
	[tilespmem:$0x1EC00] =	vst v63  }
0x9a: {  	_ =	swait.ge [sflag:s25], $0x4000  }
0x9b: {  	[sflag:s25] =	ssyncset.done $0x0  }
0x9c: {  	[sflag:s25] =	ssyncadd.s32 $0xFFFFC000  }
0x9d: {  	[tilespmem:s26], [sflag:$0x1] =	stream.indirect.gather [hbm4b:s4+s18], $0x80, s18, s18, $0xb8;
	[tilespmem:$0x1EC00] =	vst v63  }
0x9e: {  	_ = 	snop  }
0x9f: {  	[spmem:s1] =	stream.indirect.scatter.add.f32 [tilespmem:s19], [sflag:$0x2], $0x80, s24, s18, $0xb8;
	[tilespmem:$0x1EC00] =	vst v63  }
0xa0: {  	_ =	swait.ge [sflag:s25], $0x4000  }
0xa1: {  	[sflag:s25] =	ssyncset.done $0x0  }
0xa2: {  	[sflag:s25] =	ssyncadd.s32 $0xFFFFC000  }
0xa3: {  	_ =	swait.ge [sflag:s28], $0x4000  }
0xa4: {  	[sflag:s28] =	ssyncset.done $0x0  }
0xa5: {  	[sflag:s28] =	ssyncadd.s32 $0xFFFFC000  }
0xa6: {  	[tilespmem:s19], [sflag:$0x1] =	stream.indirect.gather [hbm4b:s4+s18], $0x80, s29, s18, $0xb8;
	[tilespmem:$0x1EC00] =	vst v63  }
0xa7: {  	_ = 	snop  }
0xa8: {  	[spmem:s1] =	stream.indirect.scatter.add.f32 [tilespmem:s26], [sflag:$0x2], $0x80, s30, s18, $0xb8;
	[tilespmem:$0x1EC00] =	vst v63  }
0xa9: {  	_ =	swait.ge [sflag:s25], $0x4000  }
0xaa: {  	[sflag:s25] =	ssyncset.done $0x0  }
0xab: {  	[sflag:s25] =	ssyncadd.s32 $0xFFFFC000  }
0xac: {  	_ =	swait.ge [sflag:s28], $0x4000  }
0xad: {  	[sflag:s28] =	ssyncset.done $0x0  }
0xae: {  	s8 =	simm.s32 $0x180;
	[sflag:s28] =	ssyncadd.s32 $0xFFFFC000  }
0xaf: {  	[tilespmem:s26], [sflag:$0x1] =	stream.indirect.gather [hbm4b:s4+s18], $0x80, s8, s18, $0xb8;
	[tilespmem:$0x1EC00] =	vst v63  }
0xb0: {  	s7 =	simm.s32 $0x1500  }
0xb1: {  	[spmem:s1] =	stream.indirect.scatter.add.f32 [tilespmem:s19], [sflag:$0x2], $0x80, s7, s18, $0xb8;
	[tilespmem:$0x1EC00] =	vst v63  }
0xb2: {  	_ =	swait.ge [sflag:s25], $0x4000  }
0xb3: {  	[sflag:s25] =	ssyncset.done $0x0  }
0xb4: {  	[sflag:s25] =	ssyncadd.s32 $0xFFFFC000  }
0xb5: {  	_ =	swait.ge [sflag:s28], $0x4000  }
0xb6: {  	s6 =	simm.s32 $0xFFFFBC00;
	[sflag:s28] =	ssyncset.done $0x0  }
0xb7: {  	s8 =	simm.s32 $0x200;
	s7 =	simm.s32 $0x1580;
	[sflag:s28] =	ssyncadd.s32 $0xFFFFC000  }
0xb8: {  	[tilespmem:s19], [sflag:$0x1] =	stream.indirect.gather [hbm4b:s4+s18], $0x80, s8, s18, $0xb8;
	[tilespmem:$0x1EC00] =	vst v63  }
.LBB2_6:
0xb9: {  	[spmem:s1] =	stream.indirect.scatter.add.f32 [tilespmem:s26], [sflag:$0x2], $0x80, s7, s18, $0xb8;
	[tilespmem:$0x1EC00] =	vst v63  }
0xba: {  	s7 =	smov.u32 s6  }
0xbb: {  	p0 =	sne.s32 s6, $0xFFFFFC00;
	s6 =	sadd.s32 $0x400, s6;
	_ =	swait.ge [sflag:s25], $0x4000  }
0xbc: {  	[sflag:s25] =	ssyncset.done $0x0  }
0xbd: {  	[sflag:s25] =	ssyncadd.s32 $0xFFFFC000  }
0xbe: {  	_ =	swait.ge [sflag:s28], $0x4000  }
0xbf: {  	s7 =	sshra.s32 s7, $0x2;
	[sflag:s28] =	ssyncset.done $0x0  }
0xc0: {  	s8 =	sadd.s32 $0x1380, s7;
	[sflag:s28] =	ssyncadd.s32 $0xFFFFC000  }
0xc1: {  	[tilespmem:s26], [sflag:$0x1] =	stream.indirect.gather [hbm4b:s4+s18], $0x80, s8, s18, $0xb8;
	[tilespmem:$0x1EC00] =	vst v63  }
0xc2: {  	s8 =	sadd.s32 $0x2700, s7  }
0xc3: {  	[spmem:s1] =	stream.indirect.scatter.add.f32 [tilespmem:s19], [sflag:$0x2], $0x80, s8, s18, $0xb8;
	[tilespmem:$0x1EC00] =	vst v63  }
0xc4: {  	_ =	swait.ge [sflag:s25], $0x4000  }
0xc5: {  	[sflag:s25] =	ssyncset.done $0x0  }
0xc6: {  	[sflag:s25] =	ssyncadd.s32 $0xFFFFC000  }
.Ltmp2:
0xc7: {  	_ =	swait.ge [sflag:s28], $0x4000;
	(pc) =	sbr.rel @p0 .LBB2_6-.Ltmp2, $4  }
0xc8: {  	[sflag:s28] =	ssyncset.done $0x0  }
0xc9: {  	s8 =	sadd.s32 $0x1400, s7;
	[sflag:s28] =	ssyncadd.s32 $0xFFFFC000  }
0xca: {  	[tilespmem:s19], [sflag:$0x1] =	stream.indirect.gather [hbm4b:s4+s18], $0x80, s8, s18, $0xb8;
	[tilespmem:$0x1EC00] =	vst v63  }
0xcb: {  	s7 =	sadd.s32 $0x2780, s7  }
0xcc: {  	[spmem:s1] =	stream.indirect.scatter.add.f32 [tilespmem:s26], [sflag:$0x2], $0x80, s7, s18, $0xb8;
	[tilespmem:$0x1EC00] =	vst v63  }
0xcd: {  	_ =	swait.ge [sflag:s25], $0x4000  }
0xce: {  	[sflag:s25] =	ssyncset.done $0x0  }
0xcf: {  	[sflag:s25] =	ssyncadd.s32 $0xFFFFC000  }
0xd0: {  	_ =	swait.ge [sflag:s28], $0x4000  }
0xd1: {  	[sflag:s28] =	ssyncset.done $0x0  }
0xd2: {  	[sflag:s28] =	ssyncadd.s32 $0xFFFFC000  }
0xd3: {  	[tilespmem:s26], [sflag:$0x1] =	stream.indirect.gather [hbm4b:s4+s18], $0x80, s31, s18, $0xb8;
	[tilespmem:$0x1EC00] =	vst v63  }
0xd4: {  	_ = 	snop  }
0xd5: {  	[spmem:s1] =	stream.indirect.scatter.add.f32 [tilespmem:s19], [sflag:$0x2], $0x80, s0, s18, $0xb8;
	[tilespmem:$0x1EC00] =	vst v63  }
0xd6: {  	_ =	swait.ge [sflag:s25], $0x4000  }
0xd7: {  	[sflag:s25] =	ssyncset.done $0x0  }
0xd8: {  	[sflag:s25] =	ssyncadd.s32 $0xFFFFC000  }
0xd9: {  	_ =	swait.ge [sflag:s28], $0x4000  }
0xda: {  	[sflag:s28] =	ssyncset.done $0x0  }
0xdb: {  	[sflag:s28] =	ssyncadd.s32 $0xFFFFC000  }
0xdc: {  	[spmem:s1] =	stream.indirect.scatter.add.f32 [tilespmem:s26], [sflag:$0x2], $0x80, s2, s18, $0xb8;
	[tilespmem:$0x1EC00] =	vst v63  }
0xdd: {  	_ =	swait.ge [sflag:s28], $0x4000  }
0xde: {  	[sflag:s28] =	ssyncset.done $0x0  }
0xdf: {  	[sflag:s28] =	ssyncadd.s32 $0xFFFFC000  }
0xe0: {  	[bflag:$0x0] =	sbarrier.arrive $0xFFFF  }
0xe1: {  	[tilespmem:s19], [sflag:$0x1] =	stream.indirect.gather [spmem:s1], $0x80, s16, s18, $0xb8;
	[tilespmem:$0x1EC00] =	vst v63  }
0xe2: {  	_ =	swait.ge [sflag:s25], $0x4000  }
0xe3: {  	[sflag:s25] =	ssyncset.done $0x0  }
0xe4: {  	[sflag:s25] =	ssyncadd.s32 $0xFFFFC000  }
0xe5: {  	[hbm4b:s10+s3] =	stream.linear.scatter [tilespmem:s19], [sflag:$0x3], $0x4000, $0x38;
	[tilespmem:$0x1EC00] =	vst v63  }
0xe6: {  	_ =	swait.ge [sflag:s17], $0x4000  }
0xe7: {  	[sflag:s17] =	ssyncset.done $0x0  }
0xe8: {  	[sflag:s17] =	ssyncadd.s32 $0xFFFFC000  }
0xe9: {  	[tilespmem:s19], [sflag:$0x1] =	stream.indirect.gather [spmem:s1], $0x80, s20, s18, $0xb8;
	[tilespmem:$0x1EC00] =	vst v63  }
0xea: {  	_ =	swait.ge [sflag:s25], $0x4000  }
0xeb: {  	[sflag:s25] =	ssyncset.done $0x0  }
0xec: {  	[sflag:s25] =	ssyncadd.s32 $0xFFFFC000  }
0xed: {  	[hbm4b:s11+s3] =	stream.linear.scatter [tilespmem:s19], [sflag:$0x3], $0x4000, $0x38;
	[tilespmem:$0x1EC00] =	vst v63  }
0xee: {  	_ =	swait.ge [sflag:s17], $0x4000  }
0xef: {  	[sflag:s17] =	ssyncset.done $0x0  }
0xf0: {  	[sflag:s17] =	ssyncadd.s32 $0xFFFFC000  }
0xf1: {  	[tilespmem:s19], [sflag:$0x1] =	stream.indirect.gather [spmem:s1], $0x80, s21, s18, $0xb8;
	[tilespmem:$0x1EC00] =	vst v63  }
0xf2: {  	_ =	swait.ge [sflag:s25], $0x4000  }
0xf3: {  	[sflag:s25] =	ssyncset.done $0x0  }
0xf4: {  	[sflag:s25] =	ssyncadd.s32 $0xFFFFC000  }
0xf5: {  	[hbm4b:s12+s3] =	stream.linear.scatter [tilespmem:s19], [sflag:$0x3], $0x4000, $0x38;
	[tilespmem:$0x1EC00] =	vst v63  }
0xf6: {  	_ =	swait.ge [sflag:s17], $0x4000  }
0xf7: {  	[sflag:s17] =	ssyncset.done $0x0  }
0xf8: {  	[sflag:s17] =	ssyncadd.s32 $0xFFFFC000  }
0xf9: {  	[tilespmem:s19], [sflag:$0x1] =	stream.indirect.gather [spmem:s1], $0x80, s22, s18, $0xb8;
	[tilespmem:$0x1EC00] =	vst v63  }
0xfa: {  	_ =	swait.ge [sflag:s25], $0x4000  }
0xfb: {  	[sflag:s25] =	ssyncset.done $0x0  }
0xfc: {  	[sflag:s25] =	ssyncadd.s32 $0xFFFFC000  }
0xfd: {  	[hbm4b:s13+s3] =	stream.linear.scatter [tilespmem:s19], [sflag:$0x3], $0x4000, $0x38;
	[tilespmem:$0x1EC00] =	vst v63  }
0xfe: {  	_ =	swait.ge [sflag:s17], $0x4000  }
0xff: {  	[sflag:s17] =	ssyncset.done $0x0  }
0x100: {  	[sflag:s17] =	ssyncadd.s32 $0xFFFFC000  }
0x101: {  	[tilespmem:s19], [sflag:$0x1] =	stream.indirect.gather [spmem:s1], $0x80, s23, s18, $0xb8;
	[tilespmem:$0x1EC00] =	vst v63  }
0x102: {  	s5 =	sadd.s32 $0x1, s5;
	_ =	swait.ge [sflag:s25], $0x4000  }
0x103: {  	p0 =	sne.s32 s5, s15;
	[sflag:s25] =	ssyncset.done $0x0  }
.Ltmp3:
0x104: {  	[sflag:s25] =	ssyncadd.s32 $0xFFFFC000;
	(pc) =	sbr.rel @p0 .LBB2_1-.Ltmp3, $4  }
0x105: {  	[hbm4b:s14+s3] =	stream.linear.scatter [tilespmem:s19], [sflag:$0x3], $0x4000, $0x38;
	[tilespmem:$0x1EC00] =	vst v63  }
0x106: {  	_ =	swait.ge [sflag:s17], $0x4000  }
0x107: {  	[sflag:s17] =	ssyncset.done $0x0  }
0x108: {  	[sflag:s17] =	ssyncadd.s32 $0xFFFFC000  }
0x109: {  	_ =	sfence.sel $0x180000  }
0x10a: {  	[bflag:$0x0] =	sbarrier.arrive $0xFFFF  }
0x10b: {  	_ =	strace $0x9000004D  }
0x10c: {  	s0 =	stileid.u32;
	[bflag:$0x2] =	sbarrier.arrive $0xFFFF  }
0x10d: {  	p0 =	sne.s32 s0, $0x0;
	s0 =	rddreg [dreg:$0x3]  }
0x10e: {  	s0 =	sadd.s32 @!p0 $0x100000, s0  }
0x10f: {  	[sflag:s0] =	ssyncadd.tile.s32 @!p0 $0x1;
	_ =	shalt  }
.Lfunc_end2:
_tile_overlayer_lowered:
.L_overlay_start_2:
0x110: {  	(tag) =	ssettag $0x2  }
0x111: {  	s0 =	rddreg [dreg:$0x0];
	s2 =	stileid.u32  }
0x112: {  	s1 =	rddreg [dreg:$0x1];
	p0 =	sne.s32 s2, $0x0  }
0x113: {  	s3 =	rddreg [dreg:$0x2];
	[bflag:$0x3] =	sbarrier.arrive $0xFFFF;
	s2 =	simm.s32 @!p0 $0x1C03  }
0x114: {  	[timem:s3], [sflag:s2] =	dma.local @!p0 [hbm:s0], s1  }
0x115: {  	s0 =	simm.s32 @!p0 $0x3  }
0x116: {  	_ =	swait.ge @!p0 [sflag:s0], s1  }
0x117: {  	s1 =	ssub.s32 @!p0 $0x0, s1;
	[sflag:s0] =	ssyncset.done @!p0 $0x0  }
0x118: {  	[sflag:s0] =	ssyncadd.s32 @!p0 s1  }
0x119: {  	[bflag:$0x3] =	sbarrier.arrive $0xFFFF  }
0x11a: {  	_ =	shalt  }

// kernel: kernel.18.cloned.1.call-start
scs
__scs_entry_jumppad:
0x0: {  	(pc) =	sbr.rel $0x88, $3  }
0x1: {  	(tag) =	ssettag $0x0;
	lr =	simm.s32 $0x1  }
0x2: {  	[smem:$0x3F9B] =	sst lr;
	_ =	strace $0xD0000000  }
0x3: {  	_ = 	snop  }
0x4: {  	_ = 	snop  }
0x5: {  	_ = 	snop  }
0x6: {  	_ = 	snop  }
0x7: {  	_ = 	snop  }
__scs_overlays_trampoline_lowered:
0x8: {  	[smem:$0x3FAA] =	sst s0  }
0x9: {  	[smem:$0x3FAB] =	sst s1  }
0xa: {  	[smem:$0x3FAC] =	sst s2  }
0xb: {  	[smem:$0x3FAD] =	sst s3  }
0xc: {  	[smem:$0x3FAE] =	sst s4  }
0xd: {  	[smem:$0x3FAF] =	sst s5  }
0xe: {  	[smem:$0x3FB0] =	sst s6  }
0xf: {  	[smem:$0x3FB1] =	sst s7  }
0x10: {  	[smem:$0x3FB2] =	sst s8  }
0x11: {  	[smem:$0x3FB3] =	sst s9;
	s0 =	simm.s32 @!p0 $0x0  }
0x12: {  	s1 =	sld [smem:$0x3F99];
	s0 =	simm.s32 @p0 $0x1  }
0x13: {  	[smem:$0x3FB4] =	sst s0;
	s0 =	simm.s32 @!p1 $0x0  }
0x14: {  	s2 =	sld [smem:$0x3F98];
	s0 =	simm.s32 @p1 $0x1  }
0x15: {  	[smem:$0x3FB5] =	sst s0;
	s0 =	simm.s32 @!p2 $0x0  }
0x16: {  	s3 =	sld [smem:$0x3FDB];
	s0 =	simm.s32 @p2 $0x1  }
0x17: {  	s4 =	simm.s32 $0x1BF5;
	[smem:$0x3FB7] =	sst s0  }
0x18: {  	s0 =	sld [smem:$0x3F9A];
	_ =	swait.ge [sflag:s4], $0x0  }
0x19: {  	s7 =	sld [smem:$0x3F9B]  }
0x1a: {  	s8 =	sadd.s32 $0xFFFFE003, lr  }
0x1b: {  	s9 =	sadd.s32 $0xFFFFFEF7, lr;
	s5 =	simm.s32 $0xFFFFFFFF;
	p2 =	slt.u32 s8, $0xFFFFF086  }
0x1c: {  	p1 =	slt.u32 s9, $0xF7A;
	s5 =	simm.s32 @!p2 $0x0  }
0x1d: {  	s5 =	simm.s32 @p1 $0x1;
	p0 =	seq.s32 s7, s2  }
0x1e: {  	s7 =	smul.u32 @!p0 $0xF7A, s2;
	p2 =	seq.s32 @!p0 s5, $0x0  }
0x1f: {  	s9 =	smul.u32 $0xF7A, s1;
	s8 =	simm.s32 @!p0 $0x1BF5;
	p2 =	por !p2, p0  }
0x20: {  	[sflag:s8] =	ssyncset.s32 @!p0 $0xFFFFF086;
	s6 =	sadd.s32 @!p0 s3, s7;
	s7 =	simm.s32 @!p0 $0x108  }
0x21: {  	s3 =	sadd.s32 s3, s9;
	s6 =	sadd.s32 @!p0 $0x88, s6;
	s7 =	simm.s32 @p2 $0x1082  }
0x22: {  	[simem:s7], [sflag:s8] =	dma.local @!p0 [hbm:s6], $0xF7A  }
0x23: {  	s9 =	sor.u32 $0xD0000000, s2;
	s6 =	simm.s32 $0x108;
	_ =	swait.ge @!p0 [sflag:s8], $0x0  }
0x24: {  	s3 =	sadd.s32 $0x88, s3;
	s6 =	simm.s32 @!p1 $0x1082;
	[sflag:s4] =	ssyncset.s32 $0xFFFFF086  }
0x25: {  	[simem:s6], [sflag:s4] =	dma.local [hbm:s3], $0xF7A  }
0x26: {  	[smem:$0x3F9B] =	sst s1;
	(tag) =	ssettag s2;
	_ =	strace s9  }
0x27: {  	s1 =	sld [smem:$0x3FAB]  }
0x28: {  	s2 =	sld [smem:$0x3FAC]  }
0x29: {  	s4 =	sld [smem:$0x3FAE]  }
0x2a: {  	p0 =	seq.s32 s5, $0x0;
	s5 =	sld [smem:$0x3FAF]  }
0x2b: {  	s6 =	sld [smem:$0x3FB0]  }
0x2c: {  	s7 =	sld [smem:$0x3FB1]  }
0x2d: {  	s3 =	simm.s32 $0x108;
	s8 =	sld [smem:$0x3FB2]  }
0x2e: {  	s3 =	simm.s32 @!p0 $0x1082;
	s9 =	sld [smem:$0x3FB3]  }
0x2f: {  	lr =	sadd.s32 s0, s3;
	s0 =	sld [smem:$0x3FAA]  }
0x30: {  	s3 =	sld [smem:$0x3FAD]  }
0x31: {  	[smem:$0x3FB6] =	sst s10  }
0x32: {  	s10 =	sld [smem:$0x3FB4];
	_ =	sdelay $0x3  }
0x33: {  	p0 =	seq.s32 s10, $0x1;
	s10 =	sld [smem:$0x3FB6];
	_ =	sdelay $0x3  }
0x34: {  	[smem:$0x3FB6] =	sst s10  }
0x35: {  	s10 =	sld [smem:$0x3FB5];
	_ =	sdelay $0x3  }
0x36: {  	p1 =	seq.s32 s10, $0x1;
	s10 =	sld [smem:$0x3FB6];
	_ =	sdelay $0x3  }
0x37: {  	[smem:$0x3FB6] =	sst s10  }
0x38: {  	s10 =	sld [smem:$0x3FB7]  }
0x39: {  	_ = 	snop;
	(pc) =	sbr.ind lr, $3  }
0x3a: {  	_ = 	snop  }
0x3b: {  	_ = 	snop  }
0x3c: {  	p2 =	seq.s32 s10, $0x1;
	s10 =	sld [smem:$0x3FB6]  }
0x3d: {  	_ =	shalt  }
0x3e: {  	_ =	shalt  }
0x3f: {  	_ =	shalt  }
0x40: {  	_ =	shalt  }
0x41: {  	_ =	shalt  }
0x42: {  	_ =	shalt  }
0x43: {  	_ =	shalt  }
0x44: {  	_ =	shalt  }
0x45: {  	_ =	shalt  }
0x46: {  	_ =	shalt  }
0x47: {  	_ =	shalt  }
0x48: {  	_ =	shalt  }
0x49: {  	_ =	shalt  }
0x4a: {  	_ =	shalt  }
0x4b: {  	_ =	shalt  }
0x4c: {  	_ =	shalt  }
0x4d: {  	_ =	shalt  }
0x4e: {  	_ =	shalt  }
0x4f: {  	_ =	shalt  }
0x50: {  	_ =	shalt  }
0x51: {  	_ =	shalt  }
0x52: {  	_ =	shalt  }
0x53: {  	_ =	shalt  }
0x54: {  	_ =	shalt  }
0x55: {  	_ =	shalt  }
0x56: {  	_ =	shalt  }
0x57: {  	_ =	shalt  }
0x58: {  	_ =	shalt  }
0x59: {  	_ =	shalt  }
0x5a: {  	_ =	shalt  }
0x5b: {  	_ =	shalt  }
0x5c: {  	_ =	shalt  }
0x5d: {  	_ =	shalt  }
0x5e: {  	_ =	shalt  }
0x5f: {  	_ =	shalt  }
0x60: {  	_ =	shalt  }
0x61: {  	_ =	shalt  }
0x62: {  	_ =	shalt  }
0x63: {  	_ =	shalt  }
0x64: {  	_ =	shalt  }
0x65: {  	_ =	shalt  }
0x66: {  	_ =	shalt  }
0x67: {  	_ =	shalt  }
0x68: {  	_ =	shalt  }
0x69: {  	_ =	shalt  }
0x6a: {  	_ =	shalt  }
0x6b: {  	_ =	shalt  }
0x6c: {  	_ =	shalt  }
0x6d: {  	_ =	shalt  }
0x6e: {  	_ =	shalt  }
0x6f: {  	_ =	shalt  }
0x70: {  	_ =	shalt  }
0x71: {  	_ =	shalt  }
0x72: {  	_ =	shalt  }
0x73: {  	_ =	shalt  }
0x74: {  	_ =	shalt  }
0x75: {  	_ =	shalt  }
0x76: {  	_ =	shalt  }
0x77: {  	_ =	shalt  }
0x78: {  	_ =	shalt  }
0x79: {  	_ =	shalt  }
0x7a: {  	_ =	shalt  }
0x7b: {  	_ =	shalt  }
0x7c: {  	_ =	shalt  }
0x7d: {  	_ =	shalt  }
0x7e: {  	_ =	shalt  }
0x7f: {  	_ =	shalt  }
0x80: {  	_ =	shalt  }
0x81: {  	_ =	shalt  }
0x82: {  	_ =	shalt  }
0x83: {  	_ =	shalt  }
0x84: {  	_ =	shalt  }
0x85: {  	_ =	shalt  }
0x86: {  	_ =	shalt  }
0x87: {  	_ =	shalt  }
.Lfunc_end0:
.L_simem_size_0:
called_computation.3_lowered:
.L_overlay_start_0:
0x88: {  	s2 =	sld [smem:$0x3FD9]  }
0x89: {  	s3 =	sld [smem:$0x3FFE];
	_ =	sdelay $0x1  }
0x8a: {  	s1 =	srdreg.scid  }
0x8b: {  	s0 =	sand.u32 $0x1, s1  }
0x8c: {  	s17 =	sshll.u32 s0, $0xA;
	s2 =	sadd.s32 s3, s2  }
0x8d: {  	s2 =	sadd.s32 s2, s17  }
0x8e: {  	[smem:$0x3FC2] =	sst s2  }
0x8f: {  	_ = 	snop  }
0x90: {  	s2 =	sld [smem:$0x3FD0];
	(tm) =	ssettm $0x1  }
0x91: {  	s18 =	sld [smem:$0x3FFB];
	_ =	sdelay $0x3  }
0x92: {  	_ =	strace s18  }
0x93: {  	s3 =	sld [smem:$0x3FFC];
	_ =	sdelay $0x3  }
0x94: {  	_ =	strace s3  }
0x95: {  	s3 =	sld [smem:$0x3FFD];
	_ =	sdelay $0x3  }
0x96: {  	_ =	strace s3  }
0x97: {  	_ =	strace $0x8FFFFFFF  }
0x98: {  	s19 =	sld [smem:$0x3FDB];
	_ =	sdelay $0x1  }
0x99: {  	s4 =	simm.s32 $_scs_section_size  }
0x9a: {  	s5 =	simm.s32 $_size__tile_overlayer_lowered;
	s6 =	simm.s32 $_tile_overlayer_lowered  }
0x9b: {  	s22 =	simm.s32 $0x1BFF;
	s21 =	sshll.u32 s6, $0x1;
	s3 =	sadd.s32 s4, s19  }
0x9c: {  	s7 =	simm.s32 $0x0;
	s20 =	sshll.u32 s5, $0x1;
	s5 =	sadd.s32 s21, s3  }
0x9d: {  	[timem:s7], [sflag:s22] =	dma.local [hbm:s5], s20  }
0x9e: {  	_ =	swait.ge [sflag:s22], s20  }
0x9f: {  	s4 =	ssub.s32 $0x0, s20;
	[sflag:s22] =	ssyncset.done $0x0  }
0xa0: {  	[sflag:s22] =	ssyncadd.s32 s4;
	_ =	sdelay $0x1  }
0xa1: {  	s23 =	simm.s32 $0x1B8B  }
0xa2: {  	_ =	swait.ge [sflag:s23], $0x1  }
0xa3: {  	[sflag:s23] =	ssyncset.done $0x0  }
0xa4: {  	s25 =	simm.s32 $0x1B8E;
	s24 =	sld [smem:$0x3FFE];
	[sflag:s23] =	ssyncadd.s32 $0xFFFFFFFF  }
0xa5: {  	s26 =	simm.s32 $execute0_lowered;
	[smem:$0x3FD2] =	sst s25  }
0xa6: {  	s5 =	sshll.u32 s26, $0x1;
	_ =	strace $0x8000004F;
	[dreg:$0x1] =	wrdreg $0xFFFFFFFF  }
0xa7: {  	s28 =	simm.s32 $_size_execute0_lowered;
	s3 =	sadd.s32 s3, s5;
	[dreg:$0x0] =	wrdreg $0x0  }
0xa8: {  	s5 =	sshll.u32 s28, $0x1;
	[dreg:$0x2] =	wrdreg s3  }
0xa9: {  	[dreg:$0x3] =	wrdreg s5  }
0xaa: {  	[dreg:$0x4] =	wrdreg $0xC0  }
0xab: {  	_ =	task [dreg:s7], $0x5FFFF  }
0xac: {  	[dreg:$0x1] =	wrdreg $0xFFFFFFFF  }
0xad: {  	[dreg:$0x0] =	wrdreg $0x60  }
0xae: {  	[dreg:$0x2] =	wrdreg s24  }
0xaf: {  	[dreg:$0x3] =	wrdreg s2  }
0xb0: {  	[dreg:$0x4] =	wrdreg $0xAC000  }
0xb1: {  	[dreg:$0x5] =	wrdreg $0x9  }
0xb2: {  	_ =	task.clear_ibuf [dreg:s7], $0x6FFFF;
	_ =	strace $0x9000004F  }
0xb3: {  	s29 =	simm.s32 $0x9;
	_ =	strace $0x80000051  }
0xb4: {  	_ =	swait.ge [sflag:s29], $0x1  }
0xb5: {  	[sflag:s29] =	ssyncadd.s32 $0xFFFFFFFF  }
0xb6: {  	_ =	strace $0x90000051  }
0xb7: {  	_ =	sfence  }
0xb8: {  	s30 =	sld [smem:$0x0];
	_ =	sdelay $0x2  }
0xb9: {  	s31 =	sshll.u32 s1, $0xD;
	s1 =	sshrl.u32 s1, $0x2  }
0xba: {  	s3 =	sand.u32 $0x4000, s31;
	s1 =	sadd.s32 s1, s30  }
0xbb: {  	s0 =	sor.u32 s3, s0;
	s1 =	sshll.u32 s1, $0x11  }
0xbc: {  	s0 =	sor.u32 s1, s0  }
0xbd: {  	s0 =	sadd.s32 $0x8F2B, s0  }
0xbe: {  	[sflag:s0] =	ssyncadd.remote.s32 $0x1  }
0xbf: {  	_ =	sfence.sel $0xFFFF  }
0xc0: {  	[dreg:$0x0] =	wrdreg $0xFFFFFFFF;
	(pc) =	sbr.abs _section_cstart, $3  }
0xc1: {  	[dreg:$0x1] =	wrdreg $0xFFFFFFFF  }
0xc2: {  	_ =	task.clear_ibuf [dreg:s7], $0x2FFFF;
	_ =	strace $0x9FFFFFFF  }
0xc3: {  	(tm) =	ssettm $0x7FFFFFFF  }
tec
execute0_lowered:
.L_overlay_start_1:
0x0: {  	(tag) =	ssettag $0x1  }
0x1: {  	s0 =	rddreg [dreg:$0x0]  }
0x2: {  	s2 =	rddreg [dreg:$0x1]  }
0x3: {  	s1 =	rddreg [dreg:$0x2];
	s3 =	simm.s32 $0x0  }
0x4: {  	s4 =	srdreg.scid;
	s9 =	stileid.u32;
	s16 =	simm.s32 $0xA800  }
0x5: {  	s17 =	simm.s32 $0x3;
	s18 =	simm.s32 $0x80;
	s19 =	simm.s32 $0x2800  }
0x6: {  	s28 =	simm.s32 $0x2;
	s29 =	simm.s32 $0x100;
	s30 =	simm.s32 $0x1480  }
0x7: {  	s31 =	simm.s32 $0x1380;
	[smem:$0x7FF] =	sst s3;
	s5 =	sand.u32 $0x1, s4  }
0x8: {  	s4 =	sadd.s32 $0x2800, s0;
	s6 =	sshll.u32 s9, $0x7;
	s8 =	smul.u32 $0x14000, s9  }
0x9: {  	s9 =	sshll.u32 s9, $0x2;
	s11 =	sadd.s32 $0x52800, s0;
	_ =	strace $0x80000050  }
0xa: {  	s7 =	smul.u32 $0x140000, s5;
	s10 =	sshll.u32 s5, $0x1;
	s5 =	ssub.s32 $0x2, s5  }
0xb: {  	s6 =	sadd.s32 s6, s0;
	s9 =	sor.u32 s10, s9;
	s21 =	sshrl.u32 s5, $0x1  }
0xc: {  	s6 =	sadd.s32 $0x2000, s6;
	s7 =	sadd.s32 s8, s7;
	s20 =	smul.u32 $0x1400, s9  }
0xd: {  	s9 =	smul.u32 $0x280, s9;
	s5 =	ssub.s32 s5, s21;
	[dreg:$0x4] =	wrdreg s6  }
0xe: {  	s21 =	simm.s32 $0xA900;
	s7 =	sshrl.u32 s7, $0x3;
	s15 =	smax.u32 s5, $0x1  }
0xf: {  	s5 =	simm.s32 $0x0;
	s0 =	sadd.s32 s7, s0;
	s23 =	sadd.s32 s11, s9  }
0x10: {  	s22 =	sshrl.u32 s20, $0x3;
	s25 =	sadd.s32 s2, s9;
	[dreg:$0x5] =	wrdreg s23  }
0x11: {  	s20 =	simm.s32 $0xA880;
	s24 =	sadd.s32 $0x280, s22;
	[dreg:$0x6] =	wrdreg s25  }
0x12: {  	s10 =	sadd.s32 $0x5C800, s0;
	s12 =	sadd.s32 $0x5D800, s0;
	s13 =	sadd.s32 $0x5E000, s0  }
0x13: {  	s14 =	sadd.s32 $0x5E800, s0;
	s22 =	simm.s32 $0xA980;
	s23 =	simm.s32 $0xAA00  }
0x14: {  	s25 =	simm.s32 $0x1;
	s26 =	sadd.s32 s11, s24;
	s9 =	sadd.s32 s2, s24  }
0x15: {  	s11 =	sadd.s32 $0x5D000, s0;
	s24 =	simm.s32 $0x1400;
	s0 =	simm.s32 $0x2700  }
0x16: {  	v0 =	vimm.f32 $0.0e+00;
	s2 =	simm.s32 $0x2780;
	[dreg:$0x7] =	wrdreg s26;
	s26 =	simm.s32 $0x6800  }
.LBB2_1:
0x17: {  	s6 =	rddreg [dreg:$0x4]  }
0x18: {  	[tilespmem:s16], [sflag:$0x3] =	stream.linear.gather [hbm4b:s6+s3], $0x280, $0x38;
	[tilespmem:$0x1EC00] =	vst v63  }
0x19: {  	_ =	swait.ge [sflag:s17], $0x280  }
0x1a: {  	[sflag:s17] =	ssyncset.done $0x0  }
0x1b: {  	s7 =	simm.s32 $0x200;
	s6 =	simm.s32 $0x0;
	[sflag:s17] =	ssyncadd.s32 $0xFFFFFD80  }
.LBB2_2:
0x1c: {  	p0 =	sne.s32 s7, $0xFE00;
	[tilespmem:s6+$0x2870] =	vst v0  }
0x1d: {  	[tilespmem:s6+$0x2800] =	vst v0  }
0x1e: {  	[tilespmem:s6+$0x2810] =	vst v0  }
.Ltmp0:
0x1f: {  	[tilespmem:s6+$0x2820] =	vst v0;
	(pc) =	sbr.rel @p0 .LBB2_2-.Ltmp0, $4  }
0x20: {  	[tilespmem:s6+$0x2830] =	vst v0  }
0x21: {  	[tilespmem:s6+$0x2840] =	vst v0  }
0x22: {  	[tilespmem:s6+$0x2850] =	vst v0  }
0x23: {  	[tilespmem:s6+$0x2860] =	vst v0;
	s6 =	sshra.s32 s7, $0x2;
	s7 =	sadd.s32 $0x200, s7  }
0x24: {  	[tilespmem:s6+$0x2870] =	vst v0  }
0x25: {  	[tilespmem:s6+$0x2800] =	vst v0  }
0x26: {  	[tilespmem:s6+$0x2810] =	vst v0  }
0x27: {  	[tilespmem:s6+$0x2820] =	vst v0  }
0x28: {  	[tilespmem:s6+$0x2830] =	vst v0  }
0x29: {  	[tilespmem:s6+$0x2840] =	vst v0  }
0x2a: {  	[tilespmem:s6+$0x2850] =	vst v0  }
0x2b: {  	[tilespmem:s6+$0x2860] =	vst v0  }
0x2c: {  	[spmem:s1] =	stream.indirect.scatter [tilespmem:s19], [sflag:$0x3], $0x80, s16, s18, $0xb8;
	[tilespmem:$0x1EC00] =	vst v63  }
0x2d: {  	_ =	swait.ge [sflag:s17], $0x4000  }
0x2e: {  	[sflag:s17] =	ssyncset.done $0x0  }
0x2f: {  	[sflag:s17] =	ssyncadd.s32 $0xFFFFC000  }
0x30: {  	[spmem:s1] =	stream.indirect.scatter [tilespmem:s19], [sflag:$0x3], $0x80, s20, s18, $0xb8;
	[tilespmem:$0x1EC00] =	vst v63  }
0x31: {  	_ =	swait.ge [sflag:s17], $0x4000  }
0x32: {  	[sflag:s17] =	ssyncset.done $0x0  }
0x33: {  	[sflag:s17] =	ssyncadd.s32 $0xFFFFC000  }
0x34: {  	[spmem:s1] =	stream.indirect.scatter [tilespmem:s19], [sflag:$0x3], $0x80, s21, s18, $0xb8;
	[tilespmem:$0x1EC00] =	vst v63  }
0x35: {  	_ =	swait.ge [sflag:s17], $0x4000  }
0x36: {  	[sflag:s17] =	ssyncset.done $0x0  }
0x37: {  	[sflag:s17] =	ssyncadd.s32 $0xFFFFC000  }
0x38: {  	[spmem:s1] =	stream.indirect.scatter [tilespmem:s19], [sflag:$0x3], $0x80, s22, s18, $0xb8;
	[tilespmem:$0x1EC00] =	vst v63  }
0x39: {  	_ =	swait.ge [sflag:s17], $0x4000  }
0x3a: {  	[sflag:s17] =	ssyncset.done $0x0  }
0x3b: {  	[sflag:s17] =	ssyncadd.s32 $0xFFFFC000  }
0x3c: {  	[spmem:s1] =	stream.indirect.scatter [tilespmem:s19], [sflag:$0x3], $0x80, s23, s18, $0xb8;
	[tilespmem:$0x1EC00] =	vst v63  }
0x3d: {  	_ =	swait.ge [sflag:s17], $0x4000  }
0x3e: {  	[sflag:s17] =	ssyncset.done $0x0  }
0x3f: {  	[sflag:s17] =	ssyncadd.s32 $0xFFFFC000  }
0x40: {  	[bflag:$0x0] =	sbarrier.arrive $0xFFFF  }
0x41: {  	s8 =	rddreg [dreg:$0x5]  }
0x42: {  	[tilespmem:s3], [sflag:$0x3] =	stream.linear.gather [hbm4b:s8+s3], $0x1400, $0x38;
	[tilespmem:$0x1EC00] =	vst v63  }
0x43: {  	_ =	swait.ge [sflag:s17], $0x1400  }
0x44: {  	[sflag:s17] =	ssyncset.done $0x0  }
0x45: {  	s7 =	rddreg [dreg:$0x6];
	[sflag:s17] =	ssyncadd.s32 $0xFFFFEC00  }
0x46: {  	[tilespmem:s24], [sflag:$0x3] =	stream.linear.gather [hbm4b:s7+s3], $0x1400, $0x38;
	[tilespmem:$0x1EC00] =	vst v63  }
0x47: {  	_ =	swait.ge [sflag:s17], $0x1400  }
0x48: {  	[sflag:s17] =	ssyncset.done $0x0  }
0x49: {  	[sflag:s17] =	ssyncadd.s32 $0xFFFFEC00  }
0x4a: {  	[tilespmem:s19], [sflag:$0x1] =	stream.indirect.gather [hbm4b:s4+s18], $0x80, s3, s18, $0xb8;
	[tilespmem:$0x1EC00] =	vst v63  }
0x4b: {  	_ =	swait.ge [sflag:s25], $0x4000  }
0x4c: {  	[sflag:s25] =	ssyncset.done $0x0  }
0x4d: {  	[sflag:s25] =	ssyncadd.s32 $0xFFFFC000  }
0x4e: {  	[tilespmem:s26], [sflag:$0x1] =	stream.indirect.gather [hbm4b:s4+s18], $0x80, s18, s18, $0xb8;
	[tilespmem:$0x1EC00] =	vst v63  }
0x4f: {  	_ = 	snop  }
0x50: {  	[spmem:s1] =	stream.indirect.scatter.add.f32 [tilespmem:s19], [sflag:$0x2], $0x80, s24, s18, $0xb8;
	[tilespmem:$0x1EC00] =	vst v63  }
0x51: {  	_ =	swait.ge [sflag:s25], $0x4000  }
0x52: {  	[sflag:s25] =	ssyncset.done $0x0  }
0x53: {  	[sflag:s25] =	ssyncadd.s32 $0xFFFFC000  }
0x54: {  	_ =	swait.ge [sflag:s28], $0x4000  }
0x55: {  	[sflag:s28] =	ssyncset.done $0x0  }
0x56: {  	[sflag:s28] =	ssyncadd.s32 $0xFFFFC000  }
0x57: {  	[tilespmem:s19], [sflag:$0x1] =	stream.indirect.gather [hbm4b:s4+s18], $0x80, s29, s18, $0xb8;
	[tilespmem:$0x1EC00] =	vst v63  }
0x58: {  	_ = 	snop  }
0x59: {  	[spmem:s1] =	stream.indirect.scatter.add.f32 [tilespmem:s26], [sflag:$0x2], $0x80, s30, s18, $0xb8;
	[tilespmem:$0x1EC00] =	vst v63  }
0x5a: {  	_ =	swait.ge [sflag:s25], $0x4000  }
0x5b: {  	[sflag:s25] =	ssyncset.done $0x0  }
0x5c: {  	[sflag:s25] =	ssyncadd.s32 $0xFFFFC000  }
0x5d: {  	_ =	swait.ge [sflag:s28], $0x4000  }
0x5e: {  	[sflag:s28] =	ssyncset.done $0x0  }
0x5f: {  	s8 =	simm.s32 $0x180;
	[sflag:s28] =	ssyncadd.s32 $0xFFFFC000  }
0x60: {  	[tilespmem:s26], [sflag:$0x1] =	stream.indirect.gather [hbm4b:s4+s18], $0x80, s8, s18, $0xb8;
	[tilespmem:$0x1EC00] =	vst v63  }
0x61: {  	s7 =	simm.s32 $0x1500  }
0x62: {  	[spmem:s1] =	stream.indirect.scatter.add.f32 [tilespmem:s19], [sflag:$0x2], $0x80, s7, s18, $0xb8;
	[tilespmem:$0x1EC00] =	vst v63  }
0x63: {  	_ =	swait.ge [sflag:s25], $0x4000  }
0x64: {  	[sflag:s25] =	ssyncset.done $0x0  }
0x65: {  	[sflag:s25] =	ssyncadd.s32 $0xFFFFC000  }
0x66: {  	_ =	swait.ge [sflag:s28], $0x4000  }
0x67: {  	s6 =	simm.s32 $0xFFFFBC00;
	[sflag:s28] =	ssyncset.done $0x0  }
0x68: {  	s8 =	simm.s32 $0x200;
	s7 =	simm.s32 $0x1580;
	[sflag:s28] =	ssyncadd.s32 $0xFFFFC000  }
0x69: {  	[tilespmem:s19], [sflag:$0x1] =	stream.indirect.gather [hbm4b:s4+s18], $0x80, s8, s18, $0xb8;
	[tilespmem:$0x1EC00] =	vst v63  }
.LBB2_4:
0x6a: {  	[spmem:s1] =	stream.indirect.scatter.add.f32 [tilespmem:s26], [sflag:$0x2], $0x80, s7, s18, $0xb8;
	[tilespmem:$0x1EC00] =	vst v63  }
0x6b: {  	s7 =	smov.u32 s6  }
0x6c: {  	p0 =	sne.s32 s6, $0xFFFFFC00;
	s6 =	sadd.s32 $0x400, s6;
	_ =	swait.ge [sflag:s25], $0x4000  }
0x6d: {  	[sflag:s25] =	ssyncset.done $0x0  }
0x6e: {  	[sflag:s25] =	ssyncadd.s32 $0xFFFFC000  }
0x6f: {  	_ =	swait.ge [sflag:s28], $0x4000  }
0x70: {  	s7 =	sshra.s32 s7, $0x2;
	[sflag:s28] =	ssyncset.done $0x0  }
0x71: {  	s8 =	sadd.s32 $0x1380, s7;
	[sflag:s28] =	ssyncadd.s32 $0xFFFFC000  }
0x72: {  	[tilespmem:s26], [sflag:$0x1] =	stream.indirect.gather [hbm4b:s4+s18], $0x80, s8, s18, $0xb8;
	[tilespmem:$0x1EC00] =	vst v63  }
0x73: {  	s8 =	sadd.s32 $0x2700, s7  }
0x74: {  	[spmem:s1] =	stream.indirect.scatter.add.f32 [tilespmem:s19], [sflag:$0x2], $0x80, s8, s18, $0xb8;
	[tilespmem:$0x1EC00] =	vst v63  }
0x75: {  	_ =	swait.ge [sflag:s25], $0x4000  }
0x76: {  	[sflag:s25] =	ssyncset.done $0x0  }
0x77: {  	[sflag:s25] =	ssyncadd.s32 $0xFFFFC000  }
.Ltmp1:
0x78: {  	_ =	swait.ge [sflag:s28], $0x4000;
	(pc) =	sbr.rel @p0 .LBB2_4-.Ltmp1, $4  }
0x79: {  	[sflag:s28] =	ssyncset.done $0x0  }
0x7a: {  	s8 =	sadd.s32 $0x1400, s7;
	[sflag:s28] =	ssyncadd.s32 $0xFFFFC000  }
0x7b: {  	[tilespmem:s19], [sflag:$0x1] =	stream.indirect.gather [hbm4b:s4+s18], $0x80, s8, s18, $0xb8;
	[tilespmem:$0x1EC00] =	vst v63  }
0x7c: {  	s7 =	sadd.s32 $0x2780, s7  }
0x7d: {  	[spmem:s1] =	stream.indirect.scatter.add.f32 [tilespmem:s26], [sflag:$0x2], $0x80, s7, s18, $0xb8;
	[tilespmem:$0x1EC00] =	vst v63  }
0x7e: {  	_ =	swait.ge [sflag:s25], $0x4000  }
0x7f: {  	[sflag:s25] =	ssyncset.done $0x0  }
0x80: {  	[sflag:s25] =	ssyncadd.s32 $0xFFFFC000  }
0x81: {  	_ =	swait.ge [sflag:s28], $0x4000  }
0x82: {  	[sflag:s28] =	ssyncset.done $0x0  }
0x83: {  	[sflag:s28] =	ssyncadd.s32 $0xFFFFC000  }
0x84: {  	[tilespmem:s26], [sflag:$0x1] =	stream.indirect.gather [hbm4b:s4+s18], $0x80, s31, s18, $0xb8;
	[tilespmem:$0x1EC00] =	vst v63  }
0x85: {  	_ = 	snop  }
0x86: {  	[spmem:s1] =	stream.indirect.scatter.add.f32 [tilespmem:s19], [sflag:$0x2], $0x80, s0, s18, $0xb8;
	[tilespmem:$0x1EC00] =	vst v63  }
0x87: {  	_ =	swait.ge [sflag:s25], $0x4000  }
0x88: {  	[sflag:s25] =	ssyncset.done $0x0  }
0x89: {  	[sflag:s25] =	ssyncadd.s32 $0xFFFFC000  }
0x8a: {  	_ =	swait.ge [sflag:s28], $0x4000  }
0x8b: {  	[sflag:s28] =	ssyncset.done $0x0  }
0x8c: {  	[sflag:s28] =	ssyncadd.s32 $0xFFFFC000  }
0x8d: {  	[spmem:s1] =	stream.indirect.scatter.add.f32 [tilespmem:s26], [sflag:$0x2], $0x80, s2, s18, $0xb8;
	[tilespmem:$0x1EC00] =	vst v63  }
0x8e: {  	_ =	swait.ge [sflag:s28], $0x4000  }
0x8f: {  	[sflag:s28] =	ssyncset.done $0x0  }
0x90: {  	s6 =	rddreg [dreg:$0x7];
	[sflag:s28] =	ssyncadd.s32 $0xFFFFC000  }
0x91: {  	[tilespmem:s3], [sflag:$0x3] =	stream.linear.gather [hbm4b:s6+s3], $0x1400, $0x38;
	[tilespmem:$0x1EC00] =	vst v63  }
0x92: {  	_ =	swait.ge [sflag:s17], $0x1400  }
0x93: {  	[sflag:s17] =	ssyncset.done $0x0  }
0x94: {  	[sflag:s17] =	ssyncadd.s32 $0xFFFFEC00  }
0x95: {  	[tilespmem:s24], [sflag:$0x3] =	stream.linear.gather [hbm4b:s9+s3], $0x1400, $0x38;
	[tilespmem:$0x1EC00] =	vst v63  }
0x96: {  	_ =	swait.ge [sflag:s17], $0x1400  }
0x97: {  	[sflag:s17] =	ssyncset.done $0x0  }
0x98: {  	[sflag:s17] =	ssyncadd.s32 $0xFFFFEC00  }
0x99: {  	[tilespmem:s19], [sflag:$0x1] =	stream.indirect.gather [hbm4b:s4+s18], $0x80, s3, s18, $0xb8;
	[tilespmem:$0x1EC00] =	vst v63  }
0x9a: {  	_ =	swait.ge [sflag:s25], $0x4000  }
0x9b: {  	[sflag:s25] =	ssyncset.done $0x0  }
0x9c: {  	[sflag:s25] =	ssyncadd.s32 $0xFFFFC000  }
0x9d: {  	[tilespmem:s26], [sflag:$0x1] =	stream.indirect.gather [hbm4b:s4+s18], $0x80, s18, s18, $0xb8;
	[tilespmem:$0x1EC00] =	vst v63  }
0x9e: {  	_ = 	snop  }
0x9f: {  	[spmem:s1] =	stream.indirect.scatter.add.f32 [tilespmem:s19], [sflag:$0x2], $0x80, s24, s18, $0xb8;
	[tilespmem:$0x1EC00] =	vst v63  }
0xa0: {  	_ =	swait.ge [sflag:s25], $0x4000  }
0xa1: {  	[sflag:s25] =	ssyncset.done $0x0  }
0xa2: {  	[sflag:s25] =	ssyncadd.s32 $0xFFFFC000  }
0xa3: {  	_ =	swait.ge [sflag:s28], $0x4000  }
0xa4: {  	[sflag:s28] =	ssyncset.done $0x0  }
0xa5: {  	[sflag:s28] =	ssyncadd.s32 $0xFFFFC000  }
0xa6: {  	[tilespmem:s19], [sflag:$0x1] =	stream.indirect.gather [hbm4b:s4+s18], $0x80, s29, s18, $0xb8;
	[tilespmem:$0x1EC00] =	vst v63  }
0xa7: {  	_ = 	snop  }
0xa8: {  	[spmem:s1] =	stream.indirect.scatter.add.f32 [tilespmem:s26], [sflag:$0x2], $0x80, s30, s18, $0xb8;
	[tilespmem:$0x1EC00] =	vst v63  }
0xa9: {  	_ =	swait.ge [sflag:s25], $0x4000  }
0xaa: {  	[sflag:s25] =	ssyncset.done $0x0  }
0xab: {  	[sflag:s25] =	ssyncadd.s32 $0xFFFFC000  }
0xac: {  	_ =	swait.ge [sflag:s28], $0x4000  }
0xad: {  	[sflag:s28] =	ssyncset.done $0x0  }
0xae: {  	s8 =	simm.s32 $0x180;
	[sflag:s28] =	ssyncadd.s32 $0xFFFFC000  }
0xaf: {  	[tilespmem:s26], [sflag:$0x1] =	stream.indirect.gather [hbm4b:s4+s18], $0x80, s8, s18, $0xb8;
	[tilespmem:$0x1EC00] =	vst v63  }
0xb0: {  	s7 =	simm.s32 $0x1500  }
0xb1: {  	[spmem:s1] =	stream.indirect.scatter.add.f32 [tilespmem:s19], [sflag:$0x2], $0x80, s7, s18, $0xb8;
	[tilespmem:$0x1EC00] =	vst v63  }
0xb2: {  	_ =	swait.ge [sflag:s25], $0x4000  }
0xb3: {  	[sflag:s25] =	ssyncset.done $0x0  }
0xb4: {  	[sflag:s25] =	ssyncadd.s32 $0xFFFFC000  }
0xb5: {  	_ =	swait.ge [sflag:s28], $0x4000  }
0xb6: {  	s6 =	simm.s32 $0xFFFFBC00;
	[sflag:s28] =	ssyncset.done $0x0  }
0xb7: {  	s8 =	simm.s32 $0x200;
	s7 =	simm.s32 $0x1580;
	[sflag:s28] =	ssyncadd.s32 $0xFFFFC000  }
0xb8: {  	[tilespmem:s19], [sflag:$0x1] =	stream.indirect.gather [hbm4b:s4+s18], $0x80, s8, s18, $0xb8;
	[tilespmem:$0x1EC00] =	vst v63  }
.LBB2_6:
0xb9: {  	[spmem:s1] =	stream.indirect.scatter.add.f32 [tilespmem:s26], [sflag:$0x2], $0x80, s7, s18, $0xb8;
	[tilespmem:$0x1EC00] =	vst v63  }
0xba: {  	s7 =	smov.u32 s6  }
0xbb: {  	p0 =	sne.s32 s6, $0xFFFFFC00;
	s6 =	sadd.s32 $0x400, s6;
	_ =	swait.ge [sflag:s25], $0x4000  }
0xbc: {  	[sflag:s25] =	ssyncset.done $0x0  }
0xbd: {  	[sflag:s25] =	ssyncadd.s32 $0xFFFFC000  }
0xbe: {  	_ =	swait.ge [sflag:s28], $0x4000  }
0xbf: {  	s7 =	sshra.s32 s7, $0x2;
	[sflag:s28] =	ssyncset.done $0x0  }
0xc0: {  	s8 =	sadd.s32 $0x1380, s7;
	[sflag:s28] =	ssyncadd.s32 $0xFFFFC000  }
0xc1: {  	[tilespmem:s26], [sflag:$0x1] =	stream.indirect.gather [hbm4b:s4+s18], $0x80, s8, s18, $0xb8;
	[tilespmem:$0x1EC00] =	vst v63  }
0xc2: {  	s8 =	sadd.s32 $0x2700, s7  }
0xc3: {  	[spmem:s1] =	stream.indirect.scatter.add.f32 [tilespmem:s19], [sflag:$0x2], $0x80, s8, s18, $0xb8;
	[tilespmem:$0x1EC00] =	vst v63  }
0xc4: {  	_ =	swait.ge [sflag:s25], $0x4000  }
0xc5: {  	[sflag:s25] =	ssyncset.done $0x0  }
0xc6: {  	[sflag:s25] =	ssyncadd.s32 $0xFFFFC000  }
.Ltmp2:
0xc7: {  	_ =	swait.ge [sflag:s28], $0x4000;
	(pc) =	sbr.rel @p0 .LBB2_6-.Ltmp2, $4  }
0xc8: {  	[sflag:s28] =	ssyncset.done $0x0  }
0xc9: {  	s8 =	sadd.s32 $0x1400, s7;
	[sflag:s28] =	ssyncadd.s32 $0xFFFFC000  }
0xca: {  	[tilespmem:s19], [sflag:$0x1] =	stream.indirect.gather [hbm4b:s4+s18], $0x80, s8, s18, $0xb8;
	[tilespmem:$0x1EC00] =	vst v63  }
0xcb: {  	s7 =	sadd.s32 $0x2780, s7  }
0xcc: {  	[spmem:s1] =	stream.indirect.scatter.add.f32 [tilespmem:s26], [sflag:$0x2], $0x80, s7, s18, $0xb8;
	[tilespmem:$0x1EC00] =	vst v63  }
0xcd: {  	_ =	swait.ge [sflag:s25], $0x4000  }
0xce: {  	[sflag:s25] =	ssyncset.done $0x0  }
0xcf: {  	[sflag:s25] =	ssyncadd.s32 $0xFFFFC000  }
0xd0: {  	_ =	swait.ge [sflag:s28], $0x4000  }
0xd1: {  	[sflag:s28] =	ssyncset.done $0x0  }
0xd2: {  	[sflag:s28] =	ssyncadd.s32 $0xFFFFC000  }
0xd3: {  	[tilespmem:s26], [sflag:$0x1] =	stream.indirect.gather [hbm4b:s4+s18], $0x80, s31, s18, $0xb8;
	[tilespmem:$0x1EC00] =	vst v63  }
0xd4: {  	_ = 	snop  }
0xd5: {  	[spmem:s1] =	stream.indirect.scatter.add.f32 [tilespmem:s19], [sflag:$0x2], $0x80, s0, s18, $0xb8;
	[tilespmem:$0x1EC00] =	vst v63  }
0xd6: {  	_ =	swait.ge [sflag:s25], $0x4000  }
0xd7: {  	[sflag:s25] =	ssyncset.done $0x0  }
0xd8: {  	[sflag:s25] =	ssyncadd.s32 $0xFFFFC000  }
0xd9: {  	_ =	swait.ge [sflag:s28], $0x4000  }
0xda: {  	[sflag:s28] =	ssyncset.done $0x0  }
0xdb: {  	[sflag:s28] =	ssyncadd.s32 $0xFFFFC000  }
0xdc: {  	[spmem:s1] =	stream.indirect.scatter.add.f32 [tilespmem:s26], [sflag:$0x2], $0x80, s2, s18, $0xb8;
	[tilespmem:$0x1EC00] =	vst v63  }
0xdd: {  	_ =	swait.ge [sflag:s28], $0x4000  }
0xde: {  	[sflag:s28] =	ssyncset.done $0x0  }
0xdf: {  	[sflag:s28] =	ssyncadd.s32 $0xFFFFC000  }
0xe0: {  	[bflag:$0x0] =	sbarrier.arrive $0xFFFF  }
0xe1: {  	[tilespmem:s19], [sflag:$0x1] =	stream.indirect.gather [spmem:s1], $0x80, s16, s18, $0xb8;
	[tilespmem:$0x1EC00] =	vst v63  }
0xe2: {  	_ =	swait.ge [sflag:s25], $0x4000  }
0xe3: {  	[sflag:s25] =	ssyncset.done $0x0  }
0xe4: {  	[sflag:s25] =	ssyncadd.s32 $0xFFFFC000  }
0xe5: {  	[hbm4b:s10+s3] =	stream.linear.scatter [tilespmem:s19], [sflag:$0x3], $0x4000, $0x38;
	[tilespmem:$0x1EC00] =	vst v63  }
0xe6: {  	_ =	swait.ge [sflag:s17], $0x4000  }
0xe7: {  	[sflag:s17] =	ssyncset.done $0x0  }
0xe8: {  	[sflag:s17] =	ssyncadd.s32 $0xFFFFC000  }
0xe9: {  	[tilespmem:s19], [sflag:$0x1] =	stream.indirect.gather [spmem:s1], $0x80, s20, s18, $0xb8;
	[tilespmem:$0x1EC00] =	vst v63  }
0xea: {  	_ =	swait.ge [sflag:s25], $0x4000  }
0xeb: {  	[sflag:s25] =	ssyncset.done $0x0  }
0xec: {  	[sflag:s25] =	ssyncadd.s32 $0xFFFFC000  }
0xed: {  	[hbm4b:s11+s3] =	stream.linear.scatter [tilespmem:s19], [sflag:$0x3], $0x4000, $0x38;
	[tilespmem:$0x1EC00] =	vst v63  }
0xee: {  	_ =	swait.ge [sflag:s17], $0x4000  }
0xef: {  	[sflag:s17] =	ssyncset.done $0x0  }
0xf0: {  	[sflag:s17] =	ssyncadd.s32 $0xFFFFC000  }
0xf1: {  	[tilespmem:s19], [sflag:$0x1] =	stream.indirect.gather [spmem:s1], $0x80, s21, s18, $0xb8;
	[tilespmem:$0x1EC00] =	vst v63  }
0xf2: {  	_ =	swait.ge [sflag:s25], $0x4000  }
0xf3: {  	[sflag:s25] =	ssyncset.done $0x0  }
0xf4: {  	[sflag:s25] =	ssyncadd.s32 $0xFFFFC000  }
0xf5: {  	[hbm4b:s12+s3] =	stream.linear.scatter [tilespmem:s19], [sflag:$0x3], $0x4000, $0x38;
	[tilespmem:$0x1EC00] =	vst v63  }
0xf6: {  	_ =	swait.ge [sflag:s17], $0x4000  }
0xf7: {  	[sflag:s17] =	ssyncset.done $0x0  }
0xf8: {  	[sflag:s17] =	ssyncadd.s32 $0xFFFFC000  }
0xf9: {  	[tilespmem:s19], [sflag:$0x1] =	stream.indirect.gather [spmem:s1], $0x80, s22, s18, $0xb8;
	[tilespmem:$0x1EC00] =	vst v63  }
0xfa: {  	_ =	swait.ge [sflag:s25], $0x4000  }
0xfb: {  	[sflag:s25] =	ssyncset.done $0x0  }
0xfc: {  	[sflag:s25] =	ssyncadd.s32 $0xFFFFC000  }
0xfd: {  	[hbm4b:s13+s3] =	stream.linear.scatter [tilespmem:s19], [sflag:$0x3], $0x4000, $0x38;
	[tilespmem:$0x1EC00] =	vst v63  }
0xfe: {  	_ =	swait.ge [sflag:s17], $0x4000  }
0xff: {  	[sflag:s17] =	ssyncset.done $0x0  }
0x100: {  	[sflag:s17] =	ssyncadd.s32 $0xFFFFC000  }
0x101: {  	[tilespmem:s19], [sflag:$0x1] =	stream.indirect.gather [spmem:s1], $0x80, s23, s18, $0xb8;
	[tilespmem:$0x1EC00] =	vst v63  }
0x102: {  	s5 =	sadd.s32 $0x1, s5;
	_ =	swait.ge [sflag:s25], $0x4000  }
0x103: {  	p0 =	sne.s32 s5, s15;
	[sflag:s25] =	ssyncset.done $0x0  }
.Ltmp3:
0x104: {  	[sflag:s25] =	ssyncadd.s32 $0xFFFFC000;
	(pc) =	sbr.rel @p0 .LBB2_1-.Ltmp3, $4  }
0x105: {  	[hbm4b:s14+s3] =	stream.linear.scatter [tilespmem:s19], [sflag:$0x3], $0x4000, $0x38;
	[tilespmem:$0x1EC00] =	vst v63  }
0x106: {  	_ =	swait.ge [sflag:s17], $0x4000  }
0x107: {  	[sflag:s17] =	ssyncset.done $0x0  }
0x108: {  	[sflag:s17] =	ssyncadd.s32 $0xFFFFC000  }
0x109: {  	_ =	sfence.sel $0x180000  }
0x10a: {  	[bflag:$0x0] =	sbarrier.arrive $0xFFFF  }
0x10b: {  	_ =	strace $0x90000050  }
0x10c: {  	s0 =	stileid.u32;
	[bflag:$0x2] =	sbarrier.arrive $0xFFFF  }
0x10d: {  	p0 =	sne.s32 s0, $0x0;
	s0 =	rddreg [dreg:$0x3]  }
0x10e: {  	s0 =	sadd.s32 @!p0 $0x100000, s0  }
0x10f: {  	[sflag:s0] =	ssyncadd.tile.s32 @!p0 $0x1;
	_ =	shalt  }
.Lfunc_end2:
_tile_overlayer_lowered:
.L_overlay_start_2:
0x110: {  	(tag) =	ssettag $0x2  }
0x111: {  	s0 =	rddreg [dreg:$0x0];
	s2 =	stileid.u32  }
0x112: {  	s1 =	rddreg [dreg:$0x1];
	p0 =	sne.s32 s2, $0x0  }
0x113: {  	s3 =	rddreg [dreg:$0x2];
	[bflag:$0x3] =	sbarrier.arrive $0xFFFF;
	s2 =	simm.s32 @!p0 $0x1C03  }
0x114: {  	[timem:s3], [sflag:s2] =	dma.local @!p0 [hbm:s0], s1  }
0x115: {  	s0 =	simm.s32 @!p0 $0x3  }
0x116: {  	_ =	swait.ge @!p0 [sflag:s0], s1  }
0x117: {  	s1 =	ssub.s32 @!p0 $0x0, s1;
	[sflag:s0] =	ssyncset.done @!p0 $0x0  }
0x118: {  	[sflag:s0] =	ssyncadd.s32 @!p0 s1  }
0x119: {  	[bflag:$0x3] =	sbarrier.arrive $0xFFFF  }
0x11a: {  	_ =	shalt  }

// kernel: kernel.9.cloned.1.call-start
scs
__scs_entry_jumppad:
0x0: {  	(pc) =	sbr.rel $0x88, $3  }
0x1: {  	(tag) =	ssettag $0x0;
	lr =	simm.s32 $0x1  }
0x2: {  	[smem:$0x3F9B] =	sst lr;
	_ =	strace $0xD0000000  }
0x3: {  	_ = 	snop  }
0x4: {  	_ = 	snop  }
0x5: {  	_ = 	snop  }
0x6: {  	_ = 	snop  }
0x7: {  	_ = 	snop  }
__scs_overlays_trampoline_lowered:
0x8: {  	[smem:$0x3FAA] =	sst s0  }
0x9: {  	[smem:$0x3FAB] =	sst s1  }
0xa: {  	[smem:$0x3FAC] =	sst s2  }
0xb: {  	[smem:$0x3FAD] =	sst s3  }
0xc: {  	[smem:$0x3FAE] =	sst s4  }
0xd: {  	[smem:$0x3FAF] =	sst s5  }
0xe: {  	[smem:$0x3FB0] =	sst s6  }
0xf: {  	[smem:$0x3FB1] =	sst s7  }
0x10: {  	[smem:$0x3FB2] =	sst s8  }
0x11: {  	[smem:$0x3FB3] =	sst s9;
	s0 =	simm.s32 @!p0 $0x0  }
0x12: {  	s1 =	sld [smem:$0x3F99];
	s0 =	simm.s32 @p0 $0x1  }
0x13: {  	[smem:$0x3FB4] =	sst s0;
	s0 =	simm.s32 @!p1 $0x0  }
0x14: {  	s2 =	sld [smem:$0x3F98];
	s0 =	simm.s32 @p1 $0x1  }
0x15: {  	[smem:$0x3FB5] =	sst s0;
	s0 =	simm.s32 @!p2 $0x0  }
0x16: {  	s3 =	sld [smem:$0x3FDB];
	s0 =	simm.s32 @p2 $0x1  }
0x17: {  	s4 =	simm.s32 $0x1BF5;
	[smem:$0x3FB7] =	sst s0  }
0x18: {  	s0 =	sld [smem:$0x3F9A];
	_ =	swait.ge [sflag:s4], $0x0  }
0x19: {  	s7 =	sld [smem:$0x3F9B]  }
0x1a: {  	s8 =	sadd.s32 $0xFFFFE003, lr  }
0x1b: {  	s9 =	sadd.s32 $0xFFFFFEF7, lr;
	s5 =	simm.s32 $0xFFFFFFFF;
	p2 =	slt.u32 s8, $0xFFFFF086  }
0x1c: {  	p1 =	slt.u32 s9, $0xF7A;
	s5 =	simm.s32 @!p2 $0x0  }
0x1d: {  	s5 =	simm.s32 @p1 $0x1;
	p0 =	seq.s32 s7, s2  }
0x1e: {  	s7 =	smul.u32 @!p0 $0xF7A, s2;
	p2 =	seq.s32 @!p0 s5, $0x0  }
0x1f: {  	s9 =	smul.u32 $0xF7A, s1;
	s8 =	simm.s32 @!p0 $0x1BF5;
	p2 =	por !p2, p0  }
0x20: {  	[sflag:s8] =	ssyncset.s32 @!p0 $0xFFFFF086;
	s6 =	sadd.s32 @!p0 s3, s7;
	s7 =	simm.s32 @!p0 $0x108  }
0x21: {  	s3 =	sadd.s32 s3, s9;
	s6 =	sadd.s32 @!p0 $0x88, s6;
	s7 =	simm.s32 @p2 $0x1082  }
0x22: {  	[simem:s7], [sflag:s8] =	dma.local @!p0 [hbm:s6], $0xF7A  }
0x23: {  	s9 =	sor.u32 $0xD0000000, s2;
	s6 =	simm.s32 $0x108;
	_ =	swait.ge @!p0 [sflag:s8], $0x0  }
0x24: {  	s3 =	sadd.s32 $0x88, s3;
	s6 =	simm.s32 @!p1 $0x1082;
	[sflag:s4] =	ssyncset.s32 $0xFFFFF086  }
0x25: {  	[simem:s6], [sflag:s4] =	dma.local [hbm:s3], $0xF7A  }
0x26: {  	[smem:$0x3F9B] =	sst s1;
	(tag) =	ssettag s2;
	_ =	strace s9  }
0x27: {  	s1 =	sld [smem:$0x3FAB]  }
0x28: {  	s2 =	sld [smem:$0x3FAC]  }
0x29: {  	s4 =	sld [smem:$0x3FAE]  }
0x2a: {  	p0 =	seq.s32 s5, $0x0;
	s5 =	sld [smem:$0x3FAF]  }
0x2b: {  	s6 =	sld [smem:$0x3FB0]  }
0x2c: {  	s7 =	sld [smem:$0x3FB1]  }
0x2d: {  	s3 =	simm.s32 $0x108;
	s8 =	sld [smem:$0x3FB2]  }
0x2e: {  	s3 =	simm.s32 @!p0 $0x1082;
	s9 =	sld [smem:$0x3FB3]  }
0x2f: {  	lr =	sadd.s32 s0, s3;
	s0 =	sld [smem:$0x3FAA]  }
0x30: {  	s3 =	sld [smem:$0x3FAD]  }
0x31: {  	[smem:$0x3FB6] =	sst s10  }
0x32: {  	s10 =	sld [smem:$0x3FB4];
	_ =	sdelay $0x3  }
0x33: {  	p0 =	seq.s32 s10, $0x1;
	s10 =	sld [smem:$0x3FB6];
	_ =	sdelay $0x3  }
0x34: {  	[smem:$0x3FB6] =	sst s10  }
0x35: {  	s10 =	sld [smem:$0x3FB5];
	_ =	sdelay $0x3  }
0x36: {  	p1 =	seq.s32 s10, $0x1;
	s10 =	sld [smem:$0x3FB6];
	_ =	sdelay $0x3  }
0x37: {  	[smem:$0x3FB6] =	sst s10  }
0x38: {  	s10 =	sld [smem:$0x3FB7]  }
0x39: {  	_ = 	snop;
	(pc) =	sbr.ind lr, $3  }
0x3a: {  	_ = 	snop  }
0x3b: {  	_ = 	snop  }
0x3c: {  	p2 =	seq.s32 s10, $0x1;
	s10 =	sld [smem:$0x3FB6]  }
0x3d: {  	_ =	shalt  }
0x3e: {  	_ =	shalt  }
0x3f: {  	_ =	shalt  }
0x40: {  	_ =	shalt  }
0x41: {  	_ =	shalt  }
0x42: {  	_ =	shalt  }
0x43: {  	_ =	shalt  }
0x44: {  	_ =	shalt  }
0x45: {  	_ =	shalt  }
0x46: {  	_ =	shalt  }
0x47: {  	_ =	shalt  }
0x48: {  	_ =	shalt  }
0x49: {  	_ =	shalt  }
0x4a: {  	_ =	shalt  }
0x4b: {  	_ =	shalt  }
0x4c: {  	_ =	shalt  }
0x4d: {  	_ =	shalt  }
0x4e: {  	_ =	shalt  }
0x4f: {  	_ =	shalt  }
0x50: {  	_ =	shalt  }
0x51: {  	_ =	shalt  }
0x52: {  	_ =	shalt  }
0x53: {  	_ =	shalt  }
0x54: {  	_ =	shalt  }
0x55: {  	_ =	shalt  }
0x56: {  	_ =	shalt  }
0x57: {  	_ =	shalt  }
0x58: {  	_ =	shalt  }
0x59: {  	_ =	shalt  }
0x5a: {  	_ =	shalt  }
0x5b: {  	_ =	shalt  }
0x5c: {  	_ =	shalt  }
0x5d: {  	_ =	shalt  }
0x5e: {  	_ =	shalt  }
0x5f: {  	_ =	shalt  }
0x60: {  	_ =	shalt  }
0x61: {  	_ =	shalt  }
0x62: {  	_ =	shalt  }
0x63: {  	_ =	shalt  }
0x64: {  	_ =	shalt  }
0x65: {  	_ =	shalt  }
0x66: {  	_ =	shalt  }
0x67: {  	_ =	shalt  }
0x68: {  	_ =	shalt  }
0x69: {  	_ =	shalt  }
0x6a: {  	_ =	shalt  }
0x6b: {  	_ =	shalt  }
0x6c: {  	_ =	shalt  }
0x6d: {  	_ =	shalt  }
0x6e: {  	_ =	shalt  }
0x6f: {  	_ =	shalt  }
0x70: {  	_ =	shalt  }
0x71: {  	_ =	shalt  }
0x72: {  	_ =	shalt  }
0x73: {  	_ =	shalt  }
0x74: {  	_ =	shalt  }
0x75: {  	_ =	shalt  }
0x76: {  	_ =	shalt  }
0x77: {  	_ =	shalt  }
0x78: {  	_ =	shalt  }
0x79: {  	_ =	shalt  }
0x7a: {  	_ =	shalt  }
0x7b: {  	_ =	shalt  }
0x7c: {  	_ =	shalt  }
0x7d: {  	_ =	shalt  }
0x7e: {  	_ =	shalt  }
0x7f: {  	_ =	shalt  }
0x80: {  	_ =	shalt  }
0x81: {  	_ =	shalt  }
0x82: {  	_ =	shalt  }
0x83: {  	_ =	shalt  }
0x84: {  	_ =	shalt  }
0x85: {  	_ =	shalt  }
0x86: {  	_ =	shalt  }
0x87: {  	_ =	shalt  }
.Lfunc_end0:
.L_simem_size_0:
called_computation_lowered:
.L_overlay_start_0:
0x88: {  	s2 =	sld [smem:$0x3FD9]  }
0x89: {  	s3 =	sld [smem:$0x3FFE];
	_ =	sdelay $0x1  }
0x8a: {  	s1 =	srdreg.scid  }
0x8b: {  	s0 =	sand.u32 $0x1, s1  }
0x8c: {  	s17 =	sshll.u32 s0, $0xA;
	s2 =	sadd.s32 s3, s2  }
0x8d: {  	s2 =	sadd.s32 s2, s17  }
0x8e: {  	[smem:$0x3FC2] =	sst s2  }
0x8f: {  	_ = 	snop  }
0x90: {  	(tm) =	ssettm $0x1  }
0x91: {  	s18 =	sld [smem:$0x3FFB];
	_ =	sdelay $0x3  }
0x92: {  	_ =	strace s18  }
0x93: {  	s2 =	sld [smem:$0x3FFC];
	_ =	sdelay $0x3  }
0x94: {  	_ =	strace s2  }
0x95: {  	s2 =	sld [smem:$0x3FFD];
	_ =	sdelay $0x3  }
0x96: {  	_ =	strace s2  }
0x97: {  	_ =	strace $0x8FFFFFFF  }
0x98: {  	s19 =	sld [smem:$0x3FDB];
	_ =	sdelay $0x1  }
0x99: {  	s20 =	simm.s32 $_scs_section_size  }
0x9a: {  	s4 =	simm.s32 $_size__tile_overlayer_lowered;
	s5 =	simm.s32 $_tile_overlayer_lowered  }
0x9b: {  	s6 =	simm.s32 $0x1BFF;
	s21 =	sshll.u32 s5, $0x1;
	s3 =	sadd.s32 s20, s19  }
0x9c: {  	s22 =	simm.s32 $0x0;
	s4 =	sshll.u32 s4, $0x1;
	s5 =	sadd.s32 s21, s3  }
0x9d: {  	[timem:s22], [sflag:s6] =	dma.local [hbm:s5], s4  }
0x9e: {  	_ =	swait.ge [sflag:s6], s4  }
0x9f: {  	s4 =	ssub.s32 $0x0, s4;
	[sflag:s6] =	ssyncset.done $0x0  }
0xa0: {  	[sflag:s6] =	ssyncadd.s32 s4;
	_ =	sdelay $0x1  }
0xa1: {  	s23 =	simm.s32 $0x1B8B  }
0xa2: {  	_ =	swait.ge [sflag:s23], $0x1  }
0xa3: {  	[sflag:s23] =	ssyncset.done $0x0  }
0xa4: {  	[sflag:s23] =	ssyncadd.s32 $0xFFFFFFFF  }
0xa5: {  	s4 =	sld [smem:$0x0]  }
0xa6: {  	s5 =	sand.u32 $0xFFFFFFFE, s1  }
0xa7: {  	p0 =	sne.s32 s1, s5  }
0xa8: {  	s5 =	sshll.u32 @p0 s5, $0xE  }
0xa9: {  	s5 =	sadd.s32 @p0 $0x11B8D, s5;
	s6 =	sshll.u32 @p0 s4, $0x11  }
0xaa: {  	s5 =	sor.u32 @p0 s6, s5  }
0xab: {  	[sflag:s5] =	ssyncadd.remote.s32 @p0 $0x1;
	_ =	sdelay $0x1  }
0xac: {  	s5 =	simm.s32 @p0 $0x1B8D  }
0xad: {  	_ =	swait.eq @p0 [sflag:s5], $0x1  }
0xae: {  	[sflag:s5] =	ssyncadd.s32 @p0 $0xFFFFFFFF  }
0xaf: {  	s6 =	sshll.u32 @!p0 s1, $0xE  }
0xb0: {  	s6 =	sor.u32 @!p0 $0x4000, s6;
	s5 =	simm.s32 @!p0 $0x1B8D  }
0xb1: {  	s4 =	sshll.u32 @!p0 s4, $0x11;
	s6 =	sadd.s32 @!p0 $0x11B8D, s6;
	_ =	swait.eq @!p0 [sflag:s5], $0x1  }
0xb2: {  	s4 =	sor.u32 @!p0 s4, s6;
	[sflag:s5] =	ssyncadd.s32 @!p0 $0xFFFFFFFF  }
0xb3: {  	s25 =	simm.s32 $0x1B8E;
	s24 =	sld [smem:$0x3FFE];
	[sflag:s4] =	ssyncadd.remote.s32 @!p0 $0x1  }
0xb4: {  	s26 =	simm.s32 $execute0_lowered;
	[smem:$0x3FD2] =	sst s25  }
0xb5: {  	s5 =	sshll.u32 s26, $0x1;
	_ =	strace $0x80000049;
	[dreg:$0x1] =	wrdreg $0xFFFFFFFF  }
0xb6: {  	s28 =	simm.s32 $_size_execute0_lowered;
	s3 =	sadd.s32 s3, s5;
	[dreg:$0x0] =	wrdreg $0x0  }
0xb7: {  	s5 =	sshll.u32 s28, $0x1;
	[dreg:$0x2] =	wrdreg s3  }
0xb8: {  	[dreg:$0x3] =	wrdreg s5  }
0xb9: {  	[dreg:$0x4] =	wrdreg $0xC0  }
0xba: {  	_ =	task [dreg:s22], $0x5FFFF  }
0xbb: {  	[dreg:$0x1] =	wrdreg $0xFFFFFFFF  }
0xbc: {  	[dreg:$0x0] =	wrdreg $0x60  }
0xbd: {  	[dreg:$0x2] =	wrdreg s24  }
0xbe: {  	[dreg:$0x3] =	wrdreg $0xAC000  }
0xbf: {  	[dreg:$0x4] =	wrdreg $0x9  }
0xc0: {  	_ =	task.clear_ibuf [dreg:s22], $0x5FFFF;
	_ =	strace $0x90000049  }
0xc1: {  	s29 =	simm.s32 $0x9;
	_ =	strace $0x8000004B  }
0xc2: {  	_ =	swait.ge [sflag:s29], $0x1  }
0xc3: {  	[sflag:s29] =	ssyncadd.s32 $0xFFFFFFFF  }
0xc4: {  	_ =	strace $0x9000004B  }
0xc5: {  	_ =	sfence  }
0xc6: {  	s30 =	sld [smem:$0x0];
	_ =	sdelay $0x2  }
0xc7: {  	s31 =	sshll.u32 s1, $0xD;
	s1 =	sshrl.u32 s1, $0x2  }
0xc8: {  	s4 =	sand.u32 $0x4000, s31;
	s1 =	sadd.s32 s1, s30  }
0xc9: {  	s0 =	sor.u32 s4, s0;
	s1 =	sshll.u32 s1, $0x11  }
0xca: {  	s0 =	sor.u32 s1, s0  }
0xcb: {  	s0 =	sadd.s32 $0x8F2B, s0  }
0xcc: {  	[sflag:s0] =	ssyncadd.remote.s32 $0x1  }
0xcd: {  	_ =	sfence.sel $0xFFFF  }
0xce: {  	[dreg:$0x0] =	wrdreg $0xFFFFFFFF;
	(pc) =	sbr.abs _section_cstart, $3  }
0xcf: {  	[dreg:$0x1] =	wrdreg $0xFFFFFFFF  }
0xd0: {  	_ =	task.clear_ibuf [dreg:s22], $0x2FFFF;
	_ =	strace $0x9FFFFFFF  }
0xd1: {  	(tm) =	ssettm $0x7FFFFFFF  }
tec
execute0_lowered:
.L_overlay_start_1:
0x0: {  	(tag) =	ssettag $0x1  }
0x1: {  	s1 =	srdreg.scid  }
0x2: {  	s0 =	stileid.u32;
	s5 =	rddreg [dreg:$0x0]  }
0x3: {  	s2 =	rddreg [dreg:$0x1];
	s3 =	simm.s32 $0x0;
	s12 =	simm.s32 $0x2  }
0x4: {  	s13 =	simm.s32 $0xA800;
	s14 =	simm.s32 $0x80;
	s15 =	simm.s32 $0x6800  }
0x5: {  	s16 =	simm.s32 $0xA880;
	s17 =	simm.s32 $0xA900;
	s18 =	simm.s32 $0xA980  }
0x6: {  	s19 =	simm.s32 $0xAA00;
	s20 =	simm.s32 $0x2800;
	s21 =	simm.s32 $0x1  }
0x7: {  	s22 =	simm.s32 $0x0;
	s4 =	sand.u32 $0x1, s1;
	s29 =	sshll.u32 s0, $0x1  }
0x8: {  	[smem:$0x7FF] =	sst s3;
	s8 =	smul.u32 $0x14000, s0;
	s9 =	sshll.u32 s0, $0x7  }
0x9: {  	s1 =	sor.u32 s4, s29;
	s7 =	smul.u32 $0x140000, s4;
	s4 =	ssub.s32 $0x2, s4  }
0xa: {  	s30 =	sadd.s32 s9, s5;
	s6 =	smul.u32 $0x500, s1;
	s1 =	rddreg [dreg:$0x2]  }
0xb: {  	_ =	strace $0x8000004A;
	s31 =	sshrl.u32 s4, $0x1;
	s7 =	sadd.s32 s8, s7  }
0xc: {  	s11 =	ssub.s32 s4, s31;
	s6 =	sadd.s32 s6, s5;
	s7 =	sshrl.u32 s7, $0x3  }
0xd: {  	s11 =	smax.u32 s11, $0x1;
	s10 =	sadd.s32 s7, s5;
	s4 =	sadd.s32 $0x52800, s6  }
0xe: {  	s5 =	sadd.s32 $0x2000, s30;
	s6 =	sadd.s32 $0x5C800, s10;
	s7 =	sadd.s32 $0x5D000, s10  }
0xf: {  	v0 =	vimm.f32 $1.000000000e+00;
	v1 =	vimm.f32 $0.0e+00;
	s8 =	sadd.s32 $0x5D800, s10;
	s9 =	sadd.s32 $0x5E000, s10;
	s10 =	sadd.s32 $0x5E800, s10  }
.LBB2_1:
0x10: {  	[tilespmem:s3], [sflag:$0x2] =	stream.linear.gather [hbm4b:s4+s3], $0x2800, $0x38;
	[tilespmem:$0x1EC00] =	vst v63  }
0x11: {  	_ =	swait.ge [sflag:s12], $0x2800  }
0x12: {  	[sflag:s12] =	ssyncset.done $0x0  }
0x13: {  	[sflag:s12] =	ssyncadd.s32 $0xFFFFD800  }
0x14: {  	[tilespmem:s13], [sflag:$0x2] =	stream.linear.gather [hbm4b:s5+s3], $0x280, $0x38;
	[tilespmem:$0x1EC00] =	vst v63  }
0x15: {  	_ =	swait.ge [sflag:s12], $0x280  }
0x16: {  	[sflag:s12] =	ssyncset.done $0x0  }
0x17: {  	s23 =	simm.s32 $0x0;
	s24 =	simm.s32 $0x200;
	[sflag:s12] =	ssyncadd.s32 $0xFFFFFD80  }
.LBB2_2:
0x18: {  	p0 =	sne.s32 s24, $0xFE00;
	[tilespmem:s23+$0x2870] =	vst v0  }
0x19: {  	[tilespmem:s23+$0x2800] =	vst v0  }
0x1a: {  	[tilespmem:s23+$0x2810] =	vst v0  }
.Ltmp0:
0x1b: {  	[tilespmem:s23+$0x2820] =	vst v0;
	(pc) =	sbr.rel @p0 .LBB2_2-.Ltmp0, $4  }
0x1c: {  	[tilespmem:s23+$0x2830] =	vst v0  }
0x1d: {  	[tilespmem:s23+$0x2840] =	vst v0  }
0x1e: {  	[tilespmem:s23+$0x2850] =	vst v0  }
0x1f: {  	[tilespmem:s23+$0x2860] =	vst v0;
	s23 =	sshra.s32 s24, $0x2;
	s24 =	sadd.s32 $0x200, s24  }
0x20: {  	[tilespmem:s23+$0x2870] =	vst v0  }
0x21: {  	[tilespmem:s23+$0x2800] =	vst v0  }
0x22: {  	[tilespmem:s23+$0x2810] =	vst v0  }
0x23: {  	[tilespmem:s23+$0x2820] =	vst v0  }
0x24: {  	[tilespmem:s23+$0x2830] =	vst v0  }
0x25: {  	[tilespmem:s23+$0x2840] =	vst v0  }
0x26: {  	[tilespmem:s23+$0x2850] =	vst v0  }
0x27: {  	[tilespmem:s23+$0x2860] =	vst v0;
	s23 =	simm.s32 $0x0;
	s24 =	simm.s32 $0x200  }
.LBB2_4:
0x28: {  	p0 =	sne.s32 s24, $0xFE00;
	[tilespmem:s23+$0x6870] =	vst v1  }
0x29: {  	[tilespmem:s23+$0x6800] =	vst v1  }
0x2a: {  	[tilespmem:s23+$0x6810] =	vst v1  }
.Ltmp1:
0x2b: {  	[tilespmem:s23+$0x6820] =	vst v1;
	(pc) =	sbr.rel @p0 .LBB2_4-.Ltmp1, $4  }
0x2c: {  	[tilespmem:s23+$0x6830] =	vst v1  }
0x2d: {  	[tilespmem:s23+$0x6840] =	vst v1  }
0x2e: {  	[tilespmem:s23+$0x6850] =	vst v1  }
0x2f: {  	[tilespmem:s23+$0x6860] =	vst v1;
	s23 =	sshra.s32 s24, $0x2;
	s24 =	sadd.s32 $0x200, s24  }
0x30: {  	[tilespmem:s23+$0x6870] =	vst v1  }
0x31: {  	[tilespmem:s23+$0x6800] =	vst v1  }
0x32: {  	[tilespmem:s23+$0x6810] =	vst v1  }
0x33: {  	[tilespmem:s23+$0x6820] =	vst v1  }
0x34: {  	[tilespmem:s23+$0x6830] =	vst v1  }
0x35: {  	[tilespmem:s23+$0x6840] =	vst v1  }
0x36: {  	[tilespmem:s23+$0x6850] =	vst v1  }
0x37: {  	[tilespmem:s23+$0x6860] =	vst v1  }
0x38: {  	[spmem:s2] =	stream.indirect.scatter [tilespmem:s15], [sflag:$0x2], $0x80, s13, s14, $0xb8;
	[tilespmem:$0x1EC00] =	vst v63  }
0x39: {  	_ =	swait.ge [sflag:s12], $0x4000  }
0x3a: {  	[sflag:s12] =	ssyncset.done $0x0  }
0x3b: {  	[sflag:s12] =	ssyncadd.s32 $0xFFFFC000  }
0x3c: {  	[spmem:s2] =	stream.indirect.scatter [tilespmem:s15], [sflag:$0x2], $0x80, s16, s14, $0xb8;
	[tilespmem:$0x1EC00] =	vst v63  }
0x3d: {  	_ =	swait.ge [sflag:s12], $0x4000  }
0x3e: {  	[sflag:s12] =	ssyncset.done $0x0  }
0x3f: {  	[sflag:s12] =	ssyncadd.s32 $0xFFFFC000  }
0x40: {  	[spmem:s2] =	stream.indirect.scatter [tilespmem:s15], [sflag:$0x2], $0x80, s17, s14, $0xb8;
	[tilespmem:$0x1EC00] =	vst v63  }
0x41: {  	_ =	swait.ge [sflag:s12], $0x4000  }
0x42: {  	[sflag:s12] =	ssyncset.done $0x0  }
0x43: {  	[sflag:s12] =	ssyncadd.s32 $0xFFFFC000  }
0x44: {  	[spmem:s2] =	stream.indirect.scatter [tilespmem:s15], [sflag:$0x2], $0x80, s18, s14, $0xb8;
	[tilespmem:$0x1EC00] =	vst v63  }
0x45: {  	_ =	swait.ge [sflag:s12], $0x4000  }
0x46: {  	[sflag:s12] =	ssyncset.done $0x0  }
0x47: {  	[sflag:s12] =	ssyncadd.s32 $0xFFFFC000  }
0x48: {  	[spmem:s2] =	stream.indirect.scatter [tilespmem:s15], [sflag:$0x2], $0x80, s19, s14, $0xb8;
	[tilespmem:$0x1EC00] =	vst v63  }
0x49: {  	_ =	swait.ge [sflag:s12], $0x4000  }
0x4a: {  	[sflag:s12] =	ssyncset.done $0x0  }
0x4b: {  	[sflag:s12] =	ssyncadd.s32 $0xFFFFC000  }
0x4c: {  	s31 =	simm.s32 $0x0;
	[bflag:$0x0] =	sbarrier.arrive $0xFFFF  }
0x4d: {  	[spmem:s2] =	stream.indirect.scatter.add.f32 [tilespmem:s20], [sflag:$0x1], $0x80, s31, s14, $0xb8;
	[tilespmem:$0x1EC00] =	vst v63  }
0x4e: {  	s24 =	simm.s32 $0x80  }
0x4f: {  	[spmem:s2] =	stream.indirect.scatter.add.f32 [tilespmem:s20], [sflag:$0x1], $0x80, s24, s14, $0xb8;
	[tilespmem:$0x1EC00] =	vst v63  }
0x50: {  	s25 =	simm.s32 $0x100  }
0x51: {  	[spmem:s2] =	stream.indirect.scatter.add.f32 [tilespmem:s20], [sflag:$0x1], $0x80, s25, s14, $0xb8;
	[tilespmem:$0x1EC00] =	vst v63  }
0x52: {  	s26 =	simm.s32 $0x180  }
0x53: {  	[spmem:s2] =	stream.indirect.scatter.add.f32 [tilespmem:s20], [sflag:$0x1], $0x80, s26, s14, $0xb8;
	[tilespmem:$0x1EC00] =	vst v63  }
0x54: {  	s28 =	simm.s32 $0x200  }
0x55: {  	[spmem:s2] =	stream.indirect.scatter.add.f32 [tilespmem:s20], [sflag:$0x1], $0x80, s28, s14, $0xb8;
	[tilespmem:$0x1EC00] =	vst v63  }
0x56: {  	s29 =	simm.s32 $0x280  }
0x57: {  	[spmem:s2] =	stream.indirect.scatter.add.f32 [tilespmem:s20], [sflag:$0x1], $0x80, s29, s14, $0xb8;
	[tilespmem:$0x1EC00] =	vst v63  }
0x58: {  	s30 =	simm.s32 $0x300  }
0x59: {  	[spmem:s2] =	stream.indirect.scatter.add.f32 [tilespmem:s20], [sflag:$0x1], $0x80, s30, s14, $0xb8;
	[tilespmem:$0x1EC00] =	vst v63  }
0x5a: {  	s31 =	simm.s32 $0x380  }
0x5b: {  	[spmem:s2] =	stream.indirect.scatter.add.f32 [tilespmem:s20], [sflag:$0x1], $0x80, s31, s14, $0xb8;
	[tilespmem:$0x1EC00] =	vst v63  }
0x5c: {  	_ =	swait.ge [sflag:s21], $0x4000  }
0x5d: {  	[sflag:s21] =	ssyncset.done $0x0  }
0x5e: {  	[sflag:s21] =	ssyncadd.s32 $0xFFFFC000  }
0x5f: {  	_ =	swait.ge [sflag:s21], $0x4000  }
0x60: {  	[sflag:s21] =	ssyncset.done $0x0  }
0x61: {  	[sflag:s21] =	ssyncadd.s32 $0xFFFFC000  }
0x62: {  	_ =	swait.ge [sflag:s21], $0x4000  }
0x63: {  	[sflag:s21] =	ssyncset.done $0x0  }
0x64: {  	[sflag:s21] =	ssyncadd.s32 $0xFFFFC000  }
0x65: {  	_ =	swait.ge [sflag:s21], $0x4000  }
0x66: {  	[sflag:s21] =	ssyncset.done $0x0  }
0x67: {  	[sflag:s21] =	ssyncadd.s32 $0xFFFFC000  }
0x68: {  	_ =	swait.ge [sflag:s21], $0x4000  }
0x69: {  	[sflag:s21] =	ssyncset.done $0x0  }
0x6a: {  	[sflag:s21] =	ssyncadd.s32 $0xFFFFC000  }
0x6b: {  	_ =	swait.ge [sflag:s21], $0x4000  }
0x6c: {  	[sflag:s21] =	ssyncset.done $0x0  }
0x6d: {  	[sflag:s21] =	ssyncadd.s32 $0xFFFFC000  }
0x6e: {  	_ =	swait.ge [sflag:s21], $0x4000  }
0x6f: {  	[sflag:s21] =	ssyncset.done $0x0  }
0x70: {  	[sflag:s21] =	ssyncadd.s32 $0xFFFFC000  }
0x71: {  	_ =	swait.ge [sflag:s21], $0x4000  }
0x72: {  	s23 =	simm.s32 $0x1000;
	s25 =	simm.s32 $0x2000;
	[sflag:s21] =	ssyncset.done $0x0  }
.LBB2_6:
0x73: {  	s26 =	sshra.s32 s23, $0x2  }
0x74: {  	[sflag:s21] =	ssyncadd.s32 $0xFFFFC000;
	s23 =	smov.u32 s25;
	s24 =	sadd.s32 $0x1000, s25  }
0x75: {  	[spmem:s2] =	stream.indirect.scatter.add.f32 [tilespmem:s20], [sflag:$0x1], $0x80, s26, s14, $0xb8;
	[tilespmem:$0x1EC00] =	vst v63  }
0x76: {  	p0 =	sne.s32 s25, $0x9000;
	s25 =	sadd.s32 $0x80, s26  }
0x77: {  	[spmem:s2] =	stream.indirect.scatter.add.f32 [tilespmem:s20], [sflag:$0x1], $0x80, s25, s14, $0xb8;
	[tilespmem:$0x1EC00] =	vst v63  }
0x78: {  	s25 =	sadd.s32 $0x100, s26  }
0x79: {  	[spmem:s2] =	stream.indirect.scatter.add.f32 [tilespmem:s20], [sflag:$0x1], $0x80, s25, s14, $0xb8;
	[tilespmem:$0x1EC00] =	vst v63  }
0x7a: {  	s25 =	sadd.s32 $0x180, s26  }
0x7b: {  	[spmem:s2] =	stream.indirect.scatter.add.f32 [tilespmem:s20], [sflag:$0x1], $0x80, s25, s14, $0xb8;
	[tilespmem:$0x1EC00] =	vst v63  }
0x7c: {  	s25 =	sadd.s32 $0x200, s26  }
0x7d: {  	[spmem:s2] =	stream.indirect.scatter.add.f32 [tilespmem:s20], [sflag:$0x1], $0x80, s25, s14, $0xb8;
	[tilespmem:$0x1EC00] =	vst v63  }
0x7e: {  	s25 =	sadd.s32 $0x280, s26  }
0x7f: {  	[spmem:s2] =	stream.indirect.scatter.add.f32 [tilespmem:s20], [sflag:$0x1], $0x80, s25, s14, $0xb8;
	[tilespmem:$0x1EC00] =	vst v63  }
0x80: {  	s25 =	sadd.s32 $0x300, s26  }
0x81: {  	[spmem:s2] =	stream.indirect.scatter.add.f32 [tilespmem:s20], [sflag:$0x1], $0x80, s25, s14, $0xb8;
	[tilespmem:$0x1EC00] =	vst v63  }
0x82: {  	s25 =	sadd.s32 $0x380, s26  }
0x83: {  	[spmem:s2] =	stream.indirect.scatter.add.f32 [tilespmem:s20], [sflag:$0x1], $0x80, s25, s14, $0xb8;
	[tilespmem:$0x1EC00] =	vst v63  }
0x84: {  	_ =	swait.ge [sflag:s21], $0x4000  }
0x85: {  	[sflag:s21] =	ssyncset.done $0x0  }
0x86: {  	[sflag:s21] =	ssyncadd.s32 $0xFFFFC000  }
0x87: {  	_ =	swait.ge [sflag:s21], $0x4000  }
0x88: {  	[sflag:s21] =	ssyncset.done $0x0  }
0x89: {  	[sflag:s21] =	ssyncadd.s32 $0xFFFFC000  }
0x8a: {  	_ =	swait.ge [sflag:s21], $0x4000  }
0x8b: {  	[sflag:s21] =	ssyncset.done $0x0  }
0x8c: {  	[sflag:s21] =	ssyncadd.s32 $0xFFFFC000  }
0x8d: {  	_ =	swait.ge [sflag:s21], $0x4000  }
0x8e: {  	[sflag:s21] =	ssyncset.done $0x0  }
0x8f: {  	[sflag:s21] =	ssyncadd.s32 $0xFFFFC000  }
0x90: {  	_ =	swait.ge [sflag:s21], $0x4000  }
0x91: {  	[sflag:s21] =	ssyncset.done $0x0  }
0x92: {  	[sflag:s21] =	ssyncadd.s32 $0xFFFFC000  }
0x93: {  	_ =	swait.ge [sflag:s21], $0x4000  }
0x94: {  	[sflag:s21] =	ssyncset.done $0x0  }
0x95: {  	[sflag:s21] =	ssyncadd.s32 $0xFFFFC000  }
.Ltmp2:
0x96: {  	_ =	swait.ge [sflag:s21], $0x4000;
	(pc) =	sbr.rel @p0 .LBB2_6-.Ltmp2, $4  }
0x97: {  	[sflag:s21] =	ssyncset.done $0x0  }
0x98: {  	[sflag:s21] =	ssyncadd.s32 $0xFFFFC000  }
0x99: {  	_ =	swait.ge [sflag:s21], $0x4000  }
0x9a: {  	s25 =	smov.u32 s24;
	[sflag:s21] =	ssyncset.done $0x0  }
0x9b: {  	s23 =	sshra.s32 s23, $0x2;
	[sflag:s21] =	ssyncadd.s32 $0xFFFFC000  }
0x9c: {  	[spmem:s2] =	stream.indirect.scatter.add.f32 [tilespmem:s20], [sflag:$0x1], $0x80, s23, s14, $0xb8;
	[tilespmem:$0x1EC00] =	vst v63  }
0x9d: {  	s24 =	sadd.s32 $0x80, s23  }
0x9e: {  	[spmem:s2] =	stream.indirect.scatter.add.f32 [tilespmem:s20], [sflag:$0x1], $0x80, s24, s14, $0xb8;
	[tilespmem:$0x1EC00] =	vst v63  }
0x9f: {  	s26 =	sadd.s32 $0x100, s23  }
0xa0: {  	[spmem:s2] =	stream.indirect.scatter.add.f32 [tilespmem:s20], [sflag:$0x1], $0x80, s26, s14, $0xb8;
	[tilespmem:$0x1EC00] =	vst v63  }
0xa1: {  	s28 =	sadd.s32 $0x180, s23  }
0xa2: {  	[spmem:s2] =	stream.indirect.scatter.add.f32 [tilespmem:s20], [sflag:$0x1], $0x80, s28, s14, $0xb8;
	[tilespmem:$0x1EC00] =	vst v63  }
0xa3: {  	s29 =	sadd.s32 $0x200, s23  }
0xa4: {  	[spmem:s2] =	stream.indirect.scatter.add.f32 [tilespmem:s20], [sflag:$0x1], $0x80, s29, s14, $0xb8;
	[tilespmem:$0x1EC00] =	vst v63  }
0xa5: {  	s30 =	sadd.s32 $0x280, s23  }
0xa6: {  	[spmem:s2] =	stream.indirect.scatter.add.f32 [tilespmem:s20], [sflag:$0x1], $0x80, s30, s14, $0xb8;
	[tilespmem:$0x1EC00] =	vst v63  }
0xa7: {  	s31 =	sadd.s32 $0x300, s23  }
0xa8: {  	[spmem:s2] =	stream.indirect.scatter.add.f32 [tilespmem:s20], [sflag:$0x1], $0x80, s31, s14, $0xb8;
	[tilespmem:$0x1EC00] =	vst v63  }
0xa9: {  	s23 =	sadd.s32 $0x380, s23  }
0xaa: {  	[spmem:s2] =	stream.indirect.scatter.add.f32 [tilespmem:s20], [sflag:$0x1], $0x80, s23, s14, $0xb8;
	[tilespmem:$0x1EC00] =	vst v63  }
0xab: {  	_ =	swait.ge [sflag:s21], $0x4000  }
0xac: {  	[sflag:s21] =	ssyncset.done $0x0  }
0xad: {  	[sflag:s21] =	ssyncadd.s32 $0xFFFFC000  }
0xae: {  	_ =	swait.ge [sflag:s21], $0x4000  }
0xaf: {  	[sflag:s21] =	ssyncset.done $0x0  }
0xb0: {  	[sflag:s21] =	ssyncadd.s32 $0xFFFFC000  }
0xb1: {  	_ =	swait.ge [sflag:s21], $0x4000  }
0xb2: {  	[sflag:s21] =	ssyncset.done $0x0  }
0xb3: {  	[sflag:s21] =	ssyncadd.s32 $0xFFFFC000  }
0xb4: {  	_ =	swait.ge [sflag:s21], $0x4000  }
0xb5: {  	[sflag:s21] =	ssyncset.done $0x0  }
0xb6: {  	[sflag:s21] =	ssyncadd.s32 $0xFFFFC000  }
0xb7: {  	_ =	swait.ge [sflag:s21], $0x4000  }
0xb8: {  	[sflag:s21] =	ssyncset.done $0x0  }
0xb9: {  	[sflag:s21] =	ssyncadd.s32 $0xFFFFC000  }
0xba: {  	_ =	swait.ge [sflag:s21], $0x4000  }
0xbb: {  	[sflag:s21] =	ssyncset.done $0x0  }
0xbc: {  	[sflag:s21] =	ssyncadd.s32 $0xFFFFC000  }
0xbd: {  	_ =	swait.ge [sflag:s21], $0x4000  }
0xbe: {  	[sflag:s21] =	ssyncset.done $0x0  }
0xbf: {  	[sflag:s21] =	ssyncadd.s32 $0xFFFFC000  }
0xc0: {  	_ =	swait.ge [sflag:s21], $0x4000  }
0xc1: {  	[sflag:s21] =	ssyncset.done $0x0  }
0xc2: {  	[sflag:s21] =	ssyncadd.s32 $0xFFFFC000  }
0xc3: {  	[bflag:$0x0] =	sbarrier.arrive $0xFFFF  }
0xc4: {  	[tilespmem:s15], [sflag:$0x1] =	stream.indirect.gather [spmem:s2], $0x80, s13, s14, $0xb8;
	[tilespmem:$0x1EC00] =	vst v63  }
0xc5: {  	_ =	swait.ge [sflag:s21], $0x4000  }
0xc6: {  	[sflag:s21] =	ssyncset.done $0x0  }
0xc7: {  	[sflag:s21] =	ssyncadd.s32 $0xFFFFC000  }
0xc8: {  	[hbm4b:s6+s3] =	stream.linear.scatter [tilespmem:s15], [sflag:$0x2], $0x4000, $0x38;
	[tilespmem:$0x1EC00] =	vst v63  }
0xc9: {  	_ =	swait.ge [sflag:s12], $0x4000  }
0xca: {  	[sflag:s12] =	ssyncset.done $0x0  }
0xcb: {  	[sflag:s12] =	ssyncadd.s32 $0xFFFFC000  }
0xcc: {  	[tilespmem:s15], [sflag:$0x1] =	stream.indirect.gather [spmem:s2], $0x80, s16, s14, $0xb8;
	[tilespmem:$0x1EC00] =	vst v63  }
0xcd: {  	_ =	swait.ge [sflag:s21], $0x4000  }
0xce: {  	[sflag:s21] =	ssyncset.done $0x0  }
0xcf: {  	[sflag:s21] =	ssyncadd.s32 $0xFFFFC000  }
0xd0: {  	[hbm4b:s7+s3] =	stream.linear.scatter [tilespmem:s15], [sflag:$0x2], $0x4000, $0x38;
	[tilespmem:$0x1EC00] =	vst v63  }
0xd1: {  	_ =	swait.ge [sflag:s12], $0x4000  }
0xd2: {  	[sflag:s12] =	ssyncset.done $0x0  }
0xd3: {  	[sflag:s12] =	ssyncadd.s32 $0xFFFFC000  }
0xd4: {  	[tilespmem:s15], [sflag:$0x1] =	stream.indirect.gather [spmem:s2], $0x80, s17, s14, $0xb8;
	[tilespmem:$0x1EC00] =	vst v63  }
0xd5: {  	_ =	swait.ge [sflag:s21], $0x4000  }
0xd6: {  	[sflag:s21] =	ssyncset.done $0x0  }
0xd7: {  	[sflag:s21] =	ssyncadd.s32 $0xFFFFC000  }
0xd8: {  	[hbm4b:s8+s3] =	stream.linear.scatter [tilespmem:s15], [sflag:$0x2], $0x4000, $0x38;
	[tilespmem:$0x1EC00] =	vst v63  }
0xd9: {  	_ =	swait.ge [sflag:s12], $0x4000  }
0xda: {  	[sflag:s12] =	ssyncset.done $0x0  }
0xdb: {  	[sflag:s12] =	ssyncadd.s32 $0xFFFFC000  }
0xdc: {  	[tilespmem:s15], [sflag:$0x1] =	stream.indirect.gather [spmem:s2], $0x80, s18, s14, $0xb8;
	[tilespmem:$0x1EC00] =	vst v63  }
0xdd: {  	_ =	swait.ge [sflag:s21], $0x4000  }
0xde: {  	[sflag:s21] =	ssyncset.done $0x0  }
0xdf: {  	[sflag:s21] =	ssyncadd.s32 $0xFFFFC000  }
0xe0: {  	[hbm4b:s9+s3] =	stream.linear.scatter [tilespmem:s15], [sflag:$0x2], $0x4000, $0x38;
	[tilespmem:$0x1EC00] =	vst v63  }
0xe1: {  	_ =	swait.ge [sflag:s12], $0x4000  }
0xe2: {  	[sflag:s12] =	ssyncset.done $0x0  }
0xe3: {  	[sflag:s12] =	ssyncadd.s32 $0xFFFFC000  }
0xe4: {  	[tilespmem:s15], [sflag:$0x1] =	stream.indirect.gather [spmem:s2], $0x80, s19, s14, $0xb8;
	[tilespmem:$0x1EC00] =	vst v63  }
0xe5: {  	s22 =	sadd.s32 $0x1, s22;
	_ =	swait.ge [sflag:s21], $0x4000  }
0xe6: {  	p0 =	sne.s32 s22, s11;
	[sflag:s21] =	ssyncset.done $0x0  }
.Ltmp3:
0xe7: {  	[sflag:s21] =	ssyncadd.s32 $0xFFFFC000;
	(pc) =	sbr.rel @p0 .LBB2_1-.Ltmp3, $4  }
0xe8: {  	[hbm4b:s10+s3] =	stream.linear.scatter [tilespmem:s15], [sflag:$0x2], $0x4000, $0x38;
	[tilespmem:$0x1EC00] =	vst v63  }
0xe9: {  	_ =	swait.ge [sflag:s12], $0x4000  }
0xea: {  	[sflag:s12] =	ssyncset.done $0x0  }
0xeb: {  	[sflag:s12] =	ssyncadd.s32 $0xFFFFC000  }
0xec: {  	_ =	sfence.sel $0x180000  }
0xed: {  	[bflag:$0x0] =	sbarrier.arrive $0xFFFF  }
0xee: {  	p0 =	sne.s32 s0, $0x0;
	_ =	strace $0x9000004A  }
0xef: {  	s0 =	sadd.s32 @!p0 $0x100000, s1;
	[bflag:$0x2] =	sbarrier.arrive $0xFFFF  }
0xf0: {  	[sflag:s0] =	ssyncadd.tile.s32 @!p0 $0x1;
	_ =	shalt  }
.Lfunc_end2:
_tile_overlayer_lowered:
.L_overlay_start_2:
0xf1: {  	(tag) =	ssettag $0x2  }
0xf2: {  	s0 =	rddreg [dreg:$0x0];
	s2 =	stileid.u32  }
0xf3: {  	s1 =	rddreg [dreg:$0x1];
	p0 =	sne.s32 s2, $0x0  }
0xf4: {  	s3 =	rddreg [dreg:$0x2];
	[bflag:$0x3] =	sbarrier.arrive $0xFFFF;
	s2 =	simm.s32 @!p0 $0x1C02  }
0xf5: {  	[timem:s3], [sflag:s2] =	dma.local @!p0 [hbm:s0], s1  }
0xf6: {  	s0 =	simm.s32 @!p0 $0x2  }
0xf7: {  	_ =	swait.ge @!p0 [sflag:s0], s1  }
0xf8: {  	s1 =	ssub.s32 @!p0 $0x0, s1;
	[sflag:s0] =	ssyncset.done @!p0 $0x0  }
0xf9: {  	[sflag:s0] =	ssyncadd.s32 @!p0 s1  }
0xfa: {  	[bflag:$0x3] =	sbarrier.arrive $0xFFFF  }
0xfb: {  	_ =	shalt  }

</sc_bundles>
